<compile_context>
chip_gen: v7x
topology: tpu7x:2x2x1
jax: 0.10.2.dev20260603
libtpu: 0.0.44.dev20260713+nightly
codegen_flags: <defaults>
</compile_context>

<pallas_src>
import functools

import jax
import jax.numpy as jnp
from jax import lax
from jax.experimental import pallas as pl
from jax.experimental.pallas import tpu as pltpu
from jax.experimental.pallas import tpu_sc as plsc

NC = 2
NS = 16
NW = NC * NS
K = 125
ZR = 25


def _zero_vmem(ref, rows, width):
    z16 = jnp.zeros((16,), jnp.float32)

    def body(i, carry):
        for k in range(width // 16):
            ref[i, pl.ds(k * 16, 16)] = z16
        return carry

    lax.fori_loop(0, rows, body, 0)



def _make_deg(N, E):
    epw = E // NW
    nch = epw // K
    rpt = N // NS
    mesh = plsc.VectorSubcoreMesh(core_axis_name="c", subcore_axis_name="s")

    @functools.partial(
        pl.kernel,
        out_type=jax.ShapeDtypeStruct((NC, N, 16), jnp.float32),
        mesh=mesh,
        compiler_params=pltpu.CompilerParams(use_tc_tiling_on_sc=False),
        scratch_types=[
            pltpu.VMEM((nch, K), jnp.int32),
            pltpu.VMEM((K, 16), jnp.float32),
            pltpu.VMEM((ZR, 16), jnp.float32),
            pltpu.SemaphoreType.DMA,
            pltpu.VMEM_SHARED((N, 16), jnp.float32),
        ],
    )
    def deg(dst_hbm, out_hbm, dst_v, ones_v, zr_v, dsem, acc_sh):
        c = lax.axis_index("c")
        s = lax.axis_index("s")
        wid = c * NS + s

        pltpu.async_copy(dst_hbm.at[wid], dst_v, dsem)
        one16 = jnp.ones((16,), jnp.float32)

        def ones_body(i, carry):
            ones_v[i, pl.ds(0, 16)] = one16
            return carry

        lax.fori_loop(0, K, ones_body, 0)
        _zero_vmem(zr_v, ZR, 16)

        def zacc_body(j, carry):
            pltpu.sync_copy(zr_v, acc_sh.at[pl.ds(s * rpt + j * ZR, ZR)])
            return carry

        lax.fori_loop(0, rpt // ZR, zacc_body, 0)
        pltpu.make_async_copy(dst_hbm.at[wid], dst_v, dsem).wait()
        plsc.subcore_barrier()

        def step(j, carry):
            pltpu.sync_copy(ones_v, acc_sh.at[dst_v.at[j]], add=True)
            return carry

        lax.fori_loop(0, nch, step, 0)
        plsc.subcore_barrier()
        pltpu.sync_copy(acc_sh.at[pl.ds(s * rpt, rpt)],
                        out_hbm.at[c].at[pl.ds(s * rpt, rpt)])

    return deg


def _make_agg(N, E, D, G=20):
    epw = E // NW
    nch = epw // K
    rpt = N // NS
    ngr = nch // G
    assert nch % G == 0 and G % 2 == 0 and rpt % K == 0
    mesh = plsc.VectorSubcoreMesh(core_axis_name="c", subcore_axis_name="s")

    @functools.partial(
        pl.kernel,
        out_type=jax.ShapeDtypeStruct((NC, N, D), jnp.float32),
        mesh=mesh,
        compiler_params=pltpu.CompilerParams(use_tc_tiling_on_sc=False),
        scratch_types=[
            pltpu.VMEM((2, G, K), jnp.int32),
            pltpu.VMEM((2, G, K), jnp.int32),
            pltpu.VMEM((K, D), jnp.float32),
            pltpu.VMEM((K, D), jnp.float32),
            pltpu.SemaphoreType.DMA,
            pltpu.SemaphoreType.DMA,
            pltpu.SemaphoreType.DMA,
            pltpu.SemaphoreType.DMA,
            pltpu.VMEM_SHARED((N, D), jnp.float32),
        ],
    )
    def agg(h_hbm, src_hbm, dst_hbm, out_hbm, src_v, dst_v, rows0_v, rows1_v,
            gsem0, gsem1, isem0, isem1, acc_sh):
        c = lax.axis_index("c")
        s = lax.axis_index("s")
        wid = c * NS + s

        pltpu.async_copy(src_hbm.at[wid].at[pl.ds(0, G)], src_v.at[0], isem0)
        pltpu.async_copy(dst_hbm.at[wid].at[pl.ds(0, G)], dst_v.at[0], isem1)

        _zero_vmem(rows1_v, K, D)

        def zacc_body(j, carry):
            pltpu.sync_copy(rows1_v, acc_sh.at[pl.ds(s * rpt + j * K, K)])
            return carry

        lax.fori_loop(0, rpt // K, zacc_body, 0)

        pltpu.make_async_copy(src_hbm.at[wid].at[pl.ds(0, G)], src_v.at[0], isem0).wait()
        pltpu.make_async_copy(dst_hbm.at[wid].at[pl.ds(0, G)], dst_v.at[0], isem1).wait()
        pltpu.async_copy(h_hbm.at[src_v.at[0].at[0]], rows0_v, gsem0)
        plsc.subcore_barrier()

        def group(g, carry):
            p = lax.rem(g, 2)
            q = 1 - p

            @pl.when(g + 1 < ngr)
            def _():
                pltpu.async_copy(src_hbm.at[wid].at[pl.ds((g + 1) * G, G)],
                                 src_v.at[q], isem0)
                pltpu.async_copy(dst_hbm.at[wid].at[pl.ds((g + 1) * G, G)],
                                 dst_v.at[q], isem1)

            def pair(jj, carry2):
                j0 = jj * 2
                j1 = j0 + 1
                pltpu.async_copy(h_hbm.at[src_v.at[p].at[j1]], rows1_v, gsem1)
                pltpu.make_async_copy(h_hbm.at[src_v.at[p].at[j0]], rows0_v,
                                      gsem0).wait()
                pltpu.sync_copy(rows0_v, acc_sh.at[dst_v.at[p].at[j0]], add=True)

                @pl.when(jj < G // 2 - 1)
                def _():
                    pltpu.async_copy(h_hbm.at[src_v.at[p].at[j0 + 2]], rows0_v,
                                     gsem0)

                @pl.when(jnp.logical_and(jj == G // 2 - 1, g + 1 < ngr))
                def _():
                    pltpu.make_async_copy(
                        src_hbm.at[wid].at[pl.ds((g + 1) * G, G)], src_v.at[q],
                        isem0).wait()
                    pltpu.make_async_copy(
                        dst_hbm.at[wid].at[pl.ds((g + 1) * G, G)], dst_v.at[q],
                        isem1).wait()
                    pltpu.async_copy(h_hbm.at[src_v.at[q].at[0]], rows0_v, gsem0)

                pltpu.make_async_copy(h_hbm.at[src_v.at[p].at[j1]], rows1_v,
                                      gsem1).wait()
                pltpu.sync_copy(rows1_v, acc_sh.at[dst_v.at[p].at[j1]], add=True)
                return carry2

            lax.fori_loop(0, G // 2, pair, 0)
            return carry

        lax.fori_loop(0, ngr, group, 0)
        plsc.subcore_barrier()
        pltpu.sync_copy(acc_sh.at[pl.ds(s * rpt, rpt)],
                        out_hbm.at[c].at[pl.ds(s * rpt, rpt)])

    return agg


_BLK = 5000


def _c1_body(p_ref, pd_ref, x_ref, wl_ref, wr_ref, b_ref, h_ref, r_ref):
    deg = jnp.maximum(pd_ref[0, :, 0:1] + pd_ref[1, :, 0:1], 1.0)
    r = 1.0 / deg
    agg = (p_ref[0] + p_ref[1]) * r
    h = (jnp.dot(agg, wl_ref[...], preferred_element_type=jnp.float32)
         + jnp.dot(x_ref[...], wr_ref[...], preferred_element_type=jnp.float32)
         + b_ref[...])
    h_ref[...] = jnp.maximum(h, 0.0)
    r_ref[...] = r


def _c2_body(p_ref, h_ref, r_ref, wl_ref, wr_ref, b_ref, o_ref):
    agg = (p_ref[0] + p_ref[1]) * r_ref[...]
    h = (jnp.dot(agg, wl_ref[...], preferred_element_type=jnp.float32)
         + jnp.dot(h_ref[...], wr_ref[...], preferred_element_type=jnp.float32)
         + b_ref[...])
    o_ref[...] = jnp.maximum(h, 0.0)


def _c3_body(p_ref, h_ref, r_ref, wl_ref, wr_ref, b_ref, wf_ref, bf_ref, o_ref):
    agg = (p_ref[0] + p_ref[1]) * r_ref[...]
    h = (jnp.dot(agg, wl_ref[...], preferred_element_type=jnp.float32)
         + jnp.dot(h_ref[...], wr_ref[...], preferred_element_type=jnp.float32)
         + b_ref[...])
    o_ref[...] = jnp.dot(h, wf_ref[...], preferred_element_type=jnp.float32) + bf_ref[...]


def _full(shape):
    return pl.BlockSpec(shape, lambda i: (0,) * len(shape))


def _rows(w=128):
    return pl.BlockSpec((_BLK, w), lambda i: (i, 0))


def _rows3(w=128):
    return pl.BlockSpec((2, _BLK, w), lambda i: (0, i, 0))


def _combine1(p, pd, x, Wl, Wr, b, N):
    return pl.pallas_call(
        _c1_body,
        grid=(N // _BLK,),
        in_specs=[_rows3(), _rows3(16), _rows(), _full((128, 128)),
                  _full((128, 128)), _full((1, 128))],
        out_specs=[_rows(), _rows(1)],
        out_shape=[jax.ShapeDtypeStruct((N, 128), jnp.float32),
                   jax.ShapeDtypeStruct((N, 1), jnp.float32)],
    )(p, pd, x, Wl, Wr, b)


def _combine2(p, h, r, Wl, Wr, b, N):
    return pl.pallas_call(
        _c2_body,
        grid=(N // _BLK,),
        in_specs=[_rows3(), _rows(), _rows(1),
                  _full((128, 128)), _full((128, 128)), _full((1, 128))],
        out_specs=_rows(),
        out_shape=jax.ShapeDtypeStruct((N, 128), jnp.float32),
    )(p, h, r, Wl, Wr, b)


def _combine3(p, h, r, Wl, Wr, b, Wfc, bfc, N, C):
    return pl.pallas_call(
        _c3_body,
        grid=(N // _BLK,),
        in_specs=[_rows3(), _rows(), _rows(1),
                  _full((128, 128)), _full((128, 128)), _full((1, 128)),
                  _full((128, C)), _full((1, C))],
        out_specs=_rows(C),
        out_shape=jax.ShapeDtypeStruct((N, C), jnp.float32),
    )(p, h, r, Wl, Wr, b, Wfc, bfc)


def kernel(x, edge_index, W1l, b1l, W1r, W2l, b2l, W2r, W3l, b3l, W3r, Wfc, bfc):
    N, D = x.shape
    E = edge_index.shape[1]
    C = Wfc.shape[1]
    nch = (E // NW) // K

    src = edge_index[0].reshape(NW, nch, K)
    dst = edge_index[1].reshape(NW, nch, K)

    pd = _make_deg(N, E)(dst)
    agg = _make_agg(N, E, D)

    p1 = agg(x, src, dst)
    h1, recip = _combine1(p1, pd, x, W1l, W1r, b1l.reshape(1, -1), N)
    p2 = agg(h1, src, dst)
    h2 = _combine2(p2, h1, recip, W2l, W2r, b2l.reshape(1, -1), N)
    p3 = agg(h2, src, dst)
    return _combine3(p3, h2, recip, W3l, W3r, b3l.reshape(1, -1), Wfc,
                     bfc.reshape(1, -1), N, C)

# --- scband reference (transcript-rebuilt; emitter-appended) ---
"""Pipeline reference for scband-sage-17248588661531 (READ-ONLY COPY).

The authoritative reference and input builder live on the scoring server;
editing this copy changes nothing except your own understanding.
"""

import jax, jax.numpy as jnp
import numpy as np

N = 10000
E = 320000
D = 128
H = 128
C = 40


def _init_linear(key, fan_in, fan_out):
    bound = 1.0 / np.sqrt(fan_in)
    return jax.random.uniform(key, (fan_in, fan_out), jnp.float32, -bound, bound)


def setup_inputs(seed: int = 0) -> dict:
    key = jax.random.key(seed)
    ks = jax.random.split(key, 16)
    x = jax.random.normal(ks[0], (N, D), jnp.float32)
    edge_index = jax.random.randint(ks[1], (2, E), 0, N, dtype=jnp.int32)
    inp = {"x": x, "edge_index": edge_index}
    # SAGEConv layer 1: D -> H
    inp["W1l"] = _init_linear(ks[2], D, H)
    inp["b1l"] = jnp.zeros((H,), jnp.float32)
    inp["W1r"] = _init_linear(ks[3], D, H)
    # SAGEConv layer 2: H -> H
    inp["W2l"] = _init_linear(ks[4], H, H)
    inp["b2l"] = jnp.zeros((H,), jnp.float32)
    inp["W2r"] = _init_linear(ks[5], H, H)
    # SAGEConv layer 3: H -> n_classes (=H here so fc dims line up, as the torch code requires)
    inp["W3l"] = _init_linear(ks[6], H, H)
    inp["b3l"] = jnp.zeros((H,), jnp.float32)
    inp["W3r"] = _init_linear(ks[7], H, H)
    # fc: n_hidden -> classes
    inp["Wfc"] = _init_linear(ks[8], H, C)
    inp["bfc"] = jnp.zeros((C,), jnp.float32)
    return inp


def _sage_conv(x, src, dst, Wl, bl, Wr):
    # PyG SAGEConv with aggr='mean', normalize=False:
    #   out = lin_l(mean_{j in N(i)} x_j) + lin_r(x_i)
    msgs = x[src]  # gather: [E, d]
    agg = jax.ops.segment_sum(msgs, dst, num_segments=N)
    deg = jax.ops.segment_sum(jnp.ones((msgs.shape[0], 1), x.dtype), dst, num_segments=N)
    agg = agg / jnp.maximum(deg, 1.0)
    return agg @ Wl + bl + x @ Wr


def reference(x, edge_index, W1l, b1l, W1r, W2l, b2l, W2r, W3l, b3l, W3r, Wfc, bfc):
    src = edge_index[0]
    dst = edge_index[1]
    # dropout(p) in eval mode is identity; omitted for determinism
    h = _sage_conv(x, src, dst, W1l, b1l, W1r)
    h = jax.nn.relu(h)
    h = _sage_conv(h, src, dst, W2l, b2l, W2r)
    h = jax.nn.relu(h)
    h = _sage_conv(h, src, dst, W3l, b3l, W3r)
    pre = h @ Wfc + bfc
    return pre

if __name__ == "__main__":
    import jax
    _d = setup_inputs()
    print(jax.jit(kernel)(*tuple(_d.values())))

</pallas_src>

<mosaic_0001>
#map = affine_map<(d0, d1) -> (0, 0)>
#map1 = affine_map<(d0, d1) -> (0, 0, 0)>
module attributes {stable_mosaic.version = 14 : i64} {
  func.func @agg(%arg0: i32, %arg1: i32, %arg2: memref<10000x128xf32, #tpu.memory_space<hbm>>, %arg3: memref<32x80x125xi32, #tpu.memory_space<hbm>>, %arg4: memref<32x80x125xi32, #tpu.memory_space<hbm>>, %arg5: memref<2x10000x128xf32, #tpu.memory_space<hbm>>, %arg6: memref<2x20x125xi32, #tpu.memory_space<vmem>>, %arg7: memref<2x20x125xi32, #tpu.memory_space<vmem>>, %arg8: memref<125x128xf32, #tpu.memory_space<vmem>>, %arg9: memref<125x128xf32, #tpu.memory_space<vmem>>, %arg10: memref<!tpu.dma_semaphore, #tpu.memory_space<semaphore_mem>>, %arg11: memref<!tpu.dma_semaphore, #tpu.memory_space<semaphore_mem>>, %arg12: memref<!tpu.dma_semaphore, #tpu.memory_space<semaphore_mem>>, %arg13: memref<!tpu.dma_semaphore, #tpu.memory_space<semaphore_mem>>, %arg14: memref<10000x128xf32, #tpu.memory_space<vmem_shared>>) attributes {dimension_semantics = [#tpu.dimension_semantics<core_parallel>, #tpu.dimension_semantics<subcore_parallel>], iteration_bounds = array<i64: 2, 16>, scalar_prefetch = 0 : i64, scratch_operands = 9 : i64, tpu.core_type = #tpu.core_type<sc_vector_subcore>, window_params = [{transform_indices = #map}, {transform_indices = #map1}, {transform_indices = #map1}, {transform_indices = #map1}]} {
    %mul3A = arith.constant 16 : i32
    %mul3A_0 = arith.muli %arg0, %mul3A : i32
    %add3A = arith.addi %mul3A_0, %arg1 : i32
    %dma_start3A = arith.constant 0 : i32
    %dma_start3A_1 = arith.constant 0 : i32
    %dma_start3A_2 = arith.constant 0 : i32
    %dma_start3A_3 = tpu.memref_slice %arg6[%dma_start3A, %dma_start3A_1, %dma_start3A_2] : memref<2x20x125xi32, #tpu.memory_space<vmem>> -> memref<1x20x125xi32, #tpu.memory_space<vmem>>
    %dma_start3A_4 = tpu.memref_squeeze %dma_start3A_3 : memref<1x20x125xi32, #tpu.memory_space<vmem>> -> memref<20x125xi32, #tpu.memory_space<vmem>>
    %dma_start3A_5 = arith.constant 0 : i32
    %dma_start3A_6 = arith.constant 0 : i32
    %dma_start3A_7 = tpu.memref_slice %arg3[%add3A, %dma_start3A_5, %dma_start3A_6] : memref<32x80x125xi32, #tpu.memory_space<hbm>> -> memref<1x80x125xi32, #tpu.memory_space<hbm>>
    %dma_start3A_8 = tpu.memref_squeeze %dma_start3A_7 : memref<1x80x125xi32, #tpu.memory_space<hbm>> -> memref<80x125xi32, #tpu.memory_space<hbm>>
    %dma_start3A_9 = arith.constant 0 : i32
    %dma_start3A_10 = arith.constant 0 : i32
    %dma_start3A_11 = tpu.memref_slice %dma_start3A_8[%dma_start3A_9, %dma_start3A_10] : memref<80x125xi32, #tpu.memory_space<hbm>> -> memref<20x125xi32, #tpu.memory_space<hbm>>
    %dma_start3A_12 = arith.constant 0 : i32
    %dma_start3A_13 = arith.constant 0 : i32
    %dma_start3A_14 = tpu.memref_slice %arg6[%dma_start3A, %dma_start3A_12, %dma_start3A_13] : memref<2x20x125xi32, #tpu.memory_space<vmem>> -> memref<1x20x125xi32, #tpu.memory_space<vmem>>
    %dma_start3A_15 = tpu.memref_squeeze %dma_start3A_14 : memref<1x20x125xi32, #tpu.memory_space<vmem>> -> memref<20x125xi32, #tpu.memory_space<vmem>>
    %dma_start3A_16 = arith.constant 0 : i32
    %dma_start3A_17 = arith.constant 0 : i32
    %dma_start3A_18 = tpu.memref_slice %arg3[%add3A, %dma_start3A_16, %dma_start3A_17] : memref<32x80x125xi32, #tpu.memory_space<hbm>> -> memref<1x80x125xi32, #tpu.memory_space<hbm>>
    %dma_start3A_19 = tpu.memref_squeeze %dma_start3A_18 : memref<1x80x125xi32, #tpu.memory_space<hbm>> -> memref<80x125xi32, #tpu.memory_space<hbm>>
    %dma_start3A_20 = arith.constant 0 : i32
    %dma_start3A_21 = arith.constant 0 : i32
    %dma_start3A_22 = tpu.memref_slice %dma_start3A_19[%dma_start3A_20, %dma_start3A_21] : memref<80x125xi32, #tpu.memory_space<hbm>> -> memref<20x125xi32, #tpu.memory_space<hbm>>
    tpu.enqueue_dma source(%dma_start3A_22 : memref<20x125xi32, #tpu.memory_space<hbm>>) target(%dma_start3A_15 : memref<20x125xi32, #tpu.memory_space<vmem>>) target_semaphore(%arg12 : memref<!tpu.dma_semaphore, #tpu.memory_space<semaphore_mem>>)
    %dma_start3A_23 = arith.constant 0 : i32
    %dma_start3A_24 = arith.constant 0 : i32
    %dma_start3A_25 = arith.constant 0 : i32
    %dma_start3A_26 = tpu.memref_slice %arg7[%dma_start3A_23, %dma_start3A_24, %dma_start3A_25] : memref<2x20x125xi32, #tpu.memory_space<vmem>> -> memref<1x20x125xi32, #tpu.memory_space<vmem>>
    %dma_start3A_27 = tpu.memref_squeeze %dma_start3A_26 : memref<1x20x125xi32, #tpu.memory_space<vmem>> -> memref<20x125xi32, #tpu.memory_space<vmem>>
    %dma_start3A_28 = arith.constant 0 : i32
    %dma_start3A_29 = arith.constant 0 : i32
    %dma_start3A_30 = tpu.memref_slice %arg4[%add3A, %dma_start3A_28, %dma_start3A_29] : memref<32x80x125xi32, #tpu.memory_space<hbm>> -> memref<1x80x125xi32, #tpu.memory_space<hbm>>
    %dma_start3A_31 = tpu.memref_squeeze %dma_start3A_30 : memref<1x80x125xi32, #tpu.memory_space<hbm>> -> memref<80x125xi32, #tpu.memory_space<hbm>>
    %dma_start3A_32 = arith.constant 0 : i32
    %dma_start3A_33 = arith.constant 0 : i32
    %dma_start3A_34 = tpu.memref_slice %dma_start3A_31[%dma_start3A_32, %dma_start3A_33] : memref<80x125xi32, #tpu.memory_space<hbm>> -> memref<20x125xi32, #tpu.memory_space<hbm>>
    %dma_start3A_35 = arith.constant 0 : i32
    %dma_start3A_36 = arith.constant 0 : i32
    %dma_start3A_37 = tpu.memref_slice %arg7[%dma_start3A_23, %dma_start3A_35, %dma_start3A_36] : memref<2x20x125xi32, #tpu.memory_space<vmem>> -> memref<1x20x125xi32, #tpu.memory_space<vmem>>
    %dma_start3A_38 = tpu.memref_squeeze %dma_start3A_37 : memref<1x20x125xi32, #tpu.memory_space<vmem>> -> memref<20x125xi32, #tpu.memory_space<vmem>>
    %dma_start3A_39 = arith.constant 0 : i32
    %dma_start3A_40 = arith.constant 0 : i32
    %dma_start3A_41 = tpu.memref_slice %arg4[%add3A, %dma_start3A_39, %dma_start3A_40] : memref<32x80x125xi32, #tpu.memory_space<hbm>> -> memref<1x80x125xi32, #tpu.memory_space<hbm>>
    %dma_start3A_42 = tpu.memref_squeeze %dma_start3A_41 : memref<1x80x125xi32, #tpu.memory_space<hbm>> -> memref<80x125xi32, #tpu.memory_space<hbm>>
    %dma_start3A_43 = arith.constant 0 : i32
    %dma_start3A_44 = arith.constant 0 : i32
    %dma_start3A_45 = tpu.memref_slice %dma_start3A_42[%dma_start3A_43, %dma_start3A_44] : memref<80x125xi32, #tpu.memory_space<hbm>> -> memref<20x125xi32, #tpu.memory_space<hbm>>
    tpu.enqueue_dma source(%dma_start3A_45 : memref<20x125xi32, #tpu.memory_space<hbm>>) target(%dma_start3A_38 : memref<20x125xi32, #tpu.memory_space<vmem>>) target_semaphore(%arg13 : memref<!tpu.dma_semaphore, #tpu.memory_space<semaphore_mem>>)
    %broadcast_in_dim3A = arith.constant 0.000000e+00 : f32
    %broadcast_in_dim3A_46 = vector.broadcast %broadcast_in_dim3A : f32 to vector<16xf32>
    %scan3A = arith.constant 0 : i32
    %scan3A_47 = arith.constant 0 : i32
    %scan3A_48 = arith.constant 125 : i32
    %scan3A_49 = arith.addi %scan3A_47, %scan3A_48 : i32
    %scan3A_50 = arith.constant 1 : i32
    scf.for %scan3A_126 = %scan3A_47 to %scan3A_49 step %scan3A_50  : i32 {
      %swap3A = arith.index_cast %scan3A_126 : i32 to index
      %swap3A_127 = arith.constant 0 : index
      %swap3A_128 = tpu.vector_load %arg9[%swap3A, %swap3A_127] {strides = array<i32>} : memref<125x128xf32, #tpu.memory_space<vmem>>, vector<1x16xf32>,
      %swap3A_129 = vector.shape_cast %swap3A_128 : vector<1x16xf32> to vector<16xf32>
      %swap3A_130 = vector.shape_cast %broadcast_in_dim3A_46 : vector<16xf32> to vector<1x16xf32>
      tpu.vector_store %arg9[%swap3A, %swap3A_127], %swap3A_130 {strides = array<i32>} : memref<125x128xf32, #tpu.memory_space<vmem>>, vector<1x16xf32>,
      %swap3A_131 = arith.index_cast %scan3A_126 : i32 to index
      %swap3A_132 = arith.constant 16 : index
      %swap3A_133 = tpu.vector_load %arg9[%swap3A_131, %swap3A_132] {strides = array<i32>} : memref<125x128xf32, #tpu.memory_space<vmem>>, vector<1x16xf32>,
      %swap3A_134 = vector.shape_cast %swap3A_133 : vector<1x16xf32> to vector<16xf32>
      %swap3A_135 = vector.shape_cast %broadcast_in_dim3A_46 : vector<16xf32> to vector<1x16xf32>
      tpu.vector_store %arg9[%swap3A_131, %swap3A_132], %swap3A_135 {strides = array<i32>} : memref<125x128xf32, #tpu.memory_space<vmem>>, vector<1x16xf32>,
      %swap3A_136 = arith.index_cast %scan3A_126 : i32 to index
      %swap3A_137 = arith.constant 32 : index
      %swap3A_138 = tpu.vector_load %arg9[%swap3A_136, %swap3A_137] {strides = array<i32>} : memref<125x128xf32, #tpu.memory_space<vmem>>, vector<1x16xf32>,
      %swap3A_139 = vector.shape_cast %swap3A_138 : vector<1x16xf32> to vector<16xf32>
      %swap3A_140 = vector.shape_cast %broadcast_in_dim3A_46 : vector<16xf32> to vector<1x16xf32>
      tpu.vector_store %arg9[%swap3A_136, %swap3A_137], %swap3A_140 {strides = array<i32>} : memref<125x128xf32, #tpu.memory_space<vmem>>, vector<1x16xf32>,
      %swap3A_141 = arith.index_cast %scan3A_126 : i32 to index
      %swap3A_142 = arith.constant 48 : index
      %swap3A_143 = tpu.vector_load %arg9[%swap3A_141, %swap3A_142] {strides = array<i32>} : memref<125x128xf32, #tpu.memory_space<vmem>>, vector<1x16xf32>,
      %swap3A_144 = vector.shape_cast %swap3A_143 : vector<1x16xf32> to vector<16xf32>
      %swap3A_145 = vector.shape_cast %broadcast_in_dim3A_46 : vector<16xf32> to vector<1x16xf32>
      tpu.vector_store %arg9[%swap3A_141, %swap3A_142], %swap3A_145 {strides = array<i32>} : memref<125x128xf32, #tpu.memory_space<vmem>>, vector<1x16xf32>,
      %swap3A_146 = arith.index_cast %scan3A_126 : i32 to index
      %swap3A_147 = arith.constant 64 : index
      %swap3A_148 = tpu.vector_load %arg9[%swap3A_146, %swap3A_147] {strides = array<i32>} : memref<125x128xf32, #tpu.memory_space<vmem>>, vector<1x16xf32>,
      %swap3A_149 = vector.shape_cast %swap3A_148 : vector<1x16xf32> to vector<16xf32>
      %swap3A_150 = vector.shape_cast %broadcast_in_dim3A_46 : vector<16xf32> to vector<1x16xf32>
      tpu.vector_store %arg9[%swap3A_146, %swap3A_147], %swap3A_150 {strides = array<i32>} : memref<125x128xf32, #tpu.memory_space<vmem>>, vector<1x16xf32>,
      %swap3A_151 = arith.index_cast %scan3A_126 : i32 to index
      %swap3A_152 = arith.constant 80 : index
      %swap3A_153 = tpu.vector_load %arg9[%swap3A_151, %swap3A_152] {strides = array<i32>} : memref<125x128xf32, #tpu.memory_space<vmem>>, vector<1x16xf32>,
      %swap3A_154 = vector.shape_cast %swap3A_153 : vector<1x16xf32> to vector<16xf32>
      %swap3A_155 = vector.shape_cast %broadcast_in_dim3A_46 : vector<16xf32> to vector<1x16xf32>
      tpu.vector_store %arg9[%swap3A_151, %swap3A_152], %swap3A_155 {strides = array<i32>} : memref<125x128xf32, #tpu.memory_space<vmem>>, vector<1x16xf32>,
      %swap3A_156 = arith.index_cast %scan3A_126 : i32 to index
      %swap3A_157 = arith.constant 96 : index
      %swap3A_158 = tpu.vector_load %arg9[%swap3A_156, %swap3A_157] {strides = array<i32>} : memref<125x128xf32, #tpu.memory_space<vmem>>, vector<1x16xf32>,
      %swap3A_159 = vector.shape_cast %swap3A_158 : vector<1x16xf32> to vector<16xf32>
      %swap3A_160 = vector.shape_cast %broadcast_in_dim3A_46 : vector<16xf32> to vector<1x16xf32>
      tpu.vector_store %arg9[%swap3A_156, %swap3A_157], %swap3A_160 {strides = array<i32>} : memref<125x128xf32, #tpu.memory_space<vmem>>, vector<1x16xf32>,
      %swap3A_161 = arith.index_cast %scan3A_126 : i32 to index
      %swap3A_162 = arith.constant 112 : index
      %swap3A_163 = tpu.vector_load %arg9[%swap3A_161, %swap3A_162] {strides = array<i32>} : memref<125x128xf32, #tpu.memory_space<vmem>>, vector<1x16xf32>,
      %swap3A_164 = vector.shape_cast %swap3A_163 : vector<1x16xf32> to vector<16xf32>
      %swap3A_165 = vector.shape_cast %broadcast_in_dim3A_46 : vector<16xf32> to vector<1x16xf32>
      tpu.vector_store %arg9[%swap3A_161, %swap3A_162], %swap3A_165 {strides = array<i32>} : memref<125x128xf32, #tpu.memory_space<vmem>>, vector<1x16xf32>,
    }
    %scan3A_51 = arith.constant 125 : i32
    %scan3A_52 = arith.constant 0 : i32
    %scan3A_53 = arith.constant 0 : i32
    %scan3A_54 = arith.constant 5 : i32
    %scan3A_55 = arith.addi %scan3A_53, %scan3A_54 : i32
    %scan3A_56 = arith.constant 1 : i32
    scf.for %scan3A_126 = %scan3A_53 to %scan3A_55 step %scan3A_56  : i32 {
      %mul3A_127 = arith.constant 625 : i32
      %mul3A_128 = arith.muli %arg1, %mul3A_127 : i32
      %mul3A_129 = arith.constant 125 : i32
      %mul3A_130 = arith.muli %scan3A_126, %mul3A_129 : i32
      %add3A_131 = arith.addi %mul3A_128, %mul3A_130 : i32
      "tpu.region"() ({
        %run_scoped3A = tpu.sem_alloc : memref<!tpu.dma_semaphore, #tpu.memory_space<semaphore_mem>>
        %dma_start3A_132 = arith.constant 0 : i32
        %dma_start3A_133 = tpu.memref_slice %arg14[%add3A_131, %dma_start3A_132] : memref<10000x128xf32, #tpu.memory_space<vmem_shared>> -> memref<125x128xf32, #tpu.memory_space<vmem_shared>>
        %dma_start3A_134 = arith.constant 0 : i32
        %dma_start3A_135 = tpu.memref_slice %arg14[%add3A_131, %dma_start3A_134] : memref<10000x128xf32, #tpu.memory_space<vmem_shared>> -> memref<125x128xf32, #tpu.memory_space<vmem_shared>>
        tpu.enqueue_dma source(%arg9 : memref<125x128xf32, #tpu.memory_space<vmem>>) target(%dma_start3A_135 : memref<125x128xf32, #tpu.memory_space<vmem_shared>>) target_semaphore(%run_scoped3A : memref<!tpu.dma_semaphore, #tpu.memory_space<semaphore_mem>>)
        %dma_wait3A_136 = arith.constant 0 : i32
        %dma_wait3A_137 = tpu.memref_slice %arg14[%add3A_131, %dma_wait3A_136] : memref<10000x128xf32, #tpu.memory_space<vmem_shared>> -> memref<125x128xf32, #tpu.memory_space<vmem_shared>>
        %dma_wait3A_138 = arith.constant 0 : i32
        %dma_wait3A_139 = tpu.memref_slice %arg14[%add3A_131, %dma_wait3A_138] : memref<10000x128xf32, #tpu.memory_space<vmem_shared>> -> memref<125x128xf32, #tpu.memory_space<vmem_shared>>
        tpu.wait_dma2 semaphore(%run_scoped3A : memref<!tpu.dma_semaphore, #tpu.memory_space<semaphore_mem>>) src(%arg9 : memref<125x128xf32, #tpu.memory_space<vmem>>) dst(%dma_wait3A_139 : memref<125x128xf32, #tpu.memory_space<vmem_shared>>)
        tpu.yield
      }) : () -> ()
    }
    %scan3A_57 = arith.constant 5 : i32
    %dma_wait3A = arith.constant 0 : i32
    %dma_wait3A_58 = arith.constant 0 : i32
    %dma_wait3A_59 = arith.constant 0 : i32
    %dma_wait3A_60 = tpu.memref_slice %arg6[%dma_wait3A, %dma_wait3A_58, %dma_wait3A_59] : memref<2x20x125xi32, #tpu.memory_space<vmem>> -> memref<1x20x125xi32, #tpu.memory_space<vmem>>
    %dma_wait3A_61 = tpu.memref_squeeze %dma_wait3A_60 : memref<1x20x125xi32, #tpu.memory_space<vmem>> -> memref<20x125xi32, #tpu.memory_space<vmem>>
    %dma_wait3A_62 = arith.constant 0 : i32
    %dma_wait3A_63 = arith.constant 0 : i32
    %dma_wait3A_64 = tpu.memref_slice %arg3[%add3A, %dma_wait3A_62, %dma_wait3A_63] : memref<32x80x125xi32, #tpu.memory_space<hbm>> -> memref<1x80x125xi32, #tpu.memory_space<hbm>>
    %dma_wait3A_65 = tpu.memref_squeeze %dma_wait3A_64 : memref<1x80x125xi32, #tpu.memory_space<hbm>> -> memref<80x125xi32, #tpu.memory_space<hbm>>
    %dma_wait3A_66 = arith.constant 0 : i32
    %dma_wait3A_67 = arith.constant 0 : i32
    %dma_wait3A_68 = tpu.memref_slice %dma_wait3A_65[%dma_wait3A_66, %dma_wait3A_67] : memref<80x125xi32, #tpu.memory_space<hbm>> -> memref<20x125xi32, #tpu.memory_space<hbm>>
    %dma_wait3A_69 = arith.constant 0 : i32
    %dma_wait3A_70 = arith.constant 0 : i32
    %dma_wait3A_71 = tpu.memref_slice %arg6[%dma_wait3A, %dma_wait3A_69, %dma_wait3A_70] : memref<2x20x125xi32, #tpu.memory_space<vmem>> -> memref<1x20x125xi32, #tpu.memory_space<vmem>>
    %dma_wait3A_72 = tpu.memref_squeeze %dma_wait3A_71 : memref<1x20x125xi32, #tpu.memory_space<vmem>> -> memref<20x125xi32, #tpu.memory_space<vmem>>
    %dma_wait3A_73 = arith.constant 0 : i32
    %dma_wait3A_74 = arith.constant 0 : i32
    %dma_wait3A_75 = tpu.memref_slice %arg3[%add3A, %dma_wait3A_73, %dma_wait3A_74] : memref<32x80x125xi32, #tpu.memory_space<hbm>> -> memref<1x80x125xi32, #tpu.memory_space<hbm>>
    %dma_wait3A_76 = tpu.memref_squeeze %dma_wait3A_75 : memref<1x80x125xi32, #tpu.memory_space<hbm>> -> memref<80x125xi32, #tpu.memory_space<hbm>>
    %dma_wait3A_77 = arith.constant 0 : i32
    %dma_wait3A_78 = arith.constant 0 : i32
    %dma_wait3A_79 = tpu.memref_slice %dma_wait3A_76[%dma_wait3A_77, %dma_wait3A_78] : memref<80x125xi32, #tpu.memory_space<hbm>> -> memref<20x125xi32, #tpu.memory_space<hbm>>
    tpu.wait_dma2 semaphore(%arg12 : memref<!tpu.dma_semaphore, #tpu.memory_space<semaphore_mem>>) src(%dma_wait3A_79 : memref<20x125xi32, #tpu.memory_space<hbm>>) dst(%dma_wait3A_72 : memref<20x125xi32, #tpu.memory_space<vmem>>)
    %dma_wait3A_80 = arith.constant 0 : i32
    %dma_wait3A_81 = arith.constant 0 : i32
    %dma_wait3A_82 = arith.constant 0 : i32
    %dma_wait3A_83 = tpu.memref_slice %arg7[%dma_wait3A_80, %dma_wait3A_81, %dma_wait3A_82] : memref<2x20x125xi32, #tpu.memory_space<vmem>> -> memref<1x20x125xi32, #tpu.memory_space<vmem>>
    %dma_wait3A_84 = tpu.memref_squeeze %dma_wait3A_83 : memref<1x20x125xi32, #tpu.memory_space<vmem>> -> memref<20x125xi32, #tpu.memory_space<vmem>>
    %dma_wait3A_85 = arith.constant 0 : i32
    %dma_wait3A_86 = arith.constant 0 : i32
    %dma_wait3A_87 = tpu.memref_slice %arg4[%add3A, %dma_wait3A_85, %dma_wait3A_86] : memref<32x80x125xi32, #tpu.memory_space<hbm>> -> memref<1x80x125xi32, #tpu.memory_space<hbm>>
    %dma_wait3A_88 = tpu.memref_squeeze %dma_wait3A_87 : memref<1x80x125xi32, #tpu.memory_space<hbm>> -> memref<80x125xi32, #tpu.memory_space<hbm>>
    %dma_wait3A_89 = arith.constant 0 : i32
    %dma_wait3A_90 = arith.constant 0 : i32
    %dma_wait3A_91 = tpu.memref_slice %dma_wait3A_88[%dma_wait3A_89, %dma_wait3A_90] : memref<80x125xi32, #tpu.memory_space<hbm>> -> memref<20x125xi32, #tpu.memory_space<hbm>>
    %dma_wait3A_92 = arith.constant 0 : i32
    %dma_wait3A_93 = arith.constant 0 : i32
    %dma_wait3A_94 = tpu.memref_slice %arg7[%dma_wait3A_80, %dma_wait3A_92, %dma_wait3A_93] : memref<2x20x125xi32, #tpu.memory_space<vmem>> -> memref<1x20x125xi32, #tpu.memory_space<vmem>>
    %dma_wait3A_95 = tpu.memref_squeeze %dma_wait3A_94 : memref<1x20x125xi32, #tpu.memory_space<vmem>> -> memref<20x125xi32, #tpu.memory_space<vmem>>
    %dma_wait3A_96 = arith.constant 0 : i32
    %dma_wait3A_97 = arith.constant 0 : i32
    %dma_wait3A_98 = tpu.memref_slice %arg4[%add3A, %dma_wait3A_96, %dma_wait3A_97] : memref<32x80x125xi32, #tpu.memory_space<hbm>> -> memref<1x80x125xi32, #tpu.memory_space<hbm>>
    %dma_wait3A_99 = tpu.memref_squeeze %dma_wait3A_98 : memref<1x80x125xi32, #tpu.memory_space<hbm>> -> memref<80x125xi32, #tpu.memory_space<hbm>>
    %dma_wait3A_100 = arith.constant 0 : i32
    %dma_wait3A_101 = arith.constant 0 : i32
    %dma_wait3A_102 = tpu.memref_slice %dma_wait3A_99[%dma_wait3A_100, %dma_wait3A_101] : memref<80x125xi32, #tpu.memory_space<hbm>> -> memref<20x125xi32, #tpu.memory_space<hbm>>
    tpu.wait_dma2 semaphore(%arg13 : memref<!tpu.dma_semaphore, #tpu.memory_space<semaphore_mem>>) src(%dma_wait3A_102 : memref<20x125xi32, #tpu.memory_space<hbm>>) dst(%dma_wait3A_95 : memref<20x125xi32, #tpu.memory_space<vmem>>)
    %dma_start3A_103 = arith.constant 0 : i32
    %dma_start3A_104 = arith.constant 0 : i32
    %dma_start3A_105 = arith.constant 0 : i32
    %dma_start3A_106 = arith.constant 0 : i32
    %dma_start3A_107 = tpu.memref_slice %arg6[%dma_start3A_103, %dma_start3A_105, %dma_start3A_106] : memref<2x20x125xi32, #tpu.memory_space<vmem>> -> memref<1x20x125xi32, #tpu.memory_space<vmem>>
    %dma_start3A_108 = tpu.memref_squeeze %dma_start3A_107 : memref<1x20x125xi32, #tpu.memory_space<vmem>> -> memref<20x125xi32, #tpu.memory_space<vmem>>
    %dma_start3A_109 = arith.constant 0 : i32
    %dma_start3A_110 = tpu.memref_slice %dma_start3A_108[%dma_start3A_104, %dma_start3A_109] : memref<20x125xi32, #tpu.memory_space<vmem>> -> memref<1x125xi32, #tpu.memory_space<vmem>>
    %dma_start3A_111 = tpu.memref_squeeze %dma_start3A_110 : memref<1x125xi32, #tpu.memory_space<vmem>> -> memref<125xi32, #tpu.memory_space<vmem>>
    %dma_start3A_112 = arith.constant 0 : i32
    %dma_start3A_113 = arith.constant 0 : i32
    %dma_start3A_114 = tpu.memref_slice %arg2[%dma_start3A_112, %dma_start3A_113] : memref<10000x128xf32, #tpu.memory_space<hbm>> -> memref<10000x128xf32, #tpu.memory_space<hbm>>
    tpu.enqueue_indirect_dma source(%dma_start3A_114 : memref<10000x128xf32, #tpu.memory_space<hbm>>) target(%arg8 : memref<125x128xf32, #tpu.memory_space<vmem>>) offsets(%dma_start3A_111 : memref<125xi32, #tpu.memory_space<vmem>>) semaphore(%arg10 : memref<!tpu.dma_semaphore, #tpu.memory_space<semaphore_mem>>)
    %barrier3A = arith.constant 0 : index
    tpu.barrier barrier_id(%barrier3A)
    %scan3A_115 = arith.constant 0 : i32
    %scan3A_116 = arith.constant 0 : i32
    %scan3A_117 = arith.constant 4 : i32
    %scan3A_118 = arith.addi %scan3A_116, %scan3A_117 : i32
    %scan3A_119 = arith.constant 1 : i32
    scf.for %scan3A_126 = %scan3A_116 to %scan3A_118 step %scan3A_119  : i32 {
      %rem3A = arith.constant 2 : i32
      %rem3A_127 = arith.remsi %scan3A_126, %rem3A : i32
      %sub3A = arith.constant 1 : i32
      %sub3A_128 = arith.subi %sub3A, %rem3A_127 : i32
      %add3A_129 = arith.constant 1 : i32
      %add3A_130 = arith.addi %scan3A_126, %add3A_129 : i32
      %lt3A = arith.constant 4 : i32
      %lt3A_131 = arith.cmpi slt, %add3A_130, %lt3A : i32
      %convert_element_type3A = arith.extui %lt3A_131 : i1 to i32
      %cond3A = arith.constant 0 : i32
      %cond3A_132 = arith.cmpi ne, %convert_element_type3A, %cond3A : i32
      scf.if %cond3A_132 {
        %add3A_139 = arith.constant 1 : i32
        %add3A_140 = arith.addi %scan3A_126, %add3A_139 : i32
        %mul3A_141 = arith.constant 20 : i32
        %mul3A_142 = arith.muli %add3A_140, %mul3A_141 : i32
        %dma_start3A_143 = arith.constant 0 : i32
        %dma_start3A_144 = arith.constant 0 : i32
        %dma_start3A_145 = tpu.memref_slice %arg6[%sub3A_128, %dma_start3A_143, %dma_start3A_144] : memref<2x20x125xi32, #tpu.memory_space<vmem>> -> memref<1x20x125xi32, #tpu.memory_space<vmem>>
        %dma_start3A_146 = tpu.memref_squeeze %dma_start3A_145 : memref<1x20x125xi32, #tpu.memory_space<vmem>> -> memref<20x125xi32, #tpu.memory_space<vmem>>
        %dma_start3A_147 = arith.constant 0 : i32
        %dma_start3A_148 = arith.constant 0 : i32
        %dma_start3A_149 = tpu.memref_slice %arg3[%add3A, %dma_start3A_147, %dma_start3A_148] : memref<32x80x125xi32, #tpu.memory_space<hbm>> -> memref<1x80x125xi32, #tpu.memory_space<hbm>>
        %dma_start3A_150 = tpu.memref_squeeze %dma_start3A_149 : memref<1x80x125xi32, #tpu.memory_space<hbm>> -> memref<80x125xi32, #tpu.memory_space<hbm>>
        %dma_start3A_151 = arith.constant 0 : i32
        %dma_start3A_152 = tpu.memref_slice %dma_start3A_150[%mul3A_142, %dma_start3A_151] : memref<80x125xi32, #tpu.memory_space<hbm>> -> memref<20x125xi32, #tpu.memory_space<hbm>>
        %dma_start3A_153 = arith.constant 0 : i32
        %dma_start3A_154 = arith.constant 0 : i32
        %dma_start3A_155 = tpu.memref_slice %arg6[%sub3A_128, %dma_start3A_153, %dma_start3A_154] : memref<2x20x125xi32, #tpu.memory_space<vmem>> -> memref<1x20x125xi32, #tpu.memory_space<vmem>>
        %dma_start3A_156 = tpu.memref_squeeze %dma_start3A_155 : memref<1x20x125xi32, #tpu.memory_space<vmem>> -> memref<20x125xi32, #tpu.memory_space<vmem>>
        %dma_start3A_157 = arith.constant 0 : i32
        %dma_start3A_158 = arith.constant 0 : i32
        %dma_start3A_159 = tpu.memref_slice %arg3[%add3A, %dma_start3A_157, %dma_start3A_158] : memref<32x80x125xi32, #tpu.memory_space<hbm>> -> memref<1x80x125xi32, #tpu.memory_space<hbm>>
        %dma_start3A_160 = tpu.memref_squeeze %dma_start3A_159 : memref<1x80x125xi32, #tpu.memory_space<hbm>> -> memref<80x125xi32, #tpu.memory_space<hbm>>
        %dma_start3A_161 = arith.constant 0 : i32
        %dma_start3A_162 = tpu.memref_slice %dma_start3A_160[%mul3A_142, %dma_start3A_161] : memref<80x125xi32, #tpu.memory_space<hbm>> -> memref<20x125xi32, #tpu.memory_space<hbm>>
        tpu.enqueue_dma source(%dma_start3A_162 : memref<20x125xi32, #tpu.memory_space<hbm>>) target(%dma_start3A_156 : memref<20x125xi32, #tpu.memory_space<vmem>>) target_semaphore(%arg12 : memref<!tpu.dma_semaphore, #tpu.memory_space<semaphore_mem>>)
        %add3A_163 = arith.constant 1 : i32
        %add3A_164 = arith.addi %scan3A_126, %add3A_163 : i32
        %mul3A_165 = arith.constant 20 : i32
        %mul3A_166 = arith.muli %add3A_164, %mul3A_165 : i32
        %dma_start3A_167 = arith.constant 0 : i32
        %dma_start3A_168 = arith.constant 0 : i32
        %dma_start3A_169 = tpu.memref_slice %arg7[%sub3A_128, %dma_start3A_167, %dma_start3A_168] : memref<2x20x125xi32, #tpu.memory_space<vmem>> -> memref<1x20x125xi32, #tpu.memory_space<vmem>>
        %dma_start3A_170 = tpu.memref_squeeze %dma_start3A_169 : memref<1x20x125xi32, #tpu.memory_space<vmem>> -> memref<20x125xi32, #tpu.memory_space<vmem>>
        %dma_start3A_171 = arith.constant 0 : i32
        %dma_start3A_172 = arith.constant 0 : i32
        %dma_start3A_173 = tpu.memref_slice %arg4[%add3A, %dma_start3A_171, %dma_start3A_172] : memref<32x80x125xi32, #tpu.memory_space<hbm>> -> memref<1x80x125xi32, #tpu.memory_space<hbm>>
        %dma_start3A_174 = tpu.memref_squeeze %dma_start3A_173 : memref<1x80x125xi32, #tpu.memory_space<hbm>> -> memref<80x125xi32, #tpu.memory_space<hbm>>
        %dma_start3A_175 = arith.constant 0 : i32
        %dma_start3A_176 = tpu.memref_slice %dma_start3A_174[%mul3A_166, %dma_start3A_175] : memref<80x125xi32, #tpu.memory_space<hbm>> -> memref<20x125xi32, #tpu.memory_space<hbm>>
        %dma_start3A_177 = arith.constant 0 : i32
        %dma_start3A_178 = arith.constant 0 : i32
        %dma_start3A_179 = tpu.memref_slice %arg7[%sub3A_128, %dma_start3A_177, %dma_start3A_178] : memref<2x20x125xi32, #tpu.memory_space<vmem>> -> memref<1x20x125xi32, #tpu.memory_space<vmem>>
        %dma_start3A_180 = tpu.memref_squeeze %dma_start3A_179 : memref<1x20x125xi32, #tpu.memory_space<vmem>> -> memref<20x125xi32, #tpu.memory_space<vmem>>
        %dma_start3A_181 = arith.constant 0 : i32
        %dma_start3A_182 = arith.constant 0 : i32
        %dma_start3A_183 = tpu.memref_slice %arg4[%add3A, %dma_start3A_181, %dma_start3A_182] : memref<32x80x125xi32, #tpu.memory_space<hbm>> -> memref<1x80x125xi32, #tpu.memory_space<hbm>>
        %dma_start3A_184 = tpu.memref_squeeze %dma_start3A_183 : memref<1x80x125xi32, #tpu.memory_space<hbm>> -> memref<80x125xi32, #tpu.memory_space<hbm>>
        %dma_start3A_185 = arith.constant 0 : i32
        %dma_start3A_186 = tpu.memref_slice %dma_start3A_184[%mul3A_166, %dma_start3A_185] : memref<80x125xi32, #tpu.memory_space<hbm>> -> memref<20x125xi32, #tpu.memory_space<hbm>>
        tpu.enqueue_dma source(%dma_start3A_186 : memref<20x125xi32, #tpu.memory_space<hbm>>) target(%dma_start3A_180 : memref<20x125xi32, #tpu.memory_space<vmem>>) target_semaphore(%arg13 : memref<!tpu.dma_semaphore, #tpu.memory_space<semaphore_mem>>)
      } else {
      }
      %scan3A_133 = arith.constant 0 : i32
      %scan3A_134 = arith.constant 0 : i32
      %scan3A_135 = arith.constant 10 : i32
      %scan3A_136 = arith.addi %scan3A_134, %scan3A_135 : i32
      %scan3A_137 = arith.constant 1 : i32
      scf.for %scan3A_139 = %scan3A_134 to %scan3A_136 step %scan3A_137  : i32 {
        %mul3A_140 = arith.constant 2 : i32
        %mul3A_141 = arith.muli %scan3A_139, %mul3A_140 : i32
        %add3A_142 = arith.constant 1 : i32
        %add3A_143 = arith.addi %mul3A_141, %add3A_142 : i32
        %dma_start3A_144 = arith.constant 0 : i32
        %dma_start3A_145 = arith.constant 0 : i32
        %dma_start3A_146 = tpu.memref_slice %arg6[%rem3A_127, %dma_start3A_144, %dma_start3A_145] : memref<2x20x125xi32, #tpu.memory_space<vmem>> -> memref<1x20x125xi32, #tpu.memory_space<vmem>>
        %dma_start3A_147 = tpu.memref_squeeze %dma_start3A_146 : memref<1x20x125xi32, #tpu.memory_space<vmem>> -> memref<20x125xi32, #tpu.memory_space<vmem>>
        %dma_start3A_148 = arith.constant 0 : i32
        %dma_start3A_149 = tpu.memref_slice %dma_start3A_147[%add3A_143, %dma_start3A_148] : memref<20x125xi32, #tpu.memory_space<vmem>> -> memref<1x125xi32, #tpu.memory_space<vmem>>
        %dma_start3A_150 = tpu.memref_squeeze %dma_start3A_149 : memref<1x125xi32, #tpu.memory_space<vmem>> -> memref<125xi32, #tpu.memory_space<vmem>>
        %dma_start3A_151 = arith.constant 0 : i32
        %dma_start3A_152 = arith.constant 0 : i32
        %dma_start3A_153 = tpu.memref_slice %arg2[%dma_start3A_151, %dma_start3A_152] : memref<10000x128xf32, #tpu.memory_space<hbm>> -> memref<10000x128xf32, #tpu.memory_space<hbm>>
        tpu.enqueue_indirect_dma source(%dma_start3A_153 : memref<10000x128xf32, #tpu.memory_space<hbm>>) target(%arg9 : memref<125x128xf32, #tpu.memory_space<vmem>>) offsets(%dma_start3A_150 : memref<125xi32, #tpu.memory_space<vmem>>) semaphore(%arg11 : memref<!tpu.dma_semaphore, #tpu.memory_space<semaphore_mem>>)
        %dma_wait3A_154 = arith.constant 0 : i32
        %dma_wait3A_155 = arith.constant 0 : i32
        %dma_wait3A_156 = tpu.memref_slice %arg6[%rem3A_127, %dma_wait3A_154, %dma_wait3A_155] : memref<2x20x125xi32, #tpu.memory_space<vmem>> -> memref<1x20x125xi32, #tpu.memory_space<vmem>>
        %dma_wait3A_157 = tpu.memref_squeeze %dma_wait3A_156 : memref<1x20x125xi32, #tpu.memory_space<vmem>> -> memref<20x125xi32, #tpu.memory_space<vmem>>
        %dma_wait3A_158 = arith.constant 0 : i32
        %dma_wait3A_159 = tpu.memref_slice %dma_wait3A_157[%mul3A_141, %dma_wait3A_158] : memref<20x125xi32, #tpu.memory_space<vmem>> -> memref<1x125xi32, #tpu.memory_space<vmem>>
        %dma_wait3A_160 = tpu.memref_squeeze %dma_wait3A_159 : memref<1x125xi32, #tpu.memory_space<vmem>> -> memref<125xi32, #tpu.memory_space<vmem>>
        %dma_wait3A_161 = arith.constant 0 : i32
        %dma_wait3A_162 = arith.constant 0 : i32
        %dma_wait3A_163 = tpu.memref_slice %arg2[%dma_wait3A_161, %dma_wait3A_162] : memref<10000x128xf32, #tpu.memory_space<hbm>> -> memref<10000x128xf32, #tpu.memory_space<hbm>>
        tpu.wait_indirect_dma semaphore(%arg10 : memref<!tpu.dma_semaphore, #tpu.memory_space<semaphore_mem>>) src(%dma_wait3A_163 : memref<10000x128xf32, #tpu.memory_space<hbm>>) dst(%arg8 : memref<125x128xf32, #tpu.memory_space<vmem>>)
        "tpu.region"() ({
          %run_scoped3A = tpu.sem_alloc : memref<!tpu.dma_semaphore, #tpu.memory_space<semaphore_mem>>
          %dma_start3A_187 = arith.constant 0 : i32
          %dma_start3A_188 = arith.constant 0 : i32
          %dma_start3A_189 = tpu.memref_slice %arg7[%rem3A_127, %dma_start3A_187, %dma_start3A_188] : memref<2x20x125xi32, #tpu.memory_space<vmem>> -> memref<1x20x125xi32, #tpu.memory_space<vmem>>
          %dma_start3A_190 = tpu.memref_squeeze %dma_start3A_189 : memref<1x20x125xi32, #tpu.memory_space<vmem>> -> memref<20x125xi32, #tpu.memory_space<vmem>>
          %dma_start3A_191 = arith.constant 0 : i32
          %dma_start3A_192 = tpu.memref_slice %dma_start3A_190[%mul3A_141, %dma_start3A_191] : memref<20x125xi32, #tpu.memory_space<vmem>> -> memref<1x125xi32, #tpu.memory_space<vmem>>
          %dma_start3A_193 = tpu.memref_squeeze %dma_start3A_192 : memref<1x125xi32, #tpu.memory_space<vmem>> -> memref<125xi32, #tpu.memory_space<vmem>>
          %dma_start3A_194 = arith.constant 0 : i32
          %dma_start3A_195 = arith.constant 0 : i32
          %dma_start3A_196 = tpu.memref_slice %arg14[%dma_start3A_194, %dma_start3A_195] : memref<10000x128xf32, #tpu.memory_space<vmem_shared>> -> memref<10000x128xf32, #tpu.memory_space<vmem_shared>>
          tpu.enqueue_indirect_dma source(%arg8 : memref<125x128xf32, #tpu.memory_space<vmem>>) target(%dma_start3A_196 : memref<10000x128xf32, #tpu.memory_space<vmem_shared>>) offsets(%dma_start3A_193 : memref<125xi32, #tpu.memory_space<vmem>>) semaphore(%run_scoped3A : memref<!tpu.dma_semaphore, #tpu.memory_space<semaphore_mem>>) {add = true}
          %dma_wait3A_197 = arith.constant 0 : i32
          %dma_wait3A_198 = arith.constant 0 : i32
          %dma_wait3A_199 = tpu.memref_slice %arg7[%rem3A_127, %dma_wait3A_197, %dma_wait3A_198] : memref<2x20x125xi32, #tpu.memory_space<vmem>> -> memref<1x20x125xi32, #tpu.memory_space<vmem>>
          %dma_wait3A_200 = tpu.memref_squeeze %dma_wait3A_199 : memref<1x20x125xi32, #tpu.memory_space<vmem>> -> memref<20x125xi32, #tpu.memory_space<vmem>>
          %dma_wait3A_201 = arith.constant 0 : i32
          %dma_wait3A_202 = tpu.memref_slice %dma_wait3A_200[%mul3A_141, %dma_wait3A_201] : memref<20x125xi32, #tpu.memory_space<vmem>> -> memref<1x125xi32, #tpu.memory_space<vmem>>
          %dma_wait3A_203 = tpu.memref_squeeze %dma_wait3A_202 : memref<1x125xi32, #tpu.memory_space<vmem>> -> memref<125xi32, #tpu.memory_space<vmem>>
          %dma_wait3A_204 = arith.constant 0 : i32
          %dma_wait3A_205 = arith.constant 0 : i32
          %dma_wait3A_206 = tpu.memref_slice %arg14[%dma_wait3A_204, %dma_wait3A_205] : memref<10000x128xf32, #tpu.memory_space<vmem_shared>> -> memref<10000x128xf32, #tpu.memory_space<vmem_shared>>
          tpu.wait_indirect_dma semaphore(%run_scoped3A : memref<!tpu.dma_semaphore, #tpu.memory_space<semaphore_mem>>) src(%arg8 : memref<125x128xf32, #tpu.memory_space<vmem>>) dst(%dma_wait3A_206 : memref<10000x128xf32, #tpu.memory_space<vmem_shared>>)
          tpu.yield
        }) : () -> ()
        %lt3A_164 = arith.constant 9 : i32
        %lt3A_165 = arith.cmpi slt, %scan3A_139, %lt3A_164 : i32
        %convert_element_type3A_166 = arith.extui %lt3A_165 : i1 to i32
        %cond3A_167 = arith.constant 0 : i32
        %cond3A_168 = arith.cmpi ne, %convert_element_type3A_166, %cond3A_167 : i32
        scf.if %cond3A_168 {
          %add3A_187 = arith.constant 2 : i32
          %add3A_188 = arith.addi %mul3A_141, %add3A_187 : i32
          %dma_start3A_189 = arith.constant 0 : i32
          %dma_start3A_190 = arith.constant 0 : i32
          %dma_start3A_191 = tpu.memref_slice %arg6[%rem3A_127, %dma_start3A_189, %dma_start3A_190] : memref<2x20x125xi32, #tpu.memory_space<vmem>> -> memref<1x20x125xi32, #tpu.memory_space<vmem>>
          %dma_start3A_192 = tpu.memref_squeeze %dma_start3A_191 : memref<1x20x125xi32, #tpu.memory_space<vmem>> -> memref<20x125xi32, #tpu.memory_space<vmem>>
          %dma_start3A_193 = arith.constant 0 : i32
          %dma_start3A_194 = tpu.memref_slice %dma_start3A_192[%add3A_188, %dma_start3A_193] : memref<20x125xi32, #tpu.memory_space<vmem>> -> memref<1x125xi32, #tpu.memory_space<vmem>>
          %dma_start3A_195 = tpu.memref_squeeze %dma_start3A_194 : memref<1x125xi32, #tpu.memory_space<vmem>> -> memref<125xi32, #tpu.memory_space<vmem>>
          %dma_start3A_196 = arith.constant 0 : i32
          %dma_start3A_197 = arith.constant 0 : i32
          %dma_start3A_198 = tpu.memref_slice %arg2[%dma_start3A_196, %dma_start3A_197] : memref<10000x128xf32, #tpu.memory_space<hbm>> -> memref<10000x128xf32, #tpu.memory_space<hbm>>
          tpu.enqueue_indirect_dma source(%dma_start3A_198 : memref<10000x128xf32, #tpu.memory_space<hbm>>) target(%arg8 : memref<125x128xf32, #tpu.memory_space<vmem>>) offsets(%dma_start3A_195 : memref<125xi32, #tpu.memory_space<vmem>>) semaphore(%arg10 : memref<!tpu.dma_semaphore, #tpu.memory_space<semaphore_mem>>)
        } else {
        }
        %eq3A = arith.constant 9 : i32
        %eq3A_169 = arith.cmpi eq, %scan3A_139, %eq3A : i32
        %add3A_170 = arith.constant 1 : i32
        %add3A_171 = arith.addi %scan3A_126, %add3A_170 : i32
        %lt3A_172 = arith.constant 4 : i32
        %lt3A_173 = arith.cmpi slt, %add3A_171, %lt3A_172 : i32
        %and3A = arith.andi %eq3A_169, %lt3A_173 : i1
        %convert_element_type3A_174 = arith.extui %and3A : i1 to i32
        %cond3A_175 = arith.constant 0 : i32
        %cond3A_176 = arith.cmpi ne, %convert_element_type3A_174, %cond3A_175 : i32
        scf.if %cond3A_176 {
          %add3A_187 = arith.constant 1 : i32
          %add3A_188 = arith.addi %scan3A_126, %add3A_187 : i32
          %mul3A_189 = arith.constant 20 : i32
          %mul3A_190 = arith.muli %add3A_188, %mul3A_189 : i32
          %dma_wait3A_191 = arith.constant 0 : i32
          %dma_wait3A_192 = arith.constant 0 : i32
          %dma_wait3A_193 = tpu.memref_slice %arg6[%sub3A_128, %dma_wait3A_191, %dma_wait3A_192] : memref<2x20x125xi32, #tpu.memory_space<vmem>> -> memref<1x20x125xi32, #tpu.memory_space<vmem>>
          %dma_wait3A_194 = tpu.memref_squeeze %dma_wait3A_193 : memref<1x20x125xi32, #tpu.memory_space<vmem>> -> memref<20x125xi32, #tpu.memory_space<vmem>>
          %dma_wait3A_195 = arith.constant 0 : i32
          %dma_wait3A_196 = arith.constant 0 : i32
          %dma_wait3A_197 = tpu.memref_slice %arg3[%add3A, %dma_wait3A_195, %dma_wait3A_196] : memref<32x80x125xi32, #tpu.memory_space<hbm>> -> memref<1x80x125xi32, #tpu.memory_space<hbm>>
          %dma_wait3A_198 = tpu.memref_squeeze %dma_wait3A_197 : memref<1x80x125xi32, #tpu.memory_space<hbm>> -> memref<80x125xi32, #tpu.memory_space<hbm>>
          %dma_wait3A_199 = arith.constant 0 : i32
          %dma_wait3A_200 = tpu.memref_slice %dma_wait3A_198[%mul3A_190, %dma_wait3A_199] : memref<80x125xi32, #tpu.memory_space<hbm>> -> memref<20x125xi32, #tpu.memory_space<hbm>>
          %dma_wait3A_201 = arith.constant 0 : i32
          %dma_wait3A_202 = arith.constant 0 : i32
          %dma_wait3A_203 = tpu.memref_slice %arg6[%sub3A_128, %dma_wait3A_201, %dma_wait3A_202] : memref<2x20x125xi32, #tpu.memory_space<vmem>> -> memref<1x20x125xi32, #tpu.memory_space<vmem>>
          %dma_wait3A_204 = tpu.memref_squeeze %dma_wait3A_203 : memref<1x20x125xi32, #tpu.memory_space<vmem>> -> memref<20x125xi32, #tpu.memory_space<vmem>>
          %dma_wait3A_205 = arith.constant 0 : i32
          %dma_wait3A_206 = arith.constant 0 : i32
          %dma_wait3A_207 = tpu.memref_slice %arg3[%add3A, %dma_wait3A_205, %dma_wait3A_206] : memref<32x80x125xi32, #tpu.memory_space<hbm>> -> memref<1x80x125xi32, #tpu.memory_space<hbm>>
          %dma_wait3A_208 = tpu.memref_squeeze %dma_wait3A_207 : memref<1x80x125xi32, #tpu.memory_space<hbm>> -> memref<80x125xi32, #tpu.memory_space<hbm>>
          %dma_wait3A_209 = arith.constant 0 : i32
          %dma_wait3A_210 = tpu.memref_slice %dma_wait3A_208[%mul3A_190, %dma_wait3A_209] : memref<80x125xi32, #tpu.memory_space<hbm>> -> memref<20x125xi32, #tpu.memory_space<hbm>>
          tpu.wait_dma2 semaphore(%arg12 : memref<!tpu.dma_semaphore, #tpu.memory_space<semaphore_mem>>) src(%dma_wait3A_210 : memref<20x125xi32, #tpu.memory_space<hbm>>) dst(%dma_wait3A_204 : memref<20x125xi32, #tpu.memory_space<vmem>>)
          %add3A_211 = arith.constant 1 : i32
          %add3A_212 = arith.addi %scan3A_126, %add3A_211 : i32
          %mul3A_213 = arith.constant 20 : i32
          %mul3A_214 = arith.muli %add3A_212, %mul3A_213 : i32
          %dma_wait3A_215 = arith.constant 0 : i32
          %dma_wait3A_216 = arith.constant 0 : i32
          %dma_wait3A_217 = tpu.memref_slice %arg7[%sub3A_128, %dma_wait3A_215, %dma_wait3A_216] : memref<2x20x125xi32, #tpu.memory_space<vmem>> -> memref<1x20x125xi32, #tpu.memory_space<vmem>>
          %dma_wait3A_218 = tpu.memref_squeeze %dma_wait3A_217 : memref<1x20x125xi32, #tpu.memory_space<vmem>> -> memref<20x125xi32, #tpu.memory_space<vmem>>
          %dma_wait3A_219 = arith.constant 0 : i32
          %dma_wait3A_220 = arith.constant 0 : i32
          %dma_wait3A_221 = tpu.memref_slice %arg4[%add3A, %dma_wait3A_219, %dma_wait3A_220] : memref<32x80x125xi32, #tpu.memory_space<hbm>> -> memref<1x80x125xi32, #tpu.memory_space<hbm>>
          %dma_wait3A_222 = tpu.memref_squeeze %dma_wait3A_221 : memref<1x80x125xi32, #tpu.memory_space<hbm>> -> memref<80x125xi32, #tpu.memory_space<hbm>>
          %dma_wait3A_223 = arith.constant 0 : i32
          %dma_wait3A_224 = tpu.memref_slice %dma_wait3A_222[%mul3A_214, %dma_wait3A_223] : memref<80x125xi32, #tpu.memory_space<hbm>> -> memref<20x125xi32, #tpu.memory_space<hbm>>
          %dma_wait3A_225 = arith.constant 0 : i32
          %dma_wait3A_226 = arith.constant 0 : i32
          %dma_wait3A_227 = tpu.memref_slice %arg7[%sub3A_128, %dma_wait3A_225, %dma_wait3A_226] : memref<2x20x125xi32, #tpu.memory_space<vmem>> -> memref<1x20x125xi32, #tpu.memory_space<vmem>>
          %dma_wait3A_228 = tpu.memref_squeeze %dma_wait3A_227 : memref<1x20x125xi32, #tpu.memory_space<vmem>> -> memref<20x125xi32, #tpu.memory_space<vmem>>
          %dma_wait3A_229 = arith.constant 0 : i32
          %dma_wait3A_230 = arith.constant 0 : i32
          %dma_wait3A_231 = tpu.memref_slice %arg4[%add3A, %dma_wait3A_229, %dma_wait3A_230] : memref<32x80x125xi32, #tpu.memory_space<hbm>> -> memref<1x80x125xi32, #tpu.memory_space<hbm>>
          %dma_wait3A_232 = tpu.memref_squeeze %dma_wait3A_231 : memref<1x80x125xi32, #tpu.memory_space<hbm>> -> memref<80x125xi32, #tpu.memory_space<hbm>>
          %dma_wait3A_233 = arith.constant 0 : i32
          %dma_wait3A_234 = tpu.memref_slice %dma_wait3A_232[%mul3A_214, %dma_wait3A_233] : memref<80x125xi32, #tpu.memory_space<hbm>> -> memref<20x125xi32, #tpu.memory_space<hbm>>
          tpu.wait_dma2 semaphore(%arg13 : memref<!tpu.dma_semaphore, #tpu.memory_space<semaphore_mem>>) src(%dma_wait3A_234 : memref<20x125xi32, #tpu.memory_space<hbm>>) dst(%dma_wait3A_228 : memref<20x125xi32, #tpu.memory_space<vmem>>)
          %dma_start3A_235 = arith.constant 0 : i32
          %dma_start3A_236 = arith.constant 0 : i32
          %dma_start3A_237 = arith.constant 0 : i32
          %dma_start3A_238 = tpu.memref_slice %arg6[%sub3A_128, %dma_start3A_236, %dma_start3A_237] : memref<2x20x125xi32, #tpu.memory_space<vmem>> -> memref<1x20x125xi32, #tpu.memory_space<vmem>>
          %dma_start3A_239 = tpu.memref_squeeze %dma_start3A_238 : memref<1x20x125xi32, #tpu.memory_space<vmem>> -> memref<20x125xi32, #tpu.memory_space<vmem>>
          %dma_start3A_240 = arith.constant 0 : i32
          %dma_start3A_241 = tpu.memref_slice %dma_start3A_239[%dma_start3A_235, %dma_start3A_240] : memref<20x125xi32, #tpu.memory_space<vmem>> -> memref<1x125xi32, #tpu.memory_space<vmem>>
          %dma_start3A_242 = tpu.memref_squeeze %dma_start3A_241 : memref<1x125xi32, #tpu.memory_space<vmem>> -> memref<125xi32, #tpu.memory_space<vmem>>
          %dma_start3A_243 = arith.constant 0 : i32
          %dma_start3A_244 = arith.constant 0 : i32
          %dma_start3A_245 = tpu.memref_slice %arg2[%dma_start3A_243, %dma_start3A_244] : memref<10000x128xf32, #tpu.memory_space<hbm>> -> memref<10000x128xf32, #tpu.memory_space<hbm>>
          tpu.enqueue_indirect_dma source(%dma_start3A_245 : memref<10000x128xf32, #tpu.memory_space<hbm>>) target(%arg8 : memref<125x128xf32, #tpu.memory_space<vmem>>) offsets(%dma_start3A_242 : memref<125xi32, #tpu.memory_space<vmem>>) semaphore(%arg10 : memref<!tpu.dma_semaphore, #tpu.memory_space<semaphore_mem>>)
        } else {
        }
        %dma_wait3A_177 = arith.constant 0 : i32
        %dma_wait3A_178 = arith.constant 0 : i32
        %dma_wait3A_179 = tpu.memref_slice %arg6[%rem3A_127, %dma_wait3A_177, %dma_wait3A_178] : memref<2x20x125xi32, #tpu.memory_space<vmem>> -> memref<1x20x125xi32, #tpu.memory_space<vmem>>
        %dma_wait3A_180 = tpu.memref_squeeze %dma_wait3A_179 : memref<1x20x125xi32, #tpu.memory_space<vmem>> -> memref<20x125xi32, #tpu.memory_space<vmem>>
        %dma_wait3A_181 = arith.constant 0 : i32
        %dma_wait3A_182 = tpu.memref_slice %dma_wait3A_180[%add3A_143, %dma_wait3A_181] : memref<20x125xi32, #tpu.memory_space<vmem>> -> memref<1x125xi32, #tpu.memory_space<vmem>>
        %dma_wait3A_183 = tpu.memref_squeeze %dma_wait3A_182 : memref<1x125xi32, #tpu.memory_space<vmem>> -> memref<125xi32, #tpu.memory_space<vmem>>
        %dma_wait3A_184 = arith.constant 0 : i32
        %dma_wait3A_185 = arith.constant 0 : i32
        %dma_wait3A_186 = tpu.memref_slice %arg2[%dma_wait3A_184, %dma_wait3A_185] : memref<10000x128xf32, #tpu.memory_space<hbm>> -> memref<10000x128xf32, #tpu.memory_space<hbm>>
        tpu.wait_indirect_dma semaphore(%arg11 : memref<!tpu.dma_semaphore, #tpu.memory_space<semaphore_mem>>) src(%dma_wait3A_186 : memref<10000x128xf32, #tpu.memory_space<hbm>>) dst(%arg9 : memref<125x128xf32, #tpu.memory_space<vmem>>)
        "tpu.region"() ({
          %run_scoped3A = tpu.sem_alloc : memref<!tpu.dma_semaphore, #tpu.memory_space<semaphore_mem>>
          %dma_start3A_187 = arith.constant 0 : i32
          %dma_start3A_188 = arith.constant 0 : i32
          %dma_start3A_189 = tpu.memref_slice %arg7[%rem3A_127, %dma_start3A_187, %dma_start3A_188] : memref<2x20x125xi32, #tpu.memory_space<vmem>> -> memref<1x20x125xi32, #tpu.memory_space<vmem>>
          %dma_start3A_190 = tpu.memref_squeeze %dma_start3A_189 : memref<1x20x125xi32, #tpu.memory_space<vmem>> -> memref<20x125xi32, #tpu.memory_space<vmem>>
          %dma_start3A_191 = arith.constant 0 : i32
          %dma_start3A_192 = tpu.memref_slice %dma_start3A_190[%add3A_143, %dma_start3A_191] : memref<20x125xi32, #tpu.memory_space<vmem>> -> memref<1x125xi32, #tpu.memory_space<vmem>>
          %dma_start3A_193 = tpu.memref_squeeze %dma_start3A_192 : memref<1x125xi32, #tpu.memory_space<vmem>> -> memref<125xi32, #tpu.memory_space<vmem>>
          %dma_start3A_194 = arith.constant 0 : i32
          %dma_start3A_195 = arith.constant 0 : i32
          %dma_start3A_196 = tpu.memref_slice %arg14[%dma_start3A_194, %dma_start3A_195] : memref<10000x128xf32, #tpu.memory_space<vmem_shared>> -> memref<10000x128xf32, #tpu.memory_space<vmem_shared>>
          tpu.enqueue_indirect_dma source(%arg9 : memref<125x128xf32, #tpu.memory_space<vmem>>) target(%dma_start3A_196 : memref<10000x128xf32, #tpu.memory_space<vmem_shared>>) offsets(%dma_start3A_193 : memref<125xi32, #tpu.memory_space<vmem>>) semaphore(%run_scoped3A : memref<!tpu.dma_semaphore, #tpu.memory_space<semaphore_mem>>) {add = true}
          %dma_wait3A_197 = arith.constant 0 : i32
          %dma_wait3A_198 = arith.constant 0 : i32
          %dma_wait3A_199 = tpu.memref_slice %arg7[%rem3A_127, %dma_wait3A_197, %dma_wait3A_198] : memref<2x20x125xi32, #tpu.memory_space<vmem>> -> memref<1x20x125xi32, #tpu.memory_space<vmem>>
          %dma_wait3A_200 = tpu.memref_squeeze %dma_wait3A_199 : memref<1x20x125xi32, #tpu.memory_space<vmem>> -> memref<20x125xi32, #tpu.memory_space<vmem>>
          %dma_wait3A_201 = arith.constant 0 : i32
          %dma_wait3A_202 = tpu.memref_slice %dma_wait3A_200[%add3A_143, %dma_wait3A_201] : memref<20x125xi32, #tpu.memory_space<vmem>> -> memref<1x125xi32, #tpu.memory_space<vmem>>
          %dma_wait3A_203 = tpu.memref_squeeze %dma_wait3A_202 : memref<1x125xi32, #tpu.memory_space<vmem>> -> memref<125xi32, #tpu.memory_space<vmem>>
          %dma_wait3A_204 = arith.constant 0 : i32
          %dma_wait3A_205 = arith.constant 0 : i32
          %dma_wait3A_206 = tpu.memref_slice %arg14[%dma_wait3A_204, %dma_wait3A_205] : memref<10000x128xf32, #tpu.memory_space<vmem_shared>> -> memref<10000x128xf32, #tpu.memory_space<vmem_shared>>
          tpu.wait_indirect_dma semaphore(%run_scoped3A : memref<!tpu.dma_semaphore, #tpu.memory_space<semaphore_mem>>) src(%arg9 : memref<125x128xf32, #tpu.memory_space<vmem>>) dst(%dma_wait3A_206 : memref<10000x128xf32, #tpu.memory_space<vmem_shared>>)
          tpu.yield
        }) : () -> ()
      }
      %scan3A_138 = arith.constant 10 : i32
    }
    %scan3A_120 = arith.constant 4 : i32
    %barrier3A_121 = arith.constant 0 : index
    tpu.barrier barrier_id(%barrier3A_121)
    %mul3A_122 = arith.constant 625 : i32
    %mul3A_123 = arith.muli %arg1, %mul3A_122 : i32
    %mul3A_124 = arith.constant 625 : i32
    %mul3A_125 = arith.muli %arg1, %mul3A_124 : i32
    "tpu.region"() ({
      %run_scoped3A = tpu.sem_alloc : memref<!tpu.dma_semaphore, #tpu.memory_space<semaphore_mem>>
      %dma_start3A_126 = arith.constant 0 : i32
      %dma_start3A_127 = arith.constant 0 : i32
      %dma_start3A_128 = tpu.memref_slice %arg5[%arg0, %dma_start3A_126, %dma_start3A_127] : memref<2x10000x128xf32, #tpu.memory_space<hbm>> -> memref<1x10000x128xf32, #tpu.memory_space<hbm>>
      %dma_start3A_129 = tpu.memref_squeeze %dma_start3A_128 : memref<1x10000x128xf32, #tpu.memory_space<hbm>> -> memref<10000x128xf32, #tpu.memory_space<hbm>>
      %dma_start3A_130 = arith.constant 0 : i32
      %dma_start3A_131 = tpu.memref_slice %dma_start3A_129[%mul3A_125, %dma_start3A_130] : memref<10000x128xf32, #tpu.memory_space<hbm>> -> memref<625x128xf32, #tpu.memory_space<hbm>>
      %dma_start3A_132 = arith.constant 0 : i32
      %dma_start3A_133 = tpu.memref_slice %arg14[%mul3A_123, %dma_start3A_132] : memref<10000x128xf32, #tpu.memory_space<vmem_shared>> -> memref<625x128xf32, #tpu.memory_space<vmem_shared>>
      tpu.enqueue_dma source(%dma_start3A_133 : memref<625x128xf32, #tpu.memory_space<vmem_shared>>) target(%dma_start3A_131 : memref<625x128xf32, #tpu.memory_space<hbm>>) target_semaphore(%run_scoped3A : memref<!tpu.dma_semaphore, #tpu.memory_space<semaphore_mem>>)
      %dma_wait3A_134 = arith.constant 0 : i32
      %dma_wait3A_135 = arith.constant 0 : i32
      %dma_wait3A_136 = tpu.memref_slice %arg5[%arg0, %dma_wait3A_134, %dma_wait3A_135] : memref<2x10000x128xf32, #tpu.memory_space<hbm>> -> memref<1x10000x128xf32, #tpu.memory_space<hbm>>
      %dma_wait3A_137 = tpu.memref_squeeze %dma_wait3A_136 : memref<1x10000x128xf32, #tpu.memory_space<hbm>> -> memref<10000x128xf32, #tpu.memory_space<hbm>>
      %dma_wait3A_138 = arith.constant 0 : i32
      %dma_wait3A_139 = tpu.memref_slice %dma_wait3A_137[%mul3A_125, %dma_wait3A_138] : memref<10000x128xf32, #tpu.memory_space<hbm>> -> memref<625x128xf32, #tpu.memory_space<hbm>>
      %dma_wait3A_140 = arith.constant 0 : i32
      %dma_wait3A_141 = tpu.memref_slice %arg14[%mul3A_123, %dma_wait3A_140] : memref<10000x128xf32, #tpu.memory_space<vmem_shared>> -> memref<625x128xf32, #tpu.memory_space<vmem_shared>>
      tpu.wait_dma2 semaphore(%run_scoped3A : memref<!tpu.dma_semaphore, #tpu.memory_space<semaphore_mem>>) src(%dma_wait3A_141 : memref<625x128xf32, #tpu.memory_space<vmem_shared>>) dst(%dma_wait3A_139 : memref<625x128xf32, #tpu.memory_space<hbm>>)
      tpu.yield
    }) : () -> ()
    return
  }
}

#map = affine_map<(d0, d1) -> (0, 0, 0)>
module attributes {stable_mosaic.version = 14 : i64} {
  func.func @deg(%arg0: i32, %arg1: i32, %arg2: memref<32x80x125xi32, #tpu.memory_space<hbm>>, %arg3: memref<2x10000x16xf32, #tpu.memory_space<hbm>>, %arg4: memref<80x125xi32, #tpu.memory_space<vmem>>, %arg5: memref<125x16xf32, #tpu.memory_space<vmem>>, %arg6: memref<25x16xf32, #tpu.memory_space<vmem>>, %arg7: memref<!tpu.dma_semaphore, #tpu.memory_space<semaphore_mem>>, %arg8: memref<10000x16xf32, #tpu.memory_space<vmem_shared>>) attributes {dimension_semantics = [#tpu.dimension_semantics<core_parallel>, #tpu.dimension_semantics<subcore_parallel>], iteration_bounds = array<i64: 2, 16>, scalar_prefetch = 0 : i64, scratch_operands = 5 : i64, tpu.core_type = #tpu.core_type<sc_vector_subcore>, window_params = [{transform_indices = #map}, {transform_indices = #map}]} {
    %mul3A = arith.constant 16 : i32
    %mul3A_0 = arith.muli %arg0, %mul3A : i32
    %add3A = arith.addi %mul3A_0, %arg1 : i32
    %dma_start3A = arith.constant 0 : i32
    %dma_start3A_1 = arith.constant 0 : i32
    %dma_start3A_2 = tpu.memref_slice %arg2[%add3A, %dma_start3A, %dma_start3A_1] : memref<32x80x125xi32, #tpu.memory_space<hbm>> -> memref<1x80x125xi32, #tpu.memory_space<hbm>>
    %dma_start3A_3 = tpu.memref_squeeze %dma_start3A_2 : memref<1x80x125xi32, #tpu.memory_space<hbm>> -> memref<80x125xi32, #tpu.memory_space<hbm>>
    %dma_start3A_4 = arith.constant 0 : i32
    %dma_start3A_5 = arith.constant 0 : i32
    %dma_start3A_6 = tpu.memref_slice %arg2[%add3A, %dma_start3A_4, %dma_start3A_5] : memref<32x80x125xi32, #tpu.memory_space<hbm>> -> memref<1x80x125xi32, #tpu.memory_space<hbm>>
    %dma_start3A_7 = tpu.memref_squeeze %dma_start3A_6 : memref<1x80x125xi32, #tpu.memory_space<hbm>> -> memref<80x125xi32, #tpu.memory_space<hbm>>
    tpu.enqueue_dma source(%dma_start3A_7 : memref<80x125xi32, #tpu.memory_space<hbm>>) target(%arg4 : memref<80x125xi32, #tpu.memory_space<vmem>>) target_semaphore(%arg7 : memref<!tpu.dma_semaphore, #tpu.memory_space<semaphore_mem>>)
    %broadcast_in_dim3A = arith.constant 1.000000e+00 : f32
    %broadcast_in_dim3A_8 = vector.broadcast %broadcast_in_dim3A : f32 to vector<16xf32>
    %scan3A = arith.constant 0 : i32
    %scan3A_9 = arith.constant 0 : i32
    %scan3A_10 = arith.constant 125 : i32
    %scan3A_11 = arith.addi %scan3A_9, %scan3A_10 : i32
    %scan3A_12 = arith.constant 1 : i32
    scf.for %scan3A_46 = %scan3A_9 to %scan3A_11 step %scan3A_12  : i32 {
      %swap3A = arith.index_cast %scan3A_46 : i32 to index
      %swap3A_47 = arith.constant 0 : index
      %swap3A_48 = tpu.vector_load %arg5[%swap3A, %swap3A_47] {strides = array<i32>} : memref<125x16xf32, #tpu.memory_space<vmem>>, vector<1x16xf32>,
      %swap3A_49 = vector.shape_cast %swap3A_48 : vector<1x16xf32> to vector<16xf32>
      %swap3A_50 = vector.shape_cast %broadcast_in_dim3A_8 : vector<16xf32> to vector<1x16xf32>
      tpu.vector_store %arg5[%swap3A, %swap3A_47], %swap3A_50 {strides = array<i32>} : memref<125x16xf32, #tpu.memory_space<vmem>>, vector<1x16xf32>,
    }
    %scan3A_13 = arith.constant 125 : i32
    %broadcast_in_dim3A_14 = arith.constant 0.000000e+00 : f32
    %broadcast_in_dim3A_15 = vector.broadcast %broadcast_in_dim3A_14 : f32 to vector<16xf32>
    %scan3A_16 = arith.constant 0 : i32
    %scan3A_17 = arith.constant 0 : i32
    %scan3A_18 = arith.constant 25 : i32
    %scan3A_19 = arith.addi %scan3A_17, %scan3A_18 : i32
    %scan3A_20 = arith.constant 1 : i32
    scf.for %scan3A_46 = %scan3A_17 to %scan3A_19 step %scan3A_20  : i32 {
      %swap3A = arith.index_cast %scan3A_46 : i32 to index
      %swap3A_47 = arith.constant 0 : index
      %swap3A_48 = tpu.vector_load %arg6[%swap3A, %swap3A_47] {strides = array<i32>} : memref<25x16xf32, #tpu.memory_space<vmem>>, vector<1x16xf32>,
      %swap3A_49 = vector.shape_cast %swap3A_48 : vector<1x16xf32> to vector<16xf32>
      %swap3A_50 = vector.shape_cast %broadcast_in_dim3A_15 : vector<16xf32> to vector<1x16xf32>
      tpu.vector_store %arg6[%swap3A, %swap3A_47], %swap3A_50 {strides = array<i32>} : memref<25x16xf32, #tpu.memory_space<vmem>>, vector<1x16xf32>,
    }
    %scan3A_21 = arith.constant 25 : i32
    %scan3A_22 = arith.constant 0 : i32
    %scan3A_23 = arith.constant 0 : i32
    %scan3A_24 = arith.constant 25 : i32
    %scan3A_25 = arith.addi %scan3A_23, %scan3A_24 : i32
    %scan3A_26 = arith.constant 1 : i32
    scf.for %scan3A_46 = %scan3A_23 to %scan3A_25 step %scan3A_26  : i32 {
      %mul3A_47 = arith.constant 625 : i32
      %mul3A_48 = arith.muli %arg1, %mul3A_47 : i32
      %mul3A_49 = arith.constant 25 : i32
      %mul3A_50 = arith.muli %scan3A_46, %mul3A_49 : i32
      %add3A_51 = arith.addi %mul3A_48, %mul3A_50 : i32
      "tpu.region"() ({
        %run_scoped3A = tpu.sem_alloc : memref<!tpu.dma_semaphore, #tpu.memory_space<semaphore_mem>>
        %dma_start3A_52 = arith.constant 0 : i32
        %dma_start3A_53 = tpu.memref_slice %arg8[%add3A_51, %dma_start3A_52] : memref<10000x16xf32, #tpu.memory_space<vmem_shared>> -> memref<25x16xf32, #tpu.memory_space<vmem_shared>>
        %dma_start3A_54 = arith.constant 0 : i32
        %dma_start3A_55 = tpu.memref_slice %arg8[%add3A_51, %dma_start3A_54] : memref<10000x16xf32, #tpu.memory_space<vmem_shared>> -> memref<25x16xf32, #tpu.memory_space<vmem_shared>>
        tpu.enqueue_dma source(%arg6 : memref<25x16xf32, #tpu.memory_space<vmem>>) target(%dma_start3A_55 : memref<25x16xf32, #tpu.memory_space<vmem_shared>>) target_semaphore(%run_scoped3A : memref<!tpu.dma_semaphore, #tpu.memory_space<semaphore_mem>>)
        %dma_wait3A_56 = arith.constant 0 : i32
        %dma_wait3A_57 = tpu.memref_slice %arg8[%add3A_51, %dma_wait3A_56] : memref<10000x16xf32, #tpu.memory_space<vmem_shared>> -> memref<25x16xf32, #tpu.memory_space<vmem_shared>>
        %dma_wait3A_58 = arith.constant 0 : i32
        %dma_wait3A_59 = tpu.memref_slice %arg8[%add3A_51, %dma_wait3A_58] : memref<10000x16xf32, #tpu.memory_space<vmem_shared>> -> memref<25x16xf32, #tpu.memory_space<vmem_shared>>
        tpu.wait_dma2 semaphore(%run_scoped3A : memref<!tpu.dma_semaphore, #tpu.memory_space<semaphore_mem>>) src(%arg6 : memref<25x16xf32, #tpu.memory_space<vmem>>) dst(%dma_wait3A_59 : memref<25x16xf32, #tpu.memory_space<vmem_shared>>)
        tpu.yield
      }) : () -> ()
    }
    %scan3A_27 = arith.constant 25 : i32
    %dma_wait3A = arith.constant 0 : i32
    %dma_wait3A_28 = arith.constant 0 : i32
    %dma_wait3A_29 = tpu.memref_slice %arg2[%add3A, %dma_wait3A, %dma_wait3A_28] : memref<32x80x125xi32, #tpu.memory_space<hbm>> -> memref<1x80x125xi32, #tpu.memory_space<hbm>>
    %dma_wait3A_30 = tpu.memref_squeeze %dma_wait3A_29 : memref<1x80x125xi32, #tpu.memory_space<hbm>> -> memref<80x125xi32, #tpu.memory_space<hbm>>
    %dma_wait3A_31 = arith.constant 0 : i32
    %dma_wait3A_32 = arith.constant 0 : i32
    %dma_wait3A_33 = tpu.memref_slice %arg2[%add3A, %dma_wait3A_31, %dma_wait3A_32] : memref<32x80x125xi32, #tpu.memory_space<hbm>> -> memref<1x80x125xi32, #tpu.memory_space<hbm>>
    %dma_wait3A_34 = tpu.memref_squeeze %dma_wait3A_33 : memref<1x80x125xi32, #tpu.memory_space<hbm>> -> memref<80x125xi32, #tpu.memory_space<hbm>>
    tpu.wait_dma2 semaphore(%arg7 : memref<!tpu.dma_semaphore, #tpu.memory_space<semaphore_mem>>) src(%dma_wait3A_34 : memref<80x125xi32, #tpu.memory_space<hbm>>) dst(%arg4 : memref<80x125xi32, #tpu.memory_space<vmem>>)
    %barrier3A = arith.constant 0 : index
    tpu.barrier barrier_id(%barrier3A)
    %scan3A_35 = arith.constant 0 : i32
    %scan3A_36 = arith.constant 0 : i32
    %scan3A_37 = arith.constant 80 : i32
    %scan3A_38 = arith.addi %scan3A_36, %scan3A_37 : i32
    %scan3A_39 = arith.constant 1 : i32
    scf.for %scan3A_46 = %scan3A_36 to %scan3A_38 step %scan3A_39  : i32 {
      "tpu.region"() ({
        %run_scoped3A = tpu.sem_alloc : memref<!tpu.dma_semaphore, #tpu.memory_space<semaphore_mem>>
        %dma_start3A_47 = arith.constant 0 : i32
        %dma_start3A_48 = tpu.memref_slice %arg4[%scan3A_46, %dma_start3A_47] : memref<80x125xi32, #tpu.memory_space<vmem>> -> memref<1x125xi32, #tpu.memory_space<vmem>>
        %dma_start3A_49 = tpu.memref_squeeze %dma_start3A_48 : memref<1x125xi32, #tpu.memory_space<vmem>> -> memref<125xi32, #tpu.memory_space<vmem>>
        %dma_start3A_50 = arith.constant 0 : i32
        %dma_start3A_51 = arith.constant 0 : i32
        %dma_start3A_52 = tpu.memref_slice %arg8[%dma_start3A_50, %dma_start3A_51] : memref<10000x16xf32, #tpu.memory_space<vmem_shared>> -> memref<10000x16xf32, #tpu.memory_space<vmem_shared>>
        tpu.enqueue_indirect_dma source(%arg5 : memref<125x16xf32, #tpu.memory_space<vmem>>) target(%dma_start3A_52 : memref<10000x16xf32, #tpu.memory_space<vmem_shared>>) offsets(%dma_start3A_49 : memref<125xi32, #tpu.memory_space<vmem>>) semaphore(%run_scoped3A : memref<!tpu.dma_semaphore, #tpu.memory_space<semaphore_mem>>) {add = true}
        %dma_wait3A_53 = arith.constant 0 : i32
        %dma_wait3A_54 = tpu.memref_slice %arg4[%scan3A_46, %dma_wait3A_53] : memref<80x125xi32, #tpu.memory_space<vmem>> -> memref<1x125xi32, #tpu.memory_space<vmem>>
        %dma_wait3A_55 = tpu.memref_squeeze %dma_wait3A_54 : memref<1x125xi32, #tpu.memory_space<vmem>> -> memref<125xi32, #tpu.memory_space<vmem>>
        %dma_wait3A_56 = arith.constant 0 : i32
        %dma_wait3A_57 = arith.constant 0 : i32
        %dma_wait3A_58 = tpu.memref_slice %arg8[%dma_wait3A_56, %dma_wait3A_57] : memref<10000x16xf32, #tpu.memory_space<vmem_shared>> -> memref<10000x16xf32, #tpu.memory_space<vmem_shared>>
        tpu.wait_indirect_dma semaphore(%run_scoped3A : memref<!tpu.dma_semaphore, #tpu.memory_space<semaphore_mem>>) src(%arg5 : memref<125x16xf32, #tpu.memory_space<vmem>>) dst(%dma_wait3A_58 : memref<10000x16xf32, #tpu.memory_space<vmem_shared>>)
        tpu.yield
      }) : () -> ()
    }
    %scan3A_40 = arith.constant 80 : i32
    %barrier3A_41 = arith.constant 0 : index
    tpu.barrier barrier_id(%barrier3A_41)
    %mul3A_42 = arith.constant 625 : i32
    %mul3A_43 = arith.muli %arg1, %mul3A_42 : i32
    %mul3A_44 = arith.constant 625 : i32
    %mul3A_45 = arith.muli %arg1, %mul3A_44 : i32
    "tpu.region"() ({
      %run_scoped3A = tpu.sem_alloc : memref<!tpu.dma_semaphore, #tpu.memory_space<semaphore_mem>>
      %dma_start3A_46 = arith.constant 0 : i32
      %dma_start3A_47 = arith.constant 0 : i32
      %dma_start3A_48 = tpu.memref_slice %arg3[%arg0, %dma_start3A_46, %dma_start3A_47] : memref<2x10000x16xf32, #tpu.memory_space<hbm>> -> memref<1x10000x16xf32, #tpu.memory_space<hbm>>
      %dma_start3A_49 = tpu.memref_squeeze %dma_start3A_48 : memref<1x10000x16xf32, #tpu.memory_space<hbm>> -> memref<10000x16xf32, #tpu.memory_space<hbm>>
      %dma_start3A_50 = arith.constant 0 : i32
      %dma_start3A_51 = tpu.memref_slice %dma_start3A_49[%mul3A_45, %dma_start3A_50] : memref<10000x16xf32, #tpu.memory_space<hbm>> -> memref<625x16xf32, #tpu.memory_space<hbm>>
      %dma_start3A_52 = arith.constant 0 : i32
      %dma_start3A_53 = tpu.memref_slice %arg8[%mul3A_43, %dma_start3A_52] : memref<10000x16xf32, #tpu.memory_space<vmem_shared>> -> memref<625x16xf32, #tpu.memory_space<vmem_shared>>
      tpu.enqueue_dma source(%dma_start3A_53 : memref<625x16xf32, #tpu.memory_space<vmem_shared>>) target(%dma_start3A_51 : memref<625x16xf32, #tpu.memory_space<hbm>>) target_semaphore(%run_scoped3A : memref<!tpu.dma_semaphore, #tpu.memory_space<semaphore_mem>>)
      %dma_wait3A_54 = arith.constant 0 : i32
      %dma_wait3A_55 = arith.constant 0 : i32
      %dma_wait3A_56 = tpu.memref_slice %arg3[%arg0, %dma_wait3A_54, %dma_wait3A_55] : memref<2x10000x16xf32, #tpu.memory_space<hbm>> -> memref<1x10000x16xf32, #tpu.memory_space<hbm>>
      %dma_wait3A_57 = tpu.memref_squeeze %dma_wait3A_56 : memref<1x10000x16xf32, #tpu.memory_space<hbm>> -> memref<10000x16xf32, #tpu.memory_space<hbm>>
      %dma_wait3A_58 = arith.constant 0 : i32
      %dma_wait3A_59 = tpu.memref_slice %dma_wait3A_57[%mul3A_45, %dma_wait3A_58] : memref<10000x16xf32, #tpu.memory_space<hbm>> -> memref<625x16xf32, #tpu.memory_space<hbm>>
      %dma_wait3A_60 = arith.constant 0 : i32
      %dma_wait3A_61 = tpu.memref_slice %arg8[%mul3A_43, %dma_wait3A_60] : memref<10000x16xf32, #tpu.memory_space<vmem_shared>> -> memref<625x16xf32, #tpu.memory_space<vmem_shared>>
      tpu.wait_dma2 semaphore(%run_scoped3A : memref<!tpu.dma_semaphore, #tpu.memory_space<semaphore_mem>>) src(%dma_wait3A_61 : memref<625x16xf32, #tpu.memory_space<vmem_shared>>) dst(%dma_wait3A_59 : memref<625x16xf32, #tpu.memory_space<hbm>>)
      tpu.yield
    }) : () -> ()
    return
  }
}

#map = affine_map<(d0, d1) -> (0, 0)>
#map1 = affine_map<(d0, d1) -> (0, 0, 0)>
module attributes {stable_mosaic.version = 14 : i64} {
  func.func @agg(%arg0: i32, %arg1: i32, %arg2: memref<10000x128xf32, #tpu.memory_space<hbm>>, %arg3: memref<32x80x125xi32, #tpu.memory_space<hbm>>, %arg4: memref<32x80x125xi32, #tpu.memory_space<hbm>>, %arg5: memref<2x10000x128xf32, #tpu.memory_space<hbm>>, %arg6: memref<2x20x125xi32, #tpu.memory_space<vmem>>, %arg7: memref<2x20x125xi32, #tpu.memory_space<vmem>>, %arg8: memref<125x128xf32, #tpu.memory_space<vmem>>, %arg9: memref<125x128xf32, #tpu.memory_space<vmem>>, %arg10: memref<!tpu.dma_semaphore, #tpu.memory_space<semaphore_mem>>, %arg11: memref<!tpu.dma_semaphore, #tpu.memory_space<semaphore_mem>>, %arg12: memref<!tpu.dma_semaphore, #tpu.memory_space<semaphore_mem>>, %arg13: memref<!tpu.dma_semaphore, #tpu.memory_space<semaphore_mem>>, %arg14: memref<10000x128xf32, #tpu.memory_space<vmem_shared>>) attributes {dimension_semantics = [#tpu.dimension_semantics<core_parallel>, #tpu.dimension_semantics<subcore_parallel>], iteration_bounds = array<i64: 2, 16>, scalar_prefetch = 0 : i64, scratch_operands = 9 : i64, tpu.core_type = #tpu.core_type<sc_vector_subcore>, window_params = [{transform_indices = #map}, {transform_indices = #map1}, {transform_indices = #map1}, {transform_indices = #map1}]} {
    %mul3A = arith.constant 16 : i32
    %mul3A_0 = arith.muli %arg0, %mul3A : i32
    %add3A = arith.addi %mul3A_0, %arg1 : i32
    %dma_start3A = arith.constant 0 : i32
    %dma_start3A_1 = arith.constant 0 : i32
    %dma_start3A_2 = arith.constant 0 : i32
    %dma_start3A_3 = tpu.memref_slice %arg6[%dma_start3A, %dma_start3A_1, %dma_start3A_2] : memref<2x20x125xi32, #tpu.memory_space<vmem>> -> memref<1x20x125xi32, #tpu.memory_space<vmem>>
    %dma_start3A_4 = tpu.memref_squeeze %dma_start3A_3 : memref<1x20x125xi32, #tpu.memory_space<vmem>> -> memref<20x125xi32, #tpu.memory_space<vmem>>
    %dma_start3A_5 = arith.constant 0 : i32
    %dma_start3A_6 = arith.constant 0 : i32
    %dma_start3A_7 = tpu.memref_slice %arg3[%add3A, %dma_start3A_5, %dma_start3A_6] : memref<32x80x125xi32, #tpu.memory_space<hbm>> -> memref<1x80x125xi32, #tpu.memory_space<hbm>>
    %dma_start3A_8 = tpu.memref_squeeze %dma_start3A_7 : memref<1x80x125xi32, #tpu.memory_space<hbm>> -> memref<80x125xi32, #tpu.memory_space<hbm>>
    %dma_start3A_9 = arith.constant 0 : i32
    %dma_start3A_10 = arith.constant 0 : i32
    %dma_start3A_11 = tpu.memref_slice %dma_start3A_8[%dma_start3A_9, %dma_start3A_10] : memref<80x125xi32, #tpu.memory_space<hbm>> -> memref<20x125xi32, #tpu.memory_space<hbm>>
    %dma_start3A_12 = arith.constant 0 : i32
    %dma_start3A_13 = arith.constant 0 : i32
    %dma_start3A_14 = tpu.memref_slice %arg6[%dma_start3A, %dma_start3A_12, %dma_start3A_13] : memref<2x20x125xi32, #tpu.memory_space<vmem>> -> memref<1x20x125xi32, #tpu.memory_space<vmem>>
    %dma_start3A_15 = tpu.memref_squeeze %dma_start3A_14 : memref<1x20x125xi32, #tpu.memory_space<vmem>> -> memref<20x125xi32, #tpu.memory_space<vmem>>
    %dma_start3A_16 = arith.constant 0 : i32
    %dma_start3A_17 = arith.constant 0 : i32
    %dma_start3A_18 = tpu.memref_slice %arg3[%add3A, %dma_start3A_16, %dma_start3A_17] : memref<32x80x125xi32, #tpu.memory_space<hbm>> -> memref<1x80x125xi32, #tpu.memory_space<hbm>>
    %dma_start3A_19 = tpu.memref_squeeze %dma_start3A_18 : memref<1x80x125xi32, #tpu.memory_space<hbm>> -> memref<80x125xi32, #tpu.memory_space<hbm>>
    %dma_start3A_20 = arith.constant 0 : i32
    %dma_start3A_21 = arith.constant 0 : i32
    %dma_start3A_22 = tpu.memref_slice %dma_start3A_19[%dma_start3A_20, %dma_start3A_21] : memref<80x125xi32, #tpu.memory_space<hbm>> -> memref<20x125xi32, #tpu.memory_space<hbm>>
    tpu.enqueue_dma source(%dma_start3A_22 : memref<20x125xi32, #tpu.memory_space<hbm>>) target(%dma_start3A_15 : memref<20x125xi32, #tpu.memory_space<vmem>>) target_semaphore(%arg12 : memref<!tpu.dma_semaphore, #tpu.memory_space<semaphore_mem>>)
    %dma_start3A_23 = arith.constant 0 : i32
    %dma_start3A_24 = arith.constant 0 : i32
    %dma_start3A_25 = arith.constant 0 : i32
    %dma_start3A_26 = tpu.memref_slice %arg7[%dma_start3A_23, %dma_start3A_24, %dma_start3A_25] : memref<2x20x125xi32, #tpu.memory_space<vmem>> -> memref<1x20x125xi32, #tpu.memory_space<vmem>>
    %dma_start3A_27 = tpu.memref_squeeze %dma_start3A_26 : memref<1x20x125xi32, #tpu.memory_space<vmem>> -> memref<20x125xi32, #tpu.memory_space<vmem>>
    %dma_start3A_28 = arith.constant 0 : i32
    %dma_start3A_29 = arith.constant 0 : i32
    %dma_start3A_30 = tpu.memref_slice %arg4[%add3A, %dma_start3A_28, %dma_start3A_29] : memref<32x80x125xi32, #tpu.memory_space<hbm>> -> memref<1x80x125xi32, #tpu.memory_space<hbm>>
    %dma_start3A_31 = tpu.memref_squeeze %dma_start3A_30 : memref<1x80x125xi32, #tpu.memory_space<hbm>> -> memref<80x125xi32, #tpu.memory_space<hbm>>
    %dma_start3A_32 = arith.constant 0 : i32
    %dma_start3A_33 = arith.constant 0 : i32
    %dma_start3A_34 = tpu.memref_slice %dma_start3A_31[%dma_start3A_32, %dma_start3A_33] : memref<80x125xi32, #tpu.memory_space<hbm>> -> memref<20x125xi32, #tpu.memory_space<hbm>>
    %dma_start3A_35 = arith.constant 0 : i32
    %dma_start3A_36 = arith.constant 0 : i32
    %dma_start3A_37 = tpu.memref_slice %arg7[%dma_start3A_23, %dma_start3A_35, %dma_start3A_36] : memref<2x20x125xi32, #tpu.memory_space<vmem>> -> memref<1x20x125xi32, #tpu.memory_space<vmem>>
    %dma_start3A_38 = tpu.memref_squeeze %dma_start3A_37 : memref<1x20x125xi32, #tpu.memory_space<vmem>> -> memref<20x125xi32, #tpu.memory_space<vmem>>
    %dma_start3A_39 = arith.constant 0 : i32
    %dma_start3A_40 = arith.constant 0 : i32
    %dma_start3A_41 = tpu.memref_slice %arg4[%add3A, %dma_start3A_39, %dma_start3A_40] : memref<32x80x125xi32, #tpu.memory_space<hbm>> -> memref<1x80x125xi32, #tpu.memory_space<hbm>>
    %dma_start3A_42 = tpu.memref_squeeze %dma_start3A_41 : memref<1x80x125xi32, #tpu.memory_space<hbm>> -> memref<80x125xi32, #tpu.memory_space<hbm>>
    %dma_start3A_43 = arith.constant 0 : i32
    %dma_start3A_44 = arith.constant 0 : i32
    %dma_start3A_45 = tpu.memref_slice %dma_start3A_42[%dma_start3A_43, %dma_start3A_44] : memref<80x125xi32, #tpu.memory_space<hbm>> -> memref<20x125xi32, #tpu.memory_space<hbm>>
    tpu.enqueue_dma source(%dma_start3A_45 : memref<20x125xi32, #tpu.memory_space<hbm>>) target(%dma_start3A_38 : memref<20x125xi32, #tpu.memory_space<vmem>>) target_semaphore(%arg13 : memref<!tpu.dma_semaphore, #tpu.memory_space<semaphore_mem>>)
    %broadcast_in_dim3A = arith.constant 0.000000e+00 : f32
    %broadcast_in_dim3A_46 = vector.broadcast %broadcast_in_dim3A : f32 to vector<16xf32>
    %scan3A = arith.constant 0 : i32
    %scan3A_47 = arith.constant 0 : i32
    %scan3A_48 = arith.constant 125 : i32
    %scan3A_49 = arith.addi %scan3A_47, %scan3A_48 : i32
    %scan3A_50 = arith.constant 1 : i32
    scf.for %scan3A_126 = %scan3A_47 to %scan3A_49 step %scan3A_50  : i32 {
      %swap3A = arith.index_cast %scan3A_126 : i32 to index
      %swap3A_127 = arith.constant 0 : index
      %swap3A_128 = tpu.vector_load %arg9[%swap3A, %swap3A_127] {strides = array<i32>} : memref<125x128xf32, #tpu.memory_space<vmem>>, vector<1x16xf32>,
      %swap3A_129 = vector.shape_cast %swap3A_128 : vector<1x16xf32> to vector<16xf32>
      %swap3A_130 = vector.shape_cast %broadcast_in_dim3A_46 : vector<16xf32> to vector<1x16xf32>
      tpu.vector_store %arg9[%swap3A, %swap3A_127], %swap3A_130 {strides = array<i32>} : memref<125x128xf32, #tpu.memory_space<vmem>>, vector<1x16xf32>,
      %swap3A_131 = arith.index_cast %scan3A_126 : i32 to index
      %swap3A_132 = arith.constant 16 : index
      %swap3A_133 = tpu.vector_load %arg9[%swap3A_131, %swap3A_132] {strides = array<i32>} : memref<125x128xf32, #tpu.memory_space<vmem>>, vector<1x16xf32>,
      %swap3A_134 = vector.shape_cast %swap3A_133 : vector<1x16xf32> to vector<16xf32>
      %swap3A_135 = vector.shape_cast %broadcast_in_dim3A_46 : vector<16xf32> to vector<1x16xf32>
      tpu.vector_store %arg9[%swap3A_131, %swap3A_132], %swap3A_135 {strides = array<i32>} : memref<125x128xf32, #tpu.memory_space<vmem>>, vector<1x16xf32>,
      %swap3A_136 = arith.index_cast %scan3A_126 : i32 to index
      %swap3A_137 = arith.constant 32 : index
      %swap3A_138 = tpu.vector_load %arg9[%swap3A_136, %swap3A_137] {strides = array<i32>} : memref<125x128xf32, #tpu.memory_space<vmem>>, vector<1x16xf32>,
      %swap3A_139 = vector.shape_cast %swap3A_138 : vector<1x16xf32> to vector<16xf32>
      %swap3A_140 = vector.shape_cast %broadcast_in_dim3A_46 : vector<16xf32> to vector<1x16xf32>
      tpu.vector_store %arg9[%swap3A_136, %swap3A_137], %swap3A_140 {strides = array<i32>} : memref<125x128xf32, #tpu.memory_space<vmem>>, vector<1x16xf32>,
      %swap3A_141 = arith.index_cast %scan3A_126 : i32 to index
      %swap3A_142 = arith.constant 48 : index
      %swap3A_143 = tpu.vector_load %arg9[%swap3A_141, %swap3A_142] {strides = array<i32>} : memref<125x128xf32, #tpu.memory_space<vmem>>, vector<1x16xf32>,
      %swap3A_144 = vector.shape_cast %swap3A_143 : vector<1x16xf32> to vector<16xf32>
      %swap3A_145 = vector.shape_cast %broadcast_in_dim3A_46 : vector<16xf32> to vector<1x16xf32>
      tpu.vector_store %arg9[%swap3A_141, %swap3A_142], %swap3A_145 {strides = array<i32>} : memref<125x128xf32, #tpu.memory_space<vmem>>, vector<1x16xf32>,
      %swap3A_146 = arith.index_cast %scan3A_126 : i32 to index
      %swap3A_147 = arith.constant 64 : index
      %swap3A_148 = tpu.vector_load %arg9[%swap3A_146, %swap3A_147] {strides = array<i32>} : memref<125x128xf32, #tpu.memory_space<vmem>>, vector<1x16xf32>,
      %swap3A_149 = vector.shape_cast %swap3A_148 : vector<1x16xf32> to vector<16xf32>
      %swap3A_150 = vector.shape_cast %broadcast_in_dim3A_46 : vector<16xf32> to vector<1x16xf32>
      tpu.vector_store %arg9[%swap3A_146, %swap3A_147], %swap3A_150 {strides = array<i32>} : memref<125x128xf32, #tpu.memory_space<vmem>>, vector<1x16xf32>,
      %swap3A_151 = arith.index_cast %scan3A_126 : i32 to index
      %swap3A_152 = arith.constant 80 : index
      %swap3A_153 = tpu.vector_load %arg9[%swap3A_151, %swap3A_152] {strides = array<i32>} : memref<125x128xf32, #tpu.memory_space<vmem>>, vector<1x16xf32>,
      %swap3A_154 = vector.shape_cast %swap3A_153 : vector<1x16xf32> to vector<16xf32>
      %swap3A_155 = vector.shape_cast %broadcast_in_dim3A_46 : vector<16xf32> to vector<1x16xf32>
      tpu.vector_store %arg9[%swap3A_151, %swap3A_152], %swap3A_155 {strides = array<i32>} : memref<125x128xf32, #tpu.memory_space<vmem>>, vector<1x16xf32>,
      %swap3A_156 = arith.index_cast %scan3A_126 : i32 to index
      %swap3A_157 = arith.constant 96 : index
      %swap3A_158 = tpu.vector_load %arg9[%swap3A_156, %swap3A_157] {strides = array<i32>} : memref<125x128xf32, #tpu.memory_space<vmem>>, vector<1x16xf32>,
      %swap3A_159 = vector.shape_cast %swap3A_158 : vector<1x16xf32> to vector<16xf32>
      %swap3A_160 = vector.shape_cast %broadcast_in_dim3A_46 : vector<16xf32> to vector<1x16xf32>
      tpu.vector_store %arg9[%swap3A_156, %swap3A_157], %swap3A_160 {strides = array<i32>} : memref<125x128xf32, #tpu.memory_space<vmem>>, vector<1x16xf32>,
      %swap3A_161 = arith.index_cast %scan3A_126 : i32 to index
      %swap3A_162 = arith.constant 112 : index
      %swap3A_163 = tpu.vector_load %arg9[%swap3A_161, %swap3A_162] {strides = array<i32>} : memref<125x128xf32, #tpu.memory_space<vmem>>, vector<1x16xf32>,
      %swap3A_164 = vector.shape_cast %swap3A_163 : vector<1x16xf32> to vector<16xf32>
      %swap3A_165 = vector.shape_cast %broadcast_in_dim3A_46 : vector<16xf32> to vector<1x16xf32>
      tpu.vector_store %arg9[%swap3A_161, %swap3A_162], %swap3A_165 {strides = array<i32>} : memref<125x128xf32, #tpu.memory_space<vmem>>, vector<1x16xf32>,
    }
    %scan3A_51 = arith.constant 125 : i32
    %scan3A_52 = arith.constant 0 : i32
    %scan3A_53 = arith.constant 0 : i32
    %scan3A_54 = arith.constant 5 : i32
    %scan3A_55 = arith.addi %scan3A_53, %scan3A_54 : i32
    %scan3A_56 = arith.constant 1 : i32
    scf.for %scan3A_126 = %scan3A_53 to %scan3A_55 step %scan3A_56  : i32 {
      %mul3A_127 = arith.constant 625 : i32
      %mul3A_128 = arith.muli %arg1, %mul3A_127 : i32
      %mul3A_129 = arith.constant 125 : i32
      %mul3A_130 = arith.muli %scan3A_126, %mul3A_129 : i32
      %add3A_131 = arith.addi %mul3A_128, %mul3A_130 : i32
      "tpu.region"() ({
        %run_scoped3A = tpu.sem_alloc : memref<!tpu.dma_semaphore, #tpu.memory_space<semaphore_mem>>
        %dma_start3A_132 = arith.constant 0 : i32
        %dma_start3A_133 = tpu.memref_slice %arg14[%add3A_131, %dma_start3A_132] : memref<10000x128xf32, #tpu.memory_space<vmem_shared>> -> memref<125x128xf32, #tpu.memory_space<vmem_shared>>
        %dma_start3A_134 = arith.constant 0 : i32
        %dma_start3A_135 = tpu.memref_slice %arg14[%add3A_131, %dma_start3A_134] : memref<10000x128xf32, #tpu.memory_space<vmem_shared>> -> memref<125x128xf32, #tpu.memory_space<vmem_shared>>
        tpu.enqueue_dma source(%arg9 : memref<125x128xf32, #tpu.memory_space<vmem>>) target(%dma_start3A_135 : memref<125x128xf32, #tpu.memory_space<vmem_shared>>) target_semaphore(%run_scoped3A : memref<!tpu.dma_semaphore, #tpu.memory_space<semaphore_mem>>)
        %dma_wait3A_136 = arith.constant 0 : i32
        %dma_wait3A_137 = tpu.memref_slice %arg14[%add3A_131, %dma_wait3A_136] : memref<10000x128xf32, #tpu.memory_space<vmem_shared>> -> memref<125x128xf32, #tpu.memory_space<vmem_shared>>
        %dma_wait3A_138 = arith.constant 0 : i32
        %dma_wait3A_139 = tpu.memref_slice %arg14[%add3A_131, %dma_wait3A_138] : memref<10000x128xf32, #tpu.memory_space<vmem_shared>> -> memref<125x128xf32, #tpu.memory_space<vmem_shared>>
        tpu.wait_dma2 semaphore(%run_scoped3A : memref<!tpu.dma_semaphore, #tpu.memory_space<semaphore_mem>>) src(%arg9 : memref<125x128xf32, #tpu.memory_space<vmem>>) dst(%dma_wait3A_139 : memref<125x128xf32, #tpu.memory_space<vmem_shared>>)
        tpu.yield
      }) : () -> ()
    }
    %scan3A_57 = arith.constant 5 : i32
    %dma_wait3A = arith.constant 0 : i32
    %dma_wait3A_58 = arith.constant 0 : i32
    %dma_wait3A_59 = arith.constant 0 : i32
    %dma_wait3A_60 = tpu.memref_slice %arg6[%dma_wait3A, %dma_wait3A_58, %dma_wait3A_59] : memref<2x20x125xi32, #tpu.memory_space<vmem>> -> memref<1x20x125xi32, #tpu.memory_space<vmem>>
    %dma_wait3A_61 = tpu.memref_squeeze %dma_wait3A_60 : memref<1x20x125xi32, #tpu.memory_space<vmem>> -> memref<20x125xi32, #tpu.memory_space<vmem>>
    %dma_wait3A_62 = arith.constant 0 : i32
    %dma_wait3A_63 = arith.constant 0 : i32
    %dma_wait3A_64 = tpu.memref_slice %arg3[%add3A, %dma_wait3A_62, %dma_wait3A_63] : memref<32x80x125xi32, #tpu.memory_space<hbm>> -> memref<1x80x125xi32, #tpu.memory_space<hbm>>
    %dma_wait3A_65 = tpu.memref_squeeze %dma_wait3A_64 : memref<1x80x125xi32, #tpu.memory_space<hbm>> -> memref<80x125xi32, #tpu.memory_space<hbm>>
    %dma_wait3A_66 = arith.constant 0 : i32
    %dma_wait3A_67 = arith.constant 0 : i32
    %dma_wait3A_68 = tpu.memref_slice %dma_wait3A_65[%dma_wait3A_66, %dma_wait3A_67] : memref<80x125xi32, #tpu.memory_space<hbm>> -> memref<20x125xi32, #tpu.memory_space<hbm>>
    %dma_wait3A_69 = arith.constant 0 : i32
    %dma_wait3A_70 = arith.constant 0 : i32
    %dma_wait3A_71 = tpu.memref_slice %arg6[%dma_wait3A, %dma_wait3A_69, %dma_wait3A_70] : memref<2x20x125xi32, #tpu.memory_space<vmem>> -> memref<1x20x125xi32, #tpu.memory_space<vmem>>
    %dma_wait3A_72 = tpu.memref_squeeze %dma_wait3A_71 : memref<1x20x125xi32, #tpu.memory_space<vmem>> -> memref<20x125xi32, #tpu.memory_space<vmem>>
    %dma_wait3A_73 = arith.constant 0 : i32
    %dma_wait3A_74 = arith.constant 0 : i32
    %dma_wait3A_75 = tpu.memref_slice %arg3[%add3A, %dma_wait3A_73, %dma_wait3A_74] : memref<32x80x125xi32, #tpu.memory_space<hbm>> -> memref<1x80x125xi32, #tpu.memory_space<hbm>>
    %dma_wait3A_76 = tpu.memref_squeeze %dma_wait3A_75 : memref<1x80x125xi32, #tpu.memory_space<hbm>> -> memref<80x125xi32, #tpu.memory_space<hbm>>
    %dma_wait3A_77 = arith.constant 0 : i32
    %dma_wait3A_78 = arith.constant 0 : i32
    %dma_wait3A_79 = tpu.memref_slice %dma_wait3A_76[%dma_wait3A_77, %dma_wait3A_78] : memref<80x125xi32, #tpu.memory_space<hbm>> -> memref<20x125xi32, #tpu.memory_space<hbm>>
    tpu.wait_dma2 semaphore(%arg12 : memref<!tpu.dma_semaphore, #tpu.memory_space<semaphore_mem>>) src(%dma_wait3A_79 : memref<20x125xi32, #tpu.memory_space<hbm>>) dst(%dma_wait3A_72 : memref<20x125xi32, #tpu.memory_space<vmem>>)
    %dma_wait3A_80 = arith.constant 0 : i32
    %dma_wait3A_81 = arith.constant 0 : i32
    %dma_wait3A_82 = arith.constant 0 : i32
    %dma_wait3A_83 = tpu.memref_slice %arg7[%dma_wait3A_80, %dma_wait3A_81, %dma_wait3A_82] : memref<2x20x125xi32, #tpu.memory_space<vmem>> -> memref<1x20x125xi32, #tpu.memory_space<vmem>>
    %dma_wait3A_84 = tpu.memref_squeeze %dma_wait3A_83 : memref<1x20x125xi32, #tpu.memory_space<vmem>> -> memref<20x125xi32, #tpu.memory_space<vmem>>
    %dma_wait3A_85 = arith.constant 0 : i32
    %dma_wait3A_86 = arith.constant 0 : i32
    %dma_wait3A_87 = tpu.memref_slice %arg4[%add3A, %dma_wait3A_85, %dma_wait3A_86] : memref<32x80x125xi32, #tpu.memory_space<hbm>> -> memref<1x80x125xi32, #tpu.memory_space<hbm>>
    %dma_wait3A_88 = tpu.memref_squeeze %dma_wait3A_87 : memref<1x80x125xi32, #tpu.memory_space<hbm>> -> memref<80x125xi32, #tpu.memory_space<hbm>>
    %dma_wait3A_89 = arith.constant 0 : i32
    %dma_wait3A_90 = arith.constant 0 : i32
    %dma_wait3A_91 = tpu.memref_slice %dma_wait3A_88[%dma_wait3A_89, %dma_wait3A_90] : memref<80x125xi32, #tpu.memory_space<hbm>> -> memref<20x125xi32, #tpu.memory_space<hbm>>
    %dma_wait3A_92 = arith.constant 0 : i32
    %dma_wait3A_93 = arith.constant 0 : i32
    %dma_wait3A_94 = tpu.memref_slice %arg7[%dma_wait3A_80, %dma_wait3A_92, %dma_wait3A_93] : memref<2x20x125xi32, #tpu.memory_space<vmem>> -> memref<1x20x125xi32, #tpu.memory_space<vmem>>
    %dma_wait3A_95 = tpu.memref_squeeze %dma_wait3A_94 : memref<1x20x125xi32, #tpu.memory_space<vmem>> -> memref<20x125xi32, #tpu.memory_space<vmem>>
    %dma_wait3A_96 = arith.constant 0 : i32
    %dma_wait3A_97 = arith.constant 0 : i32
    %dma_wait3A_98 = tpu.memref_slice %arg4[%add3A, %dma_wait3A_96, %dma_wait3A_97] : memref<32x80x125xi32, #tpu.memory_space<hbm>> -> memref<1x80x125xi32, #tpu.memory_space<hbm>>
    %dma_wait3A_99 = tpu.memref_squeeze %dma_wait3A_98 : memref<1x80x125xi32, #tpu.memory_space<hbm>> -> memref<80x125xi32, #tpu.memory_space<hbm>>
    %dma_wait3A_100 = arith.constant 0 : i32
    %dma_wait3A_101 = arith.constant 0 : i32
    %dma_wait3A_102 = tpu.memref_slice %dma_wait3A_99[%dma_wait3A_100, %dma_wait3A_101] : memref<80x125xi32, #tpu.memory_space<hbm>> -> memref<20x125xi32, #tpu.memory_space<hbm>>
    tpu.wait_dma2 semaphore(%arg13 : memref<!tpu.dma_semaphore, #tpu.memory_space<semaphore_mem>>) src(%dma_wait3A_102 : memref<20x125xi32, #tpu.memory_space<hbm>>) dst(%dma_wait3A_95 : memref<20x125xi32, #tpu.memory_space<vmem>>)
    %dma_start3A_103 = arith.constant 0 : i32
    %dma_start3A_104 = arith.constant 0 : i32
    %dma_start3A_105 = arith.constant 0 : i32
    %dma_start3A_106 = arith.constant 0 : i32
    %dma_start3A_107 = tpu.memref_slice %arg6[%dma_start3A_103, %dma_start3A_105, %dma_start3A_106] : memref<2x20x125xi32, #tpu.memory_space<vmem>> -> memref<1x20x125xi32, #tpu.memory_space<vmem>>
    %dma_start3A_108 = tpu.memref_squeeze %dma_start3A_107 : memref<1x20x125xi32, #tpu.memory_space<vmem>> -> memref<20x125xi32, #tpu.memory_space<vmem>>
    %dma_start3A_109 = arith.constant 0 : i32
    %dma_start3A_110 = tpu.memref_slice %dma_start3A_108[%dma_start3A_104, %dma_start3A_109] : memref<20x125xi32, #tpu.memory_space<vmem>> -> memref<1x125xi32, #tpu.memory_space<vmem>>
    %dma_start3A_111 = tpu.memref_squeeze %dma_start3A_110 : memref<1x125xi32, #tpu.memory_space<vmem>> -> memref<125xi32, #tpu.memory_space<vmem>>
    %dma_start3A_112 = arith.constant 0 : i32
    %dma_start3A_113 = arith.constant 0 : i32
    %dma_start3A_114 = tpu.memref_slice %arg2[%dma_start3A_112, %dma_start3A_113] : memref<10000x128xf32, #tpu.memory_space<hbm>> -> memref<10000x128xf32, #tpu.memory_space<hbm>>
    tpu.enqueue_indirect_dma source(%dma_start3A_114 : memref<10000x128xf32, #tpu.memory_space<hbm>>) target(%arg8 : memref<125x128xf32, #tpu.memory_space<vmem>>) offsets(%dma_start3A_111 : memref<125xi32, #tpu.memory_space<vmem>>) semaphore(%arg10 : memref<!tpu.dma_semaphore, #tpu.memory_space<semaphore_mem>>)
    %barrier3A = arith.constant 0 : index
    tpu.barrier barrier_id(%barrier3A)
    %scan3A_115 = arith.constant 0 : i32
    %scan3A_116 = arith.constant 0 : i32
    %scan3A_117 = arith.constant 4 : i32
    %scan3A_118 = arith.addi %scan3A_116, %scan3A_117 : i32
    %scan3A_119 = arith.constant 1 : i32
    scf.for %scan3A_126 = %scan3A_116 to %scan3A_118 step %scan3A_119  : i32 {
      %rem3A = arith.constant 2 : i32
      %rem3A_127 = arith.remsi %scan3A_126, %rem3A : i32
      %sub3A = arith.constant 1 : i32
      %sub3A_128 = arith.subi %sub3A, %rem3A_127 : i32
      %add3A_129 = arith.constant 1 : i32
      %add3A_130 = arith.addi %scan3A_126, %add3A_129 : i32
      %lt3A = arith.constant 4 : i32
      %lt3A_131 = arith.cmpi slt, %add3A_130, %lt3A : i32
      %convert_element_type3A = arith.extui %lt3A_131 : i1 to i32
      %cond3A = arith.constant 0 : i32
      %cond3A_132 = arith.cmpi ne, %convert_element_type3A, %cond3A : i32
      scf.if %cond3A_132 {
        %add3A_139 = arith.constant 1 : i32
        %add3A_140 = arith.addi %scan3A_126, %add3A_139 : i32
        %mul3A_141 = arith.constant 20 : i32
        %mul3A_142 = arith.muli %add3A_140, %mul3A_141 : i32
        %dma_start3A_143 = arith.constant 0 : i32
        %dma_start3A_144 = arith.constant 0 : i32
        %dma_start3A_145 = tpu.memref_slice %arg6[%sub3A_128, %dma_start3A_143, %dma_start3A_144] : memref<2x20x125xi32, #tpu.memory_space<vmem>> -> memref<1x20x125xi32, #tpu.memory_space<vmem>>
        %dma_start3A_146 = tpu.memref_squeeze %dma_start3A_145 : memref<1x20x125xi32, #tpu.memory_space<vmem>> -> memref<20x125xi32, #tpu.memory_space<vmem>>
        %dma_start3A_147 = arith.constant 0 : i32
        %dma_start3A_148 = arith.constant 0 : i32
        %dma_start3A_149 = tpu.memref_slice %arg3[%add3A, %dma_start3A_147, %dma_start3A_148] : memref<32x80x125xi32, #tpu.memory_space<hbm>> -> memref<1x80x125xi32, #tpu.memory_space<hbm>>
        %dma_start3A_150 = tpu.memref_squeeze %dma_start3A_149 : memref<1x80x125xi32, #tpu.memory_space<hbm>> -> memref<80x125xi32, #tpu.memory_space<hbm>>
        %dma_start3A_151 = arith.constant 0 : i32
        %dma_start3A_152 = tpu.memref_slice %dma_start3A_150[%mul3A_142, %dma_start3A_151] : memref<80x125xi32, #tpu.memory_space<hbm>> -> memref<20x125xi32, #tpu.memory_space<hbm>>
        %dma_start3A_153 = arith.constant 0 : i32
        %dma_start3A_154 = arith.constant 0 : i32
        %dma_start3A_155 = tpu.memref_slice %arg6[%sub3A_128, %dma_start3A_153, %dma_start3A_154] : memref<2x20x125xi32, #tpu.memory_space<vmem>> -> memref<1x20x125xi32, #tpu.memory_space<vmem>>
        %dma_start3A_156 = tpu.memref_squeeze %dma_start3A_155 : memref<1x20x125xi32, #tpu.memory_space<vmem>> -> memref<20x125xi32, #tpu.memory_space<vmem>>
        %dma_start3A_157 = arith.constant 0 : i32
        %dma_start3A_158 = arith.constant 0 : i32
        %dma_start3A_159 = tpu.memref_slice %arg3[%add3A, %dma_start3A_157, %dma_start3A_158] : memref<32x80x125xi32, #tpu.memory_space<hbm>> -> memref<1x80x125xi32, #tpu.memory_space<hbm>>
        %dma_start3A_160 = tpu.memref_squeeze %dma_start3A_159 : memref<1x80x125xi32, #tpu.memory_space<hbm>> -> memref<80x125xi32, #tpu.memory_space<hbm>>
        %dma_start3A_161 = arith.constant 0 : i32
        %dma_start3A_162 = tpu.memref_slice %dma_start3A_160[%mul3A_142, %dma_start3A_161] : memref<80x125xi32, #tpu.memory_space<hbm>> -> memref<20x125xi32, #tpu.memory_space<hbm>>
        tpu.enqueue_dma source(%dma_start3A_162 : memref<20x125xi32, #tpu.memory_space<hbm>>) target(%dma_start3A_156 : memref<20x125xi32, #tpu.memory_space<vmem>>) target_semaphore(%arg12 : memref<!tpu.dma_semaphore, #tpu.memory_space<semaphore_mem>>)
        %add3A_163 = arith.constant 1 : i32
        %add3A_164 = arith.addi %scan3A_126, %add3A_163 : i32
        %mul3A_165 = arith.constant 20 : i32
        %mul3A_166 = arith.muli %add3A_164, %mul3A_165 : i32
        %dma_start3A_167 = arith.constant 0 : i32
        %dma_start3A_168 = arith.constant 0 : i32
        %dma_start3A_169 = tpu.memref_slice %arg7[%sub3A_128, %dma_start3A_167, %dma_start3A_168] : memref<2x20x125xi32, #tpu.memory_space<vmem>> -> memref<1x20x125xi32, #tpu.memory_space<vmem>>
        %dma_start3A_170 = tpu.memref_squeeze %dma_start3A_169 : memref<1x20x125xi32, #tpu.memory_space<vmem>> -> memref<20x125xi32, #tpu.memory_space<vmem>>
        %dma_start3A_171 = arith.constant 0 : i32
        %dma_start3A_172 = arith.constant 0 : i32
        %dma_start3A_173 = tpu.memref_slice %arg4[%add3A, %dma_start3A_171, %dma_start3A_172] : memref<32x80x125xi32, #tpu.memory_space<hbm>> -> memref<1x80x125xi32, #tpu.memory_space<hbm>>
        %dma_start3A_174 = tpu.memref_squeeze %dma_start3A_173 : memref<1x80x125xi32, #tpu.memory_space<hbm>> -> memref<80x125xi32, #tpu.memory_space<hbm>>
        %dma_start3A_175 = arith.constant 0 : i32
        %dma_start3A_176 = tpu.memref_slice %dma_start3A_174[%mul3A_166, %dma_start3A_175] : memref<80x125xi32, #tpu.memory_space<hbm>> -> memref<20x125xi32, #tpu.memory_space<hbm>>
        %dma_start3A_177 = arith.constant 0 : i32
        %dma_start3A_178 = arith.constant 0 : i32
        %dma_start3A_179 = tpu.memref_slice %arg7[%sub3A_128, %dma_start3A_177, %dma_start3A_178] : memref<2x20x125xi32, #tpu.memory_space<vmem>> -> memref<1x20x125xi32, #tpu.memory_space<vmem>>
        %dma_start3A_180 = tpu.memref_squeeze %dma_start3A_179 : memref<1x20x125xi32, #tpu.memory_space<vmem>> -> memref<20x125xi32, #tpu.memory_space<vmem>>
        %dma_start3A_181 = arith.constant 0 : i32
        %dma_start3A_182 = arith.constant 0 : i32
        %dma_start3A_183 = tpu.memref_slice %arg4[%add3A, %dma_start3A_181, %dma_start3A_182] : memref<32x80x125xi32, #tpu.memory_space<hbm>> -> memref<1x80x125xi32, #tpu.memory_space<hbm>>
        %dma_start3A_184 = tpu.memref_squeeze %dma_start3A_183 : memref<1x80x125xi32, #tpu.memory_space<hbm>> -> memref<80x125xi32, #tpu.memory_space<hbm>>
        %dma_start3A_185 = arith.constant 0 : i32
        %dma_start3A_186 = tpu.memref_slice %dma_start3A_184[%mul3A_166, %dma_start3A_185] : memref<80x125xi32, #tpu.memory_space<hbm>> -> memref<20x125xi32, #tpu.memory_space<hbm>>
        tpu.enqueue_dma source(%dma_start3A_186 : memref<20x125xi32, #tpu.memory_space<hbm>>) target(%dma_start3A_180 : memref<20x125xi32, #tpu.memory_space<vmem>>) target_semaphore(%arg13 : memref<!tpu.dma_semaphore, #tpu.memory_space<semaphore_mem>>)
      } else {
      }
      %scan3A_133 = arith.constant 0 : i32
      %scan3A_134 = arith.constant 0 : i32
      %scan3A_135 = arith.constant 10 : i32
      %scan3A_136 = arith.addi %scan3A_134, %scan3A_135 : i32
      %scan3A_137 = arith.constant 1 : i32
      scf.for %scan3A_139 = %scan3A_134 to %scan3A_136 step %scan3A_137  : i32 {
        %mul3A_140 = arith.constant 2 : i32
        %mul3A_141 = arith.muli %scan3A_139, %mul3A_140 : i32
        %add3A_142 = arith.constant 1 : i32
        %add3A_143 = arith.addi %mul3A_141, %add3A_142 : i32
        %dma_start3A_144 = arith.constant 0 : i32
        %dma_start3A_145 = arith.constant 0 : i32
        %dma_start3A_146 = tpu.memref_slice %arg6[%rem3A_127, %dma_start3A_144, %dma_start3A_145] : memref<2x20x125xi32, #tpu.memory_space<vmem>> -> memref<1x20x125xi32, #tpu.memory_space<vmem>>
        %dma_start3A_147 = tpu.memref_squeeze %dma_start3A_146 : memref<1x20x125xi32, #tpu.memory_space<vmem>> -> memref<20x125xi32, #tpu.memory_space<vmem>>
        %dma_start3A_148 = arith.constant 0 : i32
        %dma_start3A_149 = tpu.memref_slice %dma_start3A_147[%add3A_143, %dma_start3A_148] : memref<20x125xi32, #tpu.memory_space<vmem>> -> memref<1x125xi32, #tpu.memory_space<vmem>>
        %dma_start3A_150 = tpu.memref_squeeze %dma_start3A_149 : memref<1x125xi32, #tpu.memory_space<vmem>> -> memref<125xi32, #tpu.memory_space<vmem>>
        %dma_start3A_151 = arith.constant 0 : i32
        %dma_start3A_152 = arith.constant 0 : i32
        %dma_start3A_153 = tpu.memref_slice %arg2[%dma_start3A_151, %dma_start3A_152] : memref<10000x128xf32, #tpu.memory_space<hbm>> -> memref<10000x128xf32, #tpu.memory_space<hbm>>
        tpu.enqueue_indirect_dma source(%dma_start3A_153 : memref<10000x128xf32, #tpu.memory_space<hbm>>) target(%arg9 : memref<125x128xf32, #tpu.memory_space<vmem>>) offsets(%dma_start3A_150 : memref<125xi32, #tpu.memory_space<vmem>>) semaphore(%arg11 : memref<!tpu.dma_semaphore, #tpu.memory_space<semaphore_mem>>)
        %dma_wait3A_154 = arith.constant 0 : i32
        %dma_wait3A_155 = arith.constant 0 : i32
        %dma_wait3A_156 = tpu.memref_slice %arg6[%rem3A_127, %dma_wait3A_154, %dma_wait3A_155] : memref<2x20x125xi32, #tpu.memory_space<vmem>> -> memref<1x20x125xi32, #tpu.memory_space<vmem>>
        %dma_wait3A_157 = tpu.memref_squeeze %dma_wait3A_156 : memref<1x20x125xi32, #tpu.memory_space<vmem>> -> memref<20x125xi32, #tpu.memory_space<vmem>>
        %dma_wait3A_158 = arith.constant 0 : i32
        %dma_wait3A_159 = tpu.memref_slice %dma_wait3A_157[%mul3A_141, %dma_wait3A_158] : memref<20x125xi32, #tpu.memory_space<vmem>> -> memref<1x125xi32, #tpu.memory_space<vmem>>
        %dma_wait3A_160 = tpu.memref_squeeze %dma_wait3A_159 : memref<1x125xi32, #tpu.memory_space<vmem>> -> memref<125xi32, #tpu.memory_space<vmem>>
        %dma_wait3A_161 = arith.constant 0 : i32
        %dma_wait3A_162 = arith.constant 0 : i32
        %dma_wait3A_163 = tpu.memref_slice %arg2[%dma_wait3A_161, %dma_wait3A_162] : memref<10000x128xf32, #tpu.memory_space<hbm>> -> memref<10000x128xf32, #tpu.memory_space<hbm>>
        tpu.wait_indirect_dma semaphore(%arg10 : memref<!tpu.dma_semaphore, #tpu.memory_space<semaphore_mem>>) src(%dma_wait3A_163 : memref<10000x128xf32, #tpu.memory_space<hbm>>) dst(%arg8 : memref<125x128xf32, #tpu.memory_space<vmem>>)
        "tpu.region"() ({
          %run_scoped3A = tpu.sem_alloc : memref<!tpu.dma_semaphore, #tpu.memory_space<semaphore_mem>>
          %dma_start3A_187 = arith.constant 0 : i32
          %dma_start3A_188 = arith.constant 0 : i32
          %dma_start3A_189 = tpu.memref_slice %arg7[%rem3A_127, %dma_start3A_187, %dma_start3A_188] : memref<2x20x125xi32, #tpu.memory_space<vmem>> -> memref<1x20x125xi32, #tpu.memory_space<vmem>>
          %dma_start3A_190 = tpu.memref_squeeze %dma_start3A_189 : memref<1x20x125xi32, #tpu.memory_space<vmem>> -> memref<20x125xi32, #tpu.memory_space<vmem>>
          %dma_start3A_191 = arith.constant 0 : i32
          %dma_start3A_192 = tpu.memref_slice %dma_start3A_190[%mul3A_141, %dma_start3A_191] : memref<20x125xi32, #tpu.memory_space<vmem>> -> memref<1x125xi32, #tpu.memory_space<vmem>>
          %dma_start3A_193 = tpu.memref_squeeze %dma_start3A_192 : memref<1x125xi32, #tpu.memory_space<vmem>> -> memref<125xi32, #tpu.memory_space<vmem>>
          %dma_start3A_194 = arith.constant 0 : i32
          %dma_start3A_195 = arith.constant 0 : i32
          %dma_start3A_196 = tpu.memref_slice %arg14[%dma_start3A_194, %dma_start3A_195] : memref<10000x128xf32, #tpu.memory_space<vmem_shared>> -> memref<10000x128xf32, #tpu.memory_space<vmem_shared>>
          tpu.enqueue_indirect_dma source(%arg8 : memref<125x128xf32, #tpu.memory_space<vmem>>) target(%dma_start3A_196 : memref<10000x128xf32, #tpu.memory_space<vmem_shared>>) offsets(%dma_start3A_193 : memref<125xi32, #tpu.memory_space<vmem>>) semaphore(%run_scoped3A : memref<!tpu.dma_semaphore, #tpu.memory_space<semaphore_mem>>) {add = true}
          %dma_wait3A_197 = arith.constant 0 : i32
          %dma_wait3A_198 = arith.constant 0 : i32
          %dma_wait3A_199 = tpu.memref_slice %arg7[%rem3A_127, %dma_wait3A_197, %dma_wait3A_198] : memref<2x20x125xi32, #tpu.memory_space<vmem>> -> memref<1x20x125xi32, #tpu.memory_space<vmem>>
          %dma_wait3A_200 = tpu.memref_squeeze %dma_wait3A_199 : memref<1x20x125xi32, #tpu.memory_space<vmem>> -> memref<20x125xi32, #tpu.memory_space<vmem>>
          %dma_wait3A_201 = arith.constant 0 : i32
          %dma_wait3A_202 = tpu.memref_slice %dma_wait3A_200[%mul3A_141, %dma_wait3A_201] : memref<20x125xi32, #tpu.memory_space<vmem>> -> memref<1x125xi32, #tpu.memory_space<vmem>>
          %dma_wait3A_203 = tpu.memref_squeeze %dma_wait3A_202 : memref<1x125xi32, #tpu.memory_space<vmem>> -> memref<125xi32, #tpu.memory_space<vmem>>
          %dma_wait3A_204 = arith.constant 0 : i32
          %dma_wait3A_205 = arith.constant 0 : i32
          %dma_wait3A_206 = tpu.memref_slice %arg14[%dma_wait3A_204, %dma_wait3A_205] : memref<10000x128xf32, #tpu.memory_space<vmem_shared>> -> memref<10000x128xf32, #tpu.memory_space<vmem_shared>>
          tpu.wait_indirect_dma semaphore(%run_scoped3A : memref<!tpu.dma_semaphore, #tpu.memory_space<semaphore_mem>>) src(%arg8 : memref<125x128xf32, #tpu.memory_space<vmem>>) dst(%dma_wait3A_206 : memref<10000x128xf32, #tpu.memory_space<vmem_shared>>)
          tpu.yield
        }) : () -> ()
        %lt3A_164 = arith.constant 9 : i32
        %lt3A_165 = arith.cmpi slt, %scan3A_139, %lt3A_164 : i32
        %convert_element_type3A_166 = arith.extui %lt3A_165 : i1 to i32
        %cond3A_167 = arith.constant 0 : i32
        %cond3A_168 = arith.cmpi ne, %convert_element_type3A_166, %cond3A_167 : i32
        scf.if %cond3A_168 {
          %add3A_187 = arith.constant 2 : i32
          %add3A_188 = arith.addi %mul3A_141, %add3A_187 : i32
          %dma_start3A_189 = arith.constant 0 : i32
          %dma_start3A_190 = arith.constant 0 : i32
          %dma_start3A_191 = tpu.memref_slice %arg6[%rem3A_127, %dma_start3A_189, %dma_start3A_190] : memref<2x20x125xi32, #tpu.memory_space<vmem>> -> memref<1x20x125xi32, #tpu.memory_space<vmem>>
          %dma_start3A_192 = tpu.memref_squeeze %dma_start3A_191 : memref<1x20x125xi32, #tpu.memory_space<vmem>> -> memref<20x125xi32, #tpu.memory_space<vmem>>
          %dma_start3A_193 = arith.constant 0 : i32
          %dma_start3A_194 = tpu.memref_slice %dma_start3A_192[%add3A_188, %dma_start3A_193] : memref<20x125xi32, #tpu.memory_space<vmem>> -> memref<1x125xi32, #tpu.memory_space<vmem>>
          %dma_start3A_195 = tpu.memref_squeeze %dma_start3A_194 : memref<1x125xi32, #tpu.memory_space<vmem>> -> memref<125xi32, #tpu.memory_space<vmem>>
          %dma_start3A_196 = arith.constant 0 : i32
          %dma_start3A_197 = arith.constant 0 : i32
          %dma_start3A_198 = tpu.memref_slice %arg2[%dma_start3A_196, %dma_start3A_197] : memref<10000x128xf32, #tpu.memory_space<hbm>> -> memref<10000x128xf32, #tpu.memory_space<hbm>>
          tpu.enqueue_indirect_dma source(%dma_start3A_198 : memref<10000x128xf32, #tpu.memory_space<hbm>>) target(%arg8 : memref<125x128xf32, #tpu.memory_space<vmem>>) offsets(%dma_start3A_195 : memref<125xi32, #tpu.memory_space<vmem>>) semaphore(%arg10 : memref<!tpu.dma_semaphore, #tpu.memory_space<semaphore_mem>>)
        } else {
        }
        %eq3A = arith.constant 9 : i32
        %eq3A_169 = arith.cmpi eq, %scan3A_139, %eq3A : i32
        %add3A_170 = arith.constant 1 : i32
        %add3A_171 = arith.addi %scan3A_126, %add3A_170 : i32
        %lt3A_172 = arith.constant 4 : i32
        %lt3A_173 = arith.cmpi slt, %add3A_171, %lt3A_172 : i32
        %and3A = arith.andi %eq3A_169, %lt3A_173 : i1
        %convert_element_type3A_174 = arith.extui %and3A : i1 to i32
        %cond3A_175 = arith.constant 0 : i32
        %cond3A_176 = arith.cmpi ne, %convert_element_type3A_174, %cond3A_175 : i32
        scf.if %cond3A_176 {
          %add3A_187 = arith.constant 1 : i32
          %add3A_188 = arith.addi %scan3A_126, %add3A_187 : i32
          %mul3A_189 = arith.constant 20 : i32
          %mul3A_190 = arith.muli %add3A_188, %mul3A_189 : i32
          %dma_wait3A_191 = arith.constant 0 : i32
          %dma_wait3A_192 = arith.constant 0 : i32
          %dma_wait3A_193 = tpu.memref_slice %arg6[%sub3A_128, %dma_wait3A_191, %dma_wait3A_192] : memref<2x20x125xi32, #tpu.memory_space<vmem>> -> memref<1x20x125xi32, #tpu.memory_space<vmem>>
          %dma_wait3A_194 = tpu.memref_squeeze %dma_wait3A_193 : memref<1x20x125xi32, #tpu.memory_space<vmem>> -> memref<20x125xi32, #tpu.memory_space<vmem>>
          %dma_wait3A_195 = arith.constant 0 : i32
          %dma_wait3A_196 = arith.constant 0 : i32
          %dma_wait3A_197 = tpu.memref_slice %arg3[%add3A, %dma_wait3A_195, %dma_wait3A_196] : memref<32x80x125xi32, #tpu.memory_space<hbm>> -> memref<1x80x125xi32, #tpu.memory_space<hbm>>
          %dma_wait3A_198 = tpu.memref_squeeze %dma_wait3A_197 : memref<1x80x125xi32, #tpu.memory_space<hbm>> -> memref<80x125xi32, #tpu.memory_space<hbm>>
          %dma_wait3A_199 = arith.constant 0 : i32
          %dma_wait3A_200 = tpu.memref_slice %dma_wait3A_198[%mul3A_190, %dma_wait3A_199] : memref<80x125xi32, #tpu.memory_space<hbm>> -> memref<20x125xi32, #tpu.memory_space<hbm>>
          %dma_wait3A_201 = arith.constant 0 : i32
          %dma_wait3A_202 = arith.constant 0 : i32
          %dma_wait3A_203 = tpu.memref_slice %arg6[%sub3A_128, %dma_wait3A_201, %dma_wait3A_202] : memref<2x20x125xi32, #tpu.memory_space<vmem>> -> memref<1x20x125xi32, #tpu.memory_space<vmem>>
          %dma_wait3A_204 = tpu.memref_squeeze %dma_wait3A_203 : memref<1x20x125xi32, #tpu.memory_space<vmem>> -> memref<20x125xi32, #tpu.memory_space<vmem>>
          %dma_wait3A_205 = arith.constant 0 : i32
          %dma_wait3A_206 = arith.constant 0 : i32
          %dma_wait3A_207 = tpu.memref_slice %arg3[%add3A, %dma_wait3A_205, %dma_wait3A_206] : memref<32x80x125xi32, #tpu.memory_space<hbm>> -> memref<1x80x125xi32, #tpu.memory_space<hbm>>
          %dma_wait3A_208 = tpu.memref_squeeze %dma_wait3A_207 : memref<1x80x125xi32, #tpu.memory_space<hbm>> -> memref<80x125xi32, #tpu.memory_space<hbm>>
          %dma_wait3A_209 = arith.constant 0 : i32
          %dma_wait3A_210 = tpu.memref_slice %dma_wait3A_208[%mul3A_190, %dma_wait3A_209] : memref<80x125xi32, #tpu.memory_space<hbm>> -> memref<20x125xi32, #tpu.memory_space<hbm>>
          tpu.wait_dma2 semaphore(%arg12 : memref<!tpu.dma_semaphore, #tpu.memory_space<semaphore_mem>>) src(%dma_wait3A_210 : memref<20x125xi32, #tpu.memory_space<hbm>>) dst(%dma_wait3A_204 : memref<20x125xi32, #tpu.memory_space<vmem>>)
          %add3A_211 = arith.constant 1 : i32
          %add3A_212 = arith.addi %scan3A_126, %add3A_211 : i32
          %mul3A_213 = arith.constant 20 : i32
          %mul3A_214 = arith.muli %add3A_212, %mul3A_213 : i32
          %dma_wait3A_215 = arith.constant 0 : i32
          %dma_wait3A_216 = arith.constant 0 : i32
          %dma_wait3A_217 = tpu.memref_slice %arg7[%sub3A_128, %dma_wait3A_215, %dma_wait3A_216] : memref<2x20x125xi32, #tpu.memory_space<vmem>> -> memref<1x20x125xi32, #tpu.memory_space<vmem>>
          %dma_wait3A_218 = tpu.memref_squeeze %dma_wait3A_217 : memref<1x20x125xi32, #tpu.memory_space<vmem>> -> memref<20x125xi32, #tpu.memory_space<vmem>>
          %dma_wait3A_219 = arith.constant 0 : i32
          %dma_wait3A_220 = arith.constant 0 : i32
          %dma_wait3A_221 = tpu.memref_slice %arg4[%add3A, %dma_wait3A_219, %dma_wait3A_220] : memref<32x80x125xi32, #tpu.memory_space<hbm>> -> memref<1x80x125xi32, #tpu.memory_space<hbm>>
          %dma_wait3A_222 = tpu.memref_squeeze %dma_wait3A_221 : memref<1x80x125xi32, #tpu.memory_space<hbm>> -> memref<80x125xi32, #tpu.memory_space<hbm>>
          %dma_wait3A_223 = arith.constant 0 : i32
          %dma_wait3A_224 = tpu.memref_slice %dma_wait3A_222[%mul3A_214, %dma_wait3A_223] : memref<80x125xi32, #tpu.memory_space<hbm>> -> memref<20x125xi32, #tpu.memory_space<hbm>>
          %dma_wait3A_225 = arith.constant 0 : i32
          %dma_wait3A_226 = arith.constant 0 : i32
          %dma_wait3A_227 = tpu.memref_slice %arg7[%sub3A_128, %dma_wait3A_225, %dma_wait3A_226] : memref<2x20x125xi32, #tpu.memory_space<vmem>> -> memref<1x20x125xi32, #tpu.memory_space<vmem>>
          %dma_wait3A_228 = tpu.memref_squeeze %dma_wait3A_227 : memref<1x20x125xi32, #tpu.memory_space<vmem>> -> memref<20x125xi32, #tpu.memory_space<vmem>>
          %dma_wait3A_229 = arith.constant 0 : i32
          %dma_wait3A_230 = arith.constant 0 : i32
          %dma_wait3A_231 = tpu.memref_slice %arg4[%add3A, %dma_wait3A_229, %dma_wait3A_230] : memref<32x80x125xi32, #tpu.memory_space<hbm>> -> memref<1x80x125xi32, #tpu.memory_space<hbm>>
          %dma_wait3A_232 = tpu.memref_squeeze %dma_wait3A_231 : memref<1x80x125xi32, #tpu.memory_space<hbm>> -> memref<80x125xi32, #tpu.memory_space<hbm>>
          %dma_wait3A_233 = arith.constant 0 : i32
          %dma_wait3A_234 = tpu.memref_slice %dma_wait3A_232[%mul3A_214, %dma_wait3A_233] : memref<80x125xi32, #tpu.memory_space<hbm>> -> memref<20x125xi32, #tpu.memory_space<hbm>>
          tpu.wait_dma2 semaphore(%arg13 : memref<!tpu.dma_semaphore, #tpu.memory_space<semaphore_mem>>) src(%dma_wait3A_234 : memref<20x125xi32, #tpu.memory_space<hbm>>) dst(%dma_wait3A_228 : memref<20x125xi32, #tpu.memory_space<vmem>>)
          %dma_start3A_235 = arith.constant 0 : i32
          %dma_start3A_236 = arith.constant 0 : i32
          %dma_start3A_237 = arith.constant 0 : i32
          %dma_start3A_238 = tpu.memref_slice %arg6[%sub3A_128, %dma_start3A_236, %dma_start3A_237] : memref<2x20x125xi32, #tpu.memory_space<vmem>> -> memref<1x20x125xi32, #tpu.memory_space<vmem>>
          %dma_start3A_239 = tpu.memref_squeeze %dma_start3A_238 : memref<1x20x125xi32, #tpu.memory_space<vmem>> -> memref<20x125xi32, #tpu.memory_space<vmem>>
          %dma_start3A_240 = arith.constant 0 : i32
          %dma_start3A_241 = tpu.memref_slice %dma_start3A_239[%dma_start3A_235, %dma_start3A_240] : memref<20x125xi32, #tpu.memory_space<vmem>> -> memref<1x125xi32, #tpu.memory_space<vmem>>
          %dma_start3A_242 = tpu.memref_squeeze %dma_start3A_241 : memref<1x125xi32, #tpu.memory_space<vmem>> -> memref<125xi32, #tpu.memory_space<vmem>>
          %dma_start3A_243 = arith.constant 0 : i32
          %dma_start3A_244 = arith.constant 0 : i32
          %dma_start3A_245 = tpu.memref_slice %arg2[%dma_start3A_243, %dma_start3A_244] : memref<10000x128xf32, #tpu.memory_space<hbm>> -> memref<10000x128xf32, #tpu.memory_space<hbm>>
          tpu.enqueue_indirect_dma source(%dma_start3A_245 : memref<10000x128xf32, #tpu.memory_space<hbm>>) target(%arg8 : memref<125x128xf32, #tpu.memory_space<vmem>>) offsets(%dma_start3A_242 : memref<125xi32, #tpu.memory_space<vmem>>) semaphore(%arg10 : memref<!tpu.dma_semaphore, #tpu.memory_space<semaphore_mem>>)
        } else {
        }
        %dma_wait3A_177 = arith.constant 0 : i32
        %dma_wait3A_178 = arith.constant 0 : i32
        %dma_wait3A_179 = tpu.memref_slice %arg6[%rem3A_127, %dma_wait3A_177, %dma_wait3A_178] : memref<2x20x125xi32, #tpu.memory_space<vmem>> -> memref<1x20x125xi32, #tpu.memory_space<vmem>>
        %dma_wait3A_180 = tpu.memref_squeeze %dma_wait3A_179 : memref<1x20x125xi32, #tpu.memory_space<vmem>> -> memref<20x125xi32, #tpu.memory_space<vmem>>
        %dma_wait3A_181 = arith.constant 0 : i32
        %dma_wait3A_182 = tpu.memref_slice %dma_wait3A_180[%add3A_143, %dma_wait3A_181] : memref<20x125xi32, #tpu.memory_space<vmem>> -> memref<1x125xi32, #tpu.memory_space<vmem>>
        %dma_wait3A_183 = tpu.memref_squeeze %dma_wait3A_182 : memref<1x125xi32, #tpu.memory_space<vmem>> -> memref<125xi32, #tpu.memory_space<vmem>>
        %dma_wait3A_184 = arith.constant 0 : i32
        %dma_wait3A_185 = arith.constant 0 : i32
        %dma_wait3A_186 = tpu.memref_slice %arg2[%dma_wait3A_184, %dma_wait3A_185] : memref<10000x128xf32, #tpu.memory_space<hbm>> -> memref<10000x128xf32, #tpu.memory_space<hbm>>
        tpu.wait_indirect_dma semaphore(%arg11 : memref<!tpu.dma_semaphore, #tpu.memory_space<semaphore_mem>>) src(%dma_wait3A_186 : memref<10000x128xf32, #tpu.memory_space<hbm>>) dst(%arg9 : memref<125x128xf32, #tpu.memory_space<vmem>>)
        "tpu.region"() ({
          %run_scoped3A = tpu.sem_alloc : memref<!tpu.dma_semaphore, #tpu.memory_space<semaphore_mem>>
          %dma_start3A_187 = arith.constant 0 : i32
          %dma_start3A_188 = arith.constant 0 : i32
          %dma_start3A_189 = tpu.memref_slice %arg7[%rem3A_127, %dma_start3A_187, %dma_start3A_188] : memref<2x20x125xi32, #tpu.memory_space<vmem>> -> memref<1x20x125xi32, #tpu.memory_space<vmem>>
          %dma_start3A_190 = tpu.memref_squeeze %dma_start3A_189 : memref<1x20x125xi32, #tpu.memory_space<vmem>> -> memref<20x125xi32, #tpu.memory_space<vmem>>
          %dma_start3A_191 = arith.constant 0 : i32
          %dma_start3A_192 = tpu.memref_slice %dma_start3A_190[%add3A_143, %dma_start3A_191] : memref<20x125xi32, #tpu.memory_space<vmem>> -> memref<1x125xi32, #tpu.memory_space<vmem>>
          %dma_start3A_193 = tpu.memref_squeeze %dma_start3A_192 : memref<1x125xi32, #tpu.memory_space<vmem>> -> memref<125xi32, #tpu.memory_space<vmem>>
          %dma_start3A_194 = arith.constant 0 : i32
          %dma_start3A_195 = arith.constant 0 : i32
          %dma_start3A_196 = tpu.memref_slice %arg14[%dma_start3A_194, %dma_start3A_195] : memref<10000x128xf32, #tpu.memory_space<vmem_shared>> -> memref<10000x128xf32, #tpu.memory_space<vmem_shared>>
          tpu.enqueue_indirect_dma source(%arg9 : memref<125x128xf32, #tpu.memory_space<vmem>>) target(%dma_start3A_196 : memref<10000x128xf32, #tpu.memory_space<vmem_shared>>) offsets(%dma_start3A_193 : memref<125xi32, #tpu.memory_space<vmem>>) semaphore(%run_scoped3A : memref<!tpu.dma_semaphore, #tpu.memory_space<semaphore_mem>>) {add = true}
          %dma_wait3A_197 = arith.constant 0 : i32
          %dma_wait3A_198 = arith.constant 0 : i32
          %dma_wait3A_199 = tpu.memref_slice %arg7[%rem3A_127, %dma_wait3A_197, %dma_wait3A_198] : memref<2x20x125xi32, #tpu.memory_space<vmem>> -> memref<1x20x125xi32, #tpu.memory_space<vmem>>
          %dma_wait3A_200 = tpu.memref_squeeze %dma_wait3A_199 : memref<1x20x125xi32, #tpu.memory_space<vmem>> -> memref<20x125xi32, #tpu.memory_space<vmem>>
          %dma_wait3A_201 = arith.constant 0 : i32
          %dma_wait3A_202 = tpu.memref_slice %dma_wait3A_200[%add3A_143, %dma_wait3A_201] : memref<20x125xi32, #tpu.memory_space<vmem>> -> memref<1x125xi32, #tpu.memory_space<vmem>>
          %dma_wait3A_203 = tpu.memref_squeeze %dma_wait3A_202 : memref<1x125xi32, #tpu.memory_space<vmem>> -> memref<125xi32, #tpu.memory_space<vmem>>
          %dma_wait3A_204 = arith.constant 0 : i32
          %dma_wait3A_205 = arith.constant 0 : i32
          %dma_wait3A_206 = tpu.memref_slice %arg14[%dma_wait3A_204, %dma_wait3A_205] : memref<10000x128xf32, #tpu.memory_space<vmem_shared>> -> memref<10000x128xf32, #tpu.memory_space<vmem_shared>>
          tpu.wait_indirect_dma semaphore(%run_scoped3A : memref<!tpu.dma_semaphore, #tpu.memory_space<semaphore_mem>>) src(%arg9 : memref<125x128xf32, #tpu.memory_space<vmem>>) dst(%dma_wait3A_206 : memref<10000x128xf32, #tpu.memory_space<vmem_shared>>)
          tpu.yield
        }) : () -> ()
      }
      %scan3A_138 = arith.constant 10 : i32
    }
    %scan3A_120 = arith.constant 4 : i32
    %barrier3A_121 = arith.constant 0 : index
    tpu.barrier barrier_id(%barrier3A_121)
    %mul3A_122 = arith.constant 625 : i32
    %mul3A_123 = arith.muli %arg1, %mul3A_122 : i32
    %mul3A_124 = arith.constant 625 : i32
    %mul3A_125 = arith.muli %arg1, %mul3A_124 : i32
    "tpu.region"() ({
      %run_scoped3A = tpu.sem_alloc : memref<!tpu.dma_semaphore, #tpu.memory_space<semaphore_mem>>
      %dma_start3A_126 = arith.constant 0 : i32
      %dma_start3A_127 = arith.constant 0 : i32
      %dma_start3A_128 = tpu.memref_slice %arg5[%arg0, %dma_start3A_126, %dma_start3A_127] : memref<2x10000x128xf32, #tpu.memory_space<hbm>> -> memref<1x10000x128xf32, #tpu.memory_space<hbm>>
      %dma_start3A_129 = tpu.memref_squeeze %dma_start3A_128 : memref<1x10000x128xf32, #tpu.memory_space<hbm>> -> memref<10000x128xf32, #tpu.memory_space<hbm>>
      %dma_start3A_130 = arith.constant 0 : i32
      %dma_start3A_131 = tpu.memref_slice %dma_start3A_129[%mul3A_125, %dma_start3A_130] : memref<10000x128xf32, #tpu.memory_space<hbm>> -> memref<625x128xf32, #tpu.memory_space<hbm>>
      %dma_start3A_132 = arith.constant 0 : i32
      %dma_start3A_133 = tpu.memref_slice %arg14[%mul3A_123, %dma_start3A_132] : memref<10000x128xf32, #tpu.memory_space<vmem_shared>> -> memref<625x128xf32, #tpu.memory_space<vmem_shared>>
      tpu.enqueue_dma source(%dma_start3A_133 : memref<625x128xf32, #tpu.memory_space<vmem_shared>>) target(%dma_start3A_131 : memref<625x128xf32, #tpu.memory_space<hbm>>) target_semaphore(%run_scoped3A : memref<!tpu.dma_semaphore, #tpu.memory_space<semaphore_mem>>)
      %dma_wait3A_134 = arith.constant 0 : i32
      %dma_wait3A_135 = arith.constant 0 : i32
      %dma_wait3A_136 = tpu.memref_slice %arg5[%arg0, %dma_wait3A_134, %dma_wait3A_135] : memref<2x10000x128xf32, #tpu.memory_space<hbm>> -> memref<1x10000x128xf32, #tpu.memory_space<hbm>>
      %dma_wait3A_137 = tpu.memref_squeeze %dma_wait3A_136 : memref<1x10000x128xf32, #tpu.memory_space<hbm>> -> memref<10000x128xf32, #tpu.memory_space<hbm>>
      %dma_wait3A_138 = arith.constant 0 : i32
      %dma_wait3A_139 = tpu.memref_slice %dma_wait3A_137[%mul3A_125, %dma_wait3A_138] : memref<10000x128xf32, #tpu.memory_space<hbm>> -> memref<625x128xf32, #tpu.memory_space<hbm>>
      %dma_wait3A_140 = arith.constant 0 : i32
      %dma_wait3A_141 = tpu.memref_slice %arg14[%mul3A_123, %dma_wait3A_140] : memref<10000x128xf32, #tpu.memory_space<vmem_shared>> -> memref<625x128xf32, #tpu.memory_space<vmem_shared>>
      tpu.wait_dma2 semaphore(%run_scoped3A : memref<!tpu.dma_semaphore, #tpu.memory_space<semaphore_mem>>) src(%dma_wait3A_141 : memref<625x128xf32, #tpu.memory_space<vmem_shared>>) dst(%dma_wait3A_139 : memref<625x128xf32, #tpu.memory_space<hbm>>)
      tpu.yield
    }) : () -> ()
    return
  }
}

#map = affine_map<(d0, d1) -> (0, 0)>
#map1 = affine_map<(d0, d1) -> (0, 0, 0)>
module attributes {stable_mosaic.version = 14 : i64} {
  func.func @agg(%arg0: i32, %arg1: i32, %arg2: memref<10000x128xf32, #tpu.memory_space<hbm>>, %arg3: memref<32x80x125xi32, #tpu.memory_space<hbm>>, %arg4: memref<32x80x125xi32, #tpu.memory_space<hbm>>, %arg5: memref<2x10000x128xf32, #tpu.memory_space<hbm>>, %arg6: memref<2x20x125xi32, #tpu.memory_space<vmem>>, %arg7: memref<2x20x125xi32, #tpu.memory_space<vmem>>, %arg8: memref<125x128xf32, #tpu.memory_space<vmem>>, %arg9: memref<125x128xf32, #tpu.memory_space<vmem>>, %arg10: memref<!tpu.dma_semaphore, #tpu.memory_space<semaphore_mem>>, %arg11: memref<!tpu.dma_semaphore, #tpu.memory_space<semaphore_mem>>, %arg12: memref<!tpu.dma_semaphore, #tpu.memory_space<semaphore_mem>>, %arg13: memref<!tpu.dma_semaphore, #tpu.memory_space<semaphore_mem>>, %arg14: memref<10000x128xf32, #tpu.memory_space<vmem_shared>>) attributes {dimension_semantics = [#tpu.dimension_semantics<core_parallel>, #tpu.dimension_semantics<subcore_parallel>], iteration_bounds = array<i64: 2, 16>, scalar_prefetch = 0 : i64, scratch_operands = 9 : i64, tpu.core_type = #tpu.core_type<sc_vector_subcore>, window_params = [{transform_indices = #map}, {transform_indices = #map1}, {transform_indices = #map1}, {transform_indices = #map1}]} {
    %mul3A = arith.constant 16 : i32
    %mul3A_0 = arith.muli %arg0, %mul3A : i32
    %add3A = arith.addi %mul3A_0, %arg1 : i32
    %dma_start3A = arith.constant 0 : i32
    %dma_start3A_1 = arith.constant 0 : i32
    %dma_start3A_2 = arith.constant 0 : i32
    %dma_start3A_3 = tpu.memref_slice %arg6[%dma_start3A, %dma_start3A_1, %dma_start3A_2] : memref<2x20x125xi32, #tpu.memory_space<vmem>> -> memref<1x20x125xi32, #tpu.memory_space<vmem>>
    %dma_start3A_4 = tpu.memref_squeeze %dma_start3A_3 : memref<1x20x125xi32, #tpu.memory_space<vmem>> -> memref<20x125xi32, #tpu.memory_space<vmem>>
    %dma_start3A_5 = arith.constant 0 : i32
    %dma_start3A_6 = arith.constant 0 : i32
    %dma_start3A_7 = tpu.memref_slice %arg3[%add3A, %dma_start3A_5, %dma_start3A_6] : memref<32x80x125xi32, #tpu.memory_space<hbm>> -> memref<1x80x125xi32, #tpu.memory_space<hbm>>
    %dma_start3A_8 = tpu.memref_squeeze %dma_start3A_7 : memref<1x80x125xi32, #tpu.memory_space<hbm>> -> memref<80x125xi32, #tpu.memory_space<hbm>>
    %dma_start3A_9 = arith.constant 0 : i32
    %dma_start3A_10 = arith.constant 0 : i32
    %dma_start3A_11 = tpu.memref_slice %dma_start3A_8[%dma_start3A_9, %dma_start3A_10] : memref<80x125xi32, #tpu.memory_space<hbm>> -> memref<20x125xi32, #tpu.memory_space<hbm>>
    %dma_start3A_12 = arith.constant 0 : i32
    %dma_start3A_13 = arith.constant 0 : i32
    %dma_start3A_14 = tpu.memref_slice %arg6[%dma_start3A, %dma_start3A_12, %dma_start3A_13] : memref<2x20x125xi32, #tpu.memory_space<vmem>> -> memref<1x20x125xi32, #tpu.memory_space<vmem>>
    %dma_start3A_15 = tpu.memref_squeeze %dma_start3A_14 : memref<1x20x125xi32, #tpu.memory_space<vmem>> -> memref<20x125xi32, #tpu.memory_space<vmem>>
    %dma_start3A_16 = arith.constant 0 : i32
    %dma_start3A_17 = arith.constant 0 : i32
    %dma_start3A_18 = tpu.memref_slice %arg3[%add3A, %dma_start3A_16, %dma_start3A_17] : memref<32x80x125xi32, #tpu.memory_space<hbm>> -> memref<1x80x125xi32, #tpu.memory_space<hbm>>
    %dma_start3A_19 = tpu.memref_squeeze %dma_start3A_18 : memref<1x80x125xi32, #tpu.memory_space<hbm>> -> memref<80x125xi32, #tpu.memory_space<hbm>>
    %dma_start3A_20 = arith.constant 0 : i32
    %dma_start3A_21 = arith.constant 0 : i32
    %dma_start3A_22 = tpu.memref_slice %dma_start3A_19[%dma_start3A_20, %dma_start3A_21] : memref<80x125xi32, #tpu.memory_space<hbm>> -> memref<20x125xi32, #tpu.memory_space<hbm>>
    tpu.enqueue_dma source(%dma_start3A_22 : memref<20x125xi32, #tpu.memory_space<hbm>>) target(%dma_start3A_15 : memref<20x125xi32, #tpu.memory_space<vmem>>) target_semaphore(%arg12 : memref<!tpu.dma_semaphore, #tpu.memory_space<semaphore_mem>>)
    %dma_start3A_23 = arith.constant 0 : i32
    %dma_start3A_24 = arith.constant 0 : i32
    %dma_start3A_25 = arith.constant 0 : i32
    %dma_start3A_26 = tpu.memref_slice %arg7[%dma_start3A_23, %dma_start3A_24, %dma_start3A_25] : memref<2x20x125xi32, #tpu.memory_space<vmem>> -> memref<1x20x125xi32, #tpu.memory_space<vmem>>
    %dma_start3A_27 = tpu.memref_squeeze %dma_start3A_26 : memref<1x20x125xi32, #tpu.memory_space<vmem>> -> memref<20x125xi32, #tpu.memory_space<vmem>>
    %dma_start3A_28 = arith.constant 0 : i32
    %dma_start3A_29 = arith.constant 0 : i32
    %dma_start3A_30 = tpu.memref_slice %arg4[%add3A, %dma_start3A_28, %dma_start3A_29] : memref<32x80x125xi32, #tpu.memory_space<hbm>> -> memref<1x80x125xi32, #tpu.memory_space<hbm>>
    %dma_start3A_31 = tpu.memref_squeeze %dma_start3A_30 : memref<1x80x125xi32, #tpu.memory_space<hbm>> -> memref<80x125xi32, #tpu.memory_space<hbm>>
    %dma_start3A_32 = arith.constant 0 : i32
    %dma_start3A_33 = arith.constant 0 : i32
    %dma_start3A_34 = tpu.memref_slice %dma_start3A_31[%dma_start3A_32, %dma_start3A_33] : memref<80x125xi32, #tpu.memory_space<hbm>> -> memref<20x125xi32, #tpu.memory_space<hbm>>
    %dma_start3A_35 = arith.constant 0 : i32
    %dma_start3A_36 = arith.constant 0 : i32
    %dma_start3A_37 = tpu.memref_slice %arg7[%dma_start3A_23, %dma_start3A_35, %dma_start3A_36] : memref<2x20x125xi32, #tpu.memory_space<vmem>> -> memref<1x20x125xi32, #tpu.memory_space<vmem>>
    %dma_start3A_38 = tpu.memref_squeeze %dma_start3A_37 : memref<1x20x125xi32, #tpu.memory_space<vmem>> -> memref<20x125xi32, #tpu.memory_space<vmem>>
    %dma_start3A_39 = arith.constant 0 : i32
    %dma_start3A_40 = arith.constant 0 : i32
    %dma_start3A_41 = tpu.memref_slice %arg4[%add3A, %dma_start3A_39, %dma_start3A_40] : memref<32x80x125xi32, #tpu.memory_space<hbm>> -> memref<1x80x125xi32, #tpu.memory_space<hbm>>
    %dma_start3A_42 = tpu.memref_squeeze %dma_start3A_41 : memref<1x80x125xi32, #tpu.memory_space<hbm>> -> memref<80x125xi32, #tpu.memory_space<hbm>>
    %dma_start3A_43 = arith.constant 0 : i32
    %dma_start3A_44 = arith.constant 0 : i32
    %dma_start3A_45 = tpu.memref_slice %dma_start3A_42[%dma_start3A_43, %dma_start3A_44] : memref<80x125xi32, #tpu.memory_space<hbm>> -> memref<20x125xi32, #tpu.memory_space<hbm>>
    tpu.enqueue_dma source(%dma_start3A_45 : memref<20x125xi32, #tpu.memory_space<hbm>>) target(%dma_start3A_38 : memref<20x125xi32, #tpu.memory_space<vmem>>) target_semaphore(%arg13 : memref<!tpu.dma_semaphore, #tpu.memory_space<semaphore_mem>>)
    %broadcast_in_dim3A = arith.constant 0.000000e+00 : f32
    %broadcast_in_dim3A_46 = vector.broadcast %broadcast_in_dim3A : f32 to vector<16xf32>
    %scan3A = arith.constant 0 : i32
    %scan3A_47 = arith.constant 0 : i32
    %scan3A_48 = arith.constant 125 : i32
    %scan3A_49 = arith.addi %scan3A_47, %scan3A_48 : i32
    %scan3A_50 = arith.constant 1 : i32
    scf.for %scan3A_126 = %scan3A_47 to %scan3A_49 step %scan3A_50  : i32 {
      %swap3A = arith.index_cast %scan3A_126 : i32 to index
      %swap3A_127 = arith.constant 0 : index
      %swap3A_128 = tpu.vector_load %arg9[%swap3A, %swap3A_127] {strides = array<i32>} : memref<125x128xf32, #tpu.memory_space<vmem>>, vector<1x16xf32>,
      %swap3A_129 = vector.shape_cast %swap3A_128 : vector<1x16xf32> to vector<16xf32>
      %swap3A_130 = vector.shape_cast %broadcast_in_dim3A_46 : vector<16xf32> to vector<1x16xf32>
      tpu.vector_store %arg9[%swap3A, %swap3A_127], %swap3A_130 {strides = array<i32>} : memref<125x128xf32, #tpu.memory_space<vmem>>, vector<1x16xf32>,
      %swap3A_131 = arith.index_cast %scan3A_126 : i32 to index
      %swap3A_132 = arith.constant 16 : index
      %swap3A_133 = tpu.vector_load %arg9[%swap3A_131, %swap3A_132] {strides = array<i32>} : memref<125x128xf32, #tpu.memory_space<vmem>>, vector<1x16xf32>,
      %swap3A_134 = vector.shape_cast %swap3A_133 : vector<1x16xf32> to vector<16xf32>
      %swap3A_135 = vector.shape_cast %broadcast_in_dim3A_46 : vector<16xf32> to vector<1x16xf32>
      tpu.vector_store %arg9[%swap3A_131, %swap3A_132], %swap3A_135 {strides = array<i32>} : memref<125x128xf32, #tpu.memory_space<vmem>>, vector<1x16xf32>,
      %swap3A_136 = arith.index_cast %scan3A_126 : i32 to index
      %swap3A_137 = arith.constant 32 : index
      %swap3A_138 = tpu.vector_load %arg9[%swap3A_136, %swap3A_137] {strides = array<i32>} : memref<125x128xf32, #tpu.memory_space<vmem>>, vector<1x16xf32>,
      %swap3A_139 = vector.shape_cast %swap3A_138 : vector<1x16xf32> to vector<16xf32>
      %swap3A_140 = vector.shape_cast %broadcast_in_dim3A_46 : vector<16xf32> to vector<1x16xf32>
      tpu.vector_store %arg9[%swap3A_136, %swap3A_137], %swap3A_140 {strides = array<i32>} : memref<125x128xf32, #tpu.memory_space<vmem>>, vector<1x16xf32>,
      %swap3A_141 = arith.index_cast %scan3A_126 : i32 to index
      %swap3A_142 = arith.constant 48 : index
      %swap3A_143 = tpu.vector_load %arg9[%swap3A_141, %swap3A_142] {strides = array<i32>} : memref<125x128xf32, #tpu.memory_space<vmem>>, vector<1x16xf32>,
      %swap3A_144 = vector.shape_cast %swap3A_143 : vector<1x16xf32> to vector<16xf32>
      %swap3A_145 = vector.shape_cast %broadcast_in_dim3A_46 : vector<16xf32> to vector<1x16xf32>
      tpu.vector_store %arg9[%swap3A_141, %swap3A_142], %swap3A_145 {strides = array<i32>} : memref<125x128xf32, #tpu.memory_space<vmem>>, vector<1x16xf32>,
      %swap3A_146 = arith.index_cast %scan3A_126 : i32 to index
      %swap3A_147 = arith.constant 64 : index
      %swap3A_148 = tpu.vector_load %arg9[%swap3A_146, %swap3A_147] {strides = array<i32>} : memref<125x128xf32, #tpu.memory_space<vmem>>, vector<1x16xf32>,
      %swap3A_149 = vector.shape_cast %swap3A_148 : vector<1x16xf32> to vector<16xf32>
      %swap3A_150 = vector.shape_cast %broadcast_in_dim3A_46 : vector<16xf32> to vector<1x16xf32>
      tpu.vector_store %arg9[%swap3A_146, %swap3A_147], %swap3A_150 {strides = array<i32>} : memref<125x128xf32, #tpu.memory_space<vmem>>, vector<1x16xf32>,
      %swap3A_151 = arith.index_cast %scan3A_126 : i32 to index
      %swap3A_152 = arith.constant 80 : index
      %swap3A_153 = tpu.vector_load %arg9[%swap3A_151, %swap3A_152] {strides = array<i32>} : memref<125x128xf32, #tpu.memory_space<vmem>>, vector<1x16xf32>,
      %swap3A_154 = vector.shape_cast %swap3A_153 : vector<1x16xf32> to vector<16xf32>
      %swap3A_155 = vector.shape_cast %broadcast_in_dim3A_46 : vector<16xf32> to vector<1x16xf32>
      tpu.vector_store %arg9[%swap3A_151, %swap3A_152], %swap3A_155 {strides = array<i32>} : memref<125x128xf32, #tpu.memory_space<vmem>>, vector<1x16xf32>,
      %swap3A_156 = arith.index_cast %scan3A_126 : i32 to index
      %swap3A_157 = arith.constant 96 : index
      %swap3A_158 = tpu.vector_load %arg9[%swap3A_156, %swap3A_157] {strides = array<i32>} : memref<125x128xf32, #tpu.memory_space<vmem>>, vector<1x16xf32>,
      %swap3A_159 = vector.shape_cast %swap3A_158 : vector<1x16xf32> to vector<16xf32>
      %swap3A_160 = vector.shape_cast %broadcast_in_dim3A_46 : vector<16xf32> to vector<1x16xf32>
      tpu.vector_store %arg9[%swap3A_156, %swap3A_157], %swap3A_160 {strides = array<i32>} : memref<125x128xf32, #tpu.memory_space<vmem>>, vector<1x16xf32>,
      %swap3A_161 = arith.index_cast %scan3A_126 : i32 to index
      %swap3A_162 = arith.constant 112 : index
      %swap3A_163 = tpu.vector_load %arg9[%swap3A_161, %swap3A_162] {strides = array<i32>} : memref<125x128xf32, #tpu.memory_space<vmem>>, vector<1x16xf32>,
      %swap3A_164 = vector.shape_cast %swap3A_163 : vector<1x16xf32> to vector<16xf32>
      %swap3A_165 = vector.shape_cast %broadcast_in_dim3A_46 : vector<16xf32> to vector<1x16xf32>
      tpu.vector_store %arg9[%swap3A_161, %swap3A_162], %swap3A_165 {strides = array<i32>} : memref<125x128xf32, #tpu.memory_space<vmem>>, vector<1x16xf32>,
    }
    %scan3A_51 = arith.constant 125 : i32
    %scan3A_52 = arith.constant 0 : i32
    %scan3A_53 = arith.constant 0 : i32
    %scan3A_54 = arith.constant 5 : i32
    %scan3A_55 = arith.addi %scan3A_53, %scan3A_54 : i32
    %scan3A_56 = arith.constant 1 : i32
    scf.for %scan3A_126 = %scan3A_53 to %scan3A_55 step %scan3A_56  : i32 {
      %mul3A_127 = arith.constant 625 : i32
      %mul3A_128 = arith.muli %arg1, %mul3A_127 : i32
      %mul3A_129 = arith.constant 125 : i32
      %mul3A_130 = arith.muli %scan3A_126, %mul3A_129 : i32
      %add3A_131 = arith.addi %mul3A_128, %mul3A_130 : i32
      "tpu.region"() ({
        %run_scoped3A = tpu.sem_alloc : memref<!tpu.dma_semaphore, #tpu.memory_space<semaphore_mem>>
        %dma_start3A_132 = arith.constant 0 : i32
        %dma_start3A_133 = tpu.memref_slice %arg14[%add3A_131, %dma_start3A_132] : memref<10000x128xf32, #tpu.memory_space<vmem_shared>> -> memref<125x128xf32, #tpu.memory_space<vmem_shared>>
        %dma_start3A_134 = arith.constant 0 : i32
        %dma_start3A_135 = tpu.memref_slice %arg14[%add3A_131, %dma_start3A_134] : memref<10000x128xf32, #tpu.memory_space<vmem_shared>> -> memref<125x128xf32, #tpu.memory_space<vmem_shared>>
        tpu.enqueue_dma source(%arg9 : memref<125x128xf32, #tpu.memory_space<vmem>>) target(%dma_start3A_135 : memref<125x128xf32, #tpu.memory_space<vmem_shared>>) target_semaphore(%run_scoped3A : memref<!tpu.dma_semaphore, #tpu.memory_space<semaphore_mem>>)
        %dma_wait3A_136 = arith.constant 0 : i32
        %dma_wait3A_137 = tpu.memref_slice %arg14[%add3A_131, %dma_wait3A_136] : memref<10000x128xf32, #tpu.memory_space<vmem_shared>> -> memref<125x128xf32, #tpu.memory_space<vmem_shared>>
        %dma_wait3A_138 = arith.constant 0 : i32
        %dma_wait3A_139 = tpu.memref_slice %arg14[%add3A_131, %dma_wait3A_138] : memref<10000x128xf32, #tpu.memory_space<vmem_shared>> -> memref<125x128xf32, #tpu.memory_space<vmem_shared>>
        tpu.wait_dma2 semaphore(%run_scoped3A : memref<!tpu.dma_semaphore, #tpu.memory_space<semaphore_mem>>) src(%arg9 : memref<125x128xf32, #tpu.memory_space<vmem>>) dst(%dma_wait3A_139 : memref<125x128xf32, #tpu.memory_space<vmem_shared>>)
        tpu.yield
      }) : () -> ()
    }
    %scan3A_57 = arith.constant 5 : i32
    %dma_wait3A = arith.constant 0 : i32
    %dma_wait3A_58 = arith.constant 0 : i32
    %dma_wait3A_59 = arith.constant 0 : i32
    %dma_wait3A_60 = tpu.memref_slice %arg6[%dma_wait3A, %dma_wait3A_58, %dma_wait3A_59] : memref<2x20x125xi32, #tpu.memory_space<vmem>> -> memref<1x20x125xi32, #tpu.memory_space<vmem>>
    %dma_wait3A_61 = tpu.memref_squeeze %dma_wait3A_60 : memref<1x20x125xi32, #tpu.memory_space<vmem>> -> memref<20x125xi32, #tpu.memory_space<vmem>>
    %dma_wait3A_62 = arith.constant 0 : i32
    %dma_wait3A_63 = arith.constant 0 : i32
    %dma_wait3A_64 = tpu.memref_slice %arg3[%add3A, %dma_wait3A_62, %dma_wait3A_63] : memref<32x80x125xi32, #tpu.memory_space<hbm>> -> memref<1x80x125xi32, #tpu.memory_space<hbm>>
    %dma_wait3A_65 = tpu.memref_squeeze %dma_wait3A_64 : memref<1x80x125xi32, #tpu.memory_space<hbm>> -> memref<80x125xi32, #tpu.memory_space<hbm>>
    %dma_wait3A_66 = arith.constant 0 : i32
    %dma_wait3A_67 = arith.constant 0 : i32
    %dma_wait3A_68 = tpu.memref_slice %dma_wait3A_65[%dma_wait3A_66, %dma_wait3A_67] : memref<80x125xi32, #tpu.memory_space<hbm>> -> memref<20x125xi32, #tpu.memory_space<hbm>>
    %dma_wait3A_69 = arith.constant 0 : i32
    %dma_wait3A_70 = arith.constant 0 : i32
    %dma_wait3A_71 = tpu.memref_slice %arg6[%dma_wait3A, %dma_wait3A_69, %dma_wait3A_70] : memref<2x20x125xi32, #tpu.memory_space<vmem>> -> memref<1x20x125xi32, #tpu.memory_space<vmem>>
    %dma_wait3A_72 = tpu.memref_squeeze %dma_wait3A_71 : memref<1x20x125xi32, #tpu.memory_space<vmem>> -> memref<20x125xi32, #tpu.memory_space<vmem>>
    %dma_wait3A_73 = arith.constant 0 : i32
    %dma_wait3A_74 = arith.constant 0 : i32
    %dma_wait3A_75 = tpu.memref_slice %arg3[%add3A, %dma_wait3A_73, %dma_wait3A_74] : memref<32x80x125xi32, #tpu.memory_space<hbm>> -> memref<1x80x125xi32, #tpu.memory_space<hbm>>
    %dma_wait3A_76 = tpu.memref_squeeze %dma_wait3A_75 : memref<1x80x125xi32, #tpu.memory_space<hbm>> -> memref<80x125xi32, #tpu.memory_space<hbm>>
    %dma_wait3A_77 = arith.constant 0 : i32
    %dma_wait3A_78 = arith.constant 0 : i32
    %dma_wait3A_79 = tpu.memref_slice %dma_wait3A_76[%dma_wait3A_77, %dma_wait3A_78] : memref<80x125xi32, #tpu.memory_space<hbm>> -> memref<20x125xi32, #tpu.memory_space<hbm>>
    tpu.wait_dma2 semaphore(%arg12 : memref<!tpu.dma_semaphore, #tpu.memory_space<semaphore_mem>>) src(%dma_wait3A_79 : memref<20x125xi32, #tpu.memory_space<hbm>>) dst(%dma_wait3A_72 : memref<20x125xi32, #tpu.memory_space<vmem>>)
    %dma_wait3A_80 = arith.constant 0 : i32
    %dma_wait3A_81 = arith.constant 0 : i32
    %dma_wait3A_82 = arith.constant 0 : i32
    %dma_wait3A_83 = tpu.memref_slice %arg7[%dma_wait3A_80, %dma_wait3A_81, %dma_wait3A_82] : memref<2x20x125xi32, #tpu.memory_space<vmem>> -> memref<1x20x125xi32, #tpu.memory_space<vmem>>
    %dma_wait3A_84 = tpu.memref_squeeze %dma_wait3A_83 : memref<1x20x125xi32, #tpu.memory_space<vmem>> -> memref<20x125xi32, #tpu.memory_space<vmem>>
    %dma_wait3A_85 = arith.constant 0 : i32
    %dma_wait3A_86 = arith.constant 0 : i32
    %dma_wait3A_87 = tpu.memref_slice %arg4[%add3A, %dma_wait3A_85, %dma_wait3A_86] : memref<32x80x125xi32, #tpu.memory_space<hbm>> -> memref<1x80x125xi32, #tpu.memory_space<hbm>>
    %dma_wait3A_88 = tpu.memref_squeeze %dma_wait3A_87 : memref<1x80x125xi32, #tpu.memory_space<hbm>> -> memref<80x125xi32, #tpu.memory_space<hbm>>
    %dma_wait3A_89 = arith.constant 0 : i32
    %dma_wait3A_90 = arith.constant 0 : i32
    %dma_wait3A_91 = tpu.memref_slice %dma_wait3A_88[%dma_wait3A_89, %dma_wait3A_90] : memref<80x125xi32, #tpu.memory_space<hbm>> -> memref<20x125xi32, #tpu.memory_space<hbm>>
    %dma_wait3A_92 = arith.constant 0 : i32
    %dma_wait3A_93 = arith.constant 0 : i32
    %dma_wait3A_94 = tpu.memref_slice %arg7[%dma_wait3A_80, %dma_wait3A_92, %dma_wait3A_93] : memref<2x20x125xi32, #tpu.memory_space<vmem>> -> memref<1x20x125xi32, #tpu.memory_space<vmem>>
    %dma_wait3A_95 = tpu.memref_squeeze %dma_wait3A_94 : memref<1x20x125xi32, #tpu.memory_space<vmem>> -> memref<20x125xi32, #tpu.memory_space<vmem>>
    %dma_wait3A_96 = arith.constant 0 : i32
    %dma_wait3A_97 = arith.constant 0 : i32
    %dma_wait3A_98 = tpu.memref_slice %arg4[%add3A, %dma_wait3A_96, %dma_wait3A_97] : memref<32x80x125xi32, #tpu.memory_space<hbm>> -> memref<1x80x125xi32, #tpu.memory_space<hbm>>
    %dma_wait3A_99 = tpu.memref_squeeze %dma_wait3A_98 : memref<1x80x125xi32, #tpu.memory_space<hbm>> -> memref<80x125xi32, #tpu.memory_space<hbm>>
    %dma_wait3A_100 = arith.constant 0 : i32
    %dma_wait3A_101 = arith.constant 0 : i32
    %dma_wait3A_102 = tpu.memref_slice %dma_wait3A_99[%dma_wait3A_100, %dma_wait3A_101] : memref<80x125xi32, #tpu.memory_space<hbm>> -> memref<20x125xi32, #tpu.memory_space<hbm>>
    tpu.wait_dma2 semaphore(%arg13 : memref<!tpu.dma_semaphore, #tpu.memory_space<semaphore_mem>>) src(%dma_wait3A_102 : memref<20x125xi32, #tpu.memory_space<hbm>>) dst(%dma_wait3A_95 : memref<20x125xi32, #tpu.memory_space<vmem>>)
    %dma_start3A_103 = arith.constant 0 : i32
    %dma_start3A_104 = arith.constant 0 : i32
    %dma_start3A_105 = arith.constant 0 : i32
    %dma_start3A_106 = arith.constant 0 : i32
    %dma_start3A_107 = tpu.memref_slice %arg6[%dma_start3A_103, %dma_start3A_105, %dma_start3A_106] : memref<2x20x125xi32, #tpu.memory_space<vmem>> -> memref<1x20x125xi32, #tpu.memory_space<vmem>>
    %dma_start3A_108 = tpu.memref_squeeze %dma_start3A_107 : memref<1x20x125xi32, #tpu.memory_space<vmem>> -> memref<20x125xi32, #tpu.memory_space<vmem>>
    %dma_start3A_109 = arith.constant 0 : i32
    %dma_start3A_110 = tpu.memref_slice %dma_start3A_108[%dma_start3A_104, %dma_start3A_109] : memref<20x125xi32, #tpu.memory_space<vmem>> -> memref<1x125xi32, #tpu.memory_space<vmem>>
    %dma_start3A_111 = tpu.memref_squeeze %dma_start3A_110 : memref<1x125xi32, #tpu.memory_space<vmem>> -> memref<125xi32, #tpu.memory_space<vmem>>
    %dma_start3A_112 = arith.constant 0 : i32
    %dma_start3A_113 = arith.constant 0 : i32
    %dma_start3A_114 = tpu.memref_slice %arg2[%dma_start3A_112, %dma_start3A_113] : memref<10000x128xf32, #tpu.memory_space<hbm>> -> memref<10000x128xf32, #tpu.memory_space<hbm>>
    tpu.enqueue_indirect_dma source(%dma_start3A_114 : memref<10000x128xf32, #tpu.memory_space<hbm>>) target(%arg8 : memref<125x128xf32, #tpu.memory_space<vmem>>) offsets(%dma_start3A_111 : memref<125xi32, #tpu.memory_space<vmem>>) semaphore(%arg10 : memref<!tpu.dma_semaphore, #tpu.memory_space<semaphore_mem>>)
    %barrier3A = arith.constant 0 : index
    tpu.barrier barrier_id(%barrier3A)
    %scan3A_115 = arith.constant 0 : i32
    %scan3A_116 = arith.constant 0 : i32
    %scan3A_117 = arith.constant 4 : i32
    %scan3A_118 = arith.addi %scan3A_116, %scan3A_117 : i32
    %scan3A_119 = arith.constant 1 : i32
    scf.for %scan3A_126 = %scan3A_116 to %scan3A_118 step %scan3A_119  : i32 {
      %rem3A = arith.constant 2 : i32
      %rem3A_127 = arith.remsi %scan3A_126, %rem3A : i32
      %sub3A = arith.constant 1 : i32
      %sub3A_128 = arith.subi %sub3A, %rem3A_127 : i32
      %add3A_129 = arith.constant 1 : i32
      %add3A_130 = arith.addi %scan3A_126, %add3A_129 : i32
      %lt3A = arith.constant 4 : i32
      %lt3A_131 = arith.cmpi slt, %add3A_130, %lt3A : i32
      %convert_element_type3A = arith.extui %lt3A_131 : i1 to i32
      %cond3A = arith.constant 0 : i32
      %cond3A_132 = arith.cmpi ne, %convert_element_type3A, %cond3A : i32
      scf.if %cond3A_132 {
        %add3A_139 = arith.constant 1 : i32
        %add3A_140 = arith.addi %scan3A_126, %add3A_139 : i32
        %mul3A_141 = arith.constant 20 : i32
        %mul3A_142 = arith.muli %add3A_140, %mul3A_141 : i32
        %dma_start3A_143 = arith.constant 0 : i32
        %dma_start3A_144 = arith.constant 0 : i32
        %dma_start3A_145 = tpu.memref_slice %arg6[%sub3A_128, %dma_start3A_143, %dma_start3A_144] : memref<2x20x125xi32, #tpu.memory_space<vmem>> -> memref<1x20x125xi32, #tpu.memory_space<vmem>>
        %dma_start3A_146 = tpu.memref_squeeze %dma_start3A_145 : memref<1x20x125xi32, #tpu.memory_space<vmem>> -> memref<20x125xi32, #tpu.memory_space<vmem>>
        %dma_start3A_147 = arith.constant 0 : i32
        %dma_start3A_148 = arith.constant 0 : i32
        %dma_start3A_149 = tpu.memref_slice %arg3[%add3A, %dma_start3A_147, %dma_start3A_148] : memref<32x80x125xi32, #tpu.memory_space<hbm>> -> memref<1x80x125xi32, #tpu.memory_space<hbm>>
        %dma_start3A_150 = tpu.memref_squeeze %dma_start3A_149 : memref<1x80x125xi32, #tpu.memory_space<hbm>> -> memref<80x125xi32, #tpu.memory_space<hbm>>
        %dma_start3A_151 = arith.constant 0 : i32
        %dma_start3A_152 = tpu.memref_slice %dma_start3A_150[%mul3A_142, %dma_start3A_151] : memref<80x125xi32, #tpu.memory_space<hbm>> -> memref<20x125xi32, #tpu.memory_space<hbm>>
        %dma_start3A_153 = arith.constant 0 : i32
        %dma_start3A_154 = arith.constant 0 : i32
        %dma_start3A_155 = tpu.memref_slice %arg6[%sub3A_128, %dma_start3A_153, %dma_start3A_154] : memref<2x20x125xi32, #tpu.memory_space<vmem>> -> memref<1x20x125xi32, #tpu.memory_space<vmem>>
        %dma_start3A_156 = tpu.memref_squeeze %dma_start3A_155 : memref<1x20x125xi32, #tpu.memory_space<vmem>> -> memref<20x125xi32, #tpu.memory_space<vmem>>
        %dma_start3A_157 = arith.constant 0 : i32
        %dma_start3A_158 = arith.constant 0 : i32
        %dma_start3A_159 = tpu.memref_slice %arg3[%add3A, %dma_start3A_157, %dma_start3A_158] : memref<32x80x125xi32, #tpu.memory_space<hbm>> -> memref<1x80x125xi32, #tpu.memory_space<hbm>>
        %dma_start3A_160 = tpu.memref_squeeze %dma_start3A_159 : memref<1x80x125xi32, #tpu.memory_space<hbm>> -> memref<80x125xi32, #tpu.memory_space<hbm>>
        %dma_start3A_161 = arith.constant 0 : i32
        %dma_start3A_162 = tpu.memref_slice %dma_start3A_160[%mul3A_142, %dma_start3A_161] : memref<80x125xi32, #tpu.memory_space<hbm>> -> memref<20x125xi32, #tpu.memory_space<hbm>>
        tpu.enqueue_dma source(%dma_start3A_162 : memref<20x125xi32, #tpu.memory_space<hbm>>) target(%dma_start3A_156 : memref<20x125xi32, #tpu.memory_space<vmem>>) target_semaphore(%arg12 : memref<!tpu.dma_semaphore, #tpu.memory_space<semaphore_mem>>)
        %add3A_163 = arith.constant 1 : i32
        %add3A_164 = arith.addi %scan3A_126, %add3A_163 : i32
        %mul3A_165 = arith.constant 20 : i32
        %mul3A_166 = arith.muli %add3A_164, %mul3A_165 : i32
        %dma_start3A_167 = arith.constant 0 : i32
        %dma_start3A_168 = arith.constant 0 : i32
        %dma_start3A_169 = tpu.memref_slice %arg7[%sub3A_128, %dma_start3A_167, %dma_start3A_168] : memref<2x20x125xi32, #tpu.memory_space<vmem>> -> memref<1x20x125xi32, #tpu.memory_space<vmem>>
        %dma_start3A_170 = tpu.memref_squeeze %dma_start3A_169 : memref<1x20x125xi32, #tpu.memory_space<vmem>> -> memref<20x125xi32, #tpu.memory_space<vmem>>
        %dma_start3A_171 = arith.constant 0 : i32
        %dma_start3A_172 = arith.constant 0 : i32
        %dma_start3A_173 = tpu.memref_slice %arg4[%add3A, %dma_start3A_171, %dma_start3A_172] : memref<32x80x125xi32, #tpu.memory_space<hbm>> -> memref<1x80x125xi32, #tpu.memory_space<hbm>>
        %dma_start3A_174 = tpu.memref_squeeze %dma_start3A_173 : memref<1x80x125xi32, #tpu.memory_space<hbm>> -> memref<80x125xi32, #tpu.memory_space<hbm>>
        %dma_start3A_175 = arith.constant 0 : i32
        %dma_start3A_176 = tpu.memref_slice %dma_start3A_174[%mul3A_166, %dma_start3A_175] : memref<80x125xi32, #tpu.memory_space<hbm>> -> memref<20x125xi32, #tpu.memory_space<hbm>>
        %dma_start3A_177 = arith.constant 0 : i32
        %dma_start3A_178 = arith.constant 0 : i32
        %dma_start3A_179 = tpu.memref_slice %arg7[%sub3A_128, %dma_start3A_177, %dma_start3A_178] : memref<2x20x125xi32, #tpu.memory_space<vmem>> -> memref<1x20x125xi32, #tpu.memory_space<vmem>>
        %dma_start3A_180 = tpu.memref_squeeze %dma_start3A_179 : memref<1x20x125xi32, #tpu.memory_space<vmem>> -> memref<20x125xi32, #tpu.memory_space<vmem>>
        %dma_start3A_181 = arith.constant 0 : i32
        %dma_start3A_182 = arith.constant 0 : i32
        %dma_start3A_183 = tpu.memref_slice %arg4[%add3A, %dma_start3A_181, %dma_start3A_182] : memref<32x80x125xi32, #tpu.memory_space<hbm>> -> memref<1x80x125xi32, #tpu.memory_space<hbm>>
        %dma_start3A_184 = tpu.memref_squeeze %dma_start3A_183 : memref<1x80x125xi32, #tpu.memory_space<hbm>> -> memref<80x125xi32, #tpu.memory_space<hbm>>
        %dma_start3A_185 = arith.constant 0 : i32
        %dma_start3A_186 = tpu.memref_slice %dma_start3A_184[%mul3A_166, %dma_start3A_185] : memref<80x125xi32, #tpu.memory_space<hbm>> -> memref<20x125xi32, #tpu.memory_space<hbm>>
        tpu.enqueue_dma source(%dma_start3A_186 : memref<20x125xi32, #tpu.memory_space<hbm>>) target(%dma_start3A_180 : memref<20x125xi32, #tpu.memory_space<vmem>>) target_semaphore(%arg13 : memref<!tpu.dma_semaphore, #tpu.memory_space<semaphore_mem>>)
      } else {
      }
      %scan3A_133 = arith.constant 0 : i32
      %scan3A_134 = arith.constant 0 : i32
      %scan3A_135 = arith.constant 10 : i32
      %scan3A_136 = arith.addi %scan3A_134, %scan3A_135 : i32
      %scan3A_137 = arith.constant 1 : i32
      scf.for %scan3A_139 = %scan3A_134 to %scan3A_136 step %scan3A_137  : i32 {
        %mul3A_140 = arith.constant 2 : i32
        %mul3A_141 = arith.muli %scan3A_139, %mul3A_140 : i32
        %add3A_142 = arith.constant 1 : i32
        %add3A_143 = arith.addi %mul3A_141, %add3A_142 : i32
        %dma_start3A_144 = arith.constant 0 : i32
        %dma_start3A_145 = arith.constant 0 : i32
        %dma_start3A_146 = tpu.memref_slice %arg6[%rem3A_127, %dma_start3A_144, %dma_start3A_145] : memref<2x20x125xi32, #tpu.memory_space<vmem>> -> memref<1x20x125xi32, #tpu.memory_space<vmem>>
        %dma_start3A_147 = tpu.memref_squeeze %dma_start3A_146 : memref<1x20x125xi32, #tpu.memory_space<vmem>> -> memref<20x125xi32, #tpu.memory_space<vmem>>
        %dma_start3A_148 = arith.constant 0 : i32
        %dma_start3A_149 = tpu.memref_slice %dma_start3A_147[%add3A_143, %dma_start3A_148] : memref<20x125xi32, #tpu.memory_space<vmem>> -> memref<1x125xi32, #tpu.memory_space<vmem>>
        %dma_start3A_150 = tpu.memref_squeeze %dma_start3A_149 : memref<1x125xi32, #tpu.memory_space<vmem>> -> memref<125xi32, #tpu.memory_space<vmem>>
        %dma_start3A_151 = arith.constant 0 : i32
        %dma_start3A_152 = arith.constant 0 : i32
        %dma_start3A_153 = tpu.memref_slice %arg2[%dma_start3A_151, %dma_start3A_152] : memref<10000x128xf32, #tpu.memory_space<hbm>> -> memref<10000x128xf32, #tpu.memory_space<hbm>>
        tpu.enqueue_indirect_dma source(%dma_start3A_153 : memref<10000x128xf32, #tpu.memory_space<hbm>>) target(%arg9 : memref<125x128xf32, #tpu.memory_space<vmem>>) offsets(%dma_start3A_150 : memref<125xi32, #tpu.memory_space<vmem>>) semaphore(%arg11 : memref<!tpu.dma_semaphore, #tpu.memory_space<semaphore_mem>>)
        %dma_wait3A_154 = arith.constant 0 : i32
        %dma_wait3A_155 = arith.constant 0 : i32
        %dma_wait3A_156 = tpu.memref_slice %arg6[%rem3A_127, %dma_wait3A_154, %dma_wait3A_155] : memref<2x20x125xi32, #tpu.memory_space<vmem>> -> memref<1x20x125xi32, #tpu.memory_space<vmem>>
        %dma_wait3A_157 = tpu.memref_squeeze %dma_wait3A_156 : memref<1x20x125xi32, #tpu.memory_space<vmem>> -> memref<20x125xi32, #tpu.memory_space<vmem>>
        %dma_wait3A_158 = arith.constant 0 : i32
        %dma_wait3A_159 = tpu.memref_slice %dma_wait3A_157[%mul3A_141, %dma_wait3A_158] : memref<20x125xi32, #tpu.memory_space<vmem>> -> memref<1x125xi32, #tpu.memory_space<vmem>>
        %dma_wait3A_160 = tpu.memref_squeeze %dma_wait3A_159 : memref<1x125xi32, #tpu.memory_space<vmem>> -> memref<125xi32, #tpu.memory_space<vmem>>
        %dma_wait3A_161 = arith.constant 0 : i32
        %dma_wait3A_162 = arith.constant 0 : i32
        %dma_wait3A_163 = tpu.memref_slice %arg2[%dma_wait3A_161, %dma_wait3A_162] : memref<10000x128xf32, #tpu.memory_space<hbm>> -> memref<10000x128xf32, #tpu.memory_space<hbm>>
        tpu.wait_indirect_dma semaphore(%arg10 : memref<!tpu.dma_semaphore, #tpu.memory_space<semaphore_mem>>) src(%dma_wait3A_163 : memref<10000x128xf32, #tpu.memory_space<hbm>>) dst(%arg8 : memref<125x128xf32, #tpu.memory_space<vmem>>)
        "tpu.region"() ({
          %run_scoped3A = tpu.sem_alloc : memref<!tpu.dma_semaphore, #tpu.memory_space<semaphore_mem>>
          %dma_start3A_187 = arith.constant 0 : i32
          %dma_start3A_188 = arith.constant 0 : i32
          %dma_start3A_189 = tpu.memref_slice %arg7[%rem3A_127, %dma_start3A_187, %dma_start3A_188] : memref<2x20x125xi32, #tpu.memory_space<vmem>> -> memref<1x20x125xi32, #tpu.memory_space<vmem>>
          %dma_start3A_190 = tpu.memref_squeeze %dma_start3A_189 : memref<1x20x125xi32, #tpu.memory_space<vmem>> -> memref<20x125xi32, #tpu.memory_space<vmem>>
          %dma_start3A_191 = arith.constant 0 : i32
          %dma_start3A_192 = tpu.memref_slice %dma_start3A_190[%mul3A_141, %dma_start3A_191] : memref<20x125xi32, #tpu.memory_space<vmem>> -> memref<1x125xi32, #tpu.memory_space<vmem>>
          %dma_start3A_193 = tpu.memref_squeeze %dma_start3A_192 : memref<1x125xi32, #tpu.memory_space<vmem>> -> memref<125xi32, #tpu.memory_space<vmem>>
          %dma_start3A_194 = arith.constant 0 : i32
          %dma_start3A_195 = arith.constant 0 : i32
          %dma_start3A_196 = tpu.memref_slice %arg14[%dma_start3A_194, %dma_start3A_195] : memref<10000x128xf32, #tpu.memory_space<vmem_shared>> -> memref<10000x128xf32, #tpu.memory_space<vmem_shared>>
          tpu.enqueue_indirect_dma source(%arg8 : memref<125x128xf32, #tpu.memory_space<vmem>>) target(%dma_start3A_196 : memref<10000x128xf32, #tpu.memory_space<vmem_shared>>) offsets(%dma_start3A_193 : memref<125xi32, #tpu.memory_space<vmem>>) semaphore(%run_scoped3A : memref<!tpu.dma_semaphore, #tpu.memory_space<semaphore_mem>>) {add = true}
          %dma_wait3A_197 = arith.constant 0 : i32
          %dma_wait3A_198 = arith.constant 0 : i32
          %dma_wait3A_199 = tpu.memref_slice %arg7[%rem3A_127, %dma_wait3A_197, %dma_wait3A_198] : memref<2x20x125xi32, #tpu.memory_space<vmem>> -> memref<1x20x125xi32, #tpu.memory_space<vmem>>
          %dma_wait3A_200 = tpu.memref_squeeze %dma_wait3A_199 : memref<1x20x125xi32, #tpu.memory_space<vmem>> -> memref<20x125xi32, #tpu.memory_space<vmem>>
          %dma_wait3A_201 = arith.constant 0 : i32
          %dma_wait3A_202 = tpu.memref_slice %dma_wait3A_200[%mul3A_141, %dma_wait3A_201] : memref<20x125xi32, #tpu.memory_space<vmem>> -> memref<1x125xi32, #tpu.memory_space<vmem>>
          %dma_wait3A_203 = tpu.memref_squeeze %dma_wait3A_202 : memref<1x125xi32, #tpu.memory_space<vmem>> -> memref<125xi32, #tpu.memory_space<vmem>>
          %dma_wait3A_204 = arith.constant 0 : i32
          %dma_wait3A_205 = arith.constant 0 : i32
          %dma_wait3A_206 = tpu.memref_slice %arg14[%dma_wait3A_204, %dma_wait3A_205] : memref<10000x128xf32, #tpu.memory_space<vmem_shared>> -> memref<10000x128xf32, #tpu.memory_space<vmem_shared>>
          tpu.wait_indirect_dma semaphore(%run_scoped3A : memref<!tpu.dma_semaphore, #tpu.memory_space<semaphore_mem>>) src(%arg8 : memref<125x128xf32, #tpu.memory_space<vmem>>) dst(%dma_wait3A_206 : memref<10000x128xf32, #tpu.memory_space<vmem_shared>>)
          tpu.yield
        }) : () -> ()
        %lt3A_164 = arith.constant 9 : i32
        %lt3A_165 = arith.cmpi slt, %scan3A_139, %lt3A_164 : i32
        %convert_element_type3A_166 = arith.extui %lt3A_165 : i1 to i32
        %cond3A_167 = arith.constant 0 : i32
        %cond3A_168 = arith.cmpi ne, %convert_element_type3A_166, %cond3A_167 : i32
        scf.if %cond3A_168 {
          %add3A_187 = arith.constant 2 : i32
          %add3A_188 = arith.addi %mul3A_141, %add3A_187 : i32
          %dma_start3A_189 = arith.constant 0 : i32
          %dma_start3A_190 = arith.constant 0 : i32
          %dma_start3A_191 = tpu.memref_slice %arg6[%rem3A_127, %dma_start3A_189, %dma_start3A_190] : memref<2x20x125xi32, #tpu.memory_space<vmem>> -> memref<1x20x125xi32, #tpu.memory_space<vmem>>
          %dma_start3A_192 = tpu.memref_squeeze %dma_start3A_191 : memref<1x20x125xi32, #tpu.memory_space<vmem>> -> memref<20x125xi32, #tpu.memory_space<vmem>>
          %dma_start3A_193 = arith.constant 0 : i32
          %dma_start3A_194 = tpu.memref_slice %dma_start3A_192[%add3A_188, %dma_start3A_193] : memref<20x125xi32, #tpu.memory_space<vmem>> -> memref<1x125xi32, #tpu.memory_space<vmem>>
          %dma_start3A_195 = tpu.memref_squeeze %dma_start3A_194 : memref<1x125xi32, #tpu.memory_space<vmem>> -> memref<125xi32, #tpu.memory_space<vmem>>
          %dma_start3A_196 = arith.constant 0 : i32
          %dma_start3A_197 = arith.constant 0 : i32
          %dma_start3A_198 = tpu.memref_slice %arg2[%dma_start3A_196, %dma_start3A_197] : memref<10000x128xf32, #tpu.memory_space<hbm>> -> memref<10000x128xf32, #tpu.memory_space<hbm>>
          tpu.enqueue_indirect_dma source(%dma_start3A_198 : memref<10000x128xf32, #tpu.memory_space<hbm>>) target(%arg8 : memref<125x128xf32, #tpu.memory_space<vmem>>) offsets(%dma_start3A_195 : memref<125xi32, #tpu.memory_space<vmem>>) semaphore(%arg10 : memref<!tpu.dma_semaphore, #tpu.memory_space<semaphore_mem>>)
        } else {
        }
        %eq3A = arith.constant 9 : i32
        %eq3A_169 = arith.cmpi eq, %scan3A_139, %eq3A : i32
        %add3A_170 = arith.constant 1 : i32
        %add3A_171 = arith.addi %scan3A_126, %add3A_170 : i32
        %lt3A_172 = arith.constant 4 : i32
        %lt3A_173 = arith.cmpi slt, %add3A_171, %lt3A_172 : i32
        %and3A = arith.andi %eq3A_169, %lt3A_173 : i1
        %convert_element_type3A_174 = arith.extui %and3A : i1 to i32
        %cond3A_175 = arith.constant 0 : i32
        %cond3A_176 = arith.cmpi ne, %convert_element_type3A_174, %cond3A_175 : i32
        scf.if %cond3A_176 {
          %add3A_187 = arith.constant 1 : i32
          %add3A_188 = arith.addi %scan3A_126, %add3A_187 : i32
          %mul3A_189 = arith.constant 20 : i32
          %mul3A_190 = arith.muli %add3A_188, %mul3A_189 : i32
          %dma_wait3A_191 = arith.constant 0 : i32
          %dma_wait3A_192 = arith.constant 0 : i32
          %dma_wait3A_193 = tpu.memref_slice %arg6[%sub3A_128, %dma_wait3A_191, %dma_wait3A_192] : memref<2x20x125xi32, #tpu.memory_space<vmem>> -> memref<1x20x125xi32, #tpu.memory_space<vmem>>
          %dma_wait3A_194 = tpu.memref_squeeze %dma_wait3A_193 : memref<1x20x125xi32, #tpu.memory_space<vmem>> -> memref<20x125xi32, #tpu.memory_space<vmem>>
          %dma_wait3A_195 = arith.constant 0 : i32
          %dma_wait3A_196 = arith.constant 0 : i32
          %dma_wait3A_197 = tpu.memref_slice %arg3[%add3A, %dma_wait3A_195, %dma_wait3A_196] : memref<32x80x125xi32, #tpu.memory_space<hbm>> -> memref<1x80x125xi32, #tpu.memory_space<hbm>>
          %dma_wait3A_198 = tpu.memref_squeeze %dma_wait3A_197 : memref<1x80x125xi32, #tpu.memory_space<hbm>> -> memref<80x125xi32, #tpu.memory_space<hbm>>
          %dma_wait3A_199 = arith.constant 0 : i32
          %dma_wait3A_200 = tpu.memref_slice %dma_wait3A_198[%mul3A_190, %dma_wait3A_199] : memref<80x125xi32, #tpu.memory_space<hbm>> -> memref<20x125xi32, #tpu.memory_space<hbm>>
          %dma_wait3A_201 = arith.constant 0 : i32
          %dma_wait3A_202 = arith.constant 0 : i32
          %dma_wait3A_203 = tpu.memref_slice %arg6[%sub3A_128, %dma_wait3A_201, %dma_wait3A_202] : memref<2x20x125xi32, #tpu.memory_space<vmem>> -> memref<1x20x125xi32, #tpu.memory_space<vmem>>
          %dma_wait3A_204 = tpu.memref_squeeze %dma_wait3A_203 : memref<1x20x125xi32, #tpu.memory_space<vmem>> -> memref<20x125xi32, #tpu.memory_space<vmem>>
          %dma_wait3A_205 = arith.constant 0 : i32
          %dma_wait3A_206 = arith.constant 0 : i32
          %dma_wait3A_207 = tpu.memref_slice %arg3[%add3A, %dma_wait3A_205, %dma_wait3A_206] : memref<32x80x125xi32, #tpu.memory_space<hbm>> -> memref<1x80x125xi32, #tpu.memory_space<hbm>>
          %dma_wait3A_208 = tpu.memref_squeeze %dma_wait3A_207 : memref<1x80x125xi32, #tpu.memory_space<hbm>> -> memref<80x125xi32, #tpu.memory_space<hbm>>
          %dma_wait3A_209 = arith.constant 0 : i32
          %dma_wait3A_210 = tpu.memref_slice %dma_wait3A_208[%mul3A_190, %dma_wait3A_209] : memref<80x125xi32, #tpu.memory_space<hbm>> -> memref<20x125xi32, #tpu.memory_space<hbm>>
          tpu.wait_dma2 semaphore(%arg12 : memref<!tpu.dma_semaphore, #tpu.memory_space<semaphore_mem>>) src(%dma_wait3A_210 : memref<20x125xi32, #tpu.memory_space<hbm>>) dst(%dma_wait3A_204 : memref<20x125xi32, #tpu.memory_space<vmem>>)
          %add3A_211 = arith.constant 1 : i32
          %add3A_212 = arith.addi %scan3A_126, %add3A_211 : i32
          %mul3A_213 = arith.constant 20 : i32
          %mul3A_214 = arith.muli %add3A_212, %mul3A_213 : i32
          %dma_wait3A_215 = arith.constant 0 : i32
          %dma_wait3A_216 = arith.constant 0 : i32
          %dma_wait3A_217 = tpu.memref_slice %arg7[%sub3A_128, %dma_wait3A_215, %dma_wait3A_216] : memref<2x20x125xi32, #tpu.memory_space<vmem>> -> memref<1x20x125xi32, #tpu.memory_space<vmem>>
          %dma_wait3A_218 = tpu.memref_squeeze %dma_wait3A_217 : memref<1x20x125xi32, #tpu.memory_space<vmem>> -> memref<20x125xi32, #tpu.memory_space<vmem>>
          %dma_wait3A_219 = arith.constant 0 : i32
          %dma_wait3A_220 = arith.constant 0 : i32
          %dma_wait3A_221 = tpu.memref_slice %arg4[%add3A, %dma_wait3A_219, %dma_wait3A_220] : memref<32x80x125xi32, #tpu.memory_space<hbm>> -> memref<1x80x125xi32, #tpu.memory_space<hbm>>
          %dma_wait3A_222 = tpu.memref_squeeze %dma_wait3A_221 : memref<1x80x125xi32, #tpu.memory_space<hbm>> -> memref<80x125xi32, #tpu.memory_space<hbm>>
          %dma_wait3A_223 = arith.constant 0 : i32
          %dma_wait3A_224 = tpu.memref_slice %dma_wait3A_222[%mul3A_214, %dma_wait3A_223] : memref<80x125xi32, #tpu.memory_space<hbm>> -> memref<20x125xi32, #tpu.memory_space<hbm>>
          %dma_wait3A_225 = arith.constant 0 : i32
          %dma_wait3A_226 = arith.constant 0 : i32
          %dma_wait3A_227 = tpu.memref_slice %arg7[%sub3A_128, %dma_wait3A_225, %dma_wait3A_226] : memref<2x20x125xi32, #tpu.memory_space<vmem>> -> memref<1x20x125xi32, #tpu.memory_space<vmem>>
          %dma_wait3A_228 = tpu.memref_squeeze %dma_wait3A_227 : memref<1x20x125xi32, #tpu.memory_space<vmem>> -> memref<20x125xi32, #tpu.memory_space<vmem>>
          %dma_wait3A_229 = arith.constant 0 : i32
          %dma_wait3A_230 = arith.constant 0 : i32
          %dma_wait3A_231 = tpu.memref_slice %arg4[%add3A, %dma_wait3A_229, %dma_wait3A_230] : memref<32x80x125xi32, #tpu.memory_space<hbm>> -> memref<1x80x125xi32, #tpu.memory_space<hbm>>
          %dma_wait3A_232 = tpu.memref_squeeze %dma_wait3A_231 : memref<1x80x125xi32, #tpu.memory_space<hbm>> -> memref<80x125xi32, #tpu.memory_space<hbm>>
          %dma_wait3A_233 = arith.constant 0 : i32
          %dma_wait3A_234 = tpu.memref_slice %dma_wait3A_232[%mul3A_214, %dma_wait3A_233] : memref<80x125xi32, #tpu.memory_space<hbm>> -> memref<20x125xi32, #tpu.memory_space<hbm>>
          tpu.wait_dma2 semaphore(%arg13 : memref<!tpu.dma_semaphore, #tpu.memory_space<semaphore_mem>>) src(%dma_wait3A_234 : memref<20x125xi32, #tpu.memory_space<hbm>>) dst(%dma_wait3A_228 : memref<20x125xi32, #tpu.memory_space<vmem>>)
          %dma_start3A_235 = arith.constant 0 : i32
          %dma_start3A_236 = arith.constant 0 : i32
          %dma_start3A_237 = arith.constant 0 : i32
          %dma_start3A_238 = tpu.memref_slice %arg6[%sub3A_128, %dma_start3A_236, %dma_start3A_237] : memref<2x20x125xi32, #tpu.memory_space<vmem>> -> memref<1x20x125xi32, #tpu.memory_space<vmem>>
          %dma_start3A_239 = tpu.memref_squeeze %dma_start3A_238 : memref<1x20x125xi32, #tpu.memory_space<vmem>> -> memref<20x125xi32, #tpu.memory_space<vmem>>
          %dma_start3A_240 = arith.constant 0 : i32
          %dma_start3A_241 = tpu.memref_slice %dma_start3A_239[%dma_start3A_235, %dma_start3A_240] : memref<20x125xi32, #tpu.memory_space<vmem>> -> memref<1x125xi32, #tpu.memory_space<vmem>>
          %dma_start3A_242 = tpu.memref_squeeze %dma_start3A_241 : memref<1x125xi32, #tpu.memory_space<vmem>> -> memref<125xi32, #tpu.memory_space<vmem>>
          %dma_start3A_243 = arith.constant 0 : i32
          %dma_start3A_244 = arith.constant 0 : i32
          %dma_start3A_245 = tpu.memref_slice %arg2[%dma_start3A_243, %dma_start3A_244] : memref<10000x128xf32, #tpu.memory_space<hbm>> -> memref<10000x128xf32, #tpu.memory_space<hbm>>
          tpu.enqueue_indirect_dma source(%dma_start3A_245 : memref<10000x128xf32, #tpu.memory_space<hbm>>) target(%arg8 : memref<125x128xf32, #tpu.memory_space<vmem>>) offsets(%dma_start3A_242 : memref<125xi32, #tpu.memory_space<vmem>>) semaphore(%arg10 : memref<!tpu.dma_semaphore, #tpu.memory_space<semaphore_mem>>)
        } else {
        }
        %dma_wait3A_177 = arith.constant 0 : i32
        %dma_wait3A_178 = arith.constant 0 : i32
        %dma_wait3A_179 = tpu.memref_slice %arg6[%rem3A_127, %dma_wait3A_177, %dma_wait3A_178] : memref<2x20x125xi32, #tpu.memory_space<vmem>> -> memref<1x20x125xi32, #tpu.memory_space<vmem>>
        %dma_wait3A_180 = tpu.memref_squeeze %dma_wait3A_179 : memref<1x20x125xi32, #tpu.memory_space<vmem>> -> memref<20x125xi32, #tpu.memory_space<vmem>>
        %dma_wait3A_181 = arith.constant 0 : i32
        %dma_wait3A_182 = tpu.memref_slice %dma_wait3A_180[%add3A_143, %dma_wait3A_181] : memref<20x125xi32, #tpu.memory_space<vmem>> -> memref<1x125xi32, #tpu.memory_space<vmem>>
        %dma_wait3A_183 = tpu.memref_squeeze %dma_wait3A_182 : memref<1x125xi32, #tpu.memory_space<vmem>> -> memref<125xi32, #tpu.memory_space<vmem>>
        %dma_wait3A_184 = arith.constant 0 : i32
        %dma_wait3A_185 = arith.constant 0 : i32
        %dma_wait3A_186 = tpu.memref_slice %arg2[%dma_wait3A_184, %dma_wait3A_185] : memref<10000x128xf32, #tpu.memory_space<hbm>> -> memref<10000x128xf32, #tpu.memory_space<hbm>>
        tpu.wait_indirect_dma semaphore(%arg11 : memref<!tpu.dma_semaphore, #tpu.memory_space<semaphore_mem>>) src(%dma_wait3A_186 : memref<10000x128xf32, #tpu.memory_space<hbm>>) dst(%arg9 : memref<125x128xf32, #tpu.memory_space<vmem>>)
        "tpu.region"() ({
          %run_scoped3A = tpu.sem_alloc : memref<!tpu.dma_semaphore, #tpu.memory_space<semaphore_mem>>
          %dma_start3A_187 = arith.constant 0 : i32
          %dma_start3A_188 = arith.constant 0 : i32
          %dma_start3A_189 = tpu.memref_slice %arg7[%rem3A_127, %dma_start3A_187, %dma_start3A_188] : memref<2x20x125xi32, #tpu.memory_space<vmem>> -> memref<1x20x125xi32, #tpu.memory_space<vmem>>
          %dma_start3A_190 = tpu.memref_squeeze %dma_start3A_189 : memref<1x20x125xi32, #tpu.memory_space<vmem>> -> memref<20x125xi32, #tpu.memory_space<vmem>>
          %dma_start3A_191 = arith.constant 0 : i32
          %dma_start3A_192 = tpu.memref_slice %dma_start3A_190[%add3A_143, %dma_start3A_191] : memref<20x125xi32, #tpu.memory_space<vmem>> -> memref<1x125xi32, #tpu.memory_space<vmem>>
          %dma_start3A_193 = tpu.memref_squeeze %dma_start3A_192 : memref<1x125xi32, #tpu.memory_space<vmem>> -> memref<125xi32, #tpu.memory_space<vmem>>
          %dma_start3A_194 = arith.constant 0 : i32
          %dma_start3A_195 = arith.constant 0 : i32
          %dma_start3A_196 = tpu.memref_slice %arg14[%dma_start3A_194, %dma_start3A_195] : memref<10000x128xf32, #tpu.memory_space<vmem_shared>> -> memref<10000x128xf32, #tpu.memory_space<vmem_shared>>
          tpu.enqueue_indirect_dma source(%arg9 : memref<125x128xf32, #tpu.memory_space<vmem>>) target(%dma_start3A_196 : memref<10000x128xf32, #tpu.memory_space<vmem_shared>>) offsets(%dma_start3A_193 : memref<125xi32, #tpu.memory_space<vmem>>) semaphore(%run_scoped3A : memref<!tpu.dma_semaphore, #tpu.memory_space<semaphore_mem>>) {add = true}
          %dma_wait3A_197 = arith.constant 0 : i32
          %dma_wait3A_198 = arith.constant 0 : i32
          %dma_wait3A_199 = tpu.memref_slice %arg7[%rem3A_127, %dma_wait3A_197, %dma_wait3A_198] : memref<2x20x125xi32, #tpu.memory_space<vmem>> -> memref<1x20x125xi32, #tpu.memory_space<vmem>>
          %dma_wait3A_200 = tpu.memref_squeeze %dma_wait3A_199 : memref<1x20x125xi32, #tpu.memory_space<vmem>> -> memref<20x125xi32, #tpu.memory_space<vmem>>
          %dma_wait3A_201 = arith.constant 0 : i32
          %dma_wait3A_202 = tpu.memref_slice %dma_wait3A_200[%add3A_143, %dma_wait3A_201] : memref<20x125xi32, #tpu.memory_space<vmem>> -> memref<1x125xi32, #tpu.memory_space<vmem>>
          %dma_wait3A_203 = tpu.memref_squeeze %dma_wait3A_202 : memref<1x125xi32, #tpu.memory_space<vmem>> -> memref<125xi32, #tpu.memory_space<vmem>>
          %dma_wait3A_204 = arith.constant 0 : i32
          %dma_wait3A_205 = arith.constant 0 : i32
          %dma_wait3A_206 = tpu.memref_slice %arg14[%dma_wait3A_204, %dma_wait3A_205] : memref<10000x128xf32, #tpu.memory_space<vmem_shared>> -> memref<10000x128xf32, #tpu.memory_space<vmem_shared>>
          tpu.wait_indirect_dma semaphore(%run_scoped3A : memref<!tpu.dma_semaphore, #tpu.memory_space<semaphore_mem>>) src(%arg9 : memref<125x128xf32, #tpu.memory_space<vmem>>) dst(%dma_wait3A_206 : memref<10000x128xf32, #tpu.memory_space<vmem_shared>>)
          tpu.yield
        }) : () -> ()
      }
      %scan3A_138 = arith.constant 10 : i32
    }
    %scan3A_120 = arith.constant 4 : i32
    %barrier3A_121 = arith.constant 0 : index
    tpu.barrier barrier_id(%barrier3A_121)
    %mul3A_122 = arith.constant 625 : i32
    %mul3A_123 = arith.muli %arg1, %mul3A_122 : i32
    %mul3A_124 = arith.constant 625 : i32
    %mul3A_125 = arith.muli %arg1, %mul3A_124 : i32
    "tpu.region"() ({
      %run_scoped3A = tpu.sem_alloc : memref<!tpu.dma_semaphore, #tpu.memory_space<semaphore_mem>>
      %dma_start3A_126 = arith.constant 0 : i32
      %dma_start3A_127 = arith.constant 0 : i32
      %dma_start3A_128 = tpu.memref_slice %arg5[%arg0, %dma_start3A_126, %dma_start3A_127] : memref<2x10000x128xf32, #tpu.memory_space<hbm>> -> memref<1x10000x128xf32, #tpu.memory_space<hbm>>
      %dma_start3A_129 = tpu.memref_squeeze %dma_start3A_128 : memref<1x10000x128xf32, #tpu.memory_space<hbm>> -> memref<10000x128xf32, #tpu.memory_space<hbm>>
      %dma_start3A_130 = arith.constant 0 : i32
      %dma_start3A_131 = tpu.memref_slice %dma_start3A_129[%mul3A_125, %dma_start3A_130] : memref<10000x128xf32, #tpu.memory_space<hbm>> -> memref<625x128xf32, #tpu.memory_space<hbm>>
      %dma_start3A_132 = arith.constant 0 : i32
      %dma_start3A_133 = tpu.memref_slice %arg14[%mul3A_123, %dma_start3A_132] : memref<10000x128xf32, #tpu.memory_space<vmem_shared>> -> memref<625x128xf32, #tpu.memory_space<vmem_shared>>
      tpu.enqueue_dma source(%dma_start3A_133 : memref<625x128xf32, #tpu.memory_space<vmem_shared>>) target(%dma_start3A_131 : memref<625x128xf32, #tpu.memory_space<hbm>>) target_semaphore(%run_scoped3A : memref<!tpu.dma_semaphore, #tpu.memory_space<semaphore_mem>>)
      %dma_wait3A_134 = arith.constant 0 : i32
      %dma_wait3A_135 = arith.constant 0 : i32
      %dma_wait3A_136 = tpu.memref_slice %arg5[%arg0, %dma_wait3A_134, %dma_wait3A_135] : memref<2x10000x128xf32, #tpu.memory_space<hbm>> -> memref<1x10000x128xf32, #tpu.memory_space<hbm>>
      %dma_wait3A_137 = tpu.memref_squeeze %dma_wait3A_136 : memref<1x10000x128xf32, #tpu.memory_space<hbm>> -> memref<10000x128xf32, #tpu.memory_space<hbm>>
      %dma_wait3A_138 = arith.constant 0 : i32
      %dma_wait3A_139 = tpu.memref_slice %dma_wait3A_137[%mul3A_125, %dma_wait3A_138] : memref<10000x128xf32, #tpu.memory_space<hbm>> -> memref<625x128xf32, #tpu.memory_space<hbm>>
      %dma_wait3A_140 = arith.constant 0 : i32
      %dma_wait3A_141 = tpu.memref_slice %arg14[%mul3A_123, %dma_wait3A_140] : memref<10000x128xf32, #tpu.memory_space<vmem_shared>> -> memref<625x128xf32, #tpu.memory_space<vmem_shared>>
      tpu.wait_dma2 semaphore(%run_scoped3A : memref<!tpu.dma_semaphore, #tpu.memory_space<semaphore_mem>>) src(%dma_wait3A_141 : memref<625x128xf32, #tpu.memory_space<vmem_shared>>) dst(%dma_wait3A_139 : memref<625x128xf32, #tpu.memory_space<hbm>>)
      tpu.yield
    }) : () -> ()
    return
  }
}

module attributes {stable_mosaic.version = 14 : i64} {
  func.func @_c1_body(%arg0: i32, %arg1: memref<2x5000x128xf32, #tpu.memory_space<vmem>>, %arg2: memref<2x5000x16xf32, #tpu.memory_space<vmem>>, %arg3: memref<5000x128xf32, #tpu.memory_space<vmem>>, %arg4: memref<128x128xf32, #tpu.memory_space<vmem>>, %arg5: memref<128x128xf32, #tpu.memory_space<vmem>>, %arg6: memref<1x128xf32, #tpu.memory_space<vmem>>, %arg7: memref<5000x128xf32, #tpu.memory_space<vmem>>, %arg8: memref<5000x1xf32, #tpu.memory_space<vmem>>) attributes {dimension_semantics = [#tpu.dimension_semantics<arbitrary>], iteration_bounds = array<i64: 2>, scalar_prefetch = 0 : i64, scratch_operands = 0 : i64, tpu.core_type = #tpu.core_type<tc>, window_params = [{transform_indices = @transform_0, window_bounds = array<i64: 2, 5000, 128>}, {transform_indices = @transform_1, window_bounds = array<i64: 2, 5000, 16>}, {transform_indices = @transform_2, window_bounds = array<i64: 5000, 128>}, {pipeline_mode = #tpu.pipeline_mode<synchronous>, transform_indices = @transform_3, window_bounds = array<i64: 128, 128>}, {pipeline_mode = #tpu.pipeline_mode<synchronous>, transform_indices = @transform_4, window_bounds = array<i64: 128, 128>}, {pipeline_mode = #tpu.pipeline_mode<synchronous>, transform_indices = @transform_5, window_bounds = array<i64: 1, 128>}, {transform_indices = @transform_6, window_bounds = array<i64: 5000, 128>}, {transform_indices = @transform_7, window_bounds = array<i64: 5000, 1>}]} {
    %get3A = arith.constant 0 : index
    %get3A_0 = arith.constant 0 : index
    %get3A_1 = arith.constant 0 : index
    %get3A_2 = vector.load %arg2[%get3A, %get3A_0, %get3A_1] : memref<2x5000x16xf32, #tpu.memory_space<vmem>>, vector<1x5000x1xf32>
    %get3A_3 = vector.shape_cast %get3A_2 : vector<1x5000x1xf32> to vector<5000x1xf32>
    %get3A_4 = arith.constant 1 : index
    %get3A_5 = arith.constant 0 : index
    %get3A_6 = arith.constant 0 : index
    %get3A_7 = vector.load %arg2[%get3A_4, %get3A_5, %get3A_6] : memref<2x5000x16xf32, #tpu.memory_space<vmem>>, vector<1x5000x1xf32>
    %get3A_8 = vector.shape_cast %get3A_7 : vector<1x5000x1xf32> to vector<5000x1xf32>
    %add3A = arith.addf %get3A_3, %get3A_8 : vector<5000x1xf32>
    %max3A = arith.constant 1.000000e+00 : f32
    %max3A_9 = vector.broadcast %max3A : f32 to vector<5000x1xf32>
    %max3A_10 = arith.maximumf %add3A, %max3A_9 : vector<5000x1xf32>
    %div3A = arith.constant 1.000000e+00 : f32
    %div3A_11 = vector.broadcast %div3A : f32 to vector<5000x1xf32>
    %div3A_12 = arith.divf %div3A_11, %max3A_10 : vector<5000x1xf32>
    %get3A_13 = arith.constant 0 : index
    %get3A_14 = arith.constant 0 : index
    %get3A_15 = arith.constant 0 : index
    %get3A_16 = vector.load %arg1[%get3A_13, %get3A_14, %get3A_15] : memref<2x5000x128xf32, #tpu.memory_space<vmem>>, vector<1x5000x128xf32>
    %get3A_17 = vector.shape_cast %get3A_16 : vector<1x5000x128xf32> to vector<5000x128xf32>
    %get3A_18 = arith.constant 1 : index
    %get3A_19 = arith.constant 0 : index
    %get3A_20 = arith.constant 0 : index
    %get3A_21 = vector.load %arg1[%get3A_18, %get3A_19, %get3A_20] : memref<2x5000x128xf32, #tpu.memory_space<vmem>>, vector<1x5000x128xf32>
    %get3A_22 = vector.shape_cast %get3A_21 : vector<1x5000x128xf32> to vector<5000x128xf32>
    %add3A_23 = arith.addf %get3A_17, %get3A_22 : vector<5000x128xf32>
    %mul3A = vector.broadcast %div3A_12 : vector<5000x1xf32> to vector<5000x128xf32>
    %mul3A_24 = arith.mulf %add3A_23, %mul3A : vector<5000x128xf32>
    %get3A_25 = arith.constant 0 : index
    %get3A_26 = arith.constant 0 : index
    %get3A_27 = vector.load %arg4[%get3A_25, %get3A_26] : memref<128x128xf32, #tpu.memory_space<vmem>>, vector<128x128xf32>
    %dot_general3A = arith.constant dense<0.000000e+00> : vector<5000x128xf32>
    %dot_general3A_28 = tpu.matmul %mul3A_24, %get3A_27, %dot_general3A {dimension_numbers = #tpu.dot_dimension_numbers<[1], [0], [0], [1], [0, 0, 1, 1], [], []>, transpose_lhs_hint = false} : vector<5000x128xf32>, vector<128x128xf32>, vector<5000x128xf32> -> vector<5000x128xf32>
    %get3A_29 = arith.constant 0 : index
    %get3A_30 = arith.constant 0 : index
    %get3A_31 = vector.load %arg3[%get3A_29, %get3A_30] : memref<5000x128xf32, #tpu.memory_space<vmem>>, vector<5000x128xf32>
    %get3A_32 = arith.constant 0 : index
    %get3A_33 = arith.constant 0 : index
    %get3A_34 = vector.load %arg5[%get3A_32, %get3A_33] : memref<128x128xf32, #tpu.memory_space<vmem>>, vector<128x128xf32>
    %dot_general3A_35 = arith.constant dense<0.000000e+00> : vector<5000x128xf32>
    %dot_general3A_36 = tpu.matmul %get3A_31, %get3A_34, %dot_general3A_35 {dimension_numbers = #tpu.dot_dimension_numbers<[1], [0], [0], [1], [0, 0, 1, 1], [], []>, transpose_lhs_hint = false} : vector<5000x128xf32>, vector<128x128xf32>, vector<5000x128xf32> -> vector<5000x128xf32>
    %add3A_37 = arith.addf %dot_general3A_28, %dot_general3A_36 : vector<5000x128xf32>
    %get3A_38 = arith.constant 0 : index
    %get3A_39 = arith.constant 0 : index
    %get3A_40 = vector.load %arg6[%get3A_38, %get3A_39] : memref<1x128xf32, #tpu.memory_space<vmem>>, vector<1x128xf32>
    %add3A_41 = vector.broadcast %get3A_40 : vector<1x128xf32> to vector<5000x128xf32>
    %add3A_42 = arith.addf %add3A_37, %add3A_41 : vector<5000x128xf32>
    %max3A_43 = arith.constant 0.000000e+00 : f32
    %max3A_44 = vector.broadcast %max3A_43 : f32 to vector<5000x128xf32>
    %max3A_45 = arith.maximumf %add3A_42, %max3A_44 : vector<5000x128xf32>
    %swap3A = arith.constant 0 : index
    %swap3A_46 = arith.constant 0 : index
    %swap3A_47 = vector.load %arg7[%swap3A, %swap3A_46] : memref<5000x128xf32, #tpu.memory_space<vmem>>, vector<5000x128xf32>
    tpu.vector_store %arg7[%swap3A, %swap3A_46], %max3A_45 {strides = array<i32>} : memref<5000x128xf32, #tpu.memory_space<vmem>>, vector<5000x128xf32>,
    %swap3A_48 = arith.constant 0 : index
    %swap3A_49 = arith.constant 0 : index
    %swap3A_50 = vector.load %arg8[%swap3A_48, %swap3A_49] : memref<5000x1xf32, #tpu.memory_space<vmem>>, vector<5000x1xf32>
    tpu.vector_store %arg8[%swap3A_48, %swap3A_49], %div3A_12 {strides = array<i32>} : memref<5000x1xf32, #tpu.memory_space<vmem>>, vector<5000x1xf32>,
    return
  }
  func.func @transform_0(%arg0: i32) -> (i32, i32, i32) {
    %c0_i32 = arith.constant 0 : i32
    %c0_i32_0 = arith.constant 0 : i32
    %c0_i32_1 = arith.constant 0 : i32
    return %c0_i32, %arg0, %c0_i32_0 : i32, i32, i32
  }
  func.func @transform_1(%arg0: i32) -> (i32, i32, i32) {
    %c0_i32 = arith.constant 0 : i32
    %c0_i32_0 = arith.constant 0 : i32
    %c0_i32_1 = arith.constant 0 : i32
    return %c0_i32, %arg0, %c0_i32_0 : i32, i32, i32
  }
  func.func @transform_2(%arg0: i32) -> (i32, i32) {
    %c0_i32 = arith.constant 0 : i32
    %c0_i32_0 = arith.constant 0 : i32
    return %arg0, %c0_i32 : i32, i32
  }
  func.func @transform_3(%arg0: i32) -> (i32, i32) {
    %c0_i32 = arith.constant 0 : i32
    %c0_i32_0 = arith.constant 0 : i32
    %c0_i32_1 = arith.constant 0 : i32
    return %c0_i32, %c0_i32_0 : i32, i32
  }
  func.func @transform_4(%arg0: i32) -> (i32, i32) {
    %c0_i32 = arith.constant 0 : i32
    %c0_i32_0 = arith.constant 0 : i32
    %c0_i32_1 = arith.constant 0 : i32
    return %c0_i32, %c0_i32_0 : i32, i32
  }
  func.func @transform_5(%arg0: i32) -> (i32, i32) {
    %c0_i32 = arith.constant 0 : i32
    %c0_i32_0 = arith.constant 0 : i32
    %c0_i32_1 = arith.constant 0 : i32
    return %c0_i32, %c0_i32_0 : i32, i32
  }
  func.func @transform_6(%arg0: i32) -> (i32, i32) {
    %c0_i32 = arith.constant 0 : i32
    %c0_i32_0 = arith.constant 0 : i32
    return %arg0, %c0_i32 : i32, i32
  }
  func.func @transform_7(%arg0: i32) -> (i32, i32) {
    %c0_i32 = arith.constant 0 : i32
    %c0_i32_0 = arith.constant 0 : i32
    return %arg0, %c0_i32 : i32, i32
  }
}

module attributes {stable_mosaic.version = 14 : i64} {
  func.func @_c2_body(%arg0: i32, %arg1: memref<2x5000x128xf32, #tpu.memory_space<vmem>>, %arg2: memref<5000x128xf32, #tpu.memory_space<vmem>>, %arg3: memref<5000x1xf32, #tpu.memory_space<vmem>>, %arg4: memref<128x128xf32, #tpu.memory_space<vmem>>, %arg5: memref<128x128xf32, #tpu.memory_space<vmem>>, %arg6: memref<1x128xf32, #tpu.memory_space<vmem>>, %arg7: memref<5000x128xf32, #tpu.memory_space<vmem>>) attributes {dimension_semantics = [#tpu.dimension_semantics<arbitrary>], iteration_bounds = array<i64: 2>, scalar_prefetch = 0 : i64, scratch_operands = 0 : i64, tpu.core_type = #tpu.core_type<tc>, window_params = [{transform_indices = @transform_0, window_bounds = array<i64: 2, 5000, 128>}, {transform_indices = @transform_1, window_bounds = array<i64: 5000, 128>}, {transform_indices = @transform_2, window_bounds = array<i64: 5000, 1>}, {pipeline_mode = #tpu.pipeline_mode<synchronous>, transform_indices = @transform_3, window_bounds = array<i64: 128, 128>}, {pipeline_mode = #tpu.pipeline_mode<synchronous>, transform_indices = @transform_4, window_bounds = array<i64: 128, 128>}, {pipeline_mode = #tpu.pipeline_mode<synchronous>, transform_indices = @transform_5, window_bounds = array<i64: 1, 128>}, {transform_indices = @transform_6, window_bounds = array<i64: 5000, 128>}]} {
    %get3A = arith.constant 0 : index
    %get3A_0 = arith.constant 0 : index
    %get3A_1 = arith.constant 0 : index
    %get3A_2 = vector.load %arg1[%get3A, %get3A_0, %get3A_1] : memref<2x5000x128xf32, #tpu.memory_space<vmem>>, vector<1x5000x128xf32>
    %get3A_3 = vector.shape_cast %get3A_2 : vector<1x5000x128xf32> to vector<5000x128xf32>
    %get3A_4 = arith.constant 1 : index
    %get3A_5 = arith.constant 0 : index
    %get3A_6 = arith.constant 0 : index
    %get3A_7 = vector.load %arg1[%get3A_4, %get3A_5, %get3A_6] : memref<2x5000x128xf32, #tpu.memory_space<vmem>>, vector<1x5000x128xf32>
    %get3A_8 = vector.shape_cast %get3A_7 : vector<1x5000x128xf32> to vector<5000x128xf32>
    %add3A = arith.addf %get3A_3, %get3A_8 : vector<5000x128xf32>
    %get3A_9 = arith.constant 0 : index
    %get3A_10 = arith.constant 0 : index
    %get3A_11 = vector.load %arg3[%get3A_9, %get3A_10] : memref<5000x1xf32, #tpu.memory_space<vmem>>, vector<5000x1xf32>
    %mul3A = vector.broadcast %get3A_11 : vector<5000x1xf32> to vector<5000x128xf32>
    %mul3A_12 = arith.mulf %add3A, %mul3A : vector<5000x128xf32>
    %get3A_13 = arith.constant 0 : index
    %get3A_14 = arith.constant 0 : index
    %get3A_15 = vector.load %arg4[%get3A_13, %get3A_14] : memref<128x128xf32, #tpu.memory_space<vmem>>, vector<128x128xf32>
    %dot_general3A = arith.constant dense<0.000000e+00> : vector<5000x128xf32>
    %dot_general3A_16 = tpu.matmul %mul3A_12, %get3A_15, %dot_general3A {dimension_numbers = #tpu.dot_dimension_numbers<[1], [0], [0], [1], [0, 0, 1, 1], [], []>, transpose_lhs_hint = false} : vector<5000x128xf32>, vector<128x128xf32>, vector<5000x128xf32> -> vector<5000x128xf32>
    %get3A_17 = arith.constant 0 : index
    %get3A_18 = arith.constant 0 : index
    %get3A_19 = vector.load %arg2[%get3A_17, %get3A_18] : memref<5000x128xf32, #tpu.memory_space<vmem>>, vector<5000x128xf32>
    %get3A_20 = arith.constant 0 : index
    %get3A_21 = arith.constant 0 : index
    %get3A_22 = vector.load %arg5[%get3A_20, %get3A_21] : memref<128x128xf32, #tpu.memory_space<vmem>>, vector<128x128xf32>
    %dot_general3A_23 = arith.constant dense<0.000000e+00> : vector<5000x128xf32>
    %dot_general3A_24 = tpu.matmul %get3A_19, %get3A_22, %dot_general3A_23 {dimension_numbers = #tpu.dot_dimension_numbers<[1], [0], [0], [1], [0, 0, 1, 1], [], []>, transpose_lhs_hint = false} : vector<5000x128xf32>, vector<128x128xf32>, vector<5000x128xf32> -> vector<5000x128xf32>
    %add3A_25 = arith.addf %dot_general3A_16, %dot_general3A_24 : vector<5000x128xf32>
    %get3A_26 = arith.constant 0 : index
    %get3A_27 = arith.constant 0 : index
    %get3A_28 = vector.load %arg6[%get3A_26, %get3A_27] : memref<1x128xf32, #tpu.memory_space<vmem>>, vector<1x128xf32>
    %add3A_29 = vector.broadcast %get3A_28 : vector<1x128xf32> to vector<5000x128xf32>
    %add3A_30 = arith.addf %add3A_25, %add3A_29 : vector<5000x128xf32>
    %max3A = arith.constant 0.000000e+00 : f32
    %max3A_31 = vector.broadcast %max3A : f32 to vector<5000x128xf32>
    %max3A_32 = arith.maximumf %add3A_30, %max3A_31 : vector<5000x128xf32>
    %swap3A = arith.constant 0 : index
    %swap3A_33 = arith.constant 0 : index
    %swap3A_34 = vector.load %arg7[%swap3A, %swap3A_33] : memref<5000x128xf32, #tpu.memory_space<vmem>>, vector<5000x128xf32>
    tpu.vector_store %arg7[%swap3A, %swap3A_33], %max3A_32 {strides = array<i32>} : memref<5000x128xf32, #tpu.memory_space<vmem>>, vector<5000x128xf32>,
    return
  }
  func.func @transform_0(%arg0: i32) -> (i32, i32, i32) {
    %c0_i32 = arith.constant 0 : i32
    %c0_i32_0 = arith.constant 0 : i32
    %c0_i32_1 = arith.constant 0 : i32
    return %c0_i32, %arg0, %c0_i32_0 : i32, i32, i32
  }
  func.func @transform_1(%arg0: i32) -> (i32, i32) {
    %c0_i32 = arith.constant 0 : i32
    %c0_i32_0 = arith.constant 0 : i32
    return %arg0, %c0_i32 : i32, i32
  }
  func.func @transform_2(%arg0: i32) -> (i32, i32) {
    %c0_i32 = arith.constant 0 : i32
    %c0_i32_0 = arith.constant 0 : i32
    return %arg0, %c0_i32 : i32, i32
  }
  func.func @transform_3(%arg0: i32) -> (i32, i32) {
    %c0_i32 = arith.constant 0 : i32
    %c0_i32_0 = arith.constant 0 : i32
    %c0_i32_1 = arith.constant 0 : i32
    return %c0_i32, %c0_i32_0 : i32, i32
  }
  func.func @transform_4(%arg0: i32) -> (i32, i32) {
    %c0_i32 = arith.constant 0 : i32
    %c0_i32_0 = arith.constant 0 : i32
    %c0_i32_1 = arith.constant 0 : i32
    return %c0_i32, %c0_i32_0 : i32, i32
  }
  func.func @transform_5(%arg0: i32) -> (i32, i32) {
    %c0_i32 = arith.constant 0 : i32
    %c0_i32_0 = arith.constant 0 : i32
    %c0_i32_1 = arith.constant 0 : i32
    return %c0_i32, %c0_i32_0 : i32, i32
  }
  func.func @transform_6(%arg0: i32) -> (i32, i32) {
    %c0_i32 = arith.constant 0 : i32
    %c0_i32_0 = arith.constant 0 : i32
    return %arg0, %c0_i32 : i32, i32
  }
}

module attributes {stable_mosaic.version = 14 : i64} {
  func.func @_c3_body(%arg0: i32, %arg1: memref<2x5000x128xf32, #tpu.memory_space<vmem>>, %arg2: memref<5000x128xf32, #tpu.memory_space<vmem>>, %arg3: memref<5000x1xf32, #tpu.memory_space<vmem>>, %arg4: memref<128x128xf32, #tpu.memory_space<vmem>>, %arg5: memref<128x128xf32, #tpu.memory_space<vmem>>, %arg6: memref<1x128xf32, #tpu.memory_space<vmem>>, %arg7: memref<128x40xf32, #tpu.memory_space<vmem>>, %arg8: memref<1x40xf32, #tpu.memory_space<vmem>>, %arg9: memref<5000x40xf32, #tpu.memory_space<vmem>>) attributes {dimension_semantics = [#tpu.dimension_semantics<arbitrary>], iteration_bounds = array<i64: 2>, scalar_prefetch = 0 : i64, scratch_operands = 0 : i64, tpu.core_type = #tpu.core_type<tc>, window_params = [{transform_indices = @transform_0, window_bounds = array<i64: 2, 5000, 128>}, {transform_indices = @transform_1, window_bounds = array<i64: 5000, 128>}, {transform_indices = @transform_2, window_bounds = array<i64: 5000, 1>}, {pipeline_mode = #tpu.pipeline_mode<synchronous>, transform_indices = @transform_3, window_bounds = array<i64: 128, 128>}, {pipeline_mode = #tpu.pipeline_mode<synchronous>, transform_indices = @transform_4, window_bounds = array<i64: 128, 128>}, {pipeline_mode = #tpu.pipeline_mode<synchronous>, transform_indices = @transform_5, window_bounds = array<i64: 1, 128>}, {pipeline_mode = #tpu.pipeline_mode<synchronous>, transform_indices = @transform_6, window_bounds = array<i64: 128, 40>}, {pipeline_mode = #tpu.pipeline_mode<synchronous>, transform_indices = @transform_7, window_bounds = array<i64: 1, 40>}, {transform_indices = @transform_8, window_bounds = array<i64: 5000, 40>}]} {
    %get3A = arith.constant 0 : index
    %get3A_0 = arith.constant 0 : index
    %get3A_1 = arith.constant 0 : index
    %get3A_2 = vector.load %arg1[%get3A, %get3A_0, %get3A_1] : memref<2x5000x128xf32, #tpu.memory_space<vmem>>, vector<1x5000x128xf32>
    %get3A_3 = vector.shape_cast %get3A_2 : vector<1x5000x128xf32> to vector<5000x128xf32>
    %get3A_4 = arith.constant 1 : index
    %get3A_5 = arith.constant 0 : index
    %get3A_6 = arith.constant 0 : index
    %get3A_7 = vector.load %arg1[%get3A_4, %get3A_5, %get3A_6] : memref<2x5000x128xf32, #tpu.memory_space<vmem>>, vector<1x5000x128xf32>
    %get3A_8 = vector.shape_cast %get3A_7 : vector<1x5000x128xf32> to vector<5000x128xf32>
    %add3A = arith.addf %get3A_3, %get3A_8 : vector<5000x128xf32>
    %get3A_9 = arith.constant 0 : index
    %get3A_10 = arith.constant 0 : index
    %get3A_11 = vector.load %arg3[%get3A_9, %get3A_10] : memref<5000x1xf32, #tpu.memory_space<vmem>>, vector<5000x1xf32>
    %mul3A = vector.broadcast %get3A_11 : vector<5000x1xf32> to vector<5000x128xf32>
    %mul3A_12 = arith.mulf %add3A, %mul3A : vector<5000x128xf32>
    %get3A_13 = arith.constant 0 : index
    %get3A_14 = arith.constant 0 : index
    %get3A_15 = vector.load %arg4[%get3A_13, %get3A_14] : memref<128x128xf32, #tpu.memory_space<vmem>>, vector<128x128xf32>
    %dot_general3A = arith.constant dense<0.000000e+00> : vector<5000x128xf32>
    %dot_general3A_16 = tpu.matmul %mul3A_12, %get3A_15, %dot_general3A {dimension_numbers = #tpu.dot_dimension_numbers<[1], [0], [0], [1], [0, 0, 1, 1], [], []>, transpose_lhs_hint = false} : vector<5000x128xf32>, vector<128x128xf32>, vector<5000x128xf32> -> vector<5000x128xf32>
    %get3A_17 = arith.constant 0 : index
    %get3A_18 = arith.constant 0 : index
    %get3A_19 = vector.load %arg2[%get3A_17, %get3A_18] : memref<5000x128xf32, #tpu.memory_space<vmem>>, vector<5000x128xf32>
    %get3A_20 = arith.constant 0 : index
    %get3A_21 = arith.constant 0 : index
    %get3A_22 = vector.load %arg5[%get3A_20, %get3A_21] : memref<128x128xf32, #tpu.memory_space<vmem>>, vector<128x128xf32>
    %dot_general3A_23 = arith.constant dense<0.000000e+00> : vector<5000x128xf32>
    %dot_general3A_24 = tpu.matmul %get3A_19, %get3A_22, %dot_general3A_23 {dimension_numbers = #tpu.dot_dimension_numbers<[1], [0], [0], [1], [0, 0, 1, 1], [], []>, transpose_lhs_hint = false} : vector<5000x128xf32>, vector<128x128xf32>, vector<5000x128xf32> -> vector<5000x128xf32>
    %add3A_25 = arith.addf %dot_general3A_16, %dot_general3A_24 : vector<5000x128xf32>
    %get3A_26 = arith.constant 0 : index
    %get3A_27 = arith.constant 0 : index
    %get3A_28 = vector.load %arg6[%get3A_26, %get3A_27] : memref<1x128xf32, #tpu.memory_space<vmem>>, vector<1x128xf32>
    %add3A_29 = vector.broadcast %get3A_28 : vector<1x128xf32> to vector<5000x128xf32>
    %add3A_30 = arith.addf %add3A_25, %add3A_29 : vector<5000x128xf32>
    %get3A_31 = arith.constant 0 : index
    %get3A_32 = arith.constant 0 : index
    %get3A_33 = vector.load %arg7[%get3A_31, %get3A_32] : memref<128x40xf32, #tpu.memory_space<vmem>>, vector<128x40xf32>
    %dot_general3A_34 = arith.constant dense<0.000000e+00> : vector<5000x40xf32>
    %dot_general3A_35 = tpu.matmul %add3A_30, %get3A_33, %dot_general3A_34 {dimension_numbers = #tpu.dot_dimension_numbers<[1], [0], [0], [1], [0, 0, 1, 1], [], []>, transpose_lhs_hint = false} : vector<5000x128xf32>, vector<128x40xf32>, vector<5000x40xf32> -> vector<5000x40xf32>
    %get3A_36 = arith.constant 0 : index
    %get3A_37 = arith.constant 0 : index
    %get3A_38 = vector.load %arg8[%get3A_36, %get3A_37] : memref<1x40xf32, #tpu.memory_space<vmem>>, vector<1x40xf32>
    %add3A_39 = vector.broadcast %get3A_38 : vector<1x40xf32> to vector<5000x40xf32>
    %add3A_40 = arith.addf %dot_general3A_35, %add3A_39 : vector<5000x40xf32>
    %swap3A = arith.constant 0 : index
    %swap3A_41 = arith.constant 0 : index
    %swap3A_42 = vector.load %arg9[%swap3A, %swap3A_41] : memref<5000x40xf32, #tpu.memory_space<vmem>>, vector<5000x40xf32>
    tpu.vector_store %arg9[%swap3A, %swap3A_41], %add3A_40 {strides = array<i32>} : memref<5000x40xf32, #tpu.memory_space<vmem>>, vector<5000x40xf32>,
    return
  }
  func.func @transform_0(%arg0: i32) -> (i32, i32, i32) {
    %c0_i32 = arith.constant 0 : i32
    %c0_i32_0 = arith.constant 0 : i32
    %c0_i32_1 = arith.constant 0 : i32
    return %c0_i32, %arg0, %c0_i32_0 : i32, i32, i32
  }
  func.func @transform_1(%arg0: i32) -> (i32, i32) {
    %c0_i32 = arith.constant 0 : i32
    %c0_i32_0 = arith.constant 0 : i32
    return %arg0, %c0_i32 : i32, i32
  }
  func.func @transform_2(%arg0: i32) -> (i32, i32) {
    %c0_i32 = arith.constant 0 : i32
    %c0_i32_0 = arith.constant 0 : i32
    return %arg0, %c0_i32 : i32, i32
  }
  func.func @transform_3(%arg0: i32) -> (i32, i32) {
    %c0_i32 = arith.constant 0 : i32
    %c0_i32_0 = arith.constant 0 : i32
    %c0_i32_1 = arith.constant 0 : i32
    return %c0_i32, %c0_i32_0 : i32, i32
  }
  func.func @transform_4(%arg0: i32) -> (i32, i32) {
    %c0_i32 = arith.constant 0 : i32
    %c0_i32_0 = arith.constant 0 : i32
    %c0_i32_1 = arith.constant 0 : i32
    return %c0_i32, %c0_i32_0 : i32, i32
  }
  func.func @transform_5(%arg0: i32) -> (i32, i32) {
    %c0_i32 = arith.constant 0 : i32
    %c0_i32_0 = arith.constant 0 : i32
    %c0_i32_1 = arith.constant 0 : i32
    return %c0_i32, %c0_i32_0 : i32, i32
  }
  func.func @transform_6(%arg0: i32) -> (i32, i32) {
    %c0_i32 = arith.constant 0 : i32
    %c0_i32_0 = arith.constant 0 : i32
    %c0_i32_1 = arith.constant 0 : i32
    return %c0_i32, %c0_i32_0 : i32, i32
  }
  func.func @transform_7(%arg0: i32) -> (i32, i32) {
    %c0_i32 = arith.constant 0 : i32
    %c0_i32_0 = arith.constant 0 : i32
    %c0_i32_1 = arith.constant 0 : i32
    return %c0_i32, %c0_i32_0 : i32, i32
  }
  func.func @transform_8(%arg0: i32) -> (i32, i32) {
    %c0_i32 = arith.constant 0 : i32
    %c0_i32_0 = arith.constant 0 : i32
    return %arg0, %c0_i32 : i32, i32
  }
}

</mosaic_0001>

<sc_bundles>
// kernel: kernel.12.cloned.1.call-start
scs
__scs_entry_jumppad:
0x0: {  	(pc) =	sbr.rel $0x88, $3  }
0x1: {  	(tag) =	ssettag $0x0;
	lr =	simm.s32 $0x1  }
0x2: {  	[smem:$0x3F94] =	sst lr;
	_ =	strace $0xD0000000  }
0x3: {  	_ = 	snop  }
0x4: {  	_ = 	snop  }
0x5: {  	_ = 	snop  }
0x6: {  	_ = 	snop  }
0x7: {  	_ = 	snop  }
__scs_overlays_trampoline_lowered:
0x8: {  	[smem:$0x3FA3] =	sst s0  }
0x9: {  	[smem:$0x3FA4] =	sst s1  }
0xa: {  	[smem:$0x3FA5] =	sst s2  }
0xb: {  	[smem:$0x3FA6] =	sst s3  }
0xc: {  	[smem:$0x3FA7] =	sst s4  }
0xd: {  	[smem:$0x3FA8] =	sst s5  }
0xe: {  	[smem:$0x3FA9] =	sst s6  }
0xf: {  	[smem:$0x3FAA] =	sst s7  }
0x10: {  	[smem:$0x3FAB] =	sst s8  }
0x11: {  	[smem:$0x3FAC] =	sst s9;
	s0 =	simm.s32 @!p0 $0x0  }
0x12: {  	s1 =	sld [smem:$0x3F92];
	s0 =	simm.s32 @p0 $0x1  }
0x13: {  	[smem:$0x3FAD] =	sst s0;
	s0 =	simm.s32 @!p1 $0x0  }
0x14: {  	s2 =	sld [smem:$0x3F91];
	s0 =	simm.s32 @p1 $0x1  }
0x15: {  	[smem:$0x3FAE] =	sst s0;
	s0 =	simm.s32 @!p2 $0x0  }
0x16: {  	s3 =	sld [smem:$0x3FDB];
	s0 =	simm.s32 @p2 $0x1  }
0x17: {  	s4 =	simm.s32 $0x1BF5;
	[smem:$0x3FB0] =	sst s0  }
0x18: {  	s0 =	sld [smem:$0x3F93];
	_ =	swait.ge [sflag:s4], $0x0  }
0x19: {  	s7 =	sld [smem:$0x3F94]  }
0x1a: {  	s8 =	sadd.s32 $0xFFFFE003, lr  }
0x1b: {  	s9 =	sadd.s32 $0xFFFFFEF7, lr;
	s5 =	simm.s32 $0xFFFFFFFF;
	p2 =	slt.u32 s8, $0xFFFFF086  }
0x1c: {  	p1 =	slt.u32 s9, $0xF7A;
	s5 =	simm.s32 @!p2 $0x0  }
0x1d: {  	s5 =	simm.s32 @p1 $0x1;
	p0 =	seq.s32 s7, s2  }
0x1e: {  	s7 =	smul.u32 @!p0 $0xF7A, s2;
	p2 =	seq.s32 @!p0 s5, $0x0  }
0x1f: {  	s9 =	smul.u32 $0xF7A, s1;
	s8 =	simm.s32 @!p0 $0x1BF5;
	p2 =	por !p2, p0  }
0x20: {  	[sflag:s8] =	ssyncset.s32 @!p0 $0xFFFFF086;
	s6 =	sadd.s32 @!p0 s3, s7;
	s7 =	simm.s32 @!p0 $0x108  }
0x21: {  	s3 =	sadd.s32 s3, s9;
	s6 =	sadd.s32 @!p0 $0x88, s6;
	s7 =	simm.s32 @p2 $0x1082  }
0x22: {  	[simem:s7], [sflag:s8] =	dma.local @!p0 [hbm:s6], $0xF7A  }
0x23: {  	s9 =	sor.u32 $0xD0000000, s2;
	s6 =	simm.s32 $0x108;
	_ =	swait.ge @!p0 [sflag:s8], $0x0  }
0x24: {  	s3 =	sadd.s32 $0x88, s3;
	s6 =	simm.s32 @!p1 $0x1082;
	[sflag:s4] =	ssyncset.s32 $0xFFFFF086  }
0x25: {  	[simem:s6], [sflag:s4] =	dma.local [hbm:s3], $0xF7A  }
0x26: {  	[smem:$0x3F94] =	sst s1;
	(tag) =	ssettag s2;
	_ =	strace s9  }
0x27: {  	s1 =	sld [smem:$0x3FA4]  }
0x28: {  	s2 =	sld [smem:$0x3FA5]  }
0x29: {  	s4 =	sld [smem:$0x3FA7]  }
0x2a: {  	p0 =	seq.s32 s5, $0x0;
	s5 =	sld [smem:$0x3FA8]  }
0x2b: {  	s6 =	sld [smem:$0x3FA9]  }
0x2c: {  	s7 =	sld [smem:$0x3FAA]  }
0x2d: {  	s3 =	simm.s32 $0x108;
	s8 =	sld [smem:$0x3FAB]  }
0x2e: {  	s3 =	simm.s32 @!p0 $0x1082;
	s9 =	sld [smem:$0x3FAC]  }
0x2f: {  	lr =	sadd.s32 s0, s3;
	s0 =	sld [smem:$0x3FA3]  }
0x30: {  	s3 =	sld [smem:$0x3FA6]  }
0x31: {  	[smem:$0x3FAF] =	sst s10  }
0x32: {  	s10 =	sld [smem:$0x3FAD];
	_ =	sdelay $0x3  }
0x33: {  	p0 =	seq.s32 s10, $0x1;
	s10 =	sld [smem:$0x3FAF];
	_ =	sdelay $0x3  }
0x34: {  	[smem:$0x3FAF] =	sst s10  }
0x35: {  	s10 =	sld [smem:$0x3FAE];
	_ =	sdelay $0x3  }
0x36: {  	p1 =	seq.s32 s10, $0x1;
	s10 =	sld [smem:$0x3FAF];
	_ =	sdelay $0x3  }
0x37: {  	[smem:$0x3FAF] =	sst s10  }
0x38: {  	s10 =	sld [smem:$0x3FB0]  }
0x39: {  	_ = 	snop;
	(pc) =	sbr.ind lr, $3  }
0x3a: {  	_ = 	snop  }
0x3b: {  	_ = 	snop  }
0x3c: {  	p2 =	seq.s32 s10, $0x1;
	s10 =	sld [smem:$0x3FAF]  }
0x3d: {  	_ =	shalt  }
0x3e: {  	_ =	shalt  }
0x3f: {  	_ =	shalt  }
0x40: {  	_ =	shalt  }
0x41: {  	_ =	shalt  }
0x42: {  	_ =	shalt  }
0x43: {  	_ =	shalt  }
0x44: {  	_ =	shalt  }
0x45: {  	_ =	shalt  }
0x46: {  	_ =	shalt  }
0x47: {  	_ =	shalt  }
0x48: {  	_ =	shalt  }
0x49: {  	_ =	shalt  }
0x4a: {  	_ =	shalt  }
0x4b: {  	_ =	shalt  }
0x4c: {  	_ =	shalt  }
0x4d: {  	_ =	shalt  }
0x4e: {  	_ =	shalt  }
0x4f: {  	_ =	shalt  }
0x50: {  	_ =	shalt  }
0x51: {  	_ =	shalt  }
0x52: {  	_ =	shalt  }
0x53: {  	_ =	shalt  }
0x54: {  	_ =	shalt  }
0x55: {  	_ =	shalt  }
0x56: {  	_ =	shalt  }
0x57: {  	_ =	shalt  }
0x58: {  	_ =	shalt  }
0x59: {  	_ =	shalt  }
0x5a: {  	_ =	shalt  }
0x5b: {  	_ =	shalt  }
0x5c: {  	_ =	shalt  }
0x5d: {  	_ =	shalt  }
0x5e: {  	_ =	shalt  }
0x5f: {  	_ =	shalt  }
0x60: {  	_ =	shalt  }
0x61: {  	_ =	shalt  }
0x62: {  	_ =	shalt  }
0x63: {  	_ =	shalt  }
0x64: {  	_ =	shalt  }
0x65: {  	_ =	shalt  }
0x66: {  	_ =	shalt  }
0x67: {  	_ =	shalt  }
0x68: {  	_ =	shalt  }
0x69: {  	_ =	shalt  }
0x6a: {  	_ =	shalt  }
0x6b: {  	_ =	shalt  }
0x6c: {  	_ =	shalt  }
0x6d: {  	_ =	shalt  }
0x6e: {  	_ =	shalt  }
0x6f: {  	_ =	shalt  }
0x70: {  	_ =	shalt  }
0x71: {  	_ =	shalt  }
0x72: {  	_ =	shalt  }
0x73: {  	_ =	shalt  }
0x74: {  	_ =	shalt  }
0x75: {  	_ =	shalt  }
0x76: {  	_ =	shalt  }
0x77: {  	_ =	shalt  }
0x78: {  	_ =	shalt  }
0x79: {  	_ =	shalt  }
0x7a: {  	_ =	shalt  }
0x7b: {  	_ =	shalt  }
0x7c: {  	_ =	shalt  }
0x7d: {  	_ =	shalt  }
0x7e: {  	_ =	shalt  }
0x7f: {  	_ =	shalt  }
0x80: {  	_ =	shalt  }
0x81: {  	_ =	shalt  }
0x82: {  	_ =	shalt  }
0x83: {  	_ =	shalt  }
0x84: {  	_ =	shalt  }
0x85: {  	_ =	shalt  }
0x86: {  	_ =	shalt  }
0x87: {  	_ =	shalt  }
.Lfunc_end0:
.L_simem_size_0:
called_computation.1_lowered:
.L_overlay_start_0:
0x88: {  	s2 =	sld [smem:$0x3FD9]  }
0x89: {  	s3 =	sld [smem:$0x3FFE];
	_ =	sdelay $0x1  }
0x8a: {  	s1 =	srdreg.scid  }
0x8b: {  	s0 =	sand.u32 $0x1, s1  }
0x8c: {  	s17 =	sshll.u32 s0, $0xA;
	s2 =	sadd.s32 s3, s2  }
0x8d: {  	s2 =	sadd.s32 s2, s17  }
0x8e: {  	[smem:$0x3FBB] =	sst s2  }
0x8f: {  	_ = 	snop  }
0x90: {  	s18 =	sld [smem:$0x3FC9]  }
0x91: {  	s4 =	sld [smem:$0x3FD0];
	(tm) =	ssettm $0x1  }
0x92: {  	s19 =	sld [smem:$0x3FFB];
	_ =	sdelay $0x3  }
0x93: {  	_ =	strace s19  }
0x94: {  	s2 =	sld [smem:$0x3FFC];
	_ =	sdelay $0x3  }
0x95: {  	_ =	strace s2  }
0x96: {  	s2 =	sld [smem:$0x3FFD];
	_ =	sdelay $0x3  }
0x97: {  	_ =	strace s2  }
0x98: {  	_ =	strace $0x8FFFFFFF  }
0x99: {  	s20 =	sld [smem:$0x3FDB];
	_ =	sdelay $0x1  }
0x9a: {  	s5 =	simm.s32 $_scs_section_size  }
0x9b: {  	s6 =	simm.s32 $_size__tile_overlayer_lowered;
	s7 =	simm.s32 $_tile_overlayer_lowered  }
0x9c: {  	s8 =	simm.s32 $0x1BFF;
	s21 =	sshll.u32 s7, $0x1;
	s5 =	sadd.s32 s5, s20  }
0x9d: {  	s22 =	simm.s32 $0x0;
	s6 =	sshll.u32 s6, $0x1;
	s7 =	sadd.s32 s21, s5  }
0x9e: {  	[timem:s22], [sflag:s8] =	dma.local [hbm:s7], s6  }
0x9f: {  	_ =	swait.ge [sflag:s8], s6  }
0xa0: {  	s6 =	ssub.s32 $0x0, s6;
	[sflag:s8] =	ssyncset.done $0x0  }
0xa1: {  	[sflag:s8] =	ssyncadd.s32 s6;
	_ =	sdelay $0x1  }
0xa2: {  	s23 =	simm.s32 $0x1B8B  }
0xa3: {  	_ =	swait.ge [sflag:s23], $0x1  }
0xa4: {  	[sflag:s23] =	ssyncset.done $0x0  }
0xa5: {  	[sflag:s23] =	ssyncadd.s32 $0xFFFFFFFF  }
0xa6: {  	s6 =	sld [smem:$0x0]  }
0xa7: {  	s7 =	sand.u32 $0xFFFFFFFE, s1  }
0xa8: {  	p0 =	sne.s32 s1, s7  }
0xa9: {  	s7 =	sshll.u32 @p0 s7, $0xE  }
0xaa: {  	s7 =	sadd.s32 @p0 $0x11B8D, s7;
	s8 =	sshll.u32 @p0 s6, $0x11  }
0xab: {  	s7 =	sor.u32 @p0 s8, s7  }
0xac: {  	[sflag:s7] =	ssyncadd.remote.s32 @p0 $0x1;
	_ =	sdelay $0x1  }
0xad: {  	s7 =	simm.s32 @p0 $0x1B8D  }
0xae: {  	_ =	swait.eq @p0 [sflag:s7], $0x1  }
0xaf: {  	[sflag:s7] =	ssyncadd.s32 @p0 $0xFFFFFFFF  }
0xb0: {  	s8 =	sshll.u32 @!p0 s1, $0xE  }
0xb1: {  	s8 =	sor.u32 @!p0 $0x4000, s8;
	s7 =	simm.s32 @!p0 $0x1B8D  }
0xb2: {  	s6 =	sshll.u32 @!p0 s6, $0x11;
	s8 =	sadd.s32 @!p0 $0x11B8D, s8;
	_ =	swait.eq @!p0 [sflag:s7], $0x1  }
0xb3: {  	s6 =	sor.u32 @!p0 s6, s8;
	[sflag:s7] =	ssyncadd.s32 @!p0 $0xFFFFFFFF  }
0xb4: {  	s25 =	simm.s32 $0x1B8E;
	s24 =	sld [smem:$0x3FFE];
	[sflag:s6] =	ssyncadd.remote.s32 @!p0 $0x1  }
0xb5: {  	s26 =	simm.s32 $execute0_lowered;
	[smem:$0x3FD2] =	sst s25  }
0xb6: {  	s7 =	sshll.u32 s26, $0x1;
	_ =	strace $0x80000049;
	[dreg:$0x1] =	wrdreg $0xFFFFFFFF  }
0xb7: {  	s28 =	simm.s32 $_size_execute0_lowered;
	s5 =	sadd.s32 s5, s7;
	[dreg:$0x0] =	wrdreg $0x0  }
0xb8: {  	s7 =	sshll.u32 s28, $0x1;
	[dreg:$0x2] =	wrdreg s5  }
0xb9: {  	[dreg:$0x3] =	wrdreg s7  }
0xba: {  	[dreg:$0x4] =	wrdreg $0xC0  }
0xbb: {  	_ =	task [dreg:s22], $0x5FFFF  }
0xbc: {  	[dreg:$0x1] =	wrdreg $0xFFFFFFFF  }
0xbd: {  	[dreg:$0x0] =	wrdreg $0x60  }
0xbe: {  	[dreg:$0x2] =	wrdreg s18  }
0xbf: {  	[dreg:$0x3] =	wrdreg s4  }
0xc0: {  	[dreg:$0x4] =	wrdreg s24  }
0xc1: {  	[dreg:$0x5] =	wrdreg $0xA5000  }
0xc2: {  	[dreg:$0x6] =	wrdreg $0xA  }
0xc3: {  	_ =	task.clear_ibuf [dreg:s22], $0x7FFFF;
	_ =	strace $0x90000049  }
0xc4: {  	s29 =	simm.s32 $0xA;
	_ =	strace $0x8000004B  }
0xc5: {  	_ =	swait.ge [sflag:s29], $0x1  }
0xc6: {  	[sflag:s29] =	ssyncadd.s32 $0xFFFFFFFF  }
0xc7: {  	_ =	strace $0x9000004B  }
0xc8: {  	_ =	sfence  }
0xc9: {  	s30 =	sld [smem:$0x0];
	_ =	sdelay $0x2  }
0xca: {  	s31 =	sshll.u32 s1, $0xD;
	s1 =	sshrl.u32 s1, $0x2  }
0xcb: {  	s4 =	sand.u32 $0x4000, s31;
	s1 =	sadd.s32 s1, s30  }
0xcc: {  	s0 =	sor.u32 s4, s0;
	s1 =	sshll.u32 s1, $0x11  }
0xcd: {  	s0 =	sor.u32 s1, s0  }
0xce: {  	s0 =	sadd.s32 $0x8F2B, s0  }
0xcf: {  	[sflag:s0] =	ssyncadd.remote.s32 $0x1  }
0xd0: {  	_ =	sfence.sel $0xFFFF  }
0xd1: {  	[dreg:$0x0] =	wrdreg $0xFFFFFFFF;
	(pc) =	sbr.abs _section_cstart, $3  }
0xd2: {  	[dreg:$0x1] =	wrdreg $0xFFFFFFFF  }
0xd3: {  	_ =	task.clear_ibuf [dreg:s22], $0x2FFFF;
	_ =	strace $0x9FFFFFFF  }
0xd4: {  	(tm) =	ssettm $0x7FFFFFFF  }
0xd5: {  	_ =	shalt  }
tec
execute0_lowered:
.L_overlay_start_1:
0x0: {  	(tag) =	ssettag $0x1  }
0x1: {  	s0 =	rddreg [dreg:$0x0]  }
0x2: {  	s1 =	rddreg [dreg:$0x1]  }
0x3: {  	s4 =	rddreg [dreg:$0x2]  }
0x4: {  	s2 =	srdreg.scid;
	s3 =	rddreg [dreg:$0x3]  }
0x5: {  	s8 =	stileid.u32;
	s6 =	simm.s32 $0x0;
	s16 =	simm.s32 $0x6680  }
0x6: {  	s17 =	simm.s32 $0x5;
	s18 =	simm.s32 $0x3;
	s19 =	simm.s32 $0x4  }
0x7: {  	s20 =	simm.s32 $0x7D;
	s21 =	simm.s32 $0x2800;
	s22 =	simm.s32 $0x1  }
0x8: {  	s24 =	simm.s32 $0x2;
	s2 =	sand.u32 $0x1, s2;
	[smem:$0x7FF] =	sst s6  }
0x9: {  	s7 =	smul.u32 $0x13880, s8;
	s5 =	sshll.u32 s2, $0x4;
	_ =	strace $0x8000004A  }
0xa: {  	s25 =	smul.u32 $0x27100, s2;
	s2 =	ssub.s32 $0x2, s2;
	s5 =	sor.u32 s8, s5  }
0xb: {  	s26 =	sshrl.u32 s2, $0x1;
	s8 =	smul.u32 $0x4E200, s8;
	s30 =	sshrl.u32 s7, $0x3  }
0xc: {  	s15 =	sadd.s32 s7, s3;
	s5 =	smul.u32 $0x500, s5;
	s2 =	ssub.s32 s2, s26  }
0xd: {  	s26 =	simm.s32 $0x0;
	s31 =	sshrl.u32 s8, $0x2;
	s7 =	smax.u32 s2, $0x1  }
0xe: {  	s14 =	sadd.s32 s5, s4;
	s4 =	sadd.s32 s25, s4;
	s5 =	sadd.s32 s1, s5  }
0xf: {  	s8 =	sadd.s32 s31, s3;
	s25 =	sshrl.u32 s15, $0x3;
	s28 =	sadd.s32 $0x3C00, s14  }
0x10: {  	s29 =	sadd.s32 $0x17A00, s4;
	s9 =	sadd.s32 $0x3E80, s8;
	s10 =	sadd.s32 $0x7D00, s8  }
0x11: {  	s11 =	sadd.s32 $0xBB80, s8;
	s12 =	sadd.s32 $0xFA00, s8;
	s13 =	sadd.s32 $0x140, s5  }
0x12: {  	v0 =	vimm.f32 $0.0e+00;
	s14 =	sadd.s32 $0x3D40, s14;
	[dreg:$0x5] =	wrdreg s28;
	s23 =	sadd.s32 s30, s29  }
.LBB2_1:
0x13: {  	s1 =	simm.s32 $0x0  }
0x14: {  	[tilespmem:s1], [sflag:$0x3] =	stream.linear.gather [hbm4b:s5+s1], $0xA00, $0x38;
	[tilespmem:$0x1DD80] =	vst v63  }
0x15: {  	s2 =	rddreg [dreg:$0x5];
	s4 =	simm.s32 $0x1400  }
0x16: {  	[tilespmem:s4], [sflag:$0x4] =	stream.linear.gather [hbm4b:s2+s1], $0xA00, $0x38;
	[tilespmem:$0x1DD80] =	vst v63  }
0x17: {  	s1 =	simm.s32 $0x0;
	s2 =	simm.s32 $0x200  }
.LBB2_2:
0x18: {  	p0 =	sne.s32 s2, $0xF800;
	[tilespmem:s1+$0x66F0] =	vst v0  }
0x19: {  	[tilespmem:s1+$0x6680] =	vst v0  }
0x1a: {  	[tilespmem:s1+$0x6690] =	vst v0  }
.Ltmp0:
0x1b: {  	[tilespmem:s1+$0x66A0] =	vst v0;
	(pc) =	sbr.rel @p0 .LBB2_2-.Ltmp0, $4  }
0x1c: {  	[tilespmem:s1+$0x66B0] =	vst v0  }
0x1d: {  	[tilespmem:s1+$0x66C0] =	vst v0  }
0x1e: {  	[tilespmem:s1+$0x66D0] =	vst v0  }
0x1f: {  	[tilespmem:s1+$0x66E0] =	vst v0;
	s1 =	sshra.s32 s2, $0x2;
	s2 =	sadd.s32 $0x200, s2  }
0x20: {  	[tilespmem:s1+$0x66F0] =	vst v0  }
0x21: {  	[tilespmem:s1+$0x6680] =	vst v0  }
0x22: {  	[tilespmem:s1+$0x6690] =	vst v0  }
0x23: {  	[tilespmem:s1+$0x66A0] =	vst v0  }
0x24: {  	[tilespmem:s1+$0x66B0] =	vst v0  }
0x25: {  	[tilespmem:s1+$0x66C0] =	vst v0  }
0x26: {  	[tilespmem:s1+$0x66D0] =	vst v0  }
0x27: {  	[tilespmem:s1+$0x66E0] =	vst v0  }
0x28: {  	[spmem:s8] =	stream.linear.scatter [tilespmem:s16], [sflag:$0x5], $0x3E80, $0x38;
	[tilespmem:$0x1DD80] =	vst v63  }
0x29: {  	_ =	swait.ge [sflag:s17], $0x3E80  }
0x2a: {  	[sflag:s17] =	ssyncset.done $0x0  }
0x2b: {  	[sflag:s17] =	ssyncadd.s32 $0xFFFFC180  }
0x2c: {  	[spmem:s9] =	stream.linear.scatter [tilespmem:s16], [sflag:$0x5], $0x3E80, $0x38;
	[tilespmem:$0x1DD80] =	vst v63  }
0x2d: {  	_ =	swait.ge [sflag:s17], $0x3E80  }
0x2e: {  	[sflag:s17] =	ssyncset.done $0x0  }
0x2f: {  	[sflag:s17] =	ssyncadd.s32 $0xFFFFC180  }
0x30: {  	[spmem:s10] =	stream.linear.scatter [tilespmem:s16], [sflag:$0x5], $0x3E80, $0x38;
	[tilespmem:$0x1DD80] =	vst v63  }
0x31: {  	_ =	swait.ge [sflag:s17], $0x3E80  }
0x32: {  	[sflag:s17] =	ssyncset.done $0x0  }
0x33: {  	[sflag:s17] =	ssyncadd.s32 $0xFFFFC180  }
0x34: {  	[spmem:s11] =	stream.linear.scatter [tilespmem:s16], [sflag:$0x5], $0x3E80, $0x38;
	[tilespmem:$0x1DD80] =	vst v63  }
0x35: {  	_ =	swait.ge [sflag:s17], $0x3E80  }
0x36: {  	[sflag:s17] =	ssyncset.done $0x0  }
0x37: {  	[sflag:s17] =	ssyncadd.s32 $0xFFFFC180  }
0x38: {  	[spmem:s12] =	stream.linear.scatter [tilespmem:s16], [sflag:$0x5], $0x3E80, $0x38;
	[tilespmem:$0x1DD80] =	vst v63  }
0x39: {  	_ =	swait.ge [sflag:s17], $0x3E80  }
0x3a: {  	[sflag:s17] =	ssyncset.done $0x0  }
0x3b: {  	[sflag:s17] =	ssyncadd.s32 $0xFFFFC180  }
0x3c: {  	_ =	swait.ge [sflag:s18], $0xA00  }
0x3d: {  	[sflag:s18] =	ssyncset.done $0x0  }
0x3e: {  	[sflag:s18] =	ssyncadd.s32 $0xFFFFF600  }
0x3f: {  	s2 =	simm.s32 $0x0;
	_ =	swait.ge [sflag:s19], $0xA00  }
0x40: {  	s1 =	sand.u32 $0x1, s2;
	[sflag:s19] =	ssyncset.done $0x0  }
0x41: {  	p0 =	por $0x0, $0x0;
	s15 =	sxor.u32 $0x1, s1;
	[sflag:s19] =	ssyncadd.s32 $0xFFFFF600  }
0x42: {  	[tilespmem:s21], [sflag:$0x1] =	stream.indirect.gather [hbm4b:s0+s20], $0x80, s2, s20, $0xb8;
	[tilespmem:$0x1DD80] =	vst v63  }
0x43: {  	s2 =	smul.u32 @!p0 $0xA00, s15  }
0x44: {  	s4 =	simm.s32 @!p0 $0x0;
	[bflag:$0x0] =	sbarrier.arrive $0xFFFF  }
0x45: {  	[tilespmem:s2], [sflag:$0x3] =	stream.linear.gather @!p0 [hbm4b:s13+s4], $0xA00, $0x38;
	[tilespmem:$0x1DD80] =	vst v63  }
0x46: {  	s1 =	smul.u32 $0xA00, s1;
	s2 =	sadd.s32 @!p0 $0x1400, s2  }
0x47: {  	[tilespmem:s2], [sflag:$0x4] =	stream.linear.gather @!p0 [hbm4b:s14+s4], $0xA00, $0x38;
	[tilespmem:$0x1DD80] =	vst v63  }
0x48: {  	s4 =	sor.u32 $0x80, s1  }
0x49: {  	[tilespmem:s16], [sflag:$0x2] =	stream.indirect.gather [hbm4b:s0+s20], $0x80, s4, s20, $0xb8;
	[tilespmem:$0x1DD80] =	vst v63  }
0x4a: {  	_ =	swait.ge [sflag:s22], $0x3E80  }
0x4b: {  	[sflag:s22] =	ssyncset.done $0x0  }
0x4c: {  	s6 =	sadd.s32 $0x1400, s1;
	[sflag:s22] =	ssyncadd.s32 $0xFFFFC180  }
0x4d: {  	[spmem:s3] =	stream.indirect.scatter.add.f32 [tilespmem:s21], [sflag:$0x5], $0x80, s6, s20, $0xb8;
	[tilespmem:$0x1DD80] =	vst v63  }
0x4e: {  	_ =	swait.ge [sflag:s17], $0x3E80  }
0x4f: {  	[sflag:s17] =	ssyncset.done $0x0  }
0x50: {  	s31 =	sor.u32 $0x100, s1;
	[sflag:s17] =	ssyncadd.s32 $0xFFFFC180  }
0x51: {  	[tilespmem:s21], [sflag:$0x1] =	stream.indirect.gather [hbm4b:s0+s20], $0x80, s31, s20, $0xb8;
	[tilespmem:$0x1DD80] =	vst v63  }
0x52: {  	_ =	swait.ge [sflag:s24], $0x3E80  }
0x53: {  	[sflag:s24] =	ssyncset.done $0x0  }
0x54: {  	s4 =	sadd.s32 $0x1480, s1;
	[sflag:s24] =	ssyncadd.s32 $0xFFFFC180  }
0x55: {  	[spmem:s3] =	stream.indirect.scatter.add.f32 [tilespmem:s16], [sflag:$0x5], $0x80, s4, s20, $0xb8;
	[tilespmem:$0x1DD80] =	vst v63  }
0x56: {  	_ =	swait.ge [sflag:s17], $0x3E80  }
0x57: {  	[sflag:s17] =	ssyncset.done $0x0  }
0x58: {  	s6 =	sor.u32 $0x180, s1;
	[sflag:s17] =	ssyncadd.s32 $0xFFFFC180  }
0x59: {  	[tilespmem:s16], [sflag:$0x2] =	stream.indirect.gather [hbm4b:s0+s20], $0x80, s6, s20, $0xb8;
	[tilespmem:$0x1DD80] =	vst v63  }
0x5a: {  	_ =	swait.ge [sflag:s22], $0x3E80  }
0x5b: {  	[sflag:s22] =	ssyncset.done $0x0  }
0x5c: {  	s31 =	sadd.s32 $0x1500, s1;
	[sflag:s22] =	ssyncadd.s32 $0xFFFFC180  }
0x5d: {  	[spmem:s3] =	stream.indirect.scatter.add.f32 [tilespmem:s21], [sflag:$0x5], $0x80, s31, s20, $0xb8;
	[tilespmem:$0x1DD80] =	vst v63  }
0x5e: {  	_ =	swait.ge [sflag:s17], $0x3E80  }
0x5f: {  	[sflag:s17] =	ssyncset.done $0x0  }
0x60: {  	s4 =	sadd.s32 $0x200, s1;
	[sflag:s17] =	ssyncadd.s32 $0xFFFFC180  }
0x61: {  	[tilespmem:s21], [sflag:$0x1] =	stream.indirect.gather [hbm4b:s0+s20], $0x80, s4, s20, $0xb8;
	[tilespmem:$0x1DD80] =	vst v63  }
0x62: {  	_ =	swait.ge [sflag:s24], $0x3E80  }
0x63: {  	[sflag:s24] =	ssyncset.done $0x0  }
0x64: {  	s6 =	sadd.s32 $0x1580, s1;
	[sflag:s24] =	ssyncadd.s32 $0xFFFFC180  }
0x65: {  	[spmem:s3] =	stream.indirect.scatter.add.f32 [tilespmem:s16], [sflag:$0x5], $0x80, s6, s20, $0xb8;
	[tilespmem:$0x1DD80] =	vst v63  }
0x66: {  	_ =	swait.ge [sflag:s17], $0x3E80  }
0x67: {  	[sflag:s17] =	ssyncset.done $0x0  }
0x68: {  	s31 =	sadd.s32 $0x280, s1;
	[sflag:s17] =	ssyncadd.s32 $0xFFFFC180  }
0x69: {  	[tilespmem:s16], [sflag:$0x2] =	stream.indirect.gather [hbm4b:s0+s20], $0x80, s31, s20, $0xb8;
	[tilespmem:$0x1DD80] =	vst v63  }
0x6a: {  	_ =	swait.ge [sflag:s22], $0x3E80  }
0x6b: {  	[sflag:s22] =	ssyncset.done $0x0  }
0x6c: {  	s4 =	sadd.s32 $0x1600, s1;
	[sflag:s22] =	ssyncadd.s32 $0xFFFFC180  }
0x6d: {  	[spmem:s3] =	stream.indirect.scatter.add.f32 [tilespmem:s21], [sflag:$0x5], $0x80, s4, s20, $0xb8;
	[tilespmem:$0x1DD80] =	vst v63  }
0x6e: {  	_ =	swait.ge [sflag:s17], $0x3E80  }
0x6f: {  	[sflag:s17] =	ssyncset.done $0x0  }
0x70: {  	s6 =	sadd.s32 $0x300, s1;
	[sflag:s17] =	ssyncadd.s32 $0xFFFFC180  }
0x71: {  	[tilespmem:s21], [sflag:$0x1] =	stream.indirect.gather [hbm4b:s0+s20], $0x80, s6, s20, $0xb8;
	[tilespmem:$0x1DD80] =	vst v63  }
0x72: {  	_ =	swait.ge [sflag:s24], $0x3E80  }
0x73: {  	[sflag:s24] =	ssyncset.done $0x0  }
0x74: {  	s31 =	sadd.s32 $0x1680, s1;
	[sflag:s24] =	ssyncadd.s32 $0xFFFFC180  }
0x75: {  	[spmem:s3] =	stream.indirect.scatter.add.f32 [tilespmem:s16], [sflag:$0x5], $0x80, s31, s20, $0xb8;
	[tilespmem:$0x1DD80] =	vst v63  }
0x76: {  	_ =	swait.ge [sflag:s17], $0x3E80  }
0x77: {  	[sflag:s17] =	ssyncset.done $0x0  }
0x78: {  	s4 =	sadd.s32 $0x380, s1;
	[sflag:s17] =	ssyncadd.s32 $0xFFFFC180  }
0x79: {  	[tilespmem:s16], [sflag:$0x2] =	stream.indirect.gather [hbm4b:s0+s20], $0x80, s4, s20, $0xb8;
	[tilespmem:$0x1DD80] =	vst v63  }
0x7a: {  	_ =	swait.ge [sflag:s22], $0x3E80  }
0x7b: {  	[sflag:s22] =	ssyncset.done $0x0  }
0x7c: {  	s6 =	sadd.s32 $0x1700, s1;
	[sflag:s22] =	ssyncadd.s32 $0xFFFFC180  }
0x7d: {  	[spmem:s3] =	stream.indirect.scatter.add.f32 [tilespmem:s21], [sflag:$0x5], $0x80, s6, s20, $0xb8;
	[tilespmem:$0x1DD80] =	vst v63  }
0x7e: {  	_ =	swait.ge [sflag:s17], $0x3E80  }
0x7f: {  	[sflag:s17] =	ssyncset.done $0x0  }
0x80: {  	s31 =	sadd.s32 $0x400, s1;
	[sflag:s17] =	ssyncadd.s32 $0xFFFFC180  }
0x81: {  	[tilespmem:s21], [sflag:$0x1] =	stream.indirect.gather [hbm4b:s0+s20], $0x80, s31, s20, $0xb8;
	[tilespmem:$0x1DD80] =	vst v63  }
0x82: {  	_ =	swait.ge [sflag:s24], $0x3E80  }
0x83: {  	[sflag:s24] =	ssyncset.done $0x0  }
0x84: {  	s4 =	sadd.s32 $0x1780, s1;
	[sflag:s24] =	ssyncadd.s32 $0xFFFFC180  }
0x85: {  	[spmem:s3] =	stream.indirect.scatter.add.f32 [tilespmem:s16], [sflag:$0x5], $0x80, s4, s20, $0xb8;
	[tilespmem:$0x1DD80] =	vst v63  }
0x86: {  	_ =	swait.ge [sflag:s17], $0x3E80  }
0x87: {  	[sflag:s17] =	ssyncset.done $0x0  }
0x88: {  	s6 =	sadd.s32 $0x480, s1;
	[sflag:s17] =	ssyncadd.s32 $0xFFFFC180  }
0x89: {  	[tilespmem:s16], [sflag:$0x2] =	stream.indirect.gather [hbm4b:s0+s20], $0x80, s6, s20, $0xb8;
	[tilespmem:$0x1DD80] =	vst v63  }
0x8a: {  	_ =	swait.ge [sflag:s22], $0x3E80  }
0x8b: {  	[sflag:s22] =	ssyncset.done $0x0  }
0x8c: {  	s31 =	sadd.s32 $0x1800, s1;
	[sflag:s22] =	ssyncadd.s32 $0xFFFFC180  }
0x8d: {  	[spmem:s3] =	stream.indirect.scatter.add.f32 [tilespmem:s21], [sflag:$0x5], $0x80, s31, s20, $0xb8;
	[tilespmem:$0x1DD80] =	vst v63  }
0x8e: {  	_ =	swait.ge [sflag:s17], $0x3E80  }
0x8f: {  	[sflag:s17] =	ssyncset.done $0x0  }
0x90: {  	s4 =	sadd.s32 $0x500, s1;
	[sflag:s17] =	ssyncadd.s32 $0xFFFFC180  }
0x91: {  	[tilespmem:s21], [sflag:$0x1] =	stream.indirect.gather [hbm4b:s0+s20], $0x80, s4, s20, $0xb8;
	[tilespmem:$0x1DD80] =	vst v63  }
0x92: {  	_ =	swait.ge [sflag:s24], $0x3E80  }
0x93: {  	[sflag:s24] =	ssyncset.done $0x0  }
0x94: {  	s6 =	sadd.s32 $0x1880, s1;
	[sflag:s24] =	ssyncadd.s32 $0xFFFFC180  }
0x95: {  	[spmem:s3] =	stream.indirect.scatter.add.f32 [tilespmem:s16], [sflag:$0x5], $0x80, s6, s20, $0xb8;
	[tilespmem:$0x1DD80] =	vst v63  }
0x96: {  	_ =	swait.ge [sflag:s17], $0x3E80  }
0x97: {  	[sflag:s17] =	ssyncset.done $0x0  }
0x98: {  	s31 =	sadd.s32 $0x580, s1;
	[sflag:s17] =	ssyncadd.s32 $0xFFFFC180  }
0x99: {  	[tilespmem:s16], [sflag:$0x2] =	stream.indirect.gather [hbm4b:s0+s20], $0x80, s31, s20, $0xb8;
	[tilespmem:$0x1DD80] =	vst v63  }
0x9a: {  	_ =	swait.ge [sflag:s22], $0x3E80  }
0x9b: {  	[sflag:s22] =	ssyncset.done $0x0  }
0x9c: {  	s4 =	sadd.s32 $0x1900, s1;
	[sflag:s22] =	ssyncadd.s32 $0xFFFFC180  }
0x9d: {  	[spmem:s3] =	stream.indirect.scatter.add.f32 [tilespmem:s21], [sflag:$0x5], $0x80, s4, s20, $0xb8;
	[tilespmem:$0x1DD80] =	vst v63  }
0x9e: {  	_ =	swait.ge [sflag:s17], $0x3E80  }
0x9f: {  	[sflag:s17] =	ssyncset.done $0x0  }
0xa0: {  	s6 =	sadd.s32 $0x600, s1;
	[sflag:s17] =	ssyncadd.s32 $0xFFFFC180  }
0xa1: {  	[tilespmem:s21], [sflag:$0x1] =	stream.indirect.gather [hbm4b:s0+s20], $0x80, s6, s20, $0xb8;
	[tilespmem:$0x1DD80] =	vst v63  }
0xa2: {  	_ =	swait.ge [sflag:s24], $0x3E80  }
0xa3: {  	[sflag:s24] =	ssyncset.done $0x0  }
0xa4: {  	s31 =	sadd.s32 $0x1980, s1;
	[sflag:s24] =	ssyncadd.s32 $0xFFFFC180  }
0xa5: {  	[spmem:s3] =	stream.indirect.scatter.add.f32 [tilespmem:s16], [sflag:$0x5], $0x80, s31, s20, $0xb8;
	[tilespmem:$0x1DD80] =	vst v63  }
0xa6: {  	_ =	swait.ge [sflag:s17], $0x3E80  }
0xa7: {  	[sflag:s17] =	ssyncset.done $0x0  }
0xa8: {  	s4 =	sadd.s32 $0x680, s1;
	[sflag:s17] =	ssyncadd.s32 $0xFFFFC180  }
0xa9: {  	[tilespmem:s16], [sflag:$0x2] =	stream.indirect.gather [hbm4b:s0+s20], $0x80, s4, s20, $0xb8;
	[tilespmem:$0x1DD80] =	vst v63  }
0xaa: {  	_ =	swait.ge [sflag:s22], $0x3E80  }
0xab: {  	[sflag:s22] =	ssyncset.done $0x0  }
0xac: {  	s6 =	sadd.s32 $0x1A00, s1;
	[sflag:s22] =	ssyncadd.s32 $0xFFFFC180  }
0xad: {  	[spmem:s3] =	stream.indirect.scatter.add.f32 [tilespmem:s21], [sflag:$0x5], $0x80, s6, s20, $0xb8;
	[tilespmem:$0x1DD80] =	vst v63  }
0xae: {  	_ =	swait.ge [sflag:s17], $0x3E80  }
0xaf: {  	[sflag:s17] =	ssyncset.done $0x0  }
0xb0: {  	s31 =	sadd.s32 $0x700, s1;
	[sflag:s17] =	ssyncadd.s32 $0xFFFFC180  }
0xb1: {  	[tilespmem:s21], [sflag:$0x1] =	stream.indirect.gather [hbm4b:s0+s20], $0x80, s31, s20, $0xb8;
	[tilespmem:$0x1DD80] =	vst v63  }
0xb2: {  	_ =	swait.ge [sflag:s24], $0x3E80  }
0xb3: {  	[sflag:s24] =	ssyncset.done $0x0  }
0xb4: {  	s4 =	sadd.s32 $0x1A80, s1;
	[sflag:s24] =	ssyncadd.s32 $0xFFFFC180  }
0xb5: {  	[spmem:s3] =	stream.indirect.scatter.add.f32 [tilespmem:s16], [sflag:$0x5], $0x80, s4, s20, $0xb8;
	[tilespmem:$0x1DD80] =	vst v63  }
0xb6: {  	_ =	swait.ge [sflag:s17], $0x3E80  }
0xb7: {  	[sflag:s17] =	ssyncset.done $0x0  }
0xb8: {  	s6 =	sadd.s32 $0x780, s1;
	[sflag:s17] =	ssyncadd.s32 $0xFFFFC180  }
0xb9: {  	[tilespmem:s16], [sflag:$0x2] =	stream.indirect.gather [hbm4b:s0+s20], $0x80, s6, s20, $0xb8;
	[tilespmem:$0x1DD80] =	vst v63  }
0xba: {  	_ =	swait.ge [sflag:s22], $0x3E80  }
0xbb: {  	[sflag:s22] =	ssyncset.done $0x0  }
0xbc: {  	s31 =	sadd.s32 $0x1B00, s1;
	[sflag:s22] =	ssyncadd.s32 $0xFFFFC180  }
0xbd: {  	[spmem:s3] =	stream.indirect.scatter.add.f32 [tilespmem:s21], [sflag:$0x5], $0x80, s31, s20, $0xb8;
	[tilespmem:$0x1DD80] =	vst v63  }
0xbe: {  	_ =	swait.ge [sflag:s17], $0x3E80  }
0xbf: {  	[sflag:s17] =	ssyncset.done $0x0  }
0xc0: {  	s4 =	sadd.s32 $0x800, s1;
	[sflag:s17] =	ssyncadd.s32 $0xFFFFC180  }
0xc1: {  	[tilespmem:s21], [sflag:$0x1] =	stream.indirect.gather [hbm4b:s0+s20], $0x80, s4, s20, $0xb8;
	[tilespmem:$0x1DD80] =	vst v63  }
0xc2: {  	_ =	swait.ge [sflag:s24], $0x3E80  }
0xc3: {  	[sflag:s24] =	ssyncset.done $0x0  }
0xc4: {  	s6 =	sadd.s32 $0x1B80, s1;
	[sflag:s24] =	ssyncadd.s32 $0xFFFFC180  }
0xc5: {  	[spmem:s3] =	stream.indirect.scatter.add.f32 [tilespmem:s16], [sflag:$0x5], $0x80, s6, s20, $0xb8;
	[tilespmem:$0x1DD80] =	vst v63  }
0xc6: {  	_ =	swait.ge [sflag:s17], $0x3E80  }
0xc7: {  	[sflag:s17] =	ssyncset.done $0x0  }
0xc8: {  	s31 =	sadd.s32 $0x880, s1;
	[sflag:s17] =	ssyncadd.s32 $0xFFFFC180  }
0xc9: {  	[tilespmem:s16], [sflag:$0x2] =	stream.indirect.gather [hbm4b:s0+s20], $0x80, s31, s20, $0xb8;
	[tilespmem:$0x1DD80] =	vst v63  }
0xca: {  	_ =	swait.ge [sflag:s22], $0x3E80  }
0xcb: {  	[sflag:s22] =	ssyncset.done $0x0  }
0xcc: {  	s4 =	sadd.s32 $0x1C00, s1;
	[sflag:s22] =	ssyncadd.s32 $0xFFFFC180  }
0xcd: {  	[spmem:s3] =	stream.indirect.scatter.add.f32 [tilespmem:s21], [sflag:$0x5], $0x80, s4, s20, $0xb8;
	[tilespmem:$0x1DD80] =	vst v63  }
0xce: {  	_ =	swait.ge [sflag:s17], $0x3E80  }
0xcf: {  	[sflag:s17] =	ssyncset.done $0x0  }
0xd0: {  	s6 =	sadd.s32 $0x900, s1;
	[sflag:s17] =	ssyncadd.s32 $0xFFFFC180  }
0xd1: {  	[tilespmem:s21], [sflag:$0x1] =	stream.indirect.gather [hbm4b:s0+s20], $0x80, s6, s20, $0xb8;
	[tilespmem:$0x1DD80] =	vst v63  }
0xd2: {  	_ =	swait.ge [sflag:s24], $0x3E80  }
0xd3: {  	[sflag:s24] =	ssyncset.done $0x0  }
0xd4: {  	s31 =	sadd.s32 $0x1C80, s1;
	[sflag:s24] =	ssyncadd.s32 $0xFFFFC180  }
0xd5: {  	[spmem:s3] =	stream.indirect.scatter.add.f32 [tilespmem:s16], [sflag:$0x5], $0x80, s31, s20, $0xb8;
	[tilespmem:$0x1DD80] =	vst v63  }
0xd6: {  	_ =	swait.ge [sflag:s17], $0x3E80  }
0xd7: {  	[sflag:s17] =	ssyncset.done $0x0  }
0xd8: {  	s4 =	sadd.s32 $0x980, s1;
	[sflag:s17] =	ssyncadd.s32 $0xFFFFC180  }
0xd9: {  	[tilespmem:s16], [sflag:$0x2] =	stream.indirect.gather [hbm4b:s0+s20], $0x80, s4, s20, $0xb8;
	[tilespmem:$0x1DD80] =	vst v63  }
0xda: {  	_ =	swait.ge [sflag:s22], $0x3E80  }
0xdb: {  	[sflag:s22] =	ssyncset.done $0x0  }
0xdc: {  	s6 =	sadd.s32 $0x1D00, s1;
	[sflag:s22] =	ssyncadd.s32 $0xFFFFC180  }
0xdd: {  	[spmem:s3] =	stream.indirect.scatter.add.f32 [tilespmem:s21], [sflag:$0x5], $0x80, s6, s20, $0xb8;
	[tilespmem:$0x1DD80] =	vst v63  }
0xde: {  	_ =	swait.ge [sflag:s17], $0x3E80  }
0xdf: {  	[sflag:s17] =	ssyncset.done $0x0  }
0xe0: {  	s2 =	simm.s32 @!p0 $0x3;
	[sflag:s17] =	ssyncadd.s32 $0xFFFFC180  }
0xe1: {  	_ =	swait.ge @!p0 [sflag:s2], $0xA00  }
0xe2: {  	[sflag:s2] =	ssyncset.done @!p0 $0x0  }
0xe3: {  	s4 =	smul.u32 @!p0 $0x2800, s15;
	[sflag:s2] =	ssyncadd.s32 @!p0 $0xFFFFF600;
	s2 =	simm.s32 @!p0 $0x4  }
0xe4: {  	_ =	swait.ge @!p0 [sflag:s2], $0xA00  }
0xe5: {  	s4 =	sshrl.u32 @!p0 s4, $0x2;
	[sflag:s2] =	ssyncset.done @!p0 $0x0  }
0xe6: {  	s6 =	simm.s32 @!p0 $0x2800;
	[sflag:s2] =	ssyncadd.s32 @!p0 $0xFFFFF600;
	s2 =	simm.s32 @!p0 $0x7D  }
0xe7: {  	[tilespmem:s6], [sflag:$0x1] =	stream.indirect.gather @!p0 [hbm4b:s0+s2], $0x80, s4, s2, $0xb8;
	[tilespmem:$0x1DD80] =	vst v63  }
0xe8: {  	s29 =	simm.s32 $0x2;
	s28 =	sadd.s32 $0x140, s14;
	_ =	swait.ge [sflag:s24], $0x3E80  }
0xe9: {  	s30 =	sadd.s32 $0x140, s13;
	s31 =	simm.s32 $0x1;
	[sflag:s24] =	ssyncset.done $0x0  }
0xea: {  	s1 =	sadd.s32 $0x1D80, s1;
	s2 =	sand.u32 $0x1, s31;
	[sflag:s24] =	ssyncadd.s32 $0xFFFFC180  }
0xeb: {  	[spmem:s3] =	stream.indirect.scatter.add.f32 [tilespmem:s16], [sflag:$0x5], $0x80, s1, s20, $0xb8;
	[tilespmem:$0x1DD80] =	vst v63  }
0xec: {  	p0 =	por $0x0, $0x0;
	s1 =	sxor.u32 $0x1, s2;
	_ =	swait.ge [sflag:s17], $0x3E80  }
0xed: {  	s4 =	simm.s32 @!p0 $0x0;
	s6 =	smul.u32 @!p0 $0xA00, s1;
	[sflag:s17] =	ssyncset.done $0x0  }
.LBB2_4:
0xee: {  	s15 =	smul.u32 @!p0 $0x2800, s1  }
0xef: {  	[sflag:s17] =	ssyncadd.s32 $0xFFFFC180;
	s31 =	smov.u32 s29;
	s29 =	sadd.s32 $0x1, s29  }
0xf0: {  	[tilespmem:s6], [sflag:$0x3] =	stream.linear.gather @!p0 [hbm4b:s30+s4], $0xA00, $0x38;
	[tilespmem:$0x1DD80] =	vst v63  }
0xf1: {  	s1 =	smul.u32 $0xA00, s2;
	p1 =	sne.s32 s29, $0x4;
	s6 =	sadd.s32 @!p0 $0x1400, s6  }
0xf2: {  	[tilespmem:s6], [sflag:$0x4] =	stream.linear.gather @!p0 [hbm4b:s28+s4], $0xA00, $0x38;
	[tilespmem:$0x1DD80] =	vst v63  }
0xf3: {  	s2 =	sor.u32 $0x80, s1  }
0xf4: {  	[tilespmem:s16], [sflag:$0x2] =	stream.indirect.gather [hbm4b:s0+s20], $0x80, s2, s20, $0xb8;
	[tilespmem:$0x1DD80] =	vst v63  }
0xf5: {  	_ =	swait.ge [sflag:s22], $0x3E80  }
0xf6: {  	[sflag:s22] =	ssyncset.done $0x0  }
0xf7: {  	s2 =	sadd.s32 $0x1400, s1;
	[sflag:s22] =	ssyncadd.s32 $0xFFFFC180  }
0xf8: {  	[spmem:s3] =	stream.indirect.scatter.add.f32 [tilespmem:s21], [sflag:$0x5], $0x80, s2, s20, $0xb8;
	[tilespmem:$0x1DD80] =	vst v63  }
0xf9: {  	_ =	swait.ge [sflag:s17], $0x3E80  }
0xfa: {  	[sflag:s17] =	ssyncset.done $0x0  }
0xfb: {  	s2 =	sor.u32 $0x100, s1;
	[sflag:s17] =	ssyncadd.s32 $0xFFFFC180  }
0xfc: {  	[tilespmem:s21], [sflag:$0x1] =	stream.indirect.gather [hbm4b:s0+s20], $0x80, s2, s20, $0xb8;
	[tilespmem:$0x1DD80] =	vst v63  }
0xfd: {  	_ =	swait.ge [sflag:s24], $0x3E80  }
0xfe: {  	[sflag:s24] =	ssyncset.done $0x0  }
0xff: {  	s2 =	sadd.s32 $0x1480, s1;
	[sflag:s24] =	ssyncadd.s32 $0xFFFFC180  }
0x100: {  	[spmem:s3] =	stream.indirect.scatter.add.f32 [tilespmem:s16], [sflag:$0x5], $0x80, s2, s20, $0xb8;
	[tilespmem:$0x1DD80] =	vst v63  }
0x101: {  	_ =	swait.ge [sflag:s17], $0x3E80  }
0x102: {  	[sflag:s17] =	ssyncset.done $0x0  }
0x103: {  	s2 =	sor.u32 $0x180, s1;
	[sflag:s17] =	ssyncadd.s32 $0xFFFFC180  }
0x104: {  	[tilespmem:s16], [sflag:$0x2] =	stream.indirect.gather [hbm4b:s0+s20], $0x80, s2, s20, $0xb8;
	[tilespmem:$0x1DD80] =	vst v63  }
0x105: {  	_ =	swait.ge [sflag:s22], $0x3E80  }
0x106: {  	[sflag:s22] =	ssyncset.done $0x0  }
0x107: {  	s2 =	sadd.s32 $0x1500, s1;
	[sflag:s22] =	ssyncadd.s32 $0xFFFFC180  }
0x108: {  	[spmem:s3] =	stream.indirect.scatter.add.f32 [tilespmem:s21], [sflag:$0x5], $0x80, s2, s20, $0xb8;
	[tilespmem:$0x1DD80] =	vst v63  }
0x109: {  	_ =	swait.ge [sflag:s17], $0x3E80  }
0x10a: {  	[sflag:s17] =	ssyncset.done $0x0  }
0x10b: {  	s2 =	sadd.s32 $0x200, s1;
	[sflag:s17] =	ssyncadd.s32 $0xFFFFC180  }
0x10c: {  	[tilespmem:s21], [sflag:$0x1] =	stream.indirect.gather [hbm4b:s0+s20], $0x80, s2, s20, $0xb8;
	[tilespmem:$0x1DD80] =	vst v63  }
0x10d: {  	_ =	swait.ge [sflag:s24], $0x3E80  }
0x10e: {  	[sflag:s24] =	ssyncset.done $0x0  }
0x10f: {  	s2 =	sadd.s32 $0x1580, s1;
	[sflag:s24] =	ssyncadd.s32 $0xFFFFC180  }
0x110: {  	[spmem:s3] =	stream.indirect.scatter.add.f32 [tilespmem:s16], [sflag:$0x5], $0x80, s2, s20, $0xb8;
	[tilespmem:$0x1DD80] =	vst v63  }
0x111: {  	_ =	swait.ge [sflag:s17], $0x3E80  }
0x112: {  	[sflag:s17] =	ssyncset.done $0x0  }
0x113: {  	s2 =	sadd.s32 $0x280, s1;
	[sflag:s17] =	ssyncadd.s32 $0xFFFFC180  }
0x114: {  	[tilespmem:s16], [sflag:$0x2] =	stream.indirect.gather [hbm4b:s0+s20], $0x80, s2, s20, $0xb8;
	[tilespmem:$0x1DD80] =	vst v63  }
0x115: {  	_ =	swait.ge [sflag:s22], $0x3E80  }
0x116: {  	[sflag:s22] =	ssyncset.done $0x0  }
0x117: {  	s2 =	sadd.s32 $0x1600, s1;
	[sflag:s22] =	ssyncadd.s32 $0xFFFFC180  }
0x118: {  	[spmem:s3] =	stream.indirect.scatter.add.f32 [tilespmem:s21], [sflag:$0x5], $0x80, s2, s20, $0xb8;
	[tilespmem:$0x1DD80] =	vst v63  }
0x119: {  	_ =	swait.ge [sflag:s17], $0x3E80  }
0x11a: {  	[sflag:s17] =	ssyncset.done $0x0  }
0x11b: {  	s2 =	sadd.s32 $0x300, s1;
	[sflag:s17] =	ssyncadd.s32 $0xFFFFC180  }
0x11c: {  	[tilespmem:s21], [sflag:$0x1] =	stream.indirect.gather [hbm4b:s0+s20], $0x80, s2, s20, $0xb8;
	[tilespmem:$0x1DD80] =	vst v63  }
0x11d: {  	_ =	swait.ge [sflag:s24], $0x3E80  }
0x11e: {  	[sflag:s24] =	ssyncset.done $0x0  }
0x11f: {  	s2 =	sadd.s32 $0x1680, s1;
	[sflag:s24] =	ssyncadd.s32 $0xFFFFC180  }
0x120: {  	[spmem:s3] =	stream.indirect.scatter.add.f32 [tilespmem:s16], [sflag:$0x5], $0x80, s2, s20, $0xb8;
	[tilespmem:$0x1DD80] =	vst v63  }
0x121: {  	_ =	swait.ge [sflag:s17], $0x3E80  }
0x122: {  	[sflag:s17] =	ssyncset.done $0x0  }
0x123: {  	s2 =	sadd.s32 $0x380, s1;
	[sflag:s17] =	ssyncadd.s32 $0xFFFFC180  }
0x124: {  	[tilespmem:s16], [sflag:$0x2] =	stream.indirect.gather [hbm4b:s0+s20], $0x80, s2, s20, $0xb8;
	[tilespmem:$0x1DD80] =	vst v63  }
0x125: {  	_ =	swait.ge [sflag:s22], $0x3E80  }
0x126: {  	[sflag:s22] =	ssyncset.done $0x0  }
0x127: {  	s2 =	sadd.s32 $0x1700, s1;
	[sflag:s22] =	ssyncadd.s32 $0xFFFFC180  }
0x128: {  	[spmem:s3] =	stream.indirect.scatter.add.f32 [tilespmem:s21], [sflag:$0x5], $0x80, s2, s20, $0xb8;
	[tilespmem:$0x1DD80] =	vst v63  }
0x129: {  	_ =	swait.ge [sflag:s17], $0x3E80  }
0x12a: {  	[sflag:s17] =	ssyncset.done $0x0  }
0x12b: {  	s2 =	sadd.s32 $0x400, s1;
	[sflag:s17] =	ssyncadd.s32 $0xFFFFC180  }
0x12c: {  	[tilespmem:s21], [sflag:$0x1] =	stream.indirect.gather [hbm4b:s0+s20], $0x80, s2, s20, $0xb8;
	[tilespmem:$0x1DD80] =	vst v63  }
0x12d: {  	_ =	swait.ge [sflag:s24], $0x3E80  }
0x12e: {  	[sflag:s24] =	ssyncset.done $0x0  }
0x12f: {  	s2 =	sadd.s32 $0x1780, s1;
	[sflag:s24] =	ssyncadd.s32 $0xFFFFC180  }
0x130: {  	[spmem:s3] =	stream.indirect.scatter.add.f32 [tilespmem:s16], [sflag:$0x5], $0x80, s2, s20, $0xb8;
	[tilespmem:$0x1DD80] =	vst v63  }
0x131: {  	_ =	swait.ge [sflag:s17], $0x3E80  }
0x132: {  	[sflag:s17] =	ssyncset.done $0x0  }
0x133: {  	s2 =	sadd.s32 $0x480, s1;
	[sflag:s17] =	ssyncadd.s32 $0xFFFFC180  }
0x134: {  	[tilespmem:s16], [sflag:$0x2] =	stream.indirect.gather [hbm4b:s0+s20], $0x80, s2, s20, $0xb8;
	[tilespmem:$0x1DD80] =	vst v63  }
0x135: {  	_ =	swait.ge [sflag:s22], $0x3E80  }
0x136: {  	[sflag:s22] =	ssyncset.done $0x0  }
0x137: {  	s2 =	sadd.s32 $0x1800, s1;
	[sflag:s22] =	ssyncadd.s32 $0xFFFFC180  }
0x138: {  	[spmem:s3] =	stream.indirect.scatter.add.f32 [tilespmem:s21], [sflag:$0x5], $0x80, s2, s20, $0xb8;
	[tilespmem:$0x1DD80] =	vst v63  }
0x139: {  	_ =	swait.ge [sflag:s17], $0x3E80  }
0x13a: {  	[sflag:s17] =	ssyncset.done $0x0  }
0x13b: {  	s2 =	sadd.s32 $0x500, s1;
	[sflag:s17] =	ssyncadd.s32 $0xFFFFC180  }
0x13c: {  	[tilespmem:s21], [sflag:$0x1] =	stream.indirect.gather [hbm4b:s0+s20], $0x80, s2, s20, $0xb8;
	[tilespmem:$0x1DD80] =	vst v63  }
0x13d: {  	_ =	swait.ge [sflag:s24], $0x3E80  }
0x13e: {  	[sflag:s24] =	ssyncset.done $0x0  }
0x13f: {  	s2 =	sadd.s32 $0x1880, s1;
	[sflag:s24] =	ssyncadd.s32 $0xFFFFC180  }
0x140: {  	[spmem:s3] =	stream.indirect.scatter.add.f32 [tilespmem:s16], [sflag:$0x5], $0x80, s2, s20, $0xb8;
	[tilespmem:$0x1DD80] =	vst v63  }
0x141: {  	_ =	swait.ge [sflag:s17], $0x3E80  }
0x142: {  	[sflag:s17] =	ssyncset.done $0x0  }
0x143: {  	s2 =	sadd.s32 $0x580, s1;
	[sflag:s17] =	ssyncadd.s32 $0xFFFFC180  }
0x144: {  	[tilespmem:s16], [sflag:$0x2] =	stream.indirect.gather [hbm4b:s0+s20], $0x80, s2, s20, $0xb8;
	[tilespmem:$0x1DD80] =	vst v63  }
0x145: {  	_ =	swait.ge [sflag:s22], $0x3E80  }
0x146: {  	[sflag:s22] =	ssyncset.done $0x0  }
0x147: {  	s2 =	sadd.s32 $0x1900, s1;
	[sflag:s22] =	ssyncadd.s32 $0xFFFFC180  }
0x148: {  	[spmem:s3] =	stream.indirect.scatter.add.f32 [tilespmem:s21], [sflag:$0x5], $0x80, s2, s20, $0xb8;
	[tilespmem:$0x1DD80] =	vst v63  }
0x149: {  	_ =	swait.ge [sflag:s17], $0x3E80  }
0x14a: {  	[sflag:s17] =	ssyncset.done $0x0  }
0x14b: {  	s2 =	sadd.s32 $0x600, s1;
	[sflag:s17] =	ssyncadd.s32 $0xFFFFC180  }
0x14c: {  	[tilespmem:s21], [sflag:$0x1] =	stream.indirect.gather [hbm4b:s0+s20], $0x80, s2, s20, $0xb8;
	[tilespmem:$0x1DD80] =	vst v63  }
0x14d: {  	_ =	swait.ge [sflag:s24], $0x3E80  }
0x14e: {  	[sflag:s24] =	ssyncset.done $0x0  }
0x14f: {  	s2 =	sadd.s32 $0x1980, s1;
	[sflag:s24] =	ssyncadd.s32 $0xFFFFC180  }
0x150: {  	[spmem:s3] =	stream.indirect.scatter.add.f32 [tilespmem:s16], [sflag:$0x5], $0x80, s2, s20, $0xb8;
	[tilespmem:$0x1DD80] =	vst v63  }
0x151: {  	_ =	swait.ge [sflag:s17], $0x3E80  }
0x152: {  	[sflag:s17] =	ssyncset.done $0x0  }
0x153: {  	s2 =	sadd.s32 $0x680, s1;
	[sflag:s17] =	ssyncadd.s32 $0xFFFFC180  }
0x154: {  	[tilespmem:s16], [sflag:$0x2] =	stream.indirect.gather [hbm4b:s0+s20], $0x80, s2, s20, $0xb8;
	[tilespmem:$0x1DD80] =	vst v63  }
0x155: {  	_ =	swait.ge [sflag:s22], $0x3E80  }
0x156: {  	[sflag:s22] =	ssyncset.done $0x0  }
0x157: {  	s2 =	sadd.s32 $0x1A00, s1;
	[sflag:s22] =	ssyncadd.s32 $0xFFFFC180  }
0x158: {  	[spmem:s3] =	stream.indirect.scatter.add.f32 [tilespmem:s21], [sflag:$0x5], $0x80, s2, s20, $0xb8;
	[tilespmem:$0x1DD80] =	vst v63  }
0x159: {  	_ =	swait.ge [sflag:s17], $0x3E80  }
0x15a: {  	[sflag:s17] =	ssyncset.done $0x0  }
0x15b: {  	s2 =	sadd.s32 $0x700, s1;
	[sflag:s17] =	ssyncadd.s32 $0xFFFFC180  }
0x15c: {  	[tilespmem:s21], [sflag:$0x1] =	stream.indirect.gather [hbm4b:s0+s20], $0x80, s2, s20, $0xb8;
	[tilespmem:$0x1DD80] =	vst v63  }
0x15d: {  	_ =	swait.ge [sflag:s24], $0x3E80  }
0x15e: {  	[sflag:s24] =	ssyncset.done $0x0  }
0x15f: {  	s2 =	sadd.s32 $0x1A80, s1;
	[sflag:s24] =	ssyncadd.s32 $0xFFFFC180  }
0x160: {  	[spmem:s3] =	stream.indirect.scatter.add.f32 [tilespmem:s16], [sflag:$0x5], $0x80, s2, s20, $0xb8;
	[tilespmem:$0x1DD80] =	vst v63  }
0x161: {  	_ =	swait.ge [sflag:s17], $0x3E80  }
0x162: {  	[sflag:s17] =	ssyncset.done $0x0  }
0x163: {  	s2 =	sadd.s32 $0x780, s1;
	[sflag:s17] =	ssyncadd.s32 $0xFFFFC180  }
0x164: {  	[tilespmem:s16], [sflag:$0x2] =	stream.indirect.gather [hbm4b:s0+s20], $0x80, s2, s20, $0xb8;
	[tilespmem:$0x1DD80] =	vst v63  }
0x165: {  	_ =	swait.ge [sflag:s22], $0x3E80  }
0x166: {  	[sflag:s22] =	ssyncset.done $0x0  }
0x167: {  	s2 =	sadd.s32 $0x1B00, s1;
	[sflag:s22] =	ssyncadd.s32 $0xFFFFC180  }
0x168: {  	[spmem:s3] =	stream.indirect.scatter.add.f32 [tilespmem:s21], [sflag:$0x5], $0x80, s2, s20, $0xb8;
	[tilespmem:$0x1DD80] =	vst v63  }
0x169: {  	_ =	swait.ge [sflag:s17], $0x3E80  }
0x16a: {  	[sflag:s17] =	ssyncset.done $0x0  }
0x16b: {  	s2 =	sadd.s32 $0x800, s1;
	[sflag:s17] =	ssyncadd.s32 $0xFFFFC180  }
0x16c: {  	[tilespmem:s21], [sflag:$0x1] =	stream.indirect.gather [hbm4b:s0+s20], $0x80, s2, s20, $0xb8;
	[tilespmem:$0x1DD80] =	vst v63  }
0x16d: {  	_ =	swait.ge [sflag:s24], $0x3E80  }
0x16e: {  	[sflag:s24] =	ssyncset.done $0x0  }
0x16f: {  	s2 =	sadd.s32 $0x1B80, s1;
	[sflag:s24] =	ssyncadd.s32 $0xFFFFC180  }
0x170: {  	[spmem:s3] =	stream.indirect.scatter.add.f32 [tilespmem:s16], [sflag:$0x5], $0x80, s2, s20, $0xb8;
	[tilespmem:$0x1DD80] =	vst v63  }
0x171: {  	_ =	swait.ge [sflag:s17], $0x3E80  }
0x172: {  	[sflag:s17] =	ssyncset.done $0x0  }
0x173: {  	s2 =	sadd.s32 $0x880, s1;
	[sflag:s17] =	ssyncadd.s32 $0xFFFFC180  }
0x174: {  	[tilespmem:s16], [sflag:$0x2] =	stream.indirect.gather [hbm4b:s0+s20], $0x80, s2, s20, $0xb8;
	[tilespmem:$0x1DD80] =	vst v63  }
0x175: {  	_ =	swait.ge [sflag:s22], $0x3E80  }
0x176: {  	[sflag:s22] =	ssyncset.done $0x0  }
0x177: {  	s2 =	sadd.s32 $0x1C00, s1;
	[sflag:s22] =	ssyncadd.s32 $0xFFFFC180  }
0x178: {  	[spmem:s3] =	stream.indirect.scatter.add.f32 [tilespmem:s21], [sflag:$0x5], $0x80, s2, s20, $0xb8;
	[tilespmem:$0x1DD80] =	vst v63  }
0x179: {  	_ =	swait.ge [sflag:s17], $0x3E80  }
0x17a: {  	[sflag:s17] =	ssyncset.done $0x0  }
0x17b: {  	s2 =	sadd.s32 $0x900, s1;
	[sflag:s17] =	ssyncadd.s32 $0xFFFFC180  }
0x17c: {  	[tilespmem:s21], [sflag:$0x1] =	stream.indirect.gather [hbm4b:s0+s20], $0x80, s2, s20, $0xb8;
	[tilespmem:$0x1DD80] =	vst v63  }
0x17d: {  	_ =	swait.ge [sflag:s24], $0x3E80  }
0x17e: {  	[sflag:s24] =	ssyncset.done $0x0  }
0x17f: {  	s2 =	sadd.s32 $0x1C80, s1;
	[sflag:s24] =	ssyncadd.s32 $0xFFFFC180  }
0x180: {  	[spmem:s3] =	stream.indirect.scatter.add.f32 [tilespmem:s16], [sflag:$0x5], $0x80, s2, s20, $0xb8;
	[tilespmem:$0x1DD80] =	vst v63  }
0x181: {  	_ =	swait.ge [sflag:s17], $0x3E80  }
0x182: {  	[sflag:s17] =	ssyncset.done $0x0  }
0x183: {  	s2 =	sadd.s32 $0x980, s1;
	[sflag:s17] =	ssyncadd.s32 $0xFFFFC180  }
0x184: {  	[tilespmem:s16], [sflag:$0x2] =	stream.indirect.gather [hbm4b:s0+s20], $0x80, s2, s20, $0xb8;
	[tilespmem:$0x1DD80] =	vst v63  }
0x185: {  	_ =	swait.ge [sflag:s22], $0x3E80  }
0x186: {  	[sflag:s22] =	ssyncset.done $0x0  }
0x187: {  	s2 =	sadd.s32 $0x1D00, s1;
	[sflag:s22] =	ssyncadd.s32 $0xFFFFC180  }
0x188: {  	[spmem:s3] =	stream.indirect.scatter.add.f32 [tilespmem:s21], [sflag:$0x5], $0x80, s2, s20, $0xb8;
	[tilespmem:$0x1DD80] =	vst v63  }
0x189: {  	_ =	swait.ge [sflag:s17], $0x3E80  }
0x18a: {  	[sflag:s17] =	ssyncset.done $0x0  }
0x18b: {  	s2 =	simm.s32 @!p0 $0x3;
	[sflag:s17] =	ssyncadd.s32 $0xFFFFC180  }
0x18c: {  	_ =	swait.ge @!p0 [sflag:s2], $0xA00  }
0x18d: {  	[sflag:s2] =	ssyncset.done @!p0 $0x0  }
0x18e: {  	[sflag:s2] =	ssyncadd.s32 @!p0 $0xFFFFF600;
	s2 =	simm.s32 @!p0 $0x4  }
0x18f: {  	_ =	swait.ge @!p0 [sflag:s2], $0xA00  }
0x190: {  	s4 =	simm.s32 @!p0 $0x2800;
	[sflag:s2] =	ssyncset.done @!p0 $0x0  }
0x191: {  	s6 =	sshrl.u32 @!p0 s15, $0x2;
	[sflag:s2] =	ssyncadd.s32 @!p0 $0xFFFFF600;
	s2 =	simm.s32 @!p0 $0x7D  }
0x192: {  	[tilespmem:s4], [sflag:$0x1] =	stream.indirect.gather @!p0 [hbm4b:s0+s2], $0x80, s6, s2, $0xb8;
	[tilespmem:$0x1DD80] =	vst v63  }
0x193: {  	s28 =	sadd.s32 $0x140, s28;
	_ =	swait.ge [sflag:s24], $0x3E80  }
.Ltmp1:
0x194: {  	s30 =	sadd.s32 $0x140, s30;
	[sflag:s24] =	ssyncset.done $0x0;
	(pc) =	sbr.rel @p1 .LBB2_4-.Ltmp1, $4  }
0x195: {  	s1 =	sadd.s32 $0x1D80, s1;
	s2 =	sand.u32 $0x1, s31;
	[sflag:s24] =	ssyncadd.s32 $0xFFFFC180  }
0x196: {  	[spmem:s3] =	stream.indirect.scatter.add.f32 [tilespmem:s16], [sflag:$0x5], $0x80, s1, s20, $0xb8;
	[tilespmem:$0x1DD80] =	vst v63  }
0x197: {  	p0 =	seq.s32 s31, $0x3;
	s1 =	sxor.u32 $0x1, s2;
	_ =	swait.ge [sflag:s17], $0x3E80  }
0x198: {  	s4 =	simm.s32 @!p0 $0x0;
	s6 =	smul.u32 @!p0 $0xA00, s1;
	[sflag:s17] =	ssyncset.done $0x0  }
0x199: {  	[sflag:s17] =	ssyncadd.s32 $0xFFFFC180  }
0x19a: {  	[tilespmem:s6], [sflag:$0x3] =	stream.linear.gather @!p0 [hbm4b:s30+s4], $0xA00, $0x38;
	[tilespmem:$0x1DD80] =	vst v63  }
0x19b: {  	s15 =	smul.u32 $0xA00, s2;
	s6 =	sadd.s32 @!p0 $0x1400, s6  }
0x19c: {  	[tilespmem:s6], [sflag:$0x4] =	stream.linear.gather @!p0 [hbm4b:s28+s4], $0xA00, $0x38;
	[tilespmem:$0x1DD80] =	vst v63  }
0x19d: {  	s2 =	sor.u32 $0x80, s15  }
0x19e: {  	[tilespmem:s16], [sflag:$0x2] =	stream.indirect.gather [hbm4b:s0+s20], $0x80, s2, s20, $0xb8;
	[tilespmem:$0x1DD80] =	vst v63  }
0x19f: {  	_ =	swait.ge [sflag:s22], $0x3E80  }
0x1a0: {  	[sflag:s22] =	ssyncset.done $0x0  }
0x1a1: {  	s29 =	sadd.s32 $0x1400, s15;
	[sflag:s22] =	ssyncadd.s32 $0xFFFFC180  }
0x1a2: {  	[spmem:s3] =	stream.indirect.scatter.add.f32 [tilespmem:s21], [sflag:$0x5], $0x80, s29, s20, $0xb8;
	[tilespmem:$0x1DD80] =	vst v63  }
0x1a3: {  	_ =	swait.ge [sflag:s17], $0x3E80  }
0x1a4: {  	[sflag:s17] =	ssyncset.done $0x0  }
0x1a5: {  	s30 =	sor.u32 $0x100, s15;
	[sflag:s17] =	ssyncadd.s32 $0xFFFFC180  }
0x1a6: {  	[tilespmem:s21], [sflag:$0x1] =	stream.indirect.gather [hbm4b:s0+s20], $0x80, s30, s20, $0xb8;
	[tilespmem:$0x1DD80] =	vst v63  }
0x1a7: {  	_ =	swait.ge [sflag:s24], $0x3E80  }
0x1a8: {  	[sflag:s24] =	ssyncset.done $0x0  }
0x1a9: {  	s31 =	sadd.s32 $0x1480, s15;
	[sflag:s24] =	ssyncadd.s32 $0xFFFFC180  }
0x1aa: {  	[spmem:s3] =	stream.indirect.scatter.add.f32 [tilespmem:s16], [sflag:$0x5], $0x80, s31, s20, $0xb8;
	[tilespmem:$0x1DD80] =	vst v63  }
0x1ab: {  	_ =	swait.ge [sflag:s17], $0x3E80  }
0x1ac: {  	[sflag:s17] =	ssyncset.done $0x0  }
0x1ad: {  	s4 =	sor.u32 $0x180, s15;
	[sflag:s17] =	ssyncadd.s32 $0xFFFFC180  }
0x1ae: {  	[tilespmem:s16], [sflag:$0x2] =	stream.indirect.gather [hbm4b:s0+s20], $0x80, s4, s20, $0xb8;
	[tilespmem:$0x1DD80] =	vst v63  }
0x1af: {  	_ =	swait.ge [sflag:s22], $0x3E80  }
0x1b0: {  	[sflag:s22] =	ssyncset.done $0x0  }
0x1b1: {  	s6 =	sadd.s32 $0x1500, s15;
	[sflag:s22] =	ssyncadd.s32 $0xFFFFC180  }
0x1b2: {  	[spmem:s3] =	stream.indirect.scatter.add.f32 [tilespmem:s21], [sflag:$0x5], $0x80, s6, s20, $0xb8;
	[tilespmem:$0x1DD80] =	vst v63  }
0x1b3: {  	_ =	swait.ge [sflag:s17], $0x3E80  }
0x1b4: {  	[sflag:s17] =	ssyncset.done $0x0  }
0x1b5: {  	s28 =	sadd.s32 $0x200, s15;
	[sflag:s17] =	ssyncadd.s32 $0xFFFFC180  }
0x1b6: {  	[tilespmem:s21], [sflag:$0x1] =	stream.indirect.gather [hbm4b:s0+s20], $0x80, s28, s20, $0xb8;
	[tilespmem:$0x1DD80] =	vst v63  }
0x1b7: {  	_ =	swait.ge [sflag:s24], $0x3E80  }
0x1b8: {  	[sflag:s24] =	ssyncset.done $0x0  }
0x1b9: {  	s29 =	sadd.s32 $0x1580, s15;
	[sflag:s24] =	ssyncadd.s32 $0xFFFFC180  }
0x1ba: {  	[spmem:s3] =	stream.indirect.scatter.add.f32 [tilespmem:s16], [sflag:$0x5], $0x80, s29, s20, $0xb8;
	[tilespmem:$0x1DD80] =	vst v63  }
0x1bb: {  	_ =	swait.ge [sflag:s17], $0x3E80  }
0x1bc: {  	[sflag:s17] =	ssyncset.done $0x0  }
0x1bd: {  	s30 =	sadd.s32 $0x280, s15;
	[sflag:s17] =	ssyncadd.s32 $0xFFFFC180  }
0x1be: {  	[tilespmem:s16], [sflag:$0x2] =	stream.indirect.gather [hbm4b:s0+s20], $0x80, s30, s20, $0xb8;
	[tilespmem:$0x1DD80] =	vst v63  }
0x1bf: {  	_ =	swait.ge [sflag:s22], $0x3E80  }
0x1c0: {  	[sflag:s22] =	ssyncset.done $0x0  }
0x1c1: {  	s31 =	sadd.s32 $0x1600, s15;
	[sflag:s22] =	ssyncadd.s32 $0xFFFFC180  }
0x1c2: {  	[spmem:s3] =	stream.indirect.scatter.add.f32 [tilespmem:s21], [sflag:$0x5], $0x80, s31, s20, $0xb8;
	[tilespmem:$0x1DD80] =	vst v63  }
0x1c3: {  	_ =	swait.ge [sflag:s17], $0x3E80  }
0x1c4: {  	[sflag:s17] =	ssyncset.done $0x0  }
0x1c5: {  	s4 =	sadd.s32 $0x300, s15;
	[sflag:s17] =	ssyncadd.s32 $0xFFFFC180  }
0x1c6: {  	[tilespmem:s21], [sflag:$0x1] =	stream.indirect.gather [hbm4b:s0+s20], $0x80, s4, s20, $0xb8;
	[tilespmem:$0x1DD80] =	vst v63  }
0x1c7: {  	_ =	swait.ge [sflag:s24], $0x3E80  }
0x1c8: {  	[sflag:s24] =	ssyncset.done $0x0  }
0x1c9: {  	s6 =	sadd.s32 $0x1680, s15;
	[sflag:s24] =	ssyncadd.s32 $0xFFFFC180  }
0x1ca: {  	[spmem:s3] =	stream.indirect.scatter.add.f32 [tilespmem:s16], [sflag:$0x5], $0x80, s6, s20, $0xb8;
	[tilespmem:$0x1DD80] =	vst v63  }
0x1cb: {  	_ =	swait.ge [sflag:s17], $0x3E80  }
0x1cc: {  	[sflag:s17] =	ssyncset.done $0x0  }
0x1cd: {  	s28 =	sadd.s32 $0x380, s15;
	[sflag:s17] =	ssyncadd.s32 $0xFFFFC180  }
0x1ce: {  	[tilespmem:s16], [sflag:$0x2] =	stream.indirect.gather [hbm4b:s0+s20], $0x80, s28, s20, $0xb8;
	[tilespmem:$0x1DD80] =	vst v63  }
0x1cf: {  	_ =	swait.ge [sflag:s22], $0x3E80  }
0x1d0: {  	[sflag:s22] =	ssyncset.done $0x0  }
0x1d1: {  	s29 =	sadd.s32 $0x1700, s15;
	[sflag:s22] =	ssyncadd.s32 $0xFFFFC180  }
0x1d2: {  	[spmem:s3] =	stream.indirect.scatter.add.f32 [tilespmem:s21], [sflag:$0x5], $0x80, s29, s20, $0xb8;
	[tilespmem:$0x1DD80] =	vst v63  }
0x1d3: {  	_ =	swait.ge [sflag:s17], $0x3E80  }
0x1d4: {  	[sflag:s17] =	ssyncset.done $0x0  }
0x1d5: {  	s30 =	sadd.s32 $0x400, s15;
	[sflag:s17] =	ssyncadd.s32 $0xFFFFC180  }
0x1d6: {  	[tilespmem:s21], [sflag:$0x1] =	stream.indirect.gather [hbm4b:s0+s20], $0x80, s30, s20, $0xb8;
	[tilespmem:$0x1DD80] =	vst v63  }
0x1d7: {  	_ =	swait.ge [sflag:s24], $0x3E80  }
0x1d8: {  	[sflag:s24] =	ssyncset.done $0x0  }
0x1d9: {  	s31 =	sadd.s32 $0x1780, s15;
	[sflag:s24] =	ssyncadd.s32 $0xFFFFC180  }
0x1da: {  	[spmem:s3] =	stream.indirect.scatter.add.f32 [tilespmem:s16], [sflag:$0x5], $0x80, s31, s20, $0xb8;
	[tilespmem:$0x1DD80] =	vst v63  }
0x1db: {  	_ =	swait.ge [sflag:s17], $0x3E80  }
0x1dc: {  	[sflag:s17] =	ssyncset.done $0x0  }
0x1dd: {  	s4 =	sadd.s32 $0x480, s15;
	[sflag:s17] =	ssyncadd.s32 $0xFFFFC180  }
0x1de: {  	[tilespmem:s16], [sflag:$0x2] =	stream.indirect.gather [hbm4b:s0+s20], $0x80, s4, s20, $0xb8;
	[tilespmem:$0x1DD80] =	vst v63  }
0x1df: {  	_ =	swait.ge [sflag:s22], $0x3E80  }
0x1e0: {  	[sflag:s22] =	ssyncset.done $0x0  }
0x1e1: {  	s6 =	sadd.s32 $0x1800, s15;
	[sflag:s22] =	ssyncadd.s32 $0xFFFFC180  }
0x1e2: {  	[spmem:s3] =	stream.indirect.scatter.add.f32 [tilespmem:s21], [sflag:$0x5], $0x80, s6, s20, $0xb8;
	[tilespmem:$0x1DD80] =	vst v63  }
0x1e3: {  	_ =	swait.ge [sflag:s17], $0x3E80  }
0x1e4: {  	[sflag:s17] =	ssyncset.done $0x0  }
0x1e5: {  	s28 =	sadd.s32 $0x500, s15;
	[sflag:s17] =	ssyncadd.s32 $0xFFFFC180  }
0x1e6: {  	[tilespmem:s21], [sflag:$0x1] =	stream.indirect.gather [hbm4b:s0+s20], $0x80, s28, s20, $0xb8;
	[tilespmem:$0x1DD80] =	vst v63  }
0x1e7: {  	_ =	swait.ge [sflag:s24], $0x3E80  }
0x1e8: {  	[sflag:s24] =	ssyncset.done $0x0  }
0x1e9: {  	s29 =	sadd.s32 $0x1880, s15;
	[sflag:s24] =	ssyncadd.s32 $0xFFFFC180  }
0x1ea: {  	[spmem:s3] =	stream.indirect.scatter.add.f32 [tilespmem:s16], [sflag:$0x5], $0x80, s29, s20, $0xb8;
	[tilespmem:$0x1DD80] =	vst v63  }
0x1eb: {  	_ =	swait.ge [sflag:s17], $0x3E80  }
0x1ec: {  	[sflag:s17] =	ssyncset.done $0x0  }
0x1ed: {  	s30 =	sadd.s32 $0x580, s15;
	[sflag:s17] =	ssyncadd.s32 $0xFFFFC180  }
0x1ee: {  	[tilespmem:s16], [sflag:$0x2] =	stream.indirect.gather [hbm4b:s0+s20], $0x80, s30, s20, $0xb8;
	[tilespmem:$0x1DD80] =	vst v63  }
0x1ef: {  	_ =	swait.ge [sflag:s22], $0x3E80  }
0x1f0: {  	[sflag:s22] =	ssyncset.done $0x0  }
0x1f1: {  	s31 =	sadd.s32 $0x1900, s15;
	[sflag:s22] =	ssyncadd.s32 $0xFFFFC180  }
0x1f2: {  	[spmem:s3] =	stream.indirect.scatter.add.f32 [tilespmem:s21], [sflag:$0x5], $0x80, s31, s20, $0xb8;
	[tilespmem:$0x1DD80] =	vst v63  }
0x1f3: {  	_ =	swait.ge [sflag:s17], $0x3E80  }
0x1f4: {  	[sflag:s17] =	ssyncset.done $0x0  }
0x1f5: {  	s4 =	sadd.s32 $0x600, s15;
	[sflag:s17] =	ssyncadd.s32 $0xFFFFC180  }
0x1f6: {  	[tilespmem:s21], [sflag:$0x1] =	stream.indirect.gather [hbm4b:s0+s20], $0x80, s4, s20, $0xb8;
	[tilespmem:$0x1DD80] =	vst v63  }
0x1f7: {  	_ =	swait.ge [sflag:s24], $0x3E80  }
0x1f8: {  	[sflag:s24] =	ssyncset.done $0x0  }
0x1f9: {  	s6 =	sadd.s32 $0x1980, s15;
	[sflag:s24] =	ssyncadd.s32 $0xFFFFC180  }
0x1fa: {  	[spmem:s3] =	stream.indirect.scatter.add.f32 [tilespmem:s16], [sflag:$0x5], $0x80, s6, s20, $0xb8;
	[tilespmem:$0x1DD80] =	vst v63  }
0x1fb: {  	_ =	swait.ge [sflag:s17], $0x3E80  }
0x1fc: {  	[sflag:s17] =	ssyncset.done $0x0  }
0x1fd: {  	s28 =	sadd.s32 $0x680, s15;
	[sflag:s17] =	ssyncadd.s32 $0xFFFFC180  }
0x1fe: {  	[tilespmem:s16], [sflag:$0x2] =	stream.indirect.gather [hbm4b:s0+s20], $0x80, s28, s20, $0xb8;
	[tilespmem:$0x1DD80] =	vst v63  }
0x1ff: {  	_ =	swait.ge [sflag:s22], $0x3E80  }
0x200: {  	[sflag:s22] =	ssyncset.done $0x0  }
0x201: {  	s29 =	sadd.s32 $0x1A00, s15;
	[sflag:s22] =	ssyncadd.s32 $0xFFFFC180  }
0x202: {  	[spmem:s3] =	stream.indirect.scatter.add.f32 [tilespmem:s21], [sflag:$0x5], $0x80, s29, s20, $0xb8;
	[tilespmem:$0x1DD80] =	vst v63  }
0x203: {  	_ =	swait.ge [sflag:s17], $0x3E80  }
0x204: {  	[sflag:s17] =	ssyncset.done $0x0  }
0x205: {  	s30 =	sadd.s32 $0x700, s15;
	[sflag:s17] =	ssyncadd.s32 $0xFFFFC180  }
0x206: {  	[tilespmem:s21], [sflag:$0x1] =	stream.indirect.gather [hbm4b:s0+s20], $0x80, s30, s20, $0xb8;
	[tilespmem:$0x1DD80] =	vst v63  }
0x207: {  	_ =	swait.ge [sflag:s24], $0x3E80  }
0x208: {  	[sflag:s24] =	ssyncset.done $0x0  }
0x209: {  	s31 =	sadd.s32 $0x1A80, s15;
	[sflag:s24] =	ssyncadd.s32 $0xFFFFC180  }
0x20a: {  	[spmem:s3] =	stream.indirect.scatter.add.f32 [tilespmem:s16], [sflag:$0x5], $0x80, s31, s20, $0xb8;
	[tilespmem:$0x1DD80] =	vst v63  }
0x20b: {  	_ =	swait.ge [sflag:s17], $0x3E80  }
0x20c: {  	[sflag:s17] =	ssyncset.done $0x0  }
0x20d: {  	s4 =	sadd.s32 $0x780, s15;
	[sflag:s17] =	ssyncadd.s32 $0xFFFFC180  }
0x20e: {  	[tilespmem:s16], [sflag:$0x2] =	stream.indirect.gather [hbm4b:s0+s20], $0x80, s4, s20, $0xb8;
	[tilespmem:$0x1DD80] =	vst v63  }
0x20f: {  	_ =	swait.ge [sflag:s22], $0x3E80  }
0x210: {  	[sflag:s22] =	ssyncset.done $0x0  }
0x211: {  	s6 =	sadd.s32 $0x1B00, s15;
	[sflag:s22] =	ssyncadd.s32 $0xFFFFC180  }
0x212: {  	[spmem:s3] =	stream.indirect.scatter.add.f32 [tilespmem:s21], [sflag:$0x5], $0x80, s6, s20, $0xb8;
	[tilespmem:$0x1DD80] =	vst v63  }
0x213: {  	_ =	swait.ge [sflag:s17], $0x3E80  }
0x214: {  	[sflag:s17] =	ssyncset.done $0x0  }
0x215: {  	s28 =	sadd.s32 $0x800, s15;
	[sflag:s17] =	ssyncadd.s32 $0xFFFFC180  }
0x216: {  	[tilespmem:s21], [sflag:$0x1] =	stream.indirect.gather [hbm4b:s0+s20], $0x80, s28, s20, $0xb8;
	[tilespmem:$0x1DD80] =	vst v63  }
0x217: {  	_ =	swait.ge [sflag:s24], $0x3E80  }
0x218: {  	[sflag:s24] =	ssyncset.done $0x0  }
0x219: {  	s29 =	sadd.s32 $0x1B80, s15;
	[sflag:s24] =	ssyncadd.s32 $0xFFFFC180  }
0x21a: {  	[spmem:s3] =	stream.indirect.scatter.add.f32 [tilespmem:s16], [sflag:$0x5], $0x80, s29, s20, $0xb8;
	[tilespmem:$0x1DD80] =	vst v63  }
0x21b: {  	_ =	swait.ge [sflag:s17], $0x3E80  }
0x21c: {  	[sflag:s17] =	ssyncset.done $0x0  }
0x21d: {  	s30 =	sadd.s32 $0x880, s15;
	[sflag:s17] =	ssyncadd.s32 $0xFFFFC180  }
0x21e: {  	[tilespmem:s16], [sflag:$0x2] =	stream.indirect.gather [hbm4b:s0+s20], $0x80, s30, s20, $0xb8;
	[tilespmem:$0x1DD80] =	vst v63  }
0x21f: {  	_ =	swait.ge [sflag:s22], $0x3E80  }
0x220: {  	[sflag:s22] =	ssyncset.done $0x0  }
0x221: {  	s31 =	sadd.s32 $0x1C00, s15;
	[sflag:s22] =	ssyncadd.s32 $0xFFFFC180  }
0x222: {  	[spmem:s3] =	stream.indirect.scatter.add.f32 [tilespmem:s21], [sflag:$0x5], $0x80, s31, s20, $0xb8;
	[tilespmem:$0x1DD80] =	vst v63  }
0x223: {  	_ =	swait.ge [sflag:s17], $0x3E80  }
0x224: {  	[sflag:s17] =	ssyncset.done $0x0  }
0x225: {  	s4 =	sadd.s32 $0x900, s15;
	[sflag:s17] =	ssyncadd.s32 $0xFFFFC180  }
0x226: {  	[tilespmem:s21], [sflag:$0x1] =	stream.indirect.gather [hbm4b:s0+s20], $0x80, s4, s20, $0xb8;
	[tilespmem:$0x1DD80] =	vst v63  }
0x227: {  	_ =	swait.ge [sflag:s24], $0x3E80  }
0x228: {  	[sflag:s24] =	ssyncset.done $0x0  }
0x229: {  	s6 =	sadd.s32 $0x1C80, s15;
	[sflag:s24] =	ssyncadd.s32 $0xFFFFC180  }
0x22a: {  	[spmem:s3] =	stream.indirect.scatter.add.f32 [tilespmem:s16], [sflag:$0x5], $0x80, s6, s20, $0xb8;
	[tilespmem:$0x1DD80] =	vst v63  }
0x22b: {  	_ =	swait.ge [sflag:s17], $0x3E80  }
0x22c: {  	[sflag:s17] =	ssyncset.done $0x0  }
0x22d: {  	s28 =	sadd.s32 $0x980, s15;
	[sflag:s17] =	ssyncadd.s32 $0xFFFFC180  }
0x22e: {  	[tilespmem:s16], [sflag:$0x2] =	stream.indirect.gather [hbm4b:s0+s20], $0x80, s28, s20, $0xb8;
	[tilespmem:$0x1DD80] =	vst v63  }
0x22f: {  	_ =	swait.ge [sflag:s22], $0x3E80  }
0x230: {  	[sflag:s22] =	ssyncset.done $0x0  }
0x231: {  	s29 =	sadd.s32 $0x1D00, s15;
	[sflag:s22] =	ssyncadd.s32 $0xFFFFC180  }
0x232: {  	[spmem:s3] =	stream.indirect.scatter.add.f32 [tilespmem:s21], [sflag:$0x5], $0x80, s29, s20, $0xb8;
	[tilespmem:$0x1DD80] =	vst v63  }
0x233: {  	_ =	swait.ge [sflag:s17], $0x3E80  }
0x234: {  	[sflag:s17] =	ssyncset.done $0x0  }
0x235: {  	s2 =	simm.s32 @!p0 $0x3;
	[sflag:s17] =	ssyncadd.s32 $0xFFFFC180  }
0x236: {  	_ =	swait.ge @!p0 [sflag:s2], $0xA00  }
0x237: {  	[sflag:s2] =	ssyncset.done @!p0 $0x0  }
0x238: {  	s1 =	smul.u32 @!p0 $0x2800, s1;
	[sflag:s2] =	ssyncadd.s32 @!p0 $0xFFFFF600;
	s2 =	simm.s32 @!p0 $0x4  }
0x239: {  	_ =	swait.ge @!p0 [sflag:s2], $0xA00  }
0x23a: {  	s1 =	sshrl.u32 @!p0 s1, $0x2;
	[sflag:s2] =	ssyncset.done @!p0 $0x0  }
0x23b: {  	s4 =	simm.s32 @!p0 $0x2800;
	[sflag:s2] =	ssyncadd.s32 @!p0 $0xFFFFF600;
	s2 =	simm.s32 @!p0 $0x7D  }
0x23c: {  	[tilespmem:s4], [sflag:$0x1] =	stream.indirect.gather @!p0 [hbm4b:s0+s2], $0x80, s1, s2, $0xb8;
	[tilespmem:$0x1DD80] =	vst v63  }
0x23d: {  	_ =	swait.ge [sflag:s24], $0x3E80  }
0x23e: {  	[sflag:s24] =	ssyncset.done $0x0  }
0x23f: {  	s30 =	sadd.s32 $0x1D80, s15;
	[sflag:s24] =	ssyncadd.s32 $0xFFFFC180  }
0x240: {  	[spmem:s3] =	stream.indirect.scatter.add.f32 [tilespmem:s16], [sflag:$0x5], $0x80, s30, s20, $0xb8;
	[tilespmem:$0x1DD80] =	vst v63  }
0x241: {  	_ =	swait.ge [sflag:s17], $0x3E80  }
0x242: {  	s26 =	sadd.s32 $0x1, s26;
	s31 =	stileid.u32;
	[sflag:s17] =	ssyncset.done $0x0  }
0x243: {  	s1 =	sshll.u32 s31, $0x6;
	p0 =	sne.s32 s26, s7;
	[sflag:s17] =	ssyncadd.s32 $0xFFFFC180  }
.Ltmp2:
0x244: {  	s1 =	sor.u32 $0x1C05, s1;
	[bflag:$0x0] =	sbarrier.arrive $0xFFFF;
	(pc) =	sbr.rel @p0 .LBB2_1-.Ltmp2, $4  }
0x245: {  	[hbm:s23], [sflag:s1] =	dma.local [spmem:s25], $0x2710  }
0x246: {  	_ =	swait.ge [sflag:s17], $0x2710  }
0x247: {  	[sflag:s17] =	ssyncset.done $0x0  }
0x248: {  	[sflag:s17] =	ssyncadd.s32 $0xFFFFD8F0  }
0x249: {  	_ =	sfence.sel $0x180000  }
0x24a: {  	[bflag:$0x0] =	sbarrier.arrive $0xFFFF  }
0x24b: {  	_ =	strace $0x9000004A  }
0x24c: {  	s0 =	stileid.u32;
	[bflag:$0x2] =	sbarrier.arrive $0xFFFF  }
0x24d: {  	p0 =	sne.s32 s0, $0x0;
	s0 =	rddreg [dreg:$0x4]  }
0x24e: {  	s0 =	sadd.s32 @!p0 $0x100000, s0  }
0x24f: {  	[sflag:s0] =	ssyncadd.tile.s32 @!p0 $0x1;
	_ =	shalt  }
.Lfunc_end2:
_tile_overlayer_lowered:
.L_overlay_start_2:
0x250: {  	(tag) =	ssettag $0x2  }
0x251: {  	s0 =	rddreg [dreg:$0x0];
	s2 =	stileid.u32  }
0x252: {  	s1 =	rddreg [dreg:$0x1];
	p0 =	sne.s32 s2, $0x0  }
0x253: {  	s3 =	rddreg [dreg:$0x2];
	[bflag:$0x3] =	sbarrier.arrive $0xFFFF;
	s2 =	simm.s32 @!p0 $0x1C05  }
0x254: {  	[timem:s3], [sflag:s2] =	dma.local @!p0 [hbm:s0], s1  }
0x255: {  	s0 =	simm.s32 @!p0 $0x5  }
0x256: {  	_ =	swait.ge @!p0 [sflag:s0], s1  }
0x257: {  	s1 =	ssub.s32 @!p0 $0x0, s1;
	[sflag:s0] =	ssyncset.done @!p0 $0x0  }
0x258: {  	[sflag:s0] =	ssyncadd.s32 @!p0 s1  }
0x259: {  	[bflag:$0x3] =	sbarrier.arrive $0xFFFF  }
0x25a: {  	_ =	shalt  }

// kernel: kernel.15.cloned.1.call-start
scs
__scs_entry_jumppad:
0x0: {  	(pc) =	sbr.rel $0x88, $3  }
0x1: {  	(tag) =	ssettag $0x0;
	lr =	simm.s32 $0x1  }
0x2: {  	[smem:$0x3F94] =	sst lr;
	_ =	strace $0xD0000000  }
0x3: {  	_ = 	snop  }
0x4: {  	_ = 	snop  }
0x5: {  	_ = 	snop  }
0x6: {  	_ = 	snop  }
0x7: {  	_ = 	snop  }
__scs_overlays_trampoline_lowered:
0x8: {  	[smem:$0x3FA3] =	sst s0  }
0x9: {  	[smem:$0x3FA4] =	sst s1  }
0xa: {  	[smem:$0x3FA5] =	sst s2  }
0xb: {  	[smem:$0x3FA6] =	sst s3  }
0xc: {  	[smem:$0x3FA7] =	sst s4  }
0xd: {  	[smem:$0x3FA8] =	sst s5  }
0xe: {  	[smem:$0x3FA9] =	sst s6  }
0xf: {  	[smem:$0x3FAA] =	sst s7  }
0x10: {  	[smem:$0x3FAB] =	sst s8  }
0x11: {  	[smem:$0x3FAC] =	sst s9;
	s0 =	simm.s32 @!p0 $0x0  }
0x12: {  	s1 =	sld [smem:$0x3F92];
	s0 =	simm.s32 @p0 $0x1  }
0x13: {  	[smem:$0x3FAD] =	sst s0;
	s0 =	simm.s32 @!p1 $0x0  }
0x14: {  	s2 =	sld [smem:$0x3F91];
	s0 =	simm.s32 @p1 $0x1  }
0x15: {  	[smem:$0x3FAE] =	sst s0;
	s0 =	simm.s32 @!p2 $0x0  }
0x16: {  	s3 =	sld [smem:$0x3FDB];
	s0 =	simm.s32 @p2 $0x1  }
0x17: {  	s4 =	simm.s32 $0x1BF5;
	[smem:$0x3FB0] =	sst s0  }
0x18: {  	s0 =	sld [smem:$0x3F93];
	_ =	swait.ge [sflag:s4], $0x0  }
0x19: {  	s7 =	sld [smem:$0x3F94]  }
0x1a: {  	s8 =	sadd.s32 $0xFFFFE003, lr  }
0x1b: {  	s9 =	sadd.s32 $0xFFFFFEF7, lr;
	s5 =	simm.s32 $0xFFFFFFFF;
	p2 =	slt.u32 s8, $0xFFFFF086  }
0x1c: {  	p1 =	slt.u32 s9, $0xF7A;
	s5 =	simm.s32 @!p2 $0x0  }
0x1d: {  	s5 =	simm.s32 @p1 $0x1;
	p0 =	seq.s32 s7, s2  }
0x1e: {  	s7 =	smul.u32 @!p0 $0xF7A, s2;
	p2 =	seq.s32 @!p0 s5, $0x0  }
0x1f: {  	s9 =	smul.u32 $0xF7A, s1;
	s8 =	simm.s32 @!p0 $0x1BF5;
	p2 =	por !p2, p0  }
0x20: {  	[sflag:s8] =	ssyncset.s32 @!p0 $0xFFFFF086;
	s6 =	sadd.s32 @!p0 s3, s7;
	s7 =	simm.s32 @!p0 $0x108  }
0x21: {  	s3 =	sadd.s32 s3, s9;
	s6 =	sadd.s32 @!p0 $0x88, s6;
	s7 =	simm.s32 @p2 $0x1082  }
0x22: {  	[simem:s7], [sflag:s8] =	dma.local @!p0 [hbm:s6], $0xF7A  }
0x23: {  	s9 =	sor.u32 $0xD0000000, s2;
	s6 =	simm.s32 $0x108;
	_ =	swait.ge @!p0 [sflag:s8], $0x0  }
0x24: {  	s3 =	sadd.s32 $0x88, s3;
	s6 =	simm.s32 @!p1 $0x1082;
	[sflag:s4] =	ssyncset.s32 $0xFFFFF086  }
0x25: {  	[simem:s6], [sflag:s4] =	dma.local [hbm:s3], $0xF7A  }
0x26: {  	[smem:$0x3F94] =	sst s1;
	(tag) =	ssettag s2;
	_ =	strace s9  }
0x27: {  	s1 =	sld [smem:$0x3FA4]  }
0x28: {  	s2 =	sld [smem:$0x3FA5]  }
0x29: {  	s4 =	sld [smem:$0x3FA7]  }
0x2a: {  	p0 =	seq.s32 s5, $0x0;
	s5 =	sld [smem:$0x3FA8]  }
0x2b: {  	s6 =	sld [smem:$0x3FA9]  }
0x2c: {  	s7 =	sld [smem:$0x3FAA]  }
0x2d: {  	s3 =	simm.s32 $0x108;
	s8 =	sld [smem:$0x3FAB]  }
0x2e: {  	s3 =	simm.s32 @!p0 $0x1082;
	s9 =	sld [smem:$0x3FAC]  }
0x2f: {  	lr =	sadd.s32 s0, s3;
	s0 =	sld [smem:$0x3FA3]  }
0x30: {  	s3 =	sld [smem:$0x3FA6]  }
0x31: {  	[smem:$0x3FAF] =	sst s10  }
0x32: {  	s10 =	sld [smem:$0x3FAD];
	_ =	sdelay $0x3  }
0x33: {  	p0 =	seq.s32 s10, $0x1;
	s10 =	sld [smem:$0x3FAF];
	_ =	sdelay $0x3  }
0x34: {  	[smem:$0x3FAF] =	sst s10  }
0x35: {  	s10 =	sld [smem:$0x3FAE];
	_ =	sdelay $0x3  }
0x36: {  	p1 =	seq.s32 s10, $0x1;
	s10 =	sld [smem:$0x3FAF];
	_ =	sdelay $0x3  }
0x37: {  	[smem:$0x3FAF] =	sst s10  }
0x38: {  	s10 =	sld [smem:$0x3FB0]  }
0x39: {  	_ = 	snop;
	(pc) =	sbr.ind lr, $3  }
0x3a: {  	_ = 	snop  }
0x3b: {  	_ = 	snop  }
0x3c: {  	p2 =	seq.s32 s10, $0x1;
	s10 =	sld [smem:$0x3FAF]  }
0x3d: {  	_ =	shalt  }
0x3e: {  	_ =	shalt  }
0x3f: {  	_ =	shalt  }
0x40: {  	_ =	shalt  }
0x41: {  	_ =	shalt  }
0x42: {  	_ =	shalt  }
0x43: {  	_ =	shalt  }
0x44: {  	_ =	shalt  }
0x45: {  	_ =	shalt  }
0x46: {  	_ =	shalt  }
0x47: {  	_ =	shalt  }
0x48: {  	_ =	shalt  }
0x49: {  	_ =	shalt  }
0x4a: {  	_ =	shalt  }
0x4b: {  	_ =	shalt  }
0x4c: {  	_ =	shalt  }
0x4d: {  	_ =	shalt  }
0x4e: {  	_ =	shalt  }
0x4f: {  	_ =	shalt  }
0x50: {  	_ =	shalt  }
0x51: {  	_ =	shalt  }
0x52: {  	_ =	shalt  }
0x53: {  	_ =	shalt  }
0x54: {  	_ =	shalt  }
0x55: {  	_ =	shalt  }
0x56: {  	_ =	shalt  }
0x57: {  	_ =	shalt  }
0x58: {  	_ =	shalt  }
0x59: {  	_ =	shalt  }
0x5a: {  	_ =	shalt  }
0x5b: {  	_ =	shalt  }
0x5c: {  	_ =	shalt  }
0x5d: {  	_ =	shalt  }
0x5e: {  	_ =	shalt  }
0x5f: {  	_ =	shalt  }
0x60: {  	_ =	shalt  }
0x61: {  	_ =	shalt  }
0x62: {  	_ =	shalt  }
0x63: {  	_ =	shalt  }
0x64: {  	_ =	shalt  }
0x65: {  	_ =	shalt  }
0x66: {  	_ =	shalt  }
0x67: {  	_ =	shalt  }
0x68: {  	_ =	shalt  }
0x69: {  	_ =	shalt  }
0x6a: {  	_ =	shalt  }
0x6b: {  	_ =	shalt  }
0x6c: {  	_ =	shalt  }
0x6d: {  	_ =	shalt  }
0x6e: {  	_ =	shalt  }
0x6f: {  	_ =	shalt  }
0x70: {  	_ =	shalt  }
0x71: {  	_ =	shalt  }
0x72: {  	_ =	shalt  }
0x73: {  	_ =	shalt  }
0x74: {  	_ =	shalt  }
0x75: {  	_ =	shalt  }
0x76: {  	_ =	shalt  }
0x77: {  	_ =	shalt  }
0x78: {  	_ =	shalt  }
0x79: {  	_ =	shalt  }
0x7a: {  	_ =	shalt  }
0x7b: {  	_ =	shalt  }
0x7c: {  	_ =	shalt  }
0x7d: {  	_ =	shalt  }
0x7e: {  	_ =	shalt  }
0x7f: {  	_ =	shalt  }
0x80: {  	_ =	shalt  }
0x81: {  	_ =	shalt  }
0x82: {  	_ =	shalt  }
0x83: {  	_ =	shalt  }
0x84: {  	_ =	shalt  }
0x85: {  	_ =	shalt  }
0x86: {  	_ =	shalt  }
0x87: {  	_ =	shalt  }
.Lfunc_end0:
.L_simem_size_0:
called_computation.2_lowered:
.L_overlay_start_0:
0x88: {  	s2 =	sld [smem:$0x3FD9]  }
0x89: {  	s3 =	sld [smem:$0x3FFE];
	_ =	sdelay $0x1  }
0x8a: {  	s1 =	srdreg.scid  }
0x8b: {  	s0 =	sand.u32 $0x1, s1  }
0x8c: {  	s17 =	sshll.u32 s0, $0xA;
	s2 =	sadd.s32 s3, s2  }
0x8d: {  	s2 =	sadd.s32 s2, s17  }
0x8e: {  	[smem:$0x3FBB] =	sst s2  }
0x8f: {  	_ = 	snop  }
0x90: {  	s2 =	sld [smem:$0x3FD0];
	(tm) =	ssettm $0x1  }
0x91: {  	s18 =	sld [smem:$0x3FFB];
	_ =	sdelay $0x3  }
0x92: {  	_ =	strace s18  }
0x93: {  	s3 =	sld [smem:$0x3FFC];
	_ =	sdelay $0x3  }
0x94: {  	_ =	strace s3  }
0x95: {  	s3 =	sld [smem:$0x3FFD];
	_ =	sdelay $0x3  }
0x96: {  	_ =	strace s3  }
0x97: {  	_ =	strace $0x8FFFFFFF  }
0x98: {  	s19 =	sld [smem:$0x3FDB];
	_ =	sdelay $0x1  }
0x99: {  	s4 =	simm.s32 $_scs_section_size  }
0x9a: {  	s5 =	simm.s32 $_size__tile_overlayer_lowered;
	s6 =	simm.s32 $_tile_overlayer_lowered  }
0x9b: {  	s22 =	simm.s32 $0x1BFF;
	s21 =	sshll.u32 s6, $0x1;
	s3 =	sadd.s32 s4, s19  }
0x9c: {  	s7 =	simm.s32 $0x0;
	s20 =	sshll.u32 s5, $0x1;
	s5 =	sadd.s32 s21, s3  }
0x9d: {  	[timem:s7], [sflag:s22] =	dma.local [hbm:s5], s20  }
0x9e: {  	_ =	swait.ge [sflag:s22], s20  }
0x9f: {  	s4 =	ssub.s32 $0x0, s20;
	[sflag:s22] =	ssyncset.done $0x0  }
0xa0: {  	[sflag:s22] =	ssyncadd.s32 s4;
	_ =	sdelay $0x1  }
0xa1: {  	s23 =	simm.s32 $0x1B8B  }
0xa2: {  	_ =	swait.ge [sflag:s23], $0x1  }
0xa3: {  	[sflag:s23] =	ssyncset.done $0x0  }
0xa4: {  	s25 =	simm.s32 $0x1B8E;
	s24 =	sld [smem:$0x3FFE];
	[sflag:s23] =	ssyncadd.s32 $0xFFFFFFFF  }
0xa5: {  	s26 =	simm.s32 $execute0_lowered;
	[smem:$0x3FD2] =	sst s25  }
0xa6: {  	s5 =	sshll.u32 s26, $0x1;
	_ =	strace $0x8000004C;
	[dreg:$0x1] =	wrdreg $0xFFFFFFFF  }
0xa7: {  	s28 =	simm.s32 $_size_execute0_lowered;
	s3 =	sadd.s32 s3, s5;
	[dreg:$0x0] =	wrdreg $0x0  }
0xa8: {  	s5 =	sshll.u32 s28, $0x1;
	[dreg:$0x2] =	wrdreg s3  }
0xa9: {  	[dreg:$0x3] =	wrdreg s5  }
0xaa: {  	[dreg:$0x4] =	wrdreg $0xC0  }
0xab: {  	_ =	task [dreg:s7], $0x5FFFF  }
0xac: {  	[dreg:$0x1] =	wrdreg $0xFFFFFFFF  }
0xad: {  	[dreg:$0x0] =	wrdreg $0x60  }
0xae: {  	[dreg:$0x2] =	wrdreg s24  }
0xaf: {  	[dreg:$0x3] =	wrdreg s2  }
0xb0: {  	[dreg:$0x4] =	wrdreg $0xA5000  }
0xb1: {  	[dreg:$0x5] =	wrdreg $0x9  }
0xb2: {  	_ =	task.clear_ibuf [dreg:s7], $0x6FFFF;
	_ =	strace $0x9000004C  }
0xb3: {  	s29 =	simm.s32 $0x9;
	_ =	strace $0x8000004E  }
0xb4: {  	_ =	swait.ge [sflag:s29], $0x1  }
0xb5: {  	[sflag:s29] =	ssyncadd.s32 $0xFFFFFFFF  }
0xb6: {  	_ =	strace $0x9000004E  }
0xb7: {  	_ =	sfence  }
0xb8: {  	s30 =	sld [smem:$0x0];
	_ =	sdelay $0x2  }
0xb9: {  	s31 =	sshll.u32 s1, $0xD;
	s1 =	sshrl.u32 s1, $0x2  }
0xba: {  	s3 =	sand.u32 $0x4000, s31;
	s1 =	sadd.s32 s1, s30  }
0xbb: {  	s0 =	sor.u32 s3, s0;
	s1 =	sshll.u32 s1, $0x11  }
0xbc: {  	s0 =	sor.u32 s1, s0  }
0xbd: {  	s0 =	sadd.s32 $0x8F2B, s0  }
0xbe: {  	[sflag:s0] =	ssyncadd.remote.s32 $0x1  }
0xbf: {  	_ =	sfence.sel $0xFFFF  }
0xc0: {  	[dreg:$0x0] =	wrdreg $0xFFFFFFFF;
	(pc) =	sbr.abs _section_cstart, $3  }
0xc1: {  	[dreg:$0x1] =	wrdreg $0xFFFFFFFF  }
0xc2: {  	_ =	task.clear_ibuf [dreg:s7], $0x2FFFF;
	_ =	strace $0x9FFFFFFF  }
0xc3: {  	(tm) =	ssettm $0x7FFFFFFF  }
tec
execute0_lowered:
.L_overlay_start_1:
0x0: {  	(tag) =	ssettag $0x1  }
0x1: {  	s0 =	rddreg [dreg:$0x0]  }
0x2: {  	s1 =	srdreg.scid;
	s3 =	rddreg [dreg:$0x1]  }
0x3: {  	s2 =	rddreg [dreg:$0x2];
	s8 =	stileid.u32  }
0x4: {  	s5 =	simm.s32 $0x0;
	s16 =	simm.s32 $0x6680;
	s17 =	simm.s32 $0x5  }
0x5: {  	s18 =	simm.s32 $0x3;
	s19 =	simm.s32 $0x4;
	s20 =	simm.s32 $0x7D  }
0x6: {  	s21 =	simm.s32 $0x2800;
	s22 =	simm.s32 $0x1;
	s24 =	simm.s32 $0x2  }
0x7: {  	s1 =	sand.u32 $0x1, s1;
	[smem:$0x7FF] =	sst s5;
	s7 =	smul.u32 $0x13880, s8  }
0x8: {  	s4 =	sshll.u32 s1, $0x4;
	s6 =	smul.u32 $0x27100, s1;
	s1 =	ssub.s32 $0x2, s1  }
0x9: {  	_ =	strace $0x8000004D;
	s4 =	sor.u32 s8, s4;
	s28 =	sshrl.u32 s1, $0x1  }
0xa: {  	s8 =	smul.u32 $0x4E200, s8;
	s30 =	sshrl.u32 s7, $0x3;
	s15 =	sadd.s32 s7, s2  }
0xb: {  	s26 =	smul.u32 $0x500, s4;
	s4 =	sadd.s32 $0xDC00, s0;
	s1 =	ssub.s32 s1, s28  }
0xc: {  	s25 =	sshrl.u32 s15, $0x3;
	s31 =	sshrl.u32 s8, $0x2;
	s7 =	smax.u32 s1, $0x1  }
0xd: {  	s14 =	sadd.s32 s26, s0;
	s0 =	sadd.s32 s6, s0;
	s5 =	sadd.s32 s3, s26  }
0xe: {  	s8 =	sadd.s32 s31, s2;
	s26 =	simm.s32 $0x0;
	s29 =	sadd.s32 $0x3C00, s14  }
0xf: {  	s0 =	sadd.s32 $0x34E00, s0;
	s9 =	sadd.s32 $0x3E80, s8;
	s10 =	sadd.s32 $0x7D00, s8  }
0x10: {  	s11 =	sadd.s32 $0xBB80, s8;
	s12 =	sadd.s32 $0xFA00, s8;
	s13 =	sadd.s32 $0x140, s5  }
0x11: {  	v0 =	vimm.f32 $0.0e+00;
	s14 =	sadd.s32 $0x3D40, s14;
	[dreg:$0x4] =	wrdreg s29;
	s23 =	sadd.s32 s30, s0  }
.LBB2_1:
0x12: {  	s0 =	simm.s32 $0x0  }
0x13: {  	[tilespmem:s0], [sflag:$0x3] =	stream.linear.gather [hbm4b:s5+s0], $0xA00, $0x38;
	[tilespmem:$0x1DD80] =	vst v63  }
0x14: {  	s1 =	rddreg [dreg:$0x4];
	s3 =	simm.s32 $0x1400  }
0x15: {  	[tilespmem:s3], [sflag:$0x4] =	stream.linear.gather [hbm4b:s1+s0], $0xA00, $0x38;
	[tilespmem:$0x1DD80] =	vst v63  }
0x16: {  	s0 =	simm.s32 $0x0;
	s1 =	simm.s32 $0x200  }
.LBB2_2:
0x17: {  	p0 =	sne.s32 s1, $0xF800;
	[tilespmem:s0+$0x66F0] =	vst v0  }
0x18: {  	[tilespmem:s0+$0x6680] =	vst v0  }
0x19: {  	[tilespmem:s0+$0x6690] =	vst v0  }
.Ltmp0:
0x1a: {  	[tilespmem:s0+$0x66A0] =	vst v0;
	(pc) =	sbr.rel @p0 .LBB2_2-.Ltmp0, $4  }
0x1b: {  	[tilespmem:s0+$0x66B0] =	vst v0  }
0x1c: {  	[tilespmem:s0+$0x66C0] =	vst v0  }
0x1d: {  	[tilespmem:s0+$0x66D0] =	vst v0  }
0x1e: {  	[tilespmem:s0+$0x66E0] =	vst v0;
	s0 =	sshra.s32 s1, $0x2;
	s1 =	sadd.s32 $0x200, s1  }
0x1f: {  	[tilespmem:s0+$0x66F0] =	vst v0  }
0x20: {  	[tilespmem:s0+$0x6680] =	vst v0  }
0x21: {  	[tilespmem:s0+$0x6690] =	vst v0  }
0x22: {  	[tilespmem:s0+$0x66A0] =	vst v0  }
0x23: {  	[tilespmem:s0+$0x66B0] =	vst v0  }
0x24: {  	[tilespmem:s0+$0x66C0] =	vst v0  }
0x25: {  	[tilespmem:s0+$0x66D0] =	vst v0  }
0x26: {  	[tilespmem:s0+$0x66E0] =	vst v0  }
0x27: {  	[spmem:s8] =	stream.linear.scatter [tilespmem:s16], [sflag:$0x5], $0x3E80, $0x38;
	[tilespmem:$0x1DD80] =	vst v63  }
0x28: {  	_ =	swait.ge [sflag:s17], $0x3E80  }
0x29: {  	[sflag:s17] =	ssyncset.done $0x0  }
0x2a: {  	[sflag:s17] =	ssyncadd.s32 $0xFFFFC180  }
0x2b: {  	[spmem:s9] =	stream.linear.scatter [tilespmem:s16], [sflag:$0x5], $0x3E80, $0x38;
	[tilespmem:$0x1DD80] =	vst v63  }
0x2c: {  	_ =	swait.ge [sflag:s17], $0x3E80  }
0x2d: {  	[sflag:s17] =	ssyncset.done $0x0  }
0x2e: {  	[sflag:s17] =	ssyncadd.s32 $0xFFFFC180  }
0x2f: {  	[spmem:s10] =	stream.linear.scatter [tilespmem:s16], [sflag:$0x5], $0x3E80, $0x38;
	[tilespmem:$0x1DD80] =	vst v63  }
0x30: {  	_ =	swait.ge [sflag:s17], $0x3E80  }
0x31: {  	[sflag:s17] =	ssyncset.done $0x0  }
0x32: {  	[sflag:s17] =	ssyncadd.s32 $0xFFFFC180  }
0x33: {  	[spmem:s11] =	stream.linear.scatter [tilespmem:s16], [sflag:$0x5], $0x3E80, $0x38;
	[tilespmem:$0x1DD80] =	vst v63  }
0x34: {  	_ =	swait.ge [sflag:s17], $0x3E80  }
0x35: {  	[sflag:s17] =	ssyncset.done $0x0  }
0x36: {  	[sflag:s17] =	ssyncadd.s32 $0xFFFFC180  }
0x37: {  	[spmem:s12] =	stream.linear.scatter [tilespmem:s16], [sflag:$0x5], $0x3E80, $0x38;
	[tilespmem:$0x1DD80] =	vst v63  }
0x38: {  	_ =	swait.ge [sflag:s17], $0x3E80  }
0x39: {  	[sflag:s17] =	ssyncset.done $0x0  }
0x3a: {  	[sflag:s17] =	ssyncadd.s32 $0xFFFFC180  }
0x3b: {  	_ =	swait.ge [sflag:s18], $0xA00  }
0x3c: {  	[sflag:s18] =	ssyncset.done $0x0  }
0x3d: {  	[sflag:s18] =	ssyncadd.s32 $0xFFFFF600  }
0x3e: {  	s1 =	simm.s32 $0x0;
	_ =	swait.ge [sflag:s19], $0xA00  }
0x3f: {  	s0 =	sand.u32 $0x1, s1;
	[sflag:s19] =	ssyncset.done $0x0  }
0x40: {  	p0 =	por $0x0, $0x0;
	s15 =	sxor.u32 $0x1, s0;
	[sflag:s19] =	ssyncadd.s32 $0xFFFFF600  }
0x41: {  	[tilespmem:s21], [sflag:$0x1] =	stream.indirect.gather [hbm4b:s4+s20], $0x80, s1, s20, $0xb8;
	[tilespmem:$0x1DD80] =	vst v63  }
0x42: {  	s1 =	smul.u32 @!p0 $0xA00, s15  }
0x43: {  	s3 =	simm.s32 @!p0 $0x0;
	[bflag:$0x0] =	sbarrier.arrive $0xFFFF  }
0x44: {  	[tilespmem:s1], [sflag:$0x3] =	stream.linear.gather @!p0 [hbm4b:s13+s3], $0xA00, $0x38;
	[tilespmem:$0x1DD80] =	vst v63  }
0x45: {  	s0 =	smul.u32 $0xA00, s0;
	s1 =	sadd.s32 @!p0 $0x1400, s1  }
0x46: {  	[tilespmem:s1], [sflag:$0x4] =	stream.linear.gather @!p0 [hbm4b:s14+s3], $0xA00, $0x38;
	[tilespmem:$0x1DD80] =	vst v63  }
0x47: {  	s3 =	sor.u32 $0x80, s0  }
0x48: {  	[tilespmem:s16], [sflag:$0x2] =	stream.indirect.gather [hbm4b:s4+s20], $0x80, s3, s20, $0xb8;
	[tilespmem:$0x1DD80] =	vst v63  }
0x49: {  	_ =	swait.ge [sflag:s22], $0x3E80  }
0x4a: {  	[sflag:s22] =	ssyncset.done $0x0  }
0x4b: {  	s6 =	sadd.s32 $0x1400, s0;
	[sflag:s22] =	ssyncadd.s32 $0xFFFFC180  }
0x4c: {  	[spmem:s2] =	stream.indirect.scatter.add.f32 [tilespmem:s21], [sflag:$0x5], $0x80, s6, s20, $0xb8;
	[tilespmem:$0x1DD80] =	vst v63  }
0x4d: {  	_ =	swait.ge [sflag:s17], $0x3E80  }
0x4e: {  	[sflag:s17] =	ssyncset.done $0x0  }
0x4f: {  	s31 =	sor.u32 $0x100, s0;
	[sflag:s17] =	ssyncadd.s32 $0xFFFFC180  }
0x50: {  	[tilespmem:s21], [sflag:$0x1] =	stream.indirect.gather [hbm4b:s4+s20], $0x80, s31, s20, $0xb8;
	[tilespmem:$0x1DD80] =	vst v63  }
0x51: {  	_ =	swait.ge [sflag:s24], $0x3E80  }
0x52: {  	[sflag:s24] =	ssyncset.done $0x0  }
0x53: {  	s3 =	sadd.s32 $0x1480, s0;
	[sflag:s24] =	ssyncadd.s32 $0xFFFFC180  }
0x54: {  	[spmem:s2] =	stream.indirect.scatter.add.f32 [tilespmem:s16], [sflag:$0x5], $0x80, s3, s20, $0xb8;
	[tilespmem:$0x1DD80] =	vst v63  }
0x55: {  	_ =	swait.ge [sflag:s17], $0x3E80  }
0x56: {  	[sflag:s17] =	ssyncset.done $0x0  }
0x57: {  	s6 =	sor.u32 $0x180, s0;
	[sflag:s17] =	ssyncadd.s32 $0xFFFFC180  }
0x58: {  	[tilespmem:s16], [sflag:$0x2] =	stream.indirect.gather [hbm4b:s4+s20], $0x80, s6, s20, $0xb8;
	[tilespmem:$0x1DD80] =	vst v63  }
0x59: {  	_ =	swait.ge [sflag:s22], $0x3E80  }
0x5a: {  	[sflag:s22] =	ssyncset.done $0x0  }
0x5b: {  	s31 =	sadd.s32 $0x1500, s0;
	[sflag:s22] =	ssyncadd.s32 $0xFFFFC180  }
0x5c: {  	[spmem:s2] =	stream.indirect.scatter.add.f32 [tilespmem:s21], [sflag:$0x5], $0x80, s31, s20, $0xb8;
	[tilespmem:$0x1DD80] =	vst v63  }
0x5d: {  	_ =	swait.ge [sflag:s17], $0x3E80  }
0x5e: {  	[sflag:s17] =	ssyncset.done $0x0  }
0x5f: {  	s3 =	sadd.s32 $0x200, s0;
	[sflag:s17] =	ssyncadd.s32 $0xFFFFC180  }
0x60: {  	[tilespmem:s21], [sflag:$0x1] =	stream.indirect.gather [hbm4b:s4+s20], $0x80, s3, s20, $0xb8;
	[tilespmem:$0x1DD80] =	vst v63  }
0x61: {  	_ =	swait.ge [sflag:s24], $0x3E80  }
0x62: {  	[sflag:s24] =	ssyncset.done $0x0  }
0x63: {  	s6 =	sadd.s32 $0x1580, s0;
	[sflag:s24] =	ssyncadd.s32 $0xFFFFC180  }
0x64: {  	[spmem:s2] =	stream.indirect.scatter.add.f32 [tilespmem:s16], [sflag:$0x5], $0x80, s6, s20, $0xb8;
	[tilespmem:$0x1DD80] =	vst v63  }
0x65: {  	_ =	swait.ge [sflag:s17], $0x3E80  }
0x66: {  	[sflag:s17] =	ssyncset.done $0x0  }
0x67: {  	s31 =	sadd.s32 $0x280, s0;
	[sflag:s17] =	ssyncadd.s32 $0xFFFFC180  }
0x68: {  	[tilespmem:s16], [sflag:$0x2] =	stream.indirect.gather [hbm4b:s4+s20], $0x80, s31, s20, $0xb8;
	[tilespmem:$0x1DD80] =	vst v63  }
0x69: {  	_ =	swait.ge [sflag:s22], $0x3E80  }
0x6a: {  	[sflag:s22] =	ssyncset.done $0x0  }
0x6b: {  	s3 =	sadd.s32 $0x1600, s0;
	[sflag:s22] =	ssyncadd.s32 $0xFFFFC180  }
0x6c: {  	[spmem:s2] =	stream.indirect.scatter.add.f32 [tilespmem:s21], [sflag:$0x5], $0x80, s3, s20, $0xb8;
	[tilespmem:$0x1DD80] =	vst v63  }
0x6d: {  	_ =	swait.ge [sflag:s17], $0x3E80  }
0x6e: {  	[sflag:s17] =	ssyncset.done $0x0  }
0x6f: {  	s6 =	sadd.s32 $0x300, s0;
	[sflag:s17] =	ssyncadd.s32 $0xFFFFC180  }
0x70: {  	[tilespmem:s21], [sflag:$0x1] =	stream.indirect.gather [hbm4b:s4+s20], $0x80, s6, s20, $0xb8;
	[tilespmem:$0x1DD80] =	vst v63  }
0x71: {  	_ =	swait.ge [sflag:s24], $0x3E80  }
0x72: {  	[sflag:s24] =	ssyncset.done $0x0  }
0x73: {  	s31 =	sadd.s32 $0x1680, s0;
	[sflag:s24] =	ssyncadd.s32 $0xFFFFC180  }
0x74: {  	[spmem:s2] =	stream.indirect.scatter.add.f32 [tilespmem:s16], [sflag:$0x5], $0x80, s31, s20, $0xb8;
	[tilespmem:$0x1DD80] =	vst v63  }
0x75: {  	_ =	swait.ge [sflag:s17], $0x3E80  }
0x76: {  	[sflag:s17] =	ssyncset.done $0x0  }
0x77: {  	s3 =	sadd.s32 $0x380, s0;
	[sflag:s17] =	ssyncadd.s32 $0xFFFFC180  }
0x78: {  	[tilespmem:s16], [sflag:$0x2] =	stream.indirect.gather [hbm4b:s4+s20], $0x80, s3, s20, $0xb8;
	[tilespmem:$0x1DD80] =	vst v63  }
0x79: {  	_ =	swait.ge [sflag:s22], $0x3E80  }
0x7a: {  	[sflag:s22] =	ssyncset.done $0x0  }
0x7b: {  	s6 =	sadd.s32 $0x1700, s0;
	[sflag:s22] =	ssyncadd.s32 $0xFFFFC180  }
0x7c: {  	[spmem:s2] =	stream.indirect.scatter.add.f32 [tilespmem:s21], [sflag:$0x5], $0x80, s6, s20, $0xb8;
	[tilespmem:$0x1DD80] =	vst v63  }
0x7d: {  	_ =	swait.ge [sflag:s17], $0x3E80  }
0x7e: {  	[sflag:s17] =	ssyncset.done $0x0  }
0x7f: {  	s31 =	sadd.s32 $0x400, s0;
	[sflag:s17] =	ssyncadd.s32 $0xFFFFC180  }
0x80: {  	[tilespmem:s21], [sflag:$0x1] =	stream.indirect.gather [hbm4b:s4+s20], $0x80, s31, s20, $0xb8;
	[tilespmem:$0x1DD80] =	vst v63  }
0x81: {  	_ =	swait.ge [sflag:s24], $0x3E80  }
0x82: {  	[sflag:s24] =	ssyncset.done $0x0  }
0x83: {  	s3 =	sadd.s32 $0x1780, s0;
	[sflag:s24] =	ssyncadd.s32 $0xFFFFC180  }
0x84: {  	[spmem:s2] =	stream.indirect.scatter.add.f32 [tilespmem:s16], [sflag:$0x5], $0x80, s3, s20, $0xb8;
	[tilespmem:$0x1DD80] =	vst v63  }
0x85: {  	_ =	swait.ge [sflag:s17], $0x3E80  }
0x86: {  	[sflag:s17] =	ssyncset.done $0x0  }
0x87: {  	s6 =	sadd.s32 $0x480, s0;
	[sflag:s17] =	ssyncadd.s32 $0xFFFFC180  }
0x88: {  	[tilespmem:s16], [sflag:$0x2] =	stream.indirect.gather [hbm4b:s4+s20], $0x80, s6, s20, $0xb8;
	[tilespmem:$0x1DD80] =	vst v63  }
0x89: {  	_ =	swait.ge [sflag:s22], $0x3E80  }
0x8a: {  	[sflag:s22] =	ssyncset.done $0x0  }
0x8b: {  	s31 =	sadd.s32 $0x1800, s0;
	[sflag:s22] =	ssyncadd.s32 $0xFFFFC180  }
0x8c: {  	[spmem:s2] =	stream.indirect.scatter.add.f32 [tilespmem:s21], [sflag:$0x5], $0x80, s31, s20, $0xb8;
	[tilespmem:$0x1DD80] =	vst v63  }
0x8d: {  	_ =	swait.ge [sflag:s17], $0x3E80  }
0x8e: {  	[sflag:s17] =	ssyncset.done $0x0  }
0x8f: {  	s3 =	sadd.s32 $0x500, s0;
	[sflag:s17] =	ssyncadd.s32 $0xFFFFC180  }
0x90: {  	[tilespmem:s21], [sflag:$0x1] =	stream.indirect.gather [hbm4b:s4+s20], $0x80, s3, s20, $0xb8;
	[tilespmem:$0x1DD80] =	vst v63  }
0x91: {  	_ =	swait.ge [sflag:s24], $0x3E80  }
0x92: {  	[sflag:s24] =	ssyncset.done $0x0  }
0x93: {  	s6 =	sadd.s32 $0x1880, s0;
	[sflag:s24] =	ssyncadd.s32 $0xFFFFC180  }
0x94: {  	[spmem:s2] =	stream.indirect.scatter.add.f32 [tilespmem:s16], [sflag:$0x5], $0x80, s6, s20, $0xb8;
	[tilespmem:$0x1DD80] =	vst v63  }
0x95: {  	_ =	swait.ge [sflag:s17], $0x3E80  }
0x96: {  	[sflag:s17] =	ssyncset.done $0x0  }
0x97: {  	s31 =	sadd.s32 $0x580, s0;
	[sflag:s17] =	ssyncadd.s32 $0xFFFFC180  }
0x98: {  	[tilespmem:s16], [sflag:$0x2] =	stream.indirect.gather [hbm4b:s4+s20], $0x80, s31, s20, $0xb8;
	[tilespmem:$0x1DD80] =	vst v63  }
0x99: {  	_ =	swait.ge [sflag:s22], $0x3E80  }
0x9a: {  	[sflag:s22] =	ssyncset.done $0x0  }
0x9b: {  	s3 =	sadd.s32 $0x1900, s0;
	[sflag:s22] =	ssyncadd.s32 $0xFFFFC180  }
0x9c: {  	[spmem:s2] =	stream.indirect.scatter.add.f32 [tilespmem:s21], [sflag:$0x5], $0x80, s3, s20, $0xb8;
	[tilespmem:$0x1DD80] =	vst v63  }
0x9d: {  	_ =	swait.ge [sflag:s17], $0x3E80  }
0x9e: {  	[sflag:s17] =	ssyncset.done $0x0  }
0x9f: {  	s6 =	sadd.s32 $0x600, s0;
	[sflag:s17] =	ssyncadd.s32 $0xFFFFC180  }
0xa0: {  	[tilespmem:s21], [sflag:$0x1] =	stream.indirect.gather [hbm4b:s4+s20], $0x80, s6, s20, $0xb8;
	[tilespmem:$0x1DD80] =	vst v63  }
0xa1: {  	_ =	swait.ge [sflag:s24], $0x3E80  }
0xa2: {  	[sflag:s24] =	ssyncset.done $0x0  }
0xa3: {  	s31 =	sadd.s32 $0x1980, s0;
	[sflag:s24] =	ssyncadd.s32 $0xFFFFC180  }
0xa4: {  	[spmem:s2] =	stream.indirect.scatter.add.f32 [tilespmem:s16], [sflag:$0x5], $0x80, s31, s20, $0xb8;
	[tilespmem:$0x1DD80] =	vst v63  }
0xa5: {  	_ =	swait.ge [sflag:s17], $0x3E80  }
0xa6: {  	[sflag:s17] =	ssyncset.done $0x0  }
0xa7: {  	s3 =	sadd.s32 $0x680, s0;
	[sflag:s17] =	ssyncadd.s32 $0xFFFFC180  }
0xa8: {  	[tilespmem:s16], [sflag:$0x2] =	stream.indirect.gather [hbm4b:s4+s20], $0x80, s3, s20, $0xb8;
	[tilespmem:$0x1DD80] =	vst v63  }
0xa9: {  	_ =	swait.ge [sflag:s22], $0x3E80  }
0xaa: {  	[sflag:s22] =	ssyncset.done $0x0  }
0xab: {  	s6 =	sadd.s32 $0x1A00, s0;
	[sflag:s22] =	ssyncadd.s32 $0xFFFFC180  }
0xac: {  	[spmem:s2] =	stream.indirect.scatter.add.f32 [tilespmem:s21], [sflag:$0x5], $0x80, s6, s20, $0xb8;
	[tilespmem:$0x1DD80] =	vst v63  }
0xad: {  	_ =	swait.ge [sflag:s17], $0x3E80  }
0xae: {  	[sflag:s17] =	ssyncset.done $0x0  }
0xaf: {  	s31 =	sadd.s32 $0x700, s0;
	[sflag:s17] =	ssyncadd.s32 $0xFFFFC180  }
0xb0: {  	[tilespmem:s21], [sflag:$0x1] =	stream.indirect.gather [hbm4b:s4+s20], $0x80, s31, s20, $0xb8;
	[tilespmem:$0x1DD80] =	vst v63  }
0xb1: {  	_ =	swait.ge [sflag:s24], $0x3E80  }
0xb2: {  	[sflag:s24] =	ssyncset.done $0x0  }
0xb3: {  	s3 =	sadd.s32 $0x1A80, s0;
	[sflag:s24] =	ssyncadd.s32 $0xFFFFC180  }
0xb4: {  	[spmem:s2] =	stream.indirect.scatter.add.f32 [tilespmem:s16], [sflag:$0x5], $0x80, s3, s20, $0xb8;
	[tilespmem:$0x1DD80] =	vst v63  }
0xb5: {  	_ =	swait.ge [sflag:s17], $0x3E80  }
0xb6: {  	[sflag:s17] =	ssyncset.done $0x0  }
0xb7: {  	s6 =	sadd.s32 $0x780, s0;
	[sflag:s17] =	ssyncadd.s32 $0xFFFFC180  }
0xb8: {  	[tilespmem:s16], [sflag:$0x2] =	stream.indirect.gather [hbm4b:s4+s20], $0x80, s6, s20, $0xb8;
	[tilespmem:$0x1DD80] =	vst v63  }
0xb9: {  	_ =	swait.ge [sflag:s22], $0x3E80  }
0xba: {  	[sflag:s22] =	ssyncset.done $0x0  }
0xbb: {  	s31 =	sadd.s32 $0x1B00, s0;
	[sflag:s22] =	ssyncadd.s32 $0xFFFFC180  }
0xbc: {  	[spmem:s2] =	stream.indirect.scatter.add.f32 [tilespmem:s21], [sflag:$0x5], $0x80, s31, s20, $0xb8;
	[tilespmem:$0x1DD80] =	vst v63  }
0xbd: {  	_ =	swait.ge [sflag:s17], $0x3E80  }
0xbe: {  	[sflag:s17] =	ssyncset.done $0x0  }
0xbf: {  	s3 =	sadd.s32 $0x800, s0;
	[sflag:s17] =	ssyncadd.s32 $0xFFFFC180  }
0xc0: {  	[tilespmem:s21], [sflag:$0x1] =	stream.indirect.gather [hbm4b:s4+s20], $0x80, s3, s20, $0xb8;
	[tilespmem:$0x1DD80] =	vst v63  }
0xc1: {  	_ =	swait.ge [sflag:s24], $0x3E80  }
0xc2: {  	[sflag:s24] =	ssyncset.done $0x0  }
0xc3: {  	s6 =	sadd.s32 $0x1B80, s0;
	[sflag:s24] =	ssyncadd.s32 $0xFFFFC180  }
0xc4: {  	[spmem:s2] =	stream.indirect.scatter.add.f32 [tilespmem:s16], [sflag:$0x5], $0x80, s6, s20, $0xb8;
	[tilespmem:$0x1DD80] =	vst v63  }
0xc5: {  	_ =	swait.ge [sflag:s17], $0x3E80  }
0xc6: {  	[sflag:s17] =	ssyncset.done $0x0  }
0xc7: {  	s31 =	sadd.s32 $0x880, s0;
	[sflag:s17] =	ssyncadd.s32 $0xFFFFC180  }
0xc8: {  	[tilespmem:s16], [sflag:$0x2] =	stream.indirect.gather [hbm4b:s4+s20], $0x80, s31, s20, $0xb8;
	[tilespmem:$0x1DD80] =	vst v63  }
0xc9: {  	_ =	swait.ge [sflag:s22], $0x3E80  }
0xca: {  	[sflag:s22] =	ssyncset.done $0x0  }
0xcb: {  	s3 =	sadd.s32 $0x1C00, s0;
	[sflag:s22] =	ssyncadd.s32 $0xFFFFC180  }
0xcc: {  	[spmem:s2] =	stream.indirect.scatter.add.f32 [tilespmem:s21], [sflag:$0x5], $0x80, s3, s20, $0xb8;
	[tilespmem:$0x1DD80] =	vst v63  }
0xcd: {  	_ =	swait.ge [sflag:s17], $0x3E80  }
0xce: {  	[sflag:s17] =	ssyncset.done $0x0  }
0xcf: {  	s6 =	sadd.s32 $0x900, s0;
	[sflag:s17] =	ssyncadd.s32 $0xFFFFC180  }
0xd0: {  	[tilespmem:s21], [sflag:$0x1] =	stream.indirect.gather [hbm4b:s4+s20], $0x80, s6, s20, $0xb8;
	[tilespmem:$0x1DD80] =	vst v63  }
0xd1: {  	_ =	swait.ge [sflag:s24], $0x3E80  }
0xd2: {  	[sflag:s24] =	ssyncset.done $0x0  }
0xd3: {  	s31 =	sadd.s32 $0x1C80, s0;
	[sflag:s24] =	ssyncadd.s32 $0xFFFFC180  }
0xd4: {  	[spmem:s2] =	stream.indirect.scatter.add.f32 [tilespmem:s16], [sflag:$0x5], $0x80, s31, s20, $0xb8;
	[tilespmem:$0x1DD80] =	vst v63  }
0xd5: {  	_ =	swait.ge [sflag:s17], $0x3E80  }
0xd6: {  	[sflag:s17] =	ssyncset.done $0x0  }
0xd7: {  	s3 =	sadd.s32 $0x980, s0;
	[sflag:s17] =	ssyncadd.s32 $0xFFFFC180  }
0xd8: {  	[tilespmem:s16], [sflag:$0x2] =	stream.indirect.gather [hbm4b:s4+s20], $0x80, s3, s20, $0xb8;
	[tilespmem:$0x1DD80] =	vst v63  }
0xd9: {  	_ =	swait.ge [sflag:s22], $0x3E80  }
0xda: {  	[sflag:s22] =	ssyncset.done $0x0  }
0xdb: {  	s6 =	sadd.s32 $0x1D00, s0;
	[sflag:s22] =	ssyncadd.s32 $0xFFFFC180  }
0xdc: {  	[spmem:s2] =	stream.indirect.scatter.add.f32 [tilespmem:s21], [sflag:$0x5], $0x80, s6, s20, $0xb8;
	[tilespmem:$0x1DD80] =	vst v63  }
0xdd: {  	_ =	swait.ge [sflag:s17], $0x3E80  }
0xde: {  	[sflag:s17] =	ssyncset.done $0x0  }
0xdf: {  	s1 =	simm.s32 @!p0 $0x3;
	[sflag:s17] =	ssyncadd.s32 $0xFFFFC180  }
0xe0: {  	_ =	swait.ge @!p0 [sflag:s1], $0xA00  }
0xe1: {  	[sflag:s1] =	ssyncset.done @!p0 $0x0  }
0xe2: {  	s3 =	smul.u32 @!p0 $0x2800, s15;
	[sflag:s1] =	ssyncadd.s32 @!p0 $0xFFFFF600;
	s1 =	simm.s32 @!p0 $0x4  }
0xe3: {  	_ =	swait.ge @!p0 [sflag:s1], $0xA00  }
0xe4: {  	s3 =	sshrl.u32 @!p0 s3, $0x2;
	[sflag:s1] =	ssyncset.done @!p0 $0x0  }
0xe5: {  	s6 =	simm.s32 @!p0 $0x2800;
	[sflag:s1] =	ssyncadd.s32 @!p0 $0xFFFFF600;
	s1 =	simm.s32 @!p0 $0x7D  }
0xe6: {  	[tilespmem:s6], [sflag:$0x1] =	stream.indirect.gather @!p0 [hbm4b:s4+s1], $0x80, s3, s1, $0xb8;
	[tilespmem:$0x1DD80] =	vst v63  }
0xe7: {  	s29 =	simm.s32 $0x2;
	s28 =	sadd.s32 $0x140, s14;
	_ =	swait.ge [sflag:s24], $0x3E80  }
0xe8: {  	s30 =	sadd.s32 $0x140, s13;
	s31 =	simm.s32 $0x1;
	[sflag:s24] =	ssyncset.done $0x0  }
0xe9: {  	s0 =	sadd.s32 $0x1D80, s0;
	s1 =	sand.u32 $0x1, s31;
	[sflag:s24] =	ssyncadd.s32 $0xFFFFC180  }
0xea: {  	[spmem:s2] =	stream.indirect.scatter.add.f32 [tilespmem:s16], [sflag:$0x5], $0x80, s0, s20, $0xb8;
	[tilespmem:$0x1DD80] =	vst v63  }
0xeb: {  	p0 =	por $0x0, $0x0;
	s0 =	sxor.u32 $0x1, s1;
	_ =	swait.ge [sflag:s17], $0x3E80  }
0xec: {  	s3 =	simm.s32 @!p0 $0x0;
	s6 =	smul.u32 @!p0 $0xA00, s0;
	[sflag:s17] =	ssyncset.done $0x0  }
.LBB2_4:
0xed: {  	s15 =	smul.u32 @!p0 $0x2800, s0  }
0xee: {  	[sflag:s17] =	ssyncadd.s32 $0xFFFFC180;
	s31 =	smov.u32 s29;
	s29 =	sadd.s32 $0x1, s29  }
0xef: {  	[tilespmem:s6], [sflag:$0x3] =	stream.linear.gather @!p0 [hbm4b:s30+s3], $0xA00, $0x38;
	[tilespmem:$0x1DD80] =	vst v63  }
0xf0: {  	s0 =	smul.u32 $0xA00, s1;
	p1 =	sne.s32 s29, $0x4;
	s6 =	sadd.s32 @!p0 $0x1400, s6  }
0xf1: {  	[tilespmem:s6], [sflag:$0x4] =	stream.linear.gather @!p0 [hbm4b:s28+s3], $0xA00, $0x38;
	[tilespmem:$0x1DD80] =	vst v63  }
0xf2: {  	s1 =	sor.u32 $0x80, s0  }
0xf3: {  	[tilespmem:s16], [sflag:$0x2] =	stream.indirect.gather [hbm4b:s4+s20], $0x80, s1, s20, $0xb8;
	[tilespmem:$0x1DD80] =	vst v63  }
0xf4: {  	_ =	swait.ge [sflag:s22], $0x3E80  }
0xf5: {  	[sflag:s22] =	ssyncset.done $0x0  }
0xf6: {  	s1 =	sadd.s32 $0x1400, s0;
	[sflag:s22] =	ssyncadd.s32 $0xFFFFC180  }
0xf7: {  	[spmem:s2] =	stream.indirect.scatter.add.f32 [tilespmem:s21], [sflag:$0x5], $0x80, s1, s20, $0xb8;
	[tilespmem:$0x1DD80] =	vst v63  }
0xf8: {  	_ =	swait.ge [sflag:s17], $0x3E80  }
0xf9: {  	[sflag:s17] =	ssyncset.done $0x0  }
0xfa: {  	s1 =	sor.u32 $0x100, s0;
	[sflag:s17] =	ssyncadd.s32 $0xFFFFC180  }
0xfb: {  	[tilespmem:s21], [sflag:$0x1] =	stream.indirect.gather [hbm4b:s4+s20], $0x80, s1, s20, $0xb8;
	[tilespmem:$0x1DD80] =	vst v63  }
0xfc: {  	_ =	swait.ge [sflag:s24], $0x3E80  }
0xfd: {  	[sflag:s24] =	ssyncset.done $0x0  }
0xfe: {  	s1 =	sadd.s32 $0x1480, s0;
	[sflag:s24] =	ssyncadd.s32 $0xFFFFC180  }
0xff: {  	[spmem:s2] =	stream.indirect.scatter.add.f32 [tilespmem:s16], [sflag:$0x5], $0x80, s1, s20, $0xb8;
	[tilespmem:$0x1DD80] =	vst v63  }
0x100: {  	_ =	swait.ge [sflag:s17], $0x3E80  }
0x101: {  	[sflag:s17] =	ssyncset.done $0x0  }
0x102: {  	s1 =	sor.u32 $0x180, s0;
	[sflag:s17] =	ssyncadd.s32 $0xFFFFC180  }
0x103: {  	[tilespmem:s16], [sflag:$0x2] =	stream.indirect.gather [hbm4b:s4+s20], $0x80, s1, s20, $0xb8;
	[tilespmem:$0x1DD80] =	vst v63  }
0x104: {  	_ =	swait.ge [sflag:s22], $0x3E80  }
0x105: {  	[sflag:s22] =	ssyncset.done $0x0  }
0x106: {  	s1 =	sadd.s32 $0x1500, s0;
	[sflag:s22] =	ssyncadd.s32 $0xFFFFC180  }
0x107: {  	[spmem:s2] =	stream.indirect.scatter.add.f32 [tilespmem:s21], [sflag:$0x5], $0x80, s1, s20, $0xb8;
	[tilespmem:$0x1DD80] =	vst v63  }
0x108: {  	_ =	swait.ge [sflag:s17], $0x3E80  }
0x109: {  	[sflag:s17] =	ssyncset.done $0x0  }
0x10a: {  	s1 =	sadd.s32 $0x200, s0;
	[sflag:s17] =	ssyncadd.s32 $0xFFFFC180  }
0x10b: {  	[tilespmem:s21], [sflag:$0x1] =	stream.indirect.gather [hbm4b:s4+s20], $0x80, s1, s20, $0xb8;
	[tilespmem:$0x1DD80] =	vst v63  }
0x10c: {  	_ =	swait.ge [sflag:s24], $0x3E80  }
0x10d: {  	[sflag:s24] =	ssyncset.done $0x0  }
0x10e: {  	s1 =	sadd.s32 $0x1580, s0;
	[sflag:s24] =	ssyncadd.s32 $0xFFFFC180  }
0x10f: {  	[spmem:s2] =	stream.indirect.scatter.add.f32 [tilespmem:s16], [sflag:$0x5], $0x80, s1, s20, $0xb8;
	[tilespmem:$0x1DD80] =	vst v63  }
0x110: {  	_ =	swait.ge [sflag:s17], $0x3E80  }
0x111: {  	[sflag:s17] =	ssyncset.done $0x0  }
0x112: {  	s1 =	sadd.s32 $0x280, s0;
	[sflag:s17] =	ssyncadd.s32 $0xFFFFC180  }
0x113: {  	[tilespmem:s16], [sflag:$0x2] =	stream.indirect.gather [hbm4b:s4+s20], $0x80, s1, s20, $0xb8;
	[tilespmem:$0x1DD80] =	vst v63  }
0x114: {  	_ =	swait.ge [sflag:s22], $0x3E80  }
0x115: {  	[sflag:s22] =	ssyncset.done $0x0  }
0x116: {  	s1 =	sadd.s32 $0x1600, s0;
	[sflag:s22] =	ssyncadd.s32 $0xFFFFC180  }
0x117: {  	[spmem:s2] =	stream.indirect.scatter.add.f32 [tilespmem:s21], [sflag:$0x5], $0x80, s1, s20, $0xb8;
	[tilespmem:$0x1DD80] =	vst v63  }
0x118: {  	_ =	swait.ge [sflag:s17], $0x3E80  }
0x119: {  	[sflag:s17] =	ssyncset.done $0x0  }
0x11a: {  	s1 =	sadd.s32 $0x300, s0;
	[sflag:s17] =	ssyncadd.s32 $0xFFFFC180  }
0x11b: {  	[tilespmem:s21], [sflag:$0x1] =	stream.indirect.gather [hbm4b:s4+s20], $0x80, s1, s20, $0xb8;
	[tilespmem:$0x1DD80] =	vst v63  }
0x11c: {  	_ =	swait.ge [sflag:s24], $0x3E80  }
0x11d: {  	[sflag:s24] =	ssyncset.done $0x0  }
0x11e: {  	s1 =	sadd.s32 $0x1680, s0;
	[sflag:s24] =	ssyncadd.s32 $0xFFFFC180  }
0x11f: {  	[spmem:s2] =	stream.indirect.scatter.add.f32 [tilespmem:s16], [sflag:$0x5], $0x80, s1, s20, $0xb8;
	[tilespmem:$0x1DD80] =	vst v63  }
0x120: {  	_ =	swait.ge [sflag:s17], $0x3E80  }
0x121: {  	[sflag:s17] =	ssyncset.done $0x0  }
0x122: {  	s1 =	sadd.s32 $0x380, s0;
	[sflag:s17] =	ssyncadd.s32 $0xFFFFC180  }
0x123: {  	[tilespmem:s16], [sflag:$0x2] =	stream.indirect.gather [hbm4b:s4+s20], $0x80, s1, s20, $0xb8;
	[tilespmem:$0x1DD80] =	vst v63  }
0x124: {  	_ =	swait.ge [sflag:s22], $0x3E80  }
0x125: {  	[sflag:s22] =	ssyncset.done $0x0  }
0x126: {  	s1 =	sadd.s32 $0x1700, s0;
	[sflag:s22] =	ssyncadd.s32 $0xFFFFC180  }
0x127: {  	[spmem:s2] =	stream.indirect.scatter.add.f32 [tilespmem:s21], [sflag:$0x5], $0x80, s1, s20, $0xb8;
	[tilespmem:$0x1DD80] =	vst v63  }
0x128: {  	_ =	swait.ge [sflag:s17], $0x3E80  }
0x129: {  	[sflag:s17] =	ssyncset.done $0x0  }
0x12a: {  	s1 =	sadd.s32 $0x400, s0;
	[sflag:s17] =	ssyncadd.s32 $0xFFFFC180  }
0x12b: {  	[tilespmem:s21], [sflag:$0x1] =	stream.indirect.gather [hbm4b:s4+s20], $0x80, s1, s20, $0xb8;
	[tilespmem:$0x1DD80] =	vst v63  }
0x12c: {  	_ =	swait.ge [sflag:s24], $0x3E80  }
0x12d: {  	[sflag:s24] =	ssyncset.done $0x0  }
0x12e: {  	s1 =	sadd.s32 $0x1780, s0;
	[sflag:s24] =	ssyncadd.s32 $0xFFFFC180  }
0x12f: {  	[spmem:s2] =	stream.indirect.scatter.add.f32 [tilespmem:s16], [sflag:$0x5], $0x80, s1, s20, $0xb8;
	[tilespmem:$0x1DD80] =	vst v63  }
0x130: {  	_ =	swait.ge [sflag:s17], $0x3E80  }
0x131: {  	[sflag:s17] =	ssyncset.done $0x0  }
0x132: {  	s1 =	sadd.s32 $0x480, s0;
	[sflag:s17] =	ssyncadd.s32 $0xFFFFC180  }
0x133: {  	[tilespmem:s16], [sflag:$0x2] =	stream.indirect.gather [hbm4b:s4+s20], $0x80, s1, s20, $0xb8;
	[tilespmem:$0x1DD80] =	vst v63  }
0x134: {  	_ =	swait.ge [sflag:s22], $0x3E80  }
0x135: {  	[sflag:s22] =	ssyncset.done $0x0  }
0x136: {  	s1 =	sadd.s32 $0x1800, s0;
	[sflag:s22] =	ssyncadd.s32 $0xFFFFC180  }
0x137: {  	[spmem:s2] =	stream.indirect.scatter.add.f32 [tilespmem:s21], [sflag:$0x5], $0x80, s1, s20, $0xb8;
	[tilespmem:$0x1DD80] =	vst v63  }
0x138: {  	_ =	swait.ge [sflag:s17], $0x3E80  }
0x139: {  	[sflag:s17] =	ssyncset.done $0x0  }
0x13a: {  	s1 =	sadd.s32 $0x500, s0;
	[sflag:s17] =	ssyncadd.s32 $0xFFFFC180  }
0x13b: {  	[tilespmem:s21], [sflag:$0x1] =	stream.indirect.gather [hbm4b:s4+s20], $0x80, s1, s20, $0xb8;
	[tilespmem:$0x1DD80] =	vst v63  }
0x13c: {  	_ =	swait.ge [sflag:s24], $0x3E80  }
0x13d: {  	[sflag:s24] =	ssyncset.done $0x0  }
0x13e: {  	s1 =	sadd.s32 $0x1880, s0;
	[sflag:s24] =	ssyncadd.s32 $0xFFFFC180  }
0x13f: {  	[spmem:s2] =	stream.indirect.scatter.add.f32 [tilespmem:s16], [sflag:$0x5], $0x80, s1, s20, $0xb8;
	[tilespmem:$0x1DD80] =	vst v63  }
0x140: {  	_ =	swait.ge [sflag:s17], $0x3E80  }
0x141: {  	[sflag:s17] =	ssyncset.done $0x0  }
0x142: {  	s1 =	sadd.s32 $0x580, s0;
	[sflag:s17] =	ssyncadd.s32 $0xFFFFC180  }
0x143: {  	[tilespmem:s16], [sflag:$0x2] =	stream.indirect.gather [hbm4b:s4+s20], $0x80, s1, s20, $0xb8;
	[tilespmem:$0x1DD80] =	vst v63  }
0x144: {  	_ =	swait.ge [sflag:s22], $0x3E80  }
0x145: {  	[sflag:s22] =	ssyncset.done $0x0  }
0x146: {  	s1 =	sadd.s32 $0x1900, s0;
	[sflag:s22] =	ssyncadd.s32 $0xFFFFC180  }
0x147: {  	[spmem:s2] =	stream.indirect.scatter.add.f32 [tilespmem:s21], [sflag:$0x5], $0x80, s1, s20, $0xb8;
	[tilespmem:$0x1DD80] =	vst v63  }
0x148: {  	_ =	swait.ge [sflag:s17], $0x3E80  }
0x149: {  	[sflag:s17] =	ssyncset.done $0x0  }
0x14a: {  	s1 =	sadd.s32 $0x600, s0;
	[sflag:s17] =	ssyncadd.s32 $0xFFFFC180  }
0x14b: {  	[tilespmem:s21], [sflag:$0x1] =	stream.indirect.gather [hbm4b:s4+s20], $0x80, s1, s20, $0xb8;
	[tilespmem:$0x1DD80] =	vst v63  }
0x14c: {  	_ =	swait.ge [sflag:s24], $0x3E80  }
0x14d: {  	[sflag:s24] =	ssyncset.done $0x0  }
0x14e: {  	s1 =	sadd.s32 $0x1980, s0;
	[sflag:s24] =	ssyncadd.s32 $0xFFFFC180  }
0x14f: {  	[spmem:s2] =	stream.indirect.scatter.add.f32 [tilespmem:s16], [sflag:$0x5], $0x80, s1, s20, $0xb8;
	[tilespmem:$0x1DD80] =	vst v63  }
0x150: {  	_ =	swait.ge [sflag:s17], $0x3E80  }
0x151: {  	[sflag:s17] =	ssyncset.done $0x0  }
0x152: {  	s1 =	sadd.s32 $0x680, s0;
	[sflag:s17] =	ssyncadd.s32 $0xFFFFC180  }
0x153: {  	[tilespmem:s16], [sflag:$0x2] =	stream.indirect.gather [hbm4b:s4+s20], $0x80, s1, s20, $0xb8;
	[tilespmem:$0x1DD80] =	vst v63  }
0x154: {  	_ =	swait.ge [sflag:s22], $0x3E80  }
0x155: {  	[sflag:s22] =	ssyncset.done $0x0  }
0x156: {  	s1 =	sadd.s32 $0x1A00, s0;
	[sflag:s22] =	ssyncadd.s32 $0xFFFFC180  }
0x157: {  	[spmem:s2] =	stream.indirect.scatter.add.f32 [tilespmem:s21], [sflag:$0x5], $0x80, s1, s20, $0xb8;
	[tilespmem:$0x1DD80] =	vst v63  }
0x158: {  	_ =	swait.ge [sflag:s17], $0x3E80  }
0x159: {  	[sflag:s17] =	ssyncset.done $0x0  }
0x15a: {  	s1 =	sadd.s32 $0x700, s0;
	[sflag:s17] =	ssyncadd.s32 $0xFFFFC180  }
0x15b: {  	[tilespmem:s21], [sflag:$0x1] =	stream.indirect.gather [hbm4b:s4+s20], $0x80, s1, s20, $0xb8;
	[tilespmem:$0x1DD80] =	vst v63  }
0x15c: {  	_ =	swait.ge [sflag:s24], $0x3E80  }
0x15d: {  	[sflag:s24] =	ssyncset.done $0x0  }
0x15e: {  	s1 =	sadd.s32 $0x1A80, s0;
	[sflag:s24] =	ssyncadd.s32 $0xFFFFC180  }
0x15f: {  	[spmem:s2] =	stream.indirect.scatter.add.f32 [tilespmem:s16], [sflag:$0x5], $0x80, s1, s20, $0xb8;
	[tilespmem:$0x1DD80] =	vst v63  }
0x160: {  	_ =	swait.ge [sflag:s17], $0x3E80  }
0x161: {  	[sflag:s17] =	ssyncset.done $0x0  }
0x162: {  	s1 =	sadd.s32 $0x780, s0;
	[sflag:s17] =	ssyncadd.s32 $0xFFFFC180  }
0x163: {  	[tilespmem:s16], [sflag:$0x2] =	stream.indirect.gather [hbm4b:s4+s20], $0x80, s1, s20, $0xb8;
	[tilespmem:$0x1DD80] =	vst v63  }
0x164: {  	_ =	swait.ge [sflag:s22], $0x3E80  }
0x165: {  	[sflag:s22] =	ssyncset.done $0x0  }
0x166: {  	s1 =	sadd.s32 $0x1B00, s0;
	[sflag:s22] =	ssyncadd.s32 $0xFFFFC180  }
0x167: {  	[spmem:s2] =	stream.indirect.scatter.add.f32 [tilespmem:s21], [sflag:$0x5], $0x80, s1, s20, $0xb8;
	[tilespmem:$0x1DD80] =	vst v63  }
0x168: {  	_ =	swait.ge [sflag:s17], $0x3E80  }
0x169: {  	[sflag:s17] =	ssyncset.done $0x0  }
0x16a: {  	s1 =	sadd.s32 $0x800, s0;
	[sflag:s17] =	ssyncadd.s32 $0xFFFFC180  }
0x16b: {  	[tilespmem:s21], [sflag:$0x1] =	stream.indirect.gather [hbm4b:s4+s20], $0x80, s1, s20, $0xb8;
	[tilespmem:$0x1DD80] =	vst v63  }
0x16c: {  	_ =	swait.ge [sflag:s24], $0x3E80  }
0x16d: {  	[sflag:s24] =	ssyncset.done $0x0  }
0x16e: {  	s1 =	sadd.s32 $0x1B80, s0;
	[sflag:s24] =	ssyncadd.s32 $0xFFFFC180  }
0x16f: {  	[spmem:s2] =	stream.indirect.scatter.add.f32 [tilespmem:s16], [sflag:$0x5], $0x80, s1, s20, $0xb8;
	[tilespmem:$0x1DD80] =	vst v63  }
0x170: {  	_ =	swait.ge [sflag:s17], $0x3E80  }
0x171: {  	[sflag:s17] =	ssyncset.done $0x0  }
0x172: {  	s1 =	sadd.s32 $0x880, s0;
	[sflag:s17] =	ssyncadd.s32 $0xFFFFC180  }
0x173: {  	[tilespmem:s16], [sflag:$0x2] =	stream.indirect.gather [hbm4b:s4+s20], $0x80, s1, s20, $0xb8;
	[tilespmem:$0x1DD80] =	vst v63  }
0x174: {  	_ =	swait.ge [sflag:s22], $0x3E80  }
0x175: {  	[sflag:s22] =	ssyncset.done $0x0  }
0x176: {  	s1 =	sadd.s32 $0x1C00, s0;
	[sflag:s22] =	ssyncadd.s32 $0xFFFFC180  }
0x177: {  	[spmem:s2] =	stream.indirect.scatter.add.f32 [tilespmem:s21], [sflag:$0x5], $0x80, s1, s20, $0xb8;
	[tilespmem:$0x1DD80] =	vst v63  }
0x178: {  	_ =	swait.ge [sflag:s17], $0x3E80  }
0x179: {  	[sflag:s17] =	ssyncset.done $0x0  }
0x17a: {  	s1 =	sadd.s32 $0x900, s0;
	[sflag:s17] =	ssyncadd.s32 $0xFFFFC180  }
0x17b: {  	[tilespmem:s21], [sflag:$0x1] =	stream.indirect.gather [hbm4b:s4+s20], $0x80, s1, s20, $0xb8;
	[tilespmem:$0x1DD80] =	vst v63  }
0x17c: {  	_ =	swait.ge [sflag:s24], $0x3E80  }
0x17d: {  	[sflag:s24] =	ssyncset.done $0x0  }
0x17e: {  	s1 =	sadd.s32 $0x1C80, s0;
	[sflag:s24] =	ssyncadd.s32 $0xFFFFC180  }
0x17f: {  	[spmem:s2] =	stream.indirect.scatter.add.f32 [tilespmem:s16], [sflag:$0x5], $0x80, s1, s20, $0xb8;
	[tilespmem:$0x1DD80] =	vst v63  }
0x180: {  	_ =	swait.ge [sflag:s17], $0x3E80  }
0x181: {  	[sflag:s17] =	ssyncset.done $0x0  }
0x182: {  	s1 =	sadd.s32 $0x980, s0;
	[sflag:s17] =	ssyncadd.s32 $0xFFFFC180  }
0x183: {  	[tilespmem:s16], [sflag:$0x2] =	stream.indirect.gather [hbm4b:s4+s20], $0x80, s1, s20, $0xb8;
	[tilespmem:$0x1DD80] =	vst v63  }
0x184: {  	_ =	swait.ge [sflag:s22], $0x3E80  }
0x185: {  	[sflag:s22] =	ssyncset.done $0x0  }
0x186: {  	s1 =	sadd.s32 $0x1D00, s0;
	[sflag:s22] =	ssyncadd.s32 $0xFFFFC180  }
0x187: {  	[spmem:s2] =	stream.indirect.scatter.add.f32 [tilespmem:s21], [sflag:$0x5], $0x80, s1, s20, $0xb8;
	[tilespmem:$0x1DD80] =	vst v63  }
0x188: {  	_ =	swait.ge [sflag:s17], $0x3E80  }
0x189: {  	[sflag:s17] =	ssyncset.done $0x0  }
0x18a: {  	s1 =	simm.s32 @!p0 $0x3;
	[sflag:s17] =	ssyncadd.s32 $0xFFFFC180  }
0x18b: {  	_ =	swait.ge @!p0 [sflag:s1], $0xA00  }
0x18c: {  	[sflag:s1] =	ssyncset.done @!p0 $0x0  }
0x18d: {  	[sflag:s1] =	ssyncadd.s32 @!p0 $0xFFFFF600;
	s1 =	simm.s32 @!p0 $0x4  }
0x18e: {  	_ =	swait.ge @!p0 [sflag:s1], $0xA00  }
0x18f: {  	s3 =	simm.s32 @!p0 $0x2800;
	[sflag:s1] =	ssyncset.done @!p0 $0x0  }
0x190: {  	s6 =	sshrl.u32 @!p0 s15, $0x2;
	[sflag:s1] =	ssyncadd.s32 @!p0 $0xFFFFF600;
	s1 =	simm.s32 @!p0 $0x7D  }
0x191: {  	[tilespmem:s3], [sflag:$0x1] =	stream.indirect.gather @!p0 [hbm4b:s4+s1], $0x80, s6, s1, $0xb8;
	[tilespmem:$0x1DD80] =	vst v63  }
0x192: {  	s28 =	sadd.s32 $0x140, s28;
	_ =	swait.ge [sflag:s24], $0x3E80  }
.Ltmp1:
0x193: {  	s30 =	sadd.s32 $0x140, s30;
	[sflag:s24] =	ssyncset.done $0x0;
	(pc) =	sbr.rel @p1 .LBB2_4-.Ltmp1, $4  }
0x194: {  	s0 =	sadd.s32 $0x1D80, s0;
	s1 =	sand.u32 $0x1, s31;
	[sflag:s24] =	ssyncadd.s32 $0xFFFFC180  }
0x195: {  	[spmem:s2] =	stream.indirect.scatter.add.f32 [tilespmem:s16], [sflag:$0x5], $0x80, s0, s20, $0xb8;
	[tilespmem:$0x1DD80] =	vst v63  }
0x196: {  	p0 =	seq.s32 s31, $0x3;
	s0 =	sxor.u32 $0x1, s1;
	_ =	swait.ge [sflag:s17], $0x3E80  }
0x197: {  	s3 =	simm.s32 @!p0 $0x0;
	s6 =	smul.u32 @!p0 $0xA00, s0;
	[sflag:s17] =	ssyncset.done $0x0  }
0x198: {  	[sflag:s17] =	ssyncadd.s32 $0xFFFFC180  }
0x199: {  	[tilespmem:s6], [sflag:$0x3] =	stream.linear.gather @!p0 [hbm4b:s30+s3], $0xA00, $0x38;
	[tilespmem:$0x1DD80] =	vst v63  }
0x19a: {  	s15 =	smul.u32 $0xA00, s1;
	s6 =	sadd.s32 @!p0 $0x1400, s6  }
0x19b: {  	[tilespmem:s6], [sflag:$0x4] =	stream.linear.gather @!p0 [hbm4b:s28+s3], $0xA00, $0x38;
	[tilespmem:$0x1DD80] =	vst v63  }
0x19c: {  	s1 =	sor.u32 $0x80, s15  }
0x19d: {  	[tilespmem:s16], [sflag:$0x2] =	stream.indirect.gather [hbm4b:s4+s20], $0x80, s1, s20, $0xb8;
	[tilespmem:$0x1DD80] =	vst v63  }
0x19e: {  	_ =	swait.ge [sflag:s22], $0x3E80  }
0x19f: {  	[sflag:s22] =	ssyncset.done $0x0  }
0x1a0: {  	s29 =	sadd.s32 $0x1400, s15;
	[sflag:s22] =	ssyncadd.s32 $0xFFFFC180  }
0x1a1: {  	[spmem:s2] =	stream.indirect.scatter.add.f32 [tilespmem:s21], [sflag:$0x5], $0x80, s29, s20, $0xb8;
	[tilespmem:$0x1DD80] =	vst v63  }
0x1a2: {  	_ =	swait.ge [sflag:s17], $0x3E80  }
0x1a3: {  	[sflag:s17] =	ssyncset.done $0x0  }
0x1a4: {  	s30 =	sor.u32 $0x100, s15;
	[sflag:s17] =	ssyncadd.s32 $0xFFFFC180  }
0x1a5: {  	[tilespmem:s21], [sflag:$0x1] =	stream.indirect.gather [hbm4b:s4+s20], $0x80, s30, s20, $0xb8;
	[tilespmem:$0x1DD80] =	vst v63  }
0x1a6: {  	_ =	swait.ge [sflag:s24], $0x3E80  }
0x1a7: {  	[sflag:s24] =	ssyncset.done $0x0  }
0x1a8: {  	s31 =	sadd.s32 $0x1480, s15;
	[sflag:s24] =	ssyncadd.s32 $0xFFFFC180  }
0x1a9: {  	[spmem:s2] =	stream.indirect.scatter.add.f32 [tilespmem:s16], [sflag:$0x5], $0x80, s31, s20, $0xb8;
	[tilespmem:$0x1DD80] =	vst v63  }
0x1aa: {  	_ =	swait.ge [sflag:s17], $0x3E80  }
0x1ab: {  	[sflag:s17] =	ssyncset.done $0x0  }
0x1ac: {  	s3 =	sor.u32 $0x180, s15;
	[sflag:s17] =	ssyncadd.s32 $0xFFFFC180  }
0x1ad: {  	[tilespmem:s16], [sflag:$0x2] =	stream.indirect.gather [hbm4b:s4+s20], $0x80, s3, s20, $0xb8;
	[tilespmem:$0x1DD80] =	vst v63  }
0x1ae: {  	_ =	swait.ge [sflag:s22], $0x3E80  }
0x1af: {  	[sflag:s22] =	ssyncset.done $0x0  }
0x1b0: {  	s6 =	sadd.s32 $0x1500, s15;
	[sflag:s22] =	ssyncadd.s32 $0xFFFFC180  }
0x1b1: {  	[spmem:s2] =	stream.indirect.scatter.add.f32 [tilespmem:s21], [sflag:$0x5], $0x80, s6, s20, $0xb8;
	[tilespmem:$0x1DD80] =	vst v63  }
0x1b2: {  	_ =	swait.ge [sflag:s17], $0x3E80  }
0x1b3: {  	[sflag:s17] =	ssyncset.done $0x0  }
0x1b4: {  	s28 =	sadd.s32 $0x200, s15;
	[sflag:s17] =	ssyncadd.s32 $0xFFFFC180  }
0x1b5: {  	[tilespmem:s21], [sflag:$0x1] =	stream.indirect.gather [hbm4b:s4+s20], $0x80, s28, s20, $0xb8;
	[tilespmem:$0x1DD80] =	vst v63  }
0x1b6: {  	_ =	swait.ge [sflag:s24], $0x3E80  }
0x1b7: {  	[sflag:s24] =	ssyncset.done $0x0  }
0x1b8: {  	s29 =	sadd.s32 $0x1580, s15;
	[sflag:s24] =	ssyncadd.s32 $0xFFFFC180  }
0x1b9: {  	[spmem:s2] =	stream.indirect.scatter.add.f32 [tilespmem:s16], [sflag:$0x5], $0x80, s29, s20, $0xb8;
	[tilespmem:$0x1DD80] =	vst v63  }
0x1ba: {  	_ =	swait.ge [sflag:s17], $0x3E80  }
0x1bb: {  	[sflag:s17] =	ssyncset.done $0x0  }
0x1bc: {  	s30 =	sadd.s32 $0x280, s15;
	[sflag:s17] =	ssyncadd.s32 $0xFFFFC180  }
0x1bd: {  	[tilespmem:s16], [sflag:$0x2] =	stream.indirect.gather [hbm4b:s4+s20], $0x80, s30, s20, $0xb8;
	[tilespmem:$0x1DD80] =	vst v63  }
0x1be: {  	_ =	swait.ge [sflag:s22], $0x3E80  }
0x1bf: {  	[sflag:s22] =	ssyncset.done $0x0  }
0x1c0: {  	s31 =	sadd.s32 $0x1600, s15;
	[sflag:s22] =	ssyncadd.s32 $0xFFFFC180  }
0x1c1: {  	[spmem:s2] =	stream.indirect.scatter.add.f32 [tilespmem:s21], [sflag:$0x5], $0x80, s31, s20, $0xb8;
	[tilespmem:$0x1DD80] =	vst v63  }
0x1c2: {  	_ =	swait.ge [sflag:s17], $0x3E80  }
0x1c3: {  	[sflag:s17] =	ssyncset.done $0x0  }
0x1c4: {  	s3 =	sadd.s32 $0x300, s15;
	[sflag:s17] =	ssyncadd.s32 $0xFFFFC180  }
0x1c5: {  	[tilespmem:s21], [sflag:$0x1] =	stream.indirect.gather [hbm4b:s4+s20], $0x80, s3, s20, $0xb8;
	[tilespmem:$0x1DD80] =	vst v63  }
0x1c6: {  	_ =	swait.ge [sflag:s24], $0x3E80  }
0x1c7: {  	[sflag:s24] =	ssyncset.done $0x0  }
0x1c8: {  	s6 =	sadd.s32 $0x1680, s15;
	[sflag:s24] =	ssyncadd.s32 $0xFFFFC180  }
0x1c9: {  	[spmem:s2] =	stream.indirect.scatter.add.f32 [tilespmem:s16], [sflag:$0x5], $0x80, s6, s20, $0xb8;
	[tilespmem:$0x1DD80] =	vst v63  }
0x1ca: {  	_ =	swait.ge [sflag:s17], $0x3E80  }
0x1cb: {  	[sflag:s17] =	ssyncset.done $0x0  }
0x1cc: {  	s28 =	sadd.s32 $0x380, s15;
	[sflag:s17] =	ssyncadd.s32 $0xFFFFC180  }
0x1cd: {  	[tilespmem:s16], [sflag:$0x2] =	stream.indirect.gather [hbm4b:s4+s20], $0x80, s28, s20, $0xb8;
	[tilespmem:$0x1DD80] =	vst v63  }
0x1ce: {  	_ =	swait.ge [sflag:s22], $0x3E80  }
0x1cf: {  	[sflag:s22] =	ssyncset.done $0x0  }
0x1d0: {  	s29 =	sadd.s32 $0x1700, s15;
	[sflag:s22] =	ssyncadd.s32 $0xFFFFC180  }
0x1d1: {  	[spmem:s2] =	stream.indirect.scatter.add.f32 [tilespmem:s21], [sflag:$0x5], $0x80, s29, s20, $0xb8;
	[tilespmem:$0x1DD80] =	vst v63  }
0x1d2: {  	_ =	swait.ge [sflag:s17], $0x3E80  }
0x1d3: {  	[sflag:s17] =	ssyncset.done $0x0  }
0x1d4: {  	s30 =	sadd.s32 $0x400, s15;
	[sflag:s17] =	ssyncadd.s32 $0xFFFFC180  }
0x1d5: {  	[tilespmem:s21], [sflag:$0x1] =	stream.indirect.gather [hbm4b:s4+s20], $0x80, s30, s20, $0xb8;
	[tilespmem:$0x1DD80] =	vst v63  }
0x1d6: {  	_ =	swait.ge [sflag:s24], $0x3E80  }
0x1d7: {  	[sflag:s24] =	ssyncset.done $0x0  }
0x1d8: {  	s31 =	sadd.s32 $0x1780, s15;
	[sflag:s24] =	ssyncadd.s32 $0xFFFFC180  }
0x1d9: {  	[spmem:s2] =	stream.indirect.scatter.add.f32 [tilespmem:s16], [sflag:$0x5], $0x80, s31, s20, $0xb8;
	[tilespmem:$0x1DD80] =	vst v63  }
0x1da: {  	_ =	swait.ge [sflag:s17], $0x3E80  }
0x1db: {  	[sflag:s17] =	ssyncset.done $0x0  }
0x1dc: {  	s3 =	sadd.s32 $0x480, s15;
	[sflag:s17] =	ssyncadd.s32 $0xFFFFC180  }
0x1dd: {  	[tilespmem:s16], [sflag:$0x2] =	stream.indirect.gather [hbm4b:s4+s20], $0x80, s3, s20, $0xb8;
	[tilespmem:$0x1DD80] =	vst v63  }
0x1de: {  	_ =	swait.ge [sflag:s22], $0x3E80  }
0x1df: {  	[sflag:s22] =	ssyncset.done $0x0  }
0x1e0: {  	s6 =	sadd.s32 $0x1800, s15;
	[sflag:s22] =	ssyncadd.s32 $0xFFFFC180  }
0x1e1: {  	[spmem:s2] =	stream.indirect.scatter.add.f32 [tilespmem:s21], [sflag:$0x5], $0x80, s6, s20, $0xb8;
	[tilespmem:$0x1DD80] =	vst v63  }
0x1e2: {  	_ =	swait.ge [sflag:s17], $0x3E80  }
0x1e3: {  	[sflag:s17] =	ssyncset.done $0x0  }
0x1e4: {  	s28 =	sadd.s32 $0x500, s15;
	[sflag:s17] =	ssyncadd.s32 $0xFFFFC180  }
0x1e5: {  	[tilespmem:s21], [sflag:$0x1] =	stream.indirect.gather [hbm4b:s4+s20], $0x80, s28, s20, $0xb8;
	[tilespmem:$0x1DD80] =	vst v63  }
0x1e6: {  	_ =	swait.ge [sflag:s24], $0x3E80  }
0x1e7: {  	[sflag:s24] =	ssyncset.done $0x0  }
0x1e8: {  	s29 =	sadd.s32 $0x1880, s15;
	[sflag:s24] =	ssyncadd.s32 $0xFFFFC180  }
0x1e9: {  	[spmem:s2] =	stream.indirect.scatter.add.f32 [tilespmem:s16], [sflag:$0x5], $0x80, s29, s20, $0xb8;
	[tilespmem:$0x1DD80] =	vst v63  }
0x1ea: {  	_ =	swait.ge [sflag:s17], $0x3E80  }
0x1eb: {  	[sflag:s17] =	ssyncset.done $0x0  }
0x1ec: {  	s30 =	sadd.s32 $0x580, s15;
	[sflag:s17] =	ssyncadd.s32 $0xFFFFC180  }
0x1ed: {  	[tilespmem:s16], [sflag:$0x2] =	stream.indirect.gather [hbm4b:s4+s20], $0x80, s30, s20, $0xb8;
	[tilespmem:$0x1DD80] =	vst v63  }
0x1ee: {  	_ =	swait.ge [sflag:s22], $0x3E80  }
0x1ef: {  	[sflag:s22] =	ssyncset.done $0x0  }
0x1f0: {  	s31 =	sadd.s32 $0x1900, s15;
	[sflag:s22] =	ssyncadd.s32 $0xFFFFC180  }
0x1f1: {  	[spmem:s2] =	stream.indirect.scatter.add.f32 [tilespmem:s21], [sflag:$0x5], $0x80, s31, s20, $0xb8;
	[tilespmem:$0x1DD80] =	vst v63  }
0x1f2: {  	_ =	swait.ge [sflag:s17], $0x3E80  }
0x1f3: {  	[sflag:s17] =	ssyncset.done $0x0  }
0x1f4: {  	s3 =	sadd.s32 $0x600, s15;
	[sflag:s17] =	ssyncadd.s32 $0xFFFFC180  }
0x1f5: {  	[tilespmem:s21], [sflag:$0x1] =	stream.indirect.gather [hbm4b:s4+s20], $0x80, s3, s20, $0xb8;
	[tilespmem:$0x1DD80] =	vst v63  }
0x1f6: {  	_ =	swait.ge [sflag:s24], $0x3E80  }
0x1f7: {  	[sflag:s24] =	ssyncset.done $0x0  }
0x1f8: {  	s6 =	sadd.s32 $0x1980, s15;
	[sflag:s24] =	ssyncadd.s32 $0xFFFFC180  }
0x1f9: {  	[spmem:s2] =	stream.indirect.scatter.add.f32 [tilespmem:s16], [sflag:$0x5], $0x80, s6, s20, $0xb8;
	[tilespmem:$0x1DD80] =	vst v63  }
0x1fa: {  	_ =	swait.ge [sflag:s17], $0x3E80  }
0x1fb: {  	[sflag:s17] =	ssyncset.done $0x0  }
0x1fc: {  	s28 =	sadd.s32 $0x680, s15;
	[sflag:s17] =	ssyncadd.s32 $0xFFFFC180  }
0x1fd: {  	[tilespmem:s16], [sflag:$0x2] =	stream.indirect.gather [hbm4b:s4+s20], $0x80, s28, s20, $0xb8;
	[tilespmem:$0x1DD80] =	vst v63  }
0x1fe: {  	_ =	swait.ge [sflag:s22], $0x3E80  }
0x1ff: {  	[sflag:s22] =	ssyncset.done $0x0  }
0x200: {  	s29 =	sadd.s32 $0x1A00, s15;
	[sflag:s22] =	ssyncadd.s32 $0xFFFFC180  }
0x201: {  	[spmem:s2] =	stream.indirect.scatter.add.f32 [tilespmem:s21], [sflag:$0x5], $0x80, s29, s20, $0xb8;
	[tilespmem:$0x1DD80] =	vst v63  }
0x202: {  	_ =	swait.ge [sflag:s17], $0x3E80  }
0x203: {  	[sflag:s17] =	ssyncset.done $0x0  }
0x204: {  	s30 =	sadd.s32 $0x700, s15;
	[sflag:s17] =	ssyncadd.s32 $0xFFFFC180  }
0x205: {  	[tilespmem:s21], [sflag:$0x1] =	stream.indirect.gather [hbm4b:s4+s20], $0x80, s30, s20, $0xb8;
	[tilespmem:$0x1DD80] =	vst v63  }
0x206: {  	_ =	swait.ge [sflag:s24], $0x3E80  }
0x207: {  	[sflag:s24] =	ssyncset.done $0x0  }
0x208: {  	s31 =	sadd.s32 $0x1A80, s15;
	[sflag:s24] =	ssyncadd.s32 $0xFFFFC180  }
0x209: {  	[spmem:s2] =	stream.indirect.scatter.add.f32 [tilespmem:s16], [sflag:$0x5], $0x80, s31, s20, $0xb8;
	[tilespmem:$0x1DD80] =	vst v63  }
0x20a: {  	_ =	swait.ge [sflag:s17], $0x3E80  }
0x20b: {  	[sflag:s17] =	ssyncset.done $0x0  }
0x20c: {  	s3 =	sadd.s32 $0x780, s15;
	[sflag:s17] =	ssyncadd.s32 $0xFFFFC180  }
0x20d: {  	[tilespmem:s16], [sflag:$0x2] =	stream.indirect.gather [hbm4b:s4+s20], $0x80, s3, s20, $0xb8;
	[tilespmem:$0x1DD80] =	vst v63  }
0x20e: {  	_ =	swait.ge [sflag:s22], $0x3E80  }
0x20f: {  	[sflag:s22] =	ssyncset.done $0x0  }
0x210: {  	s6 =	sadd.s32 $0x1B00, s15;
	[sflag:s22] =	ssyncadd.s32 $0xFFFFC180  }
0x211: {  	[spmem:s2] =	stream.indirect.scatter.add.f32 [tilespmem:s21], [sflag:$0x5], $0x80, s6, s20, $0xb8;
	[tilespmem:$0x1DD80] =	vst v63  }
0x212: {  	_ =	swait.ge [sflag:s17], $0x3E80  }
0x213: {  	[sflag:s17] =	ssyncset.done $0x0  }
0x214: {  	s28 =	sadd.s32 $0x800, s15;
	[sflag:s17] =	ssyncadd.s32 $0xFFFFC180  }
0x215: {  	[tilespmem:s21], [sflag:$0x1] =	stream.indirect.gather [hbm4b:s4+s20], $0x80, s28, s20, $0xb8;
	[tilespmem:$0x1DD80] =	vst v63  }
0x216: {  	_ =	swait.ge [sflag:s24], $0x3E80  }
0x217: {  	[sflag:s24] =	ssyncset.done $0x0  }
0x218: {  	s29 =	sadd.s32 $0x1B80, s15;
	[sflag:s24] =	ssyncadd.s32 $0xFFFFC180  }
0x219: {  	[spmem:s2] =	stream.indirect.scatter.add.f32 [tilespmem:s16], [sflag:$0x5], $0x80, s29, s20, $0xb8;
	[tilespmem:$0x1DD80] =	vst v63  }
0x21a: {  	_ =	swait.ge [sflag:s17], $0x3E80  }
0x21b: {  	[sflag:s17] =	ssyncset.done $0x0  }
0x21c: {  	s30 =	sadd.s32 $0x880, s15;
	[sflag:s17] =	ssyncadd.s32 $0xFFFFC180  }
0x21d: {  	[tilespmem:s16], [sflag:$0x2] =	stream.indirect.gather [hbm4b:s4+s20], $0x80, s30, s20, $0xb8;
	[tilespmem:$0x1DD80] =	vst v63  }
0x21e: {  	_ =	swait.ge [sflag:s22], $0x3E80  }
0x21f: {  	[sflag:s22] =	ssyncset.done $0x0  }
0x220: {  	s31 =	sadd.s32 $0x1C00, s15;
	[sflag:s22] =	ssyncadd.s32 $0xFFFFC180  }
0x221: {  	[spmem:s2] =	stream.indirect.scatter.add.f32 [tilespmem:s21], [sflag:$0x5], $0x80, s31, s20, $0xb8;
	[tilespmem:$0x1DD80] =	vst v63  }
0x222: {  	_ =	swait.ge [sflag:s17], $0x3E80  }
0x223: {  	[sflag:s17] =	ssyncset.done $0x0  }
0x224: {  	s3 =	sadd.s32 $0x900, s15;
	[sflag:s17] =	ssyncadd.s32 $0xFFFFC180  }
0x225: {  	[tilespmem:s21], [sflag:$0x1] =	stream.indirect.gather [hbm4b:s4+s20], $0x80, s3, s20, $0xb8;
	[tilespmem:$0x1DD80] =	vst v63  }
0x226: {  	_ =	swait.ge [sflag:s24], $0x3E80  }
0x227: {  	[sflag:s24] =	ssyncset.done $0x0  }
0x228: {  	s6 =	sadd.s32 $0x1C80, s15;
	[sflag:s24] =	ssyncadd.s32 $0xFFFFC180  }
0x229: {  	[spmem:s2] =	stream.indirect.scatter.add.f32 [tilespmem:s16], [sflag:$0x5], $0x80, s6, s20, $0xb8;
	[tilespmem:$0x1DD80] =	vst v63  }
0x22a: {  	_ =	swait.ge [sflag:s17], $0x3E80  }
0x22b: {  	[sflag:s17] =	ssyncset.done $0x0  }
0x22c: {  	s28 =	sadd.s32 $0x980, s15;
	[sflag:s17] =	ssyncadd.s32 $0xFFFFC180  }
0x22d: {  	[tilespmem:s16], [sflag:$0x2] =	stream.indirect.gather [hbm4b:s4+s20], $0x80, s28, s20, $0xb8;
	[tilespmem:$0x1DD80] =	vst v63  }
0x22e: {  	_ =	swait.ge [sflag:s22], $0x3E80  }
0x22f: {  	[sflag:s22] =	ssyncset.done $0x0  }
0x230: {  	s29 =	sadd.s32 $0x1D00, s15;
	[sflag:s22] =	ssyncadd.s32 $0xFFFFC180  }
0x231: {  	[spmem:s2] =	stream.indirect.scatter.add.f32 [tilespmem:s21], [sflag:$0x5], $0x80, s29, s20, $0xb8;
	[tilespmem:$0x1DD80] =	vst v63  }
0x232: {  	_ =	swait.ge [sflag:s17], $0x3E80  }
0x233: {  	[sflag:s17] =	ssyncset.done $0x0  }
0x234: {  	s1 =	simm.s32 @!p0 $0x3;
	[sflag:s17] =	ssyncadd.s32 $0xFFFFC180  }
0x235: {  	_ =	swait.ge @!p0 [sflag:s1], $0xA00  }
0x236: {  	[sflag:s1] =	ssyncset.done @!p0 $0x0  }
0x237: {  	s0 =	smul.u32 @!p0 $0x2800, s0;
	[sflag:s1] =	ssyncadd.s32 @!p0 $0xFFFFF600;
	s1 =	simm.s32 @!p0 $0x4  }
0x238: {  	_ =	swait.ge @!p0 [sflag:s1], $0xA00  }
0x239: {  	s0 =	sshrl.u32 @!p0 s0, $0x2;
	[sflag:s1] =	ssyncset.done @!p0 $0x0  }
0x23a: {  	s3 =	simm.s32 @!p0 $0x2800;
	[sflag:s1] =	ssyncadd.s32 @!p0 $0xFFFFF600;
	s1 =	simm.s32 @!p0 $0x7D  }
0x23b: {  	[tilespmem:s3], [sflag:$0x1] =	stream.indirect.gather @!p0 [hbm4b:s4+s1], $0x80, s0, s1, $0xb8;
	[tilespmem:$0x1DD80] =	vst v63  }
0x23c: {  	_ =	swait.ge [sflag:s24], $0x3E80  }
0x23d: {  	[sflag:s24] =	ssyncset.done $0x0  }
0x23e: {  	s30 =	sadd.s32 $0x1D80, s15;
	[sflag:s24] =	ssyncadd.s32 $0xFFFFC180  }
0x23f: {  	[spmem:s2] =	stream.indirect.scatter.add.f32 [tilespmem:s16], [sflag:$0x5], $0x80, s30, s20, $0xb8;
	[tilespmem:$0x1DD80] =	vst v63  }
0x240: {  	_ =	swait.ge [sflag:s17], $0x3E80  }
0x241: {  	s26 =	sadd.s32 $0x1, s26;
	s31 =	stileid.u32;
	[sflag:s17] =	ssyncset.done $0x0  }
0x242: {  	s0 =	sshll.u32 s31, $0x6;
	p0 =	sne.s32 s26, s7;
	[sflag:s17] =	ssyncadd.s32 $0xFFFFC180  }
.Ltmp2:
0x243: {  	s0 =	sor.u32 $0x1C05, s0;
	[bflag:$0x0] =	sbarrier.arrive $0xFFFF;
	(pc) =	sbr.rel @p0 .LBB2_1-.Ltmp2, $4  }
0x244: {  	[hbm:s23], [sflag:s0] =	dma.local [spmem:s25], $0x2710  }
0x245: {  	_ =	swait.ge [sflag:s17], $0x2710  }
0x246: {  	[sflag:s17] =	ssyncset.done $0x0  }
0x247: {  	[sflag:s17] =	ssyncadd.s32 $0xFFFFD8F0  }
0x248: {  	_ =	sfence.sel $0x180000  }
0x249: {  	[bflag:$0x0] =	sbarrier.arrive $0xFFFF  }
0x24a: {  	_ =	strace $0x9000004D  }
0x24b: {  	s0 =	stileid.u32;
	[bflag:$0x2] =	sbarrier.arrive $0xFFFF  }
0x24c: {  	p0 =	sne.s32 s0, $0x0;
	s0 =	rddreg [dreg:$0x3]  }
0x24d: {  	s0 =	sadd.s32 @!p0 $0x100000, s0  }
0x24e: {  	[sflag:s0] =	ssyncadd.tile.s32 @!p0 $0x1;
	_ =	shalt  }
.Lfunc_end2:
_tile_overlayer_lowered:
.L_overlay_start_2:
0x24f: {  	(tag) =	ssettag $0x2  }
0x250: {  	s0 =	rddreg [dreg:$0x0];
	s2 =	stileid.u32  }
0x251: {  	s1 =	rddreg [dreg:$0x1];
	p0 =	sne.s32 s2, $0x0  }
0x252: {  	s3 =	rddreg [dreg:$0x2];
	[bflag:$0x3] =	sbarrier.arrive $0xFFFF;
	s2 =	simm.s32 @!p0 $0x1C05  }
0x253: {  	[timem:s3], [sflag:s2] =	dma.local @!p0 [hbm:s0], s1  }
0x254: {  	s0 =	simm.s32 @!p0 $0x5  }
0x255: {  	_ =	swait.ge @!p0 [sflag:s0], s1  }
0x256: {  	s1 =	ssub.s32 @!p0 $0x0, s1;
	[sflag:s0] =	ssyncset.done @!p0 $0x0  }
0x257: {  	[sflag:s0] =	ssyncadd.s32 @!p0 s1  }
0x258: {  	[bflag:$0x3] =	sbarrier.arrive $0xFFFF  }
0x259: {  	_ =	shalt  }

// kernel: kernel.18.cloned.1.call-start
scs
__scs_entry_jumppad:
0x0: {  	(pc) =	sbr.rel $0x88, $3  }
0x1: {  	(tag) =	ssettag $0x0;
	lr =	simm.s32 $0x1  }
0x2: {  	[smem:$0x3F94] =	sst lr;
	_ =	strace $0xD0000000  }
0x3: {  	_ = 	snop  }
0x4: {  	_ = 	snop  }
0x5: {  	_ = 	snop  }
0x6: {  	_ = 	snop  }
0x7: {  	_ = 	snop  }
__scs_overlays_trampoline_lowered:
0x8: {  	[smem:$0x3FA3] =	sst s0  }
0x9: {  	[smem:$0x3FA4] =	sst s1  }
0xa: {  	[smem:$0x3FA5] =	sst s2  }
0xb: {  	[smem:$0x3FA6] =	sst s3  }
0xc: {  	[smem:$0x3FA7] =	sst s4  }
0xd: {  	[smem:$0x3FA8] =	sst s5  }
0xe: {  	[smem:$0x3FA9] =	sst s6  }
0xf: {  	[smem:$0x3FAA] =	sst s7  }
0x10: {  	[smem:$0x3FAB] =	sst s8  }
0x11: {  	[smem:$0x3FAC] =	sst s9;
	s0 =	simm.s32 @!p0 $0x0  }
0x12: {  	s1 =	sld [smem:$0x3F92];
	s0 =	simm.s32 @p0 $0x1  }
0x13: {  	[smem:$0x3FAD] =	sst s0;
	s0 =	simm.s32 @!p1 $0x0  }
0x14: {  	s2 =	sld [smem:$0x3F91];
	s0 =	simm.s32 @p1 $0x1  }
0x15: {  	[smem:$0x3FAE] =	sst s0;
	s0 =	simm.s32 @!p2 $0x0  }
0x16: {  	s3 =	sld [smem:$0x3FDB];
	s0 =	simm.s32 @p2 $0x1  }
0x17: {  	s4 =	simm.s32 $0x1BF5;
	[smem:$0x3FB0] =	sst s0  }
0x18: {  	s0 =	sld [smem:$0x3F93];
	_ =	swait.ge [sflag:s4], $0x0  }
0x19: {  	s7 =	sld [smem:$0x3F94]  }
0x1a: {  	s8 =	sadd.s32 $0xFFFFE003, lr  }
0x1b: {  	s9 =	sadd.s32 $0xFFFFFEF7, lr;
	s5 =	simm.s32 $0xFFFFFFFF;
	p2 =	slt.u32 s8, $0xFFFFF086  }
0x1c: {  	p1 =	slt.u32 s9, $0xF7A;
	s5 =	simm.s32 @!p2 $0x0  }
0x1d: {  	s5 =	simm.s32 @p1 $0x1;
	p0 =	seq.s32 s7, s2  }
0x1e: {  	s7 =	smul.u32 @!p0 $0xF7A, s2;
	p2 =	seq.s32 @!p0 s5, $0x0  }
0x1f: {  	s9 =	smul.u32 $0xF7A, s1;
	s8 =	simm.s32 @!p0 $0x1BF5;
	p2 =	por !p2, p0  }
0x20: {  	[sflag:s8] =	ssyncset.s32 @!p0 $0xFFFFF086;
	s6 =	sadd.s32 @!p0 s3, s7;
	s7 =	simm.s32 @!p0 $0x108  }
0x21: {  	s3 =	sadd.s32 s3, s9;
	s6 =	sadd.s32 @!p0 $0x88, s6;
	s7 =	simm.s32 @p2 $0x1082  }
0x22: {  	[simem:s7], [sflag:s8] =	dma.local @!p0 [hbm:s6], $0xF7A  }
0x23: {  	s9 =	sor.u32 $0xD0000000, s2;
	s6 =	simm.s32 $0x108;
	_ =	swait.ge @!p0 [sflag:s8], $0x0  }
0x24: {  	s3 =	sadd.s32 $0x88, s3;
	s6 =	simm.s32 @!p1 $0x1082;
	[sflag:s4] =	ssyncset.s32 $0xFFFFF086  }
0x25: {  	[simem:s6], [sflag:s4] =	dma.local [hbm:s3], $0xF7A  }
0x26: {  	[smem:$0x3F94] =	sst s1;
	(tag) =	ssettag s2;
	_ =	strace s9  }
0x27: {  	s1 =	sld [smem:$0x3FA4]  }
0x28: {  	s2 =	sld [smem:$0x3FA5]  }
0x29: {  	s4 =	sld [smem:$0x3FA7]  }
0x2a: {  	p0 =	seq.s32 s5, $0x0;
	s5 =	sld [smem:$0x3FA8]  }
0x2b: {  	s6 =	sld [smem:$0x3FA9]  }
0x2c: {  	s7 =	sld [smem:$0x3FAA]  }
0x2d: {  	s3 =	simm.s32 $0x108;
	s8 =	sld [smem:$0x3FAB]  }
0x2e: {  	s3 =	simm.s32 @!p0 $0x1082;
	s9 =	sld [smem:$0x3FAC]  }
0x2f: {  	lr =	sadd.s32 s0, s3;
	s0 =	sld [smem:$0x3FA3]  }
0x30: {  	s3 =	sld [smem:$0x3FA6]  }
0x31: {  	[smem:$0x3FAF] =	sst s10  }
0x32: {  	s10 =	sld [smem:$0x3FAD];
	_ =	sdelay $0x3  }
0x33: {  	p0 =	seq.s32 s10, $0x1;
	s10 =	sld [smem:$0x3FAF];
	_ =	sdelay $0x3  }
0x34: {  	[smem:$0x3FAF] =	sst s10  }
0x35: {  	s10 =	sld [smem:$0x3FAE];
	_ =	sdelay $0x3  }
0x36: {  	p1 =	seq.s32 s10, $0x1;
	s10 =	sld [smem:$0x3FAF];
	_ =	sdelay $0x3  }
0x37: {  	[smem:$0x3FAF] =	sst s10  }
0x38: {  	s10 =	sld [smem:$0x3FB0]  }
0x39: {  	_ = 	snop;
	(pc) =	sbr.ind lr, $3  }
0x3a: {  	_ = 	snop  }
0x3b: {  	_ = 	snop  }
0x3c: {  	p2 =	seq.s32 s10, $0x1;
	s10 =	sld [smem:$0x3FAF]  }
0x3d: {  	_ =	shalt  }
0x3e: {  	_ =	shalt  }
0x3f: {  	_ =	shalt  }
0x40: {  	_ =	shalt  }
0x41: {  	_ =	shalt  }
0x42: {  	_ =	shalt  }
0x43: {  	_ =	shalt  }
0x44: {  	_ =	shalt  }
0x45: {  	_ =	shalt  }
0x46: {  	_ =	shalt  }
0x47: {  	_ =	shalt  }
0x48: {  	_ =	shalt  }
0x49: {  	_ =	shalt  }
0x4a: {  	_ =	shalt  }
0x4b: {  	_ =	shalt  }
0x4c: {  	_ =	shalt  }
0x4d: {  	_ =	shalt  }
0x4e: {  	_ =	shalt  }
0x4f: {  	_ =	shalt  }
0x50: {  	_ =	shalt  }
0x51: {  	_ =	shalt  }
0x52: {  	_ =	shalt  }
0x53: {  	_ =	shalt  }
0x54: {  	_ =	shalt  }
0x55: {  	_ =	shalt  }
0x56: {  	_ =	shalt  }
0x57: {  	_ =	shalt  }
0x58: {  	_ =	shalt  }
0x59: {  	_ =	shalt  }
0x5a: {  	_ =	shalt  }
0x5b: {  	_ =	shalt  }
0x5c: {  	_ =	shalt  }
0x5d: {  	_ =	shalt  }
0x5e: {  	_ =	shalt  }
0x5f: {  	_ =	shalt  }
0x60: {  	_ =	shalt  }
0x61: {  	_ =	shalt  }
0x62: {  	_ =	shalt  }
0x63: {  	_ =	shalt  }
0x64: {  	_ =	shalt  }
0x65: {  	_ =	shalt  }
0x66: {  	_ =	shalt  }
0x67: {  	_ =	shalt  }
0x68: {  	_ =	shalt  }
0x69: {  	_ =	shalt  }
0x6a: {  	_ =	shalt  }
0x6b: {  	_ =	shalt  }
0x6c: {  	_ =	shalt  }
0x6d: {  	_ =	shalt  }
0x6e: {  	_ =	shalt  }
0x6f: {  	_ =	shalt  }
0x70: {  	_ =	shalt  }
0x71: {  	_ =	shalt  }
0x72: {  	_ =	shalt  }
0x73: {  	_ =	shalt  }
0x74: {  	_ =	shalt  }
0x75: {  	_ =	shalt  }
0x76: {  	_ =	shalt  }
0x77: {  	_ =	shalt  }
0x78: {  	_ =	shalt  }
0x79: {  	_ =	shalt  }
0x7a: {  	_ =	shalt  }
0x7b: {  	_ =	shalt  }
0x7c: {  	_ =	shalt  }
0x7d: {  	_ =	shalt  }
0x7e: {  	_ =	shalt  }
0x7f: {  	_ =	shalt  }
0x80: {  	_ =	shalt  }
0x81: {  	_ =	shalt  }
0x82: {  	_ =	shalt  }
0x83: {  	_ =	shalt  }
0x84: {  	_ =	shalt  }
0x85: {  	_ =	shalt  }
0x86: {  	_ =	shalt  }
0x87: {  	_ =	shalt  }
.Lfunc_end0:
.L_simem_size_0:
called_computation.3_lowered:
.L_overlay_start_0:
0x88: {  	s2 =	sld [smem:$0x3FD9]  }
0x89: {  	s3 =	sld [smem:$0x3FFE];
	_ =	sdelay $0x1  }
0x8a: {  	s1 =	srdreg.scid  }
0x8b: {  	s0 =	sand.u32 $0x1, s1  }
0x8c: {  	s17 =	sshll.u32 s0, $0xA;
	s2 =	sadd.s32 s3, s2  }
0x8d: {  	s2 =	sadd.s32 s2, s17  }
0x8e: {  	[smem:$0x3FBB] =	sst s2  }
0x8f: {  	_ = 	snop  }
0x90: {  	s2 =	sld [smem:$0x3FD0];
	(tm) =	ssettm $0x1  }
0x91: {  	s18 =	sld [smem:$0x3FFB];
	_ =	sdelay $0x3  }
0x92: {  	_ =	strace s18  }
0x93: {  	s3 =	sld [smem:$0x3FFC];
	_ =	sdelay $0x3  }
0x94: {  	_ =	strace s3  }
0x95: {  	s3 =	sld [smem:$0x3FFD];
	_ =	sdelay $0x3  }
0x96: {  	_ =	strace s3  }
0x97: {  	_ =	strace $0x8FFFFFFF  }
0x98: {  	s19 =	sld [smem:$0x3FDB];
	_ =	sdelay $0x1  }
0x99: {  	s4 =	simm.s32 $_scs_section_size  }
0x9a: {  	s5 =	simm.s32 $_size__tile_overlayer_lowered;
	s6 =	simm.s32 $_tile_overlayer_lowered  }
0x9b: {  	s22 =	simm.s32 $0x1BFF;
	s21 =	sshll.u32 s6, $0x1;
	s3 =	sadd.s32 s4, s19  }
0x9c: {  	s7 =	simm.s32 $0x0;
	s20 =	sshll.u32 s5, $0x1;
	s5 =	sadd.s32 s21, s3  }
0x9d: {  	[timem:s7], [sflag:s22] =	dma.local [hbm:s5], s20  }
0x9e: {  	_ =	swait.ge [sflag:s22], s20  }
0x9f: {  	s4 =	ssub.s32 $0x0, s20;
	[sflag:s22] =	ssyncset.done $0x0  }
0xa0: {  	[sflag:s22] =	ssyncadd.s32 s4;
	_ =	sdelay $0x1  }
0xa1: {  	s23 =	simm.s32 $0x1B8B  }
0xa2: {  	_ =	swait.ge [sflag:s23], $0x1  }
0xa3: {  	[sflag:s23] =	ssyncset.done $0x0  }
0xa4: {  	s25 =	simm.s32 $0x1B8E;
	s24 =	sld [smem:$0x3FFE];
	[sflag:s23] =	ssyncadd.s32 $0xFFFFFFFF  }
0xa5: {  	s26 =	simm.s32 $execute0_lowered;
	[smem:$0x3FD2] =	sst s25  }
0xa6: {  	s5 =	sshll.u32 s26, $0x1;
	_ =	strace $0x8000004F;
	[dreg:$0x1] =	wrdreg $0xFFFFFFFF  }
0xa7: {  	s28 =	simm.s32 $_size_execute0_lowered;
	s3 =	sadd.s32 s3, s5;
	[dreg:$0x0] =	wrdreg $0x0  }
0xa8: {  	s5 =	sshll.u32 s28, $0x1;
	[dreg:$0x2] =	wrdreg s3  }
0xa9: {  	[dreg:$0x3] =	wrdreg s5  }
0xaa: {  	[dreg:$0x4] =	wrdreg $0xC0  }
0xab: {  	_ =	task [dreg:s7], $0x5FFFF  }
0xac: {  	[dreg:$0x1] =	wrdreg $0xFFFFFFFF  }
0xad: {  	[dreg:$0x0] =	wrdreg $0x60  }
0xae: {  	[dreg:$0x2] =	wrdreg s24  }
0xaf: {  	[dreg:$0x3] =	wrdreg s2  }
0xb0: {  	[dreg:$0x4] =	wrdreg $0xA5000  }
0xb1: {  	[dreg:$0x5] =	wrdreg $0x9  }
0xb2: {  	_ =	task.clear_ibuf [dreg:s7], $0x6FFFF;
	_ =	strace $0x9000004F  }
0xb3: {  	s29 =	simm.s32 $0x9;
	_ =	strace $0x80000051  }
0xb4: {  	_ =	swait.ge [sflag:s29], $0x1  }
0xb5: {  	[sflag:s29] =	ssyncadd.s32 $0xFFFFFFFF  }
0xb6: {  	_ =	strace $0x90000051  }
0xb7: {  	_ =	sfence  }
0xb8: {  	s30 =	sld [smem:$0x0];
	_ =	sdelay $0x2  }
0xb9: {  	s31 =	sshll.u32 s1, $0xD;
	s1 =	sshrl.u32 s1, $0x2  }
0xba: {  	s3 =	sand.u32 $0x4000, s31;
	s1 =	sadd.s32 s1, s30  }
0xbb: {  	s0 =	sor.u32 s3, s0;
	s1 =	sshll.u32 s1, $0x11  }
0xbc: {  	s0 =	sor.u32 s1, s0  }
0xbd: {  	s0 =	sadd.s32 $0x8F2B, s0  }
0xbe: {  	[sflag:s0] =	ssyncadd.remote.s32 $0x1  }
0xbf: {  	_ =	sfence.sel $0xFFFF  }
0xc0: {  	[dreg:$0x0] =	wrdreg $0xFFFFFFFF;
	(pc) =	sbr.abs _section_cstart, $3  }
0xc1: {  	[dreg:$0x1] =	wrdreg $0xFFFFFFFF  }
0xc2: {  	_ =	task.clear_ibuf [dreg:s7], $0x2FFFF;
	_ =	strace $0x9FFFFFFF  }
0xc3: {  	(tm) =	ssettm $0x7FFFFFFF  }
tec
execute0_lowered:
.L_overlay_start_1:
0x0: {  	(tag) =	ssettag $0x1  }
0x1: {  	s0 =	rddreg [dreg:$0x0]  }
0x2: {  	s1 =	srdreg.scid;
	s3 =	rddreg [dreg:$0x1]  }
0x3: {  	s2 =	rddreg [dreg:$0x2];
	s8 =	stileid.u32  }
0x4: {  	s5 =	simm.s32 $0x0;
	s16 =	simm.s32 $0x6680;
	s17 =	simm.s32 $0x5  }
0x5: {  	s18 =	simm.s32 $0x3;
	s19 =	simm.s32 $0x4;
	s20 =	simm.s32 $0x7D  }
0x6: {  	s21 =	simm.s32 $0x2800;
	s22 =	simm.s32 $0x1;
	s24 =	simm.s32 $0x2  }
0x7: {  	s1 =	sand.u32 $0x1, s1;
	[smem:$0x7FF] =	sst s5;
	s7 =	smul.u32 $0x13880, s8  }
0x8: {  	s4 =	sshll.u32 s1, $0x4;
	s6 =	smul.u32 $0x27100, s1;
	s1 =	ssub.s32 $0x2, s1  }
0x9: {  	_ =	strace $0x80000050;
	s4 =	sor.u32 s8, s4;
	s28 =	sshrl.u32 s1, $0x1  }
0xa: {  	s8 =	smul.u32 $0x4E200, s8;
	s30 =	sshrl.u32 s7, $0x3;
	s15 =	sadd.s32 s7, s2  }
0xb: {  	s26 =	smul.u32 $0x500, s4;
	s4 =	sadd.s32 $0xDC00, s0;
	s1 =	ssub.s32 s1, s28  }
0xc: {  	s25 =	sshrl.u32 s15, $0x3;
	s31 =	sshrl.u32 s8, $0x2;
	s7 =	smax.u32 s1, $0x1  }
0xd: {  	s14 =	sadd.s32 s26, s0;
	s0 =	sadd.s32 s6, s0;
	s5 =	sadd.s32 s3, s26  }
0xe: {  	s8 =	sadd.s32 s31, s2;
	s26 =	simm.s32 $0x0;
	s29 =	sadd.s32 $0x3C00, s14  }
0xf: {  	s0 =	sadd.s32 $0x34E00, s0;
	s9 =	sadd.s32 $0x3E80, s8;
	s10 =	sadd.s32 $0x7D00, s8  }
0x10: {  	s11 =	sadd.s32 $0xBB80, s8;
	s12 =	sadd.s32 $0xFA00, s8;
	s13 =	sadd.s32 $0x140, s5  }
0x11: {  	v0 =	vimm.f32 $0.0e+00;
	s14 =	sadd.s32 $0x3D40, s14;
	[dreg:$0x4] =	wrdreg s29;
	s23 =	sadd.s32 s30, s0  }
.LBB2_1:
0x12: {  	s0 =	simm.s32 $0x0  }
0x13: {  	[tilespmem:s0], [sflag:$0x3] =	stream.linear.gather [hbm4b:s5+s0], $0xA00, $0x38;
	[tilespmem:$0x1DD80] =	vst v63  }
0x14: {  	s1 =	rddreg [dreg:$0x4];
	s3 =	simm.s32 $0x1400  }
0x15: {  	[tilespmem:s3], [sflag:$0x4] =	stream.linear.gather [hbm4b:s1+s0], $0xA00, $0x38;
	[tilespmem:$0x1DD80] =	vst v63  }
0x16: {  	s0 =	simm.s32 $0x0;
	s1 =	simm.s32 $0x200  }
.LBB2_2:
0x17: {  	p0 =	sne.s32 s1, $0xF800;
	[tilespmem:s0+$0x66F0] =	vst v0  }
0x18: {  	[tilespmem:s0+$0x6680] =	vst v0  }
0x19: {  	[tilespmem:s0+$0x6690] =	vst v0  }
.Ltmp0:
0x1a: {  	[tilespmem:s0+$0x66A0] =	vst v0;
	(pc) =	sbr.rel @p0 .LBB2_2-.Ltmp0, $4  }
0x1b: {  	[tilespmem:s0+$0x66B0] =	vst v0  }
0x1c: {  	[tilespmem:s0+$0x66C0] =	vst v0  }
0x1d: {  	[tilespmem:s0+$0x66D0] =	vst v0  }
0x1e: {  	[tilespmem:s0+$0x66E0] =	vst v0;
	s0 =	sshra.s32 s1, $0x2;
	s1 =	sadd.s32 $0x200, s1  }
0x1f: {  	[tilespmem:s0+$0x66F0] =	vst v0  }
0x20: {  	[tilespmem:s0+$0x6680] =	vst v0  }
0x21: {  	[tilespmem:s0+$0x6690] =	vst v0  }
0x22: {  	[tilespmem:s0+$0x66A0] =	vst v0  }
0x23: {  	[tilespmem:s0+$0x66B0] =	vst v0  }
0x24: {  	[tilespmem:s0+$0x66C0] =	vst v0  }
0x25: {  	[tilespmem:s0+$0x66D0] =	vst v0  }
0x26: {  	[tilespmem:s0+$0x66E0] =	vst v0  }
0x27: {  	[spmem:s8] =	stream.linear.scatter [tilespmem:s16], [sflag:$0x5], $0x3E80, $0x38;
	[tilespmem:$0x1DD80] =	vst v63  }
0x28: {  	_ =	swait.ge [sflag:s17], $0x3E80  }
0x29: {  	[sflag:s17] =	ssyncset.done $0x0  }
0x2a: {  	[sflag:s17] =	ssyncadd.s32 $0xFFFFC180  }
0x2b: {  	[spmem:s9] =	stream.linear.scatter [tilespmem:s16], [sflag:$0x5], $0x3E80, $0x38;
	[tilespmem:$0x1DD80] =	vst v63  }
0x2c: {  	_ =	swait.ge [sflag:s17], $0x3E80  }
0x2d: {  	[sflag:s17] =	ssyncset.done $0x0  }
0x2e: {  	[sflag:s17] =	ssyncadd.s32 $0xFFFFC180  }
0x2f: {  	[spmem:s10] =	stream.linear.scatter [tilespmem:s16], [sflag:$0x5], $0x3E80, $0x38;
	[tilespmem:$0x1DD80] =	vst v63  }
0x30: {  	_ =	swait.ge [sflag:s17], $0x3E80  }
0x31: {  	[sflag:s17] =	ssyncset.done $0x0  }
0x32: {  	[sflag:s17] =	ssyncadd.s32 $0xFFFFC180  }
0x33: {  	[spmem:s11] =	stream.linear.scatter [tilespmem:s16], [sflag:$0x5], $0x3E80, $0x38;
	[tilespmem:$0x1DD80] =	vst v63  }
0x34: {  	_ =	swait.ge [sflag:s17], $0x3E80  }
0x35: {  	[sflag:s17] =	ssyncset.done $0x0  }
0x36: {  	[sflag:s17] =	ssyncadd.s32 $0xFFFFC180  }
0x37: {  	[spmem:s12] =	stream.linear.scatter [tilespmem:s16], [sflag:$0x5], $0x3E80, $0x38;
	[tilespmem:$0x1DD80] =	vst v63  }
0x38: {  	_ =	swait.ge [sflag:s17], $0x3E80  }
0x39: {  	[sflag:s17] =	ssyncset.done $0x0  }
0x3a: {  	[sflag:s17] =	ssyncadd.s32 $0xFFFFC180  }
0x3b: {  	_ =	swait.ge [sflag:s18], $0xA00  }
0x3c: {  	[sflag:s18] =	ssyncset.done $0x0  }
0x3d: {  	[sflag:s18] =	ssyncadd.s32 $0xFFFFF600  }
0x3e: {  	s1 =	simm.s32 $0x0;
	_ =	swait.ge [sflag:s19], $0xA00  }
0x3f: {  	s0 =	sand.u32 $0x1, s1;
	[sflag:s19] =	ssyncset.done $0x0  }
0x40: {  	p0 =	por $0x0, $0x0;
	s15 =	sxor.u32 $0x1, s0;
	[sflag:s19] =	ssyncadd.s32 $0xFFFFF600  }
0x41: {  	[tilespmem:s21], [sflag:$0x1] =	stream.indirect.gather [hbm4b:s4+s20], $0x80, s1, s20, $0xb8;
	[tilespmem:$0x1DD80] =	vst v63  }
0x42: {  	s1 =	smul.u32 @!p0 $0xA00, s15  }
0x43: {  	s3 =	simm.s32 @!p0 $0x0;
	[bflag:$0x0] =	sbarrier.arrive $0xFFFF  }
0x44: {  	[tilespmem:s1], [sflag:$0x3] =	stream.linear.gather @!p0 [hbm4b:s13+s3], $0xA00, $0x38;
	[tilespmem:$0x1DD80] =	vst v63  }
0x45: {  	s0 =	smul.u32 $0xA00, s0;
	s1 =	sadd.s32 @!p0 $0x1400, s1  }
0x46: {  	[tilespmem:s1], [sflag:$0x4] =	stream.linear.gather @!p0 [hbm4b:s14+s3], $0xA00, $0x38;
	[tilespmem:$0x1DD80] =	vst v63  }
0x47: {  	s3 =	sor.u32 $0x80, s0  }
0x48: {  	[tilespmem:s16], [sflag:$0x2] =	stream.indirect.gather [hbm4b:s4+s20], $0x80, s3, s20, $0xb8;
	[tilespmem:$0x1DD80] =	vst v63  }
0x49: {  	_ =	swait.ge [sflag:s22], $0x3E80  }
0x4a: {  	[sflag:s22] =	ssyncset.done $0x0  }
0x4b: {  	s6 =	sadd.s32 $0x1400, s0;
	[sflag:s22] =	ssyncadd.s32 $0xFFFFC180  }
0x4c: {  	[spmem:s2] =	stream.indirect.scatter.add.f32 [tilespmem:s21], [sflag:$0x5], $0x80, s6, s20, $0xb8;
	[tilespmem:$0x1DD80] =	vst v63  }
0x4d: {  	_ =	swait.ge [sflag:s17], $0x3E80  }
0x4e: {  	[sflag:s17] =	ssyncset.done $0x0  }
0x4f: {  	s31 =	sor.u32 $0x100, s0;
	[sflag:s17] =	ssyncadd.s32 $0xFFFFC180  }
0x50: {  	[tilespmem:s21], [sflag:$0x1] =	stream.indirect.gather [hbm4b:s4+s20], $0x80, s31, s20, $0xb8;
	[tilespmem:$0x1DD80] =	vst v63  }
0x51: {  	_ =	swait.ge [sflag:s24], $0x3E80  }
0x52: {  	[sflag:s24] =	ssyncset.done $0x0  }
0x53: {  	s3 =	sadd.s32 $0x1480, s0;
	[sflag:s24] =	ssyncadd.s32 $0xFFFFC180  }
0x54: {  	[spmem:s2] =	stream.indirect.scatter.add.f32 [tilespmem:s16], [sflag:$0x5], $0x80, s3, s20, $0xb8;
	[tilespmem:$0x1DD80] =	vst v63  }
0x55: {  	_ =	swait.ge [sflag:s17], $0x3E80  }
0x56: {  	[sflag:s17] =	ssyncset.done $0x0  }
0x57: {  	s6 =	sor.u32 $0x180, s0;
	[sflag:s17] =	ssyncadd.s32 $0xFFFFC180  }
0x58: {  	[tilespmem:s16], [sflag:$0x2] =	stream.indirect.gather [hbm4b:s4+s20], $0x80, s6, s20, $0xb8;
	[tilespmem:$0x1DD80] =	vst v63  }
0x59: {  	_ =	swait.ge [sflag:s22], $0x3E80  }
0x5a: {  	[sflag:s22] =	ssyncset.done $0x0  }
0x5b: {  	s31 =	sadd.s32 $0x1500, s0;
	[sflag:s22] =	ssyncadd.s32 $0xFFFFC180  }
0x5c: {  	[spmem:s2] =	stream.indirect.scatter.add.f32 [tilespmem:s21], [sflag:$0x5], $0x80, s31, s20, $0xb8;
	[tilespmem:$0x1DD80] =	vst v63  }
0x5d: {  	_ =	swait.ge [sflag:s17], $0x3E80  }
0x5e: {  	[sflag:s17] =	ssyncset.done $0x0  }
0x5f: {  	s3 =	sadd.s32 $0x200, s0;
	[sflag:s17] =	ssyncadd.s32 $0xFFFFC180  }
0x60: {  	[tilespmem:s21], [sflag:$0x1] =	stream.indirect.gather [hbm4b:s4+s20], $0x80, s3, s20, $0xb8;
	[tilespmem:$0x1DD80] =	vst v63  }
0x61: {  	_ =	swait.ge [sflag:s24], $0x3E80  }
0x62: {  	[sflag:s24] =	ssyncset.done $0x0  }
0x63: {  	s6 =	sadd.s32 $0x1580, s0;
	[sflag:s24] =	ssyncadd.s32 $0xFFFFC180  }
0x64: {  	[spmem:s2] =	stream.indirect.scatter.add.f32 [tilespmem:s16], [sflag:$0x5], $0x80, s6, s20, $0xb8;
	[tilespmem:$0x1DD80] =	vst v63  }
0x65: {  	_ =	swait.ge [sflag:s17], $0x3E80  }
0x66: {  	[sflag:s17] =	ssyncset.done $0x0  }
0x67: {  	s31 =	sadd.s32 $0x280, s0;
	[sflag:s17] =	ssyncadd.s32 $0xFFFFC180  }
0x68: {  	[tilespmem:s16], [sflag:$0x2] =	stream.indirect.gather [hbm4b:s4+s20], $0x80, s31, s20, $0xb8;
	[tilespmem:$0x1DD80] =	vst v63  }
0x69: {  	_ =	swait.ge [sflag:s22], $0x3E80  }
0x6a: {  	[sflag:s22] =	ssyncset.done $0x0  }
0x6b: {  	s3 =	sadd.s32 $0x1600, s0;
	[sflag:s22] =	ssyncadd.s32 $0xFFFFC180  }
0x6c: {  	[spmem:s2] =	stream.indirect.scatter.add.f32 [tilespmem:s21], [sflag:$0x5], $0x80, s3, s20, $0xb8;
	[tilespmem:$0x1DD80] =	vst v63  }
0x6d: {  	_ =	swait.ge [sflag:s17], $0x3E80  }
0x6e: {  	[sflag:s17] =	ssyncset.done $0x0  }
0x6f: {  	s6 =	sadd.s32 $0x300, s0;
	[sflag:s17] =	ssyncadd.s32 $0xFFFFC180  }
0x70: {  	[tilespmem:s21], [sflag:$0x1] =	stream.indirect.gather [hbm4b:s4+s20], $0x80, s6, s20, $0xb8;
	[tilespmem:$0x1DD80] =	vst v63  }
0x71: {  	_ =	swait.ge [sflag:s24], $0x3E80  }
0x72: {  	[sflag:s24] =	ssyncset.done $0x0  }
0x73: {  	s31 =	sadd.s32 $0x1680, s0;
	[sflag:s24] =	ssyncadd.s32 $0xFFFFC180  }
0x74: {  	[spmem:s2] =	stream.indirect.scatter.add.f32 [tilespmem:s16], [sflag:$0x5], $0x80, s31, s20, $0xb8;
	[tilespmem:$0x1DD80] =	vst v63  }
0x75: {  	_ =	swait.ge [sflag:s17], $0x3E80  }
0x76: {  	[sflag:s17] =	ssyncset.done $0x0  }
0x77: {  	s3 =	sadd.s32 $0x380, s0;
	[sflag:s17] =	ssyncadd.s32 $0xFFFFC180  }
0x78: {  	[tilespmem:s16], [sflag:$0x2] =	stream.indirect.gather [hbm4b:s4+s20], $0x80, s3, s20, $0xb8;
	[tilespmem:$0x1DD80] =	vst v63  }
0x79: {  	_ =	swait.ge [sflag:s22], $0x3E80  }
0x7a: {  	[sflag:s22] =	ssyncset.done $0x0  }
0x7b: {  	s6 =	sadd.s32 $0x1700, s0;
	[sflag:s22] =	ssyncadd.s32 $0xFFFFC180  }
0x7c: {  	[spmem:s2] =	stream.indirect.scatter.add.f32 [tilespmem:s21], [sflag:$0x5], $0x80, s6, s20, $0xb8;
	[tilespmem:$0x1DD80] =	vst v63  }
0x7d: {  	_ =	swait.ge [sflag:s17], $0x3E80  }
0x7e: {  	[sflag:s17] =	ssyncset.done $0x0  }
0x7f: {  	s31 =	sadd.s32 $0x400, s0;
	[sflag:s17] =	ssyncadd.s32 $0xFFFFC180  }
0x80: {  	[tilespmem:s21], [sflag:$0x1] =	stream.indirect.gather [hbm4b:s4+s20], $0x80, s31, s20, $0xb8;
	[tilespmem:$0x1DD80] =	vst v63  }
0x81: {  	_ =	swait.ge [sflag:s24], $0x3E80  }
0x82: {  	[sflag:s24] =	ssyncset.done $0x0  }
0x83: {  	s3 =	sadd.s32 $0x1780, s0;
	[sflag:s24] =	ssyncadd.s32 $0xFFFFC180  }
0x84: {  	[spmem:s2] =	stream.indirect.scatter.add.f32 [tilespmem:s16], [sflag:$0x5], $0x80, s3, s20, $0xb8;
	[tilespmem:$0x1DD80] =	vst v63  }
0x85: {  	_ =	swait.ge [sflag:s17], $0x3E80  }
0x86: {  	[sflag:s17] =	ssyncset.done $0x0  }
0x87: {  	s6 =	sadd.s32 $0x480, s0;
	[sflag:s17] =	ssyncadd.s32 $0xFFFFC180  }
0x88: {  	[tilespmem:s16], [sflag:$0x2] =	stream.indirect.gather [hbm4b:s4+s20], $0x80, s6, s20, $0xb8;
	[tilespmem:$0x1DD80] =	vst v63  }
0x89: {  	_ =	swait.ge [sflag:s22], $0x3E80  }
0x8a: {  	[sflag:s22] =	ssyncset.done $0x0  }
0x8b: {  	s31 =	sadd.s32 $0x1800, s0;
	[sflag:s22] =	ssyncadd.s32 $0xFFFFC180  }
0x8c: {  	[spmem:s2] =	stream.indirect.scatter.add.f32 [tilespmem:s21], [sflag:$0x5], $0x80, s31, s20, $0xb8;
	[tilespmem:$0x1DD80] =	vst v63  }
0x8d: {  	_ =	swait.ge [sflag:s17], $0x3E80  }
0x8e: {  	[sflag:s17] =	ssyncset.done $0x0  }
0x8f: {  	s3 =	sadd.s32 $0x500, s0;
	[sflag:s17] =	ssyncadd.s32 $0xFFFFC180  }
0x90: {  	[tilespmem:s21], [sflag:$0x1] =	stream.indirect.gather [hbm4b:s4+s20], $0x80, s3, s20, $0xb8;
	[tilespmem:$0x1DD80] =	vst v63  }
0x91: {  	_ =	swait.ge [sflag:s24], $0x3E80  }
0x92: {  	[sflag:s24] =	ssyncset.done $0x0  }
0x93: {  	s6 =	sadd.s32 $0x1880, s0;
	[sflag:s24] =	ssyncadd.s32 $0xFFFFC180  }
0x94: {  	[spmem:s2] =	stream.indirect.scatter.add.f32 [tilespmem:s16], [sflag:$0x5], $0x80, s6, s20, $0xb8;
	[tilespmem:$0x1DD80] =	vst v63  }
0x95: {  	_ =	swait.ge [sflag:s17], $0x3E80  }
0x96: {  	[sflag:s17] =	ssyncset.done $0x0  }
0x97: {  	s31 =	sadd.s32 $0x580, s0;
	[sflag:s17] =	ssyncadd.s32 $0xFFFFC180  }
0x98: {  	[tilespmem:s16], [sflag:$0x2] =	stream.indirect.gather [hbm4b:s4+s20], $0x80, s31, s20, $0xb8;
	[tilespmem:$0x1DD80] =	vst v63  }
0x99: {  	_ =	swait.ge [sflag:s22], $0x3E80  }
0x9a: {  	[sflag:s22] =	ssyncset.done $0x0  }
0x9b: {  	s3 =	sadd.s32 $0x1900, s0;
	[sflag:s22] =	ssyncadd.s32 $0xFFFFC180  }
0x9c: {  	[spmem:s2] =	stream.indirect.scatter.add.f32 [tilespmem:s21], [sflag:$0x5], $0x80, s3, s20, $0xb8;
	[tilespmem:$0x1DD80] =	vst v63  }
0x9d: {  	_ =	swait.ge [sflag:s17], $0x3E80  }
0x9e: {  	[sflag:s17] =	ssyncset.done $0x0  }
0x9f: {  	s6 =	sadd.s32 $0x600, s0;
	[sflag:s17] =	ssyncadd.s32 $0xFFFFC180  }
0xa0: {  	[tilespmem:s21], [sflag:$0x1] =	stream.indirect.gather [hbm4b:s4+s20], $0x80, s6, s20, $0xb8;
	[tilespmem:$0x1DD80] =	vst v63  }
0xa1: {  	_ =	swait.ge [sflag:s24], $0x3E80  }
0xa2: {  	[sflag:s24] =	ssyncset.done $0x0  }
0xa3: {  	s31 =	sadd.s32 $0x1980, s0;
	[sflag:s24] =	ssyncadd.s32 $0xFFFFC180  }
0xa4: {  	[spmem:s2] =	stream.indirect.scatter.add.f32 [tilespmem:s16], [sflag:$0x5], $0x80, s31, s20, $0xb8;
	[tilespmem:$0x1DD80] =	vst v63  }
0xa5: {  	_ =	swait.ge [sflag:s17], $0x3E80  }
0xa6: {  	[sflag:s17] =	ssyncset.done $0x0  }
0xa7: {  	s3 =	sadd.s32 $0x680, s0;
	[sflag:s17] =	ssyncadd.s32 $0xFFFFC180  }
0xa8: {  	[tilespmem:s16], [sflag:$0x2] =	stream.indirect.gather [hbm4b:s4+s20], $0x80, s3, s20, $0xb8;
	[tilespmem:$0x1DD80] =	vst v63  }
0xa9: {  	_ =	swait.ge [sflag:s22], $0x3E80  }
0xaa: {  	[sflag:s22] =	ssyncset.done $0x0  }
0xab: {  	s6 =	sadd.s32 $0x1A00, s0;
	[sflag:s22] =	ssyncadd.s32 $0xFFFFC180  }
0xac: {  	[spmem:s2] =	stream.indirect.scatter.add.f32 [tilespmem:s21], [sflag:$0x5], $0x80, s6, s20, $0xb8;
	[tilespmem:$0x1DD80] =	vst v63  }
0xad: {  	_ =	swait.ge [sflag:s17], $0x3E80  }
0xae: {  	[sflag:s17] =	ssyncset.done $0x0  }
0xaf: {  	s31 =	sadd.s32 $0x700, s0;
	[sflag:s17] =	ssyncadd.s32 $0xFFFFC180  }
0xb0: {  	[tilespmem:s21], [sflag:$0x1] =	stream.indirect.gather [hbm4b:s4+s20], $0x80, s31, s20, $0xb8;
	[tilespmem:$0x1DD80] =	vst v63  }
0xb1: {  	_ =	swait.ge [sflag:s24], $0x3E80  }
0xb2: {  	[sflag:s24] =	ssyncset.done $0x0  }
0xb3: {  	s3 =	sadd.s32 $0x1A80, s0;
	[sflag:s24] =	ssyncadd.s32 $0xFFFFC180  }
0xb4: {  	[spmem:s2] =	stream.indirect.scatter.add.f32 [tilespmem:s16], [sflag:$0x5], $0x80, s3, s20, $0xb8;
	[tilespmem:$0x1DD80] =	vst v63  }
0xb5: {  	_ =	swait.ge [sflag:s17], $0x3E80  }
0xb6: {  	[sflag:s17] =	ssyncset.done $0x0  }
0xb7: {  	s6 =	sadd.s32 $0x780, s0;
	[sflag:s17] =	ssyncadd.s32 $0xFFFFC180  }
0xb8: {  	[tilespmem:s16], [sflag:$0x2] =	stream.indirect.gather [hbm4b:s4+s20], $0x80, s6, s20, $0xb8;
	[tilespmem:$0x1DD80] =	vst v63  }
0xb9: {  	_ =	swait.ge [sflag:s22], $0x3E80  }
0xba: {  	[sflag:s22] =	ssyncset.done $0x0  }
0xbb: {  	s31 =	sadd.s32 $0x1B00, s0;
	[sflag:s22] =	ssyncadd.s32 $0xFFFFC180  }
0xbc: {  	[spmem:s2] =	stream.indirect.scatter.add.f32 [tilespmem:s21], [sflag:$0x5], $0x80, s31, s20, $0xb8;
	[tilespmem:$0x1DD80] =	vst v63  }
0xbd: {  	_ =	swait.ge [sflag:s17], $0x3E80  }
0xbe: {  	[sflag:s17] =	ssyncset.done $0x0  }
0xbf: {  	s3 =	sadd.s32 $0x800, s0;
	[sflag:s17] =	ssyncadd.s32 $0xFFFFC180  }
0xc0: {  	[tilespmem:s21], [sflag:$0x1] =	stream.indirect.gather [hbm4b:s4+s20], $0x80, s3, s20, $0xb8;
	[tilespmem:$0x1DD80] =	vst v63  }
0xc1: {  	_ =	swait.ge [sflag:s24], $0x3E80  }
0xc2: {  	[sflag:s24] =	ssyncset.done $0x0  }
0xc3: {  	s6 =	sadd.s32 $0x1B80, s0;
	[sflag:s24] =	ssyncadd.s32 $0xFFFFC180  }
0xc4: {  	[spmem:s2] =	stream.indirect.scatter.add.f32 [tilespmem:s16], [sflag:$0x5], $0x80, s6, s20, $0xb8;
	[tilespmem:$0x1DD80] =	vst v63  }
0xc5: {  	_ =	swait.ge [sflag:s17], $0x3E80  }
0xc6: {  	[sflag:s17] =	ssyncset.done $0x0  }
0xc7: {  	s31 =	sadd.s32 $0x880, s0;
	[sflag:s17] =	ssyncadd.s32 $0xFFFFC180  }
0xc8: {  	[tilespmem:s16], [sflag:$0x2] =	stream.indirect.gather [hbm4b:s4+s20], $0x80, s31, s20, $0xb8;
	[tilespmem:$0x1DD80] =	vst v63  }
0xc9: {  	_ =	swait.ge [sflag:s22], $0x3E80  }
0xca: {  	[sflag:s22] =	ssyncset.done $0x0  }
0xcb: {  	s3 =	sadd.s32 $0x1C00, s0;
	[sflag:s22] =	ssyncadd.s32 $0xFFFFC180  }
0xcc: {  	[spmem:s2] =	stream.indirect.scatter.add.f32 [tilespmem:s21], [sflag:$0x5], $0x80, s3, s20, $0xb8;
	[tilespmem:$0x1DD80] =	vst v63  }
0xcd: {  	_ =	swait.ge [sflag:s17], $0x3E80  }
0xce: {  	[sflag:s17] =	ssyncset.done $0x0  }
0xcf: {  	s6 =	sadd.s32 $0x900, s0;
	[sflag:s17] =	ssyncadd.s32 $0xFFFFC180  }
0xd0: {  	[tilespmem:s21], [sflag:$0x1] =	stream.indirect.gather [hbm4b:s4+s20], $0x80, s6, s20, $0xb8;
	[tilespmem:$0x1DD80] =	vst v63  }
0xd1: {  	_ =	swait.ge [sflag:s24], $0x3E80  }
0xd2: {  	[sflag:s24] =	ssyncset.done $0x0  }
0xd3: {  	s31 =	sadd.s32 $0x1C80, s0;
	[sflag:s24] =	ssyncadd.s32 $0xFFFFC180  }
0xd4: {  	[spmem:s2] =	stream.indirect.scatter.add.f32 [tilespmem:s16], [sflag:$0x5], $0x80, s31, s20, $0xb8;
	[tilespmem:$0x1DD80] =	vst v63  }
0xd5: {  	_ =	swait.ge [sflag:s17], $0x3E80  }
0xd6: {  	[sflag:s17] =	ssyncset.done $0x0  }
0xd7: {  	s3 =	sadd.s32 $0x980, s0;
	[sflag:s17] =	ssyncadd.s32 $0xFFFFC180  }
0xd8: {  	[tilespmem:s16], [sflag:$0x2] =	stream.indirect.gather [hbm4b:s4+s20], $0x80, s3, s20, $0xb8;
	[tilespmem:$0x1DD80] =	vst v63  }
0xd9: {  	_ =	swait.ge [sflag:s22], $0x3E80  }
0xda: {  	[sflag:s22] =	ssyncset.done $0x0  }
0xdb: {  	s6 =	sadd.s32 $0x1D00, s0;
	[sflag:s22] =	ssyncadd.s32 $0xFFFFC180  }
0xdc: {  	[spmem:s2] =	stream.indirect.scatter.add.f32 [tilespmem:s21], [sflag:$0x5], $0x80, s6, s20, $0xb8;
	[tilespmem:$0x1DD80] =	vst v63  }
0xdd: {  	_ =	swait.ge [sflag:s17], $0x3E80  }
0xde: {  	[sflag:s17] =	ssyncset.done $0x0  }
0xdf: {  	s1 =	simm.s32 @!p0 $0x3;
	[sflag:s17] =	ssyncadd.s32 $0xFFFFC180  }
0xe0: {  	_ =	swait.ge @!p0 [sflag:s1], $0xA00  }
0xe1: {  	[sflag:s1] =	ssyncset.done @!p0 $0x0  }
0xe2: {  	s3 =	smul.u32 @!p0 $0x2800, s15;
	[sflag:s1] =	ssyncadd.s32 @!p0 $0xFFFFF600;
	s1 =	simm.s32 @!p0 $0x4  }
0xe3: {  	_ =	swait.ge @!p0 [sflag:s1], $0xA00  }
0xe4: {  	s3 =	sshrl.u32 @!p0 s3, $0x2;
	[sflag:s1] =	ssyncset.done @!p0 $0x0  }
0xe5: {  	s6 =	simm.s32 @!p0 $0x2800;
	[sflag:s1] =	ssyncadd.s32 @!p0 $0xFFFFF600;
	s1 =	simm.s32 @!p0 $0x7D  }
0xe6: {  	[tilespmem:s6], [sflag:$0x1] =	stream.indirect.gather @!p0 [hbm4b:s4+s1], $0x80, s3, s1, $0xb8;
	[tilespmem:$0x1DD80] =	vst v63  }
0xe7: {  	s29 =	simm.s32 $0x2;
	s28 =	sadd.s32 $0x140, s14;
	_ =	swait.ge [sflag:s24], $0x3E80  }
0xe8: {  	s30 =	sadd.s32 $0x140, s13;
	s31 =	simm.s32 $0x1;
	[sflag:s24] =	ssyncset.done $0x0  }
0xe9: {  	s0 =	sadd.s32 $0x1D80, s0;
	s1 =	sand.u32 $0x1, s31;
	[sflag:s24] =	ssyncadd.s32 $0xFFFFC180  }
0xea: {  	[spmem:s2] =	stream.indirect.scatter.add.f32 [tilespmem:s16], [sflag:$0x5], $0x80, s0, s20, $0xb8;
	[tilespmem:$0x1DD80] =	vst v63  }
0xeb: {  	p0 =	por $0x0, $0x0;
	s0 =	sxor.u32 $0x1, s1;
	_ =	swait.ge [sflag:s17], $0x3E80  }
0xec: {  	s3 =	simm.s32 @!p0 $0x0;
	s6 =	smul.u32 @!p0 $0xA00, s0;
	[sflag:s17] =	ssyncset.done $0x0  }
.LBB2_4:
0xed: {  	s15 =	smul.u32 @!p0 $0x2800, s0  }
0xee: {  	[sflag:s17] =	ssyncadd.s32 $0xFFFFC180;
	s31 =	smov.u32 s29;
	s29 =	sadd.s32 $0x1, s29  }
0xef: {  	[tilespmem:s6], [sflag:$0x3] =	stream.linear.gather @!p0 [hbm4b:s30+s3], $0xA00, $0x38;
	[tilespmem:$0x1DD80] =	vst v63  }
0xf0: {  	s0 =	smul.u32 $0xA00, s1;
	p1 =	sne.s32 s29, $0x4;
	s6 =	sadd.s32 @!p0 $0x1400, s6  }
0xf1: {  	[tilespmem:s6], [sflag:$0x4] =	stream.linear.gather @!p0 [hbm4b:s28+s3], $0xA00, $0x38;
	[tilespmem:$0x1DD80] =	vst v63  }
0xf2: {  	s1 =	sor.u32 $0x80, s0  }
0xf3: {  	[tilespmem:s16], [sflag:$0x2] =	stream.indirect.gather [hbm4b:s4+s20], $0x80, s1, s20, $0xb8;
	[tilespmem:$0x1DD80] =	vst v63  }
0xf4: {  	_ =	swait.ge [sflag:s22], $0x3E80  }
0xf5: {  	[sflag:s22] =	ssyncset.done $0x0  }
0xf6: {  	s1 =	sadd.s32 $0x1400, s0;
	[sflag:s22] =	ssyncadd.s32 $0xFFFFC180  }
0xf7: {  	[spmem:s2] =	stream.indirect.scatter.add.f32 [tilespmem:s21], [sflag:$0x5], $0x80, s1, s20, $0xb8;
	[tilespmem:$0x1DD80] =	vst v63  }
0xf8: {  	_ =	swait.ge [sflag:s17], $0x3E80  }
0xf9: {  	[sflag:s17] =	ssyncset.done $0x0  }
0xfa: {  	s1 =	sor.u32 $0x100, s0;
	[sflag:s17] =	ssyncadd.s32 $0xFFFFC180  }
0xfb: {  	[tilespmem:s21], [sflag:$0x1] =	stream.indirect.gather [hbm4b:s4+s20], $0x80, s1, s20, $0xb8;
	[tilespmem:$0x1DD80] =	vst v63  }
0xfc: {  	_ =	swait.ge [sflag:s24], $0x3E80  }
0xfd: {  	[sflag:s24] =	ssyncset.done $0x0  }
0xfe: {  	s1 =	sadd.s32 $0x1480, s0;
	[sflag:s24] =	ssyncadd.s32 $0xFFFFC180  }
0xff: {  	[spmem:s2] =	stream.indirect.scatter.add.f32 [tilespmem:s16], [sflag:$0x5], $0x80, s1, s20, $0xb8;
	[tilespmem:$0x1DD80] =	vst v63  }
0x100: {  	_ =	swait.ge [sflag:s17], $0x3E80  }
0x101: {  	[sflag:s17] =	ssyncset.done $0x0  }
0x102: {  	s1 =	sor.u32 $0x180, s0;
	[sflag:s17] =	ssyncadd.s32 $0xFFFFC180  }
0x103: {  	[tilespmem:s16], [sflag:$0x2] =	stream.indirect.gather [hbm4b:s4+s20], $0x80, s1, s20, $0xb8;
	[tilespmem:$0x1DD80] =	vst v63  }
0x104: {  	_ =	swait.ge [sflag:s22], $0x3E80  }
0x105: {  	[sflag:s22] =	ssyncset.done $0x0  }
0x106: {  	s1 =	sadd.s32 $0x1500, s0;
	[sflag:s22] =	ssyncadd.s32 $0xFFFFC180  }
0x107: {  	[spmem:s2] =	stream.indirect.scatter.add.f32 [tilespmem:s21], [sflag:$0x5], $0x80, s1, s20, $0xb8;
	[tilespmem:$0x1DD80] =	vst v63  }
0x108: {  	_ =	swait.ge [sflag:s17], $0x3E80  }
0x109: {  	[sflag:s17] =	ssyncset.done $0x0  }
0x10a: {  	s1 =	sadd.s32 $0x200, s0;
	[sflag:s17] =	ssyncadd.s32 $0xFFFFC180  }
0x10b: {  	[tilespmem:s21], [sflag:$0x1] =	stream.indirect.gather [hbm4b:s4+s20], $0x80, s1, s20, $0xb8;
	[tilespmem:$0x1DD80] =	vst v63  }
0x10c: {  	_ =	swait.ge [sflag:s24], $0x3E80  }
0x10d: {  	[sflag:s24] =	ssyncset.done $0x0  }
0x10e: {  	s1 =	sadd.s32 $0x1580, s0;
	[sflag:s24] =	ssyncadd.s32 $0xFFFFC180  }
0x10f: {  	[spmem:s2] =	stream.indirect.scatter.add.f32 [tilespmem:s16], [sflag:$0x5], $0x80, s1, s20, $0xb8;
	[tilespmem:$0x1DD80] =	vst v63  }
0x110: {  	_ =	swait.ge [sflag:s17], $0x3E80  }
0x111: {  	[sflag:s17] =	ssyncset.done $0x0  }
0x112: {  	s1 =	sadd.s32 $0x280, s0;
	[sflag:s17] =	ssyncadd.s32 $0xFFFFC180  }
0x113: {  	[tilespmem:s16], [sflag:$0x2] =	stream.indirect.gather [hbm4b:s4+s20], $0x80, s1, s20, $0xb8;
	[tilespmem:$0x1DD80] =	vst v63  }
0x114: {  	_ =	swait.ge [sflag:s22], $0x3E80  }
0x115: {  	[sflag:s22] =	ssyncset.done $0x0  }
0x116: {  	s1 =	sadd.s32 $0x1600, s0;
	[sflag:s22] =	ssyncadd.s32 $0xFFFFC180  }
0x117: {  	[spmem:s2] =	stream.indirect.scatter.add.f32 [tilespmem:s21], [sflag:$0x5], $0x80, s1, s20, $0xb8;
	[tilespmem:$0x1DD80] =	vst v63  }
0x118: {  	_ =	swait.ge [sflag:s17], $0x3E80  }
0x119: {  	[sflag:s17] =	ssyncset.done $0x0  }
0x11a: {  	s1 =	sadd.s32 $0x300, s0;
	[sflag:s17] =	ssyncadd.s32 $0xFFFFC180  }
0x11b: {  	[tilespmem:s21], [sflag:$0x1] =	stream.indirect.gather [hbm4b:s4+s20], $0x80, s1, s20, $0xb8;
	[tilespmem:$0x1DD80] =	vst v63  }
0x11c: {  	_ =	swait.ge [sflag:s24], $0x3E80  }
0x11d: {  	[sflag:s24] =	ssyncset.done $0x0  }
0x11e: {  	s1 =	sadd.s32 $0x1680, s0;
	[sflag:s24] =	ssyncadd.s32 $0xFFFFC180  }
0x11f: {  	[spmem:s2] =	stream.indirect.scatter.add.f32 [tilespmem:s16], [sflag:$0x5], $0x80, s1, s20, $0xb8;
	[tilespmem:$0x1DD80] =	vst v63  }
0x120: {  	_ =	swait.ge [sflag:s17], $0x3E80  }
0x121: {  	[sflag:s17] =	ssyncset.done $0x0  }
0x122: {  	s1 =	sadd.s32 $0x380, s0;
	[sflag:s17] =	ssyncadd.s32 $0xFFFFC180  }
0x123: {  	[tilespmem:s16], [sflag:$0x2] =	stream.indirect.gather [hbm4b:s4+s20], $0x80, s1, s20, $0xb8;
	[tilespmem:$0x1DD80] =	vst v63  }
0x124: {  	_ =	swait.ge [sflag:s22], $0x3E80  }
0x125: {  	[sflag:s22] =	ssyncset.done $0x0  }
0x126: {  	s1 =	sadd.s32 $0x1700, s0;
	[sflag:s22] =	ssyncadd.s32 $0xFFFFC180  }
0x127: {  	[spmem:s2] =	stream.indirect.scatter.add.f32 [tilespmem:s21], [sflag:$0x5], $0x80, s1, s20, $0xb8;
	[tilespmem:$0x1DD80] =	vst v63  }
0x128: {  	_ =	swait.ge [sflag:s17], $0x3E80  }
0x129: {  	[sflag:s17] =	ssyncset.done $0x0  }
0x12a: {  	s1 =	sadd.s32 $0x400, s0;
	[sflag:s17] =	ssyncadd.s32 $0xFFFFC180  }
0x12b: {  	[tilespmem:s21], [sflag:$0x1] =	stream.indirect.gather [hbm4b:s4+s20], $0x80, s1, s20, $0xb8;
	[tilespmem:$0x1DD80] =	vst v63  }
0x12c: {  	_ =	swait.ge [sflag:s24], $0x3E80  }
0x12d: {  	[sflag:s24] =	ssyncset.done $0x0  }
0x12e: {  	s1 =	sadd.s32 $0x1780, s0;
	[sflag:s24] =	ssyncadd.s32 $0xFFFFC180  }
0x12f: {  	[spmem:s2] =	stream.indirect.scatter.add.f32 [tilespmem:s16], [sflag:$0x5], $0x80, s1, s20, $0xb8;
	[tilespmem:$0x1DD80] =	vst v63  }
0x130: {  	_ =	swait.ge [sflag:s17], $0x3E80  }
0x131: {  	[sflag:s17] =	ssyncset.done $0x0  }
0x132: {  	s1 =	sadd.s32 $0x480, s0;
	[sflag:s17] =	ssyncadd.s32 $0xFFFFC180  }
0x133: {  	[tilespmem:s16], [sflag:$0x2] =	stream.indirect.gather [hbm4b:s4+s20], $0x80, s1, s20, $0xb8;
	[tilespmem:$0x1DD80] =	vst v63  }
0x134: {  	_ =	swait.ge [sflag:s22], $0x3E80  }
0x135: {  	[sflag:s22] =	ssyncset.done $0x0  }
0x136: {  	s1 =	sadd.s32 $0x1800, s0;
	[sflag:s22] =	ssyncadd.s32 $0xFFFFC180  }
0x137: {  	[spmem:s2] =	stream.indirect.scatter.add.f32 [tilespmem:s21], [sflag:$0x5], $0x80, s1, s20, $0xb8;
	[tilespmem:$0x1DD80] =	vst v63  }
0x138: {  	_ =	swait.ge [sflag:s17], $0x3E80  }
0x139: {  	[sflag:s17] =	ssyncset.done $0x0  }
0x13a: {  	s1 =	sadd.s32 $0x500, s0;
	[sflag:s17] =	ssyncadd.s32 $0xFFFFC180  }
0x13b: {  	[tilespmem:s21], [sflag:$0x1] =	stream.indirect.gather [hbm4b:s4+s20], $0x80, s1, s20, $0xb8;
	[tilespmem:$0x1DD80] =	vst v63  }
0x13c: {  	_ =	swait.ge [sflag:s24], $0x3E80  }
0x13d: {  	[sflag:s24] =	ssyncset.done $0x0  }
0x13e: {  	s1 =	sadd.s32 $0x1880, s0;
	[sflag:s24] =	ssyncadd.s32 $0xFFFFC180  }
0x13f: {  	[spmem:s2] =	stream.indirect.scatter.add.f32 [tilespmem:s16], [sflag:$0x5], $0x80, s1, s20, $0xb8;
	[tilespmem:$0x1DD80] =	vst v63  }
0x140: {  	_ =	swait.ge [sflag:s17], $0x3E80  }
0x141: {  	[sflag:s17] =	ssyncset.done $0x0  }
0x142: {  	s1 =	sadd.s32 $0x580, s0;
	[sflag:s17] =	ssyncadd.s32 $0xFFFFC180  }
0x143: {  	[tilespmem:s16], [sflag:$0x2] =	stream.indirect.gather [hbm4b:s4+s20], $0x80, s1, s20, $0xb8;
	[tilespmem:$0x1DD80] =	vst v63  }
0x144: {  	_ =	swait.ge [sflag:s22], $0x3E80  }
0x145: {  	[sflag:s22] =	ssyncset.done $0x0  }
0x146: {  	s1 =	sadd.s32 $0x1900, s0;
	[sflag:s22] =	ssyncadd.s32 $0xFFFFC180  }
0x147: {  	[spmem:s2] =	stream.indirect.scatter.add.f32 [tilespmem:s21], [sflag:$0x5], $0x80, s1, s20, $0xb8;
	[tilespmem:$0x1DD80] =	vst v63  }
0x148: {  	_ =	swait.ge [sflag:s17], $0x3E80  }
0x149: {  	[sflag:s17] =	ssyncset.done $0x0  }
0x14a: {  	s1 =	sadd.s32 $0x600, s0;
	[sflag:s17] =	ssyncadd.s32 $0xFFFFC180  }
0x14b: {  	[tilespmem:s21], [sflag:$0x1] =	stream.indirect.gather [hbm4b:s4+s20], $0x80, s1, s20, $0xb8;
	[tilespmem:$0x1DD80] =	vst v63  }
0x14c: {  	_ =	swait.ge [sflag:s24], $0x3E80  }
0x14d: {  	[sflag:s24] =	ssyncset.done $0x0  }
0x14e: {  	s1 =	sadd.s32 $0x1980, s0;
	[sflag:s24] =	ssyncadd.s32 $0xFFFFC180  }
0x14f: {  	[spmem:s2] =	stream.indirect.scatter.add.f32 [tilespmem:s16], [sflag:$0x5], $0x80, s1, s20, $0xb8;
	[tilespmem:$0x1DD80] =	vst v63  }
0x150: {  	_ =	swait.ge [sflag:s17], $0x3E80  }
0x151: {  	[sflag:s17] =	ssyncset.done $0x0  }
0x152: {  	s1 =	sadd.s32 $0x680, s0;
	[sflag:s17] =	ssyncadd.s32 $0xFFFFC180  }
0x153: {  	[tilespmem:s16], [sflag:$0x2] =	stream.indirect.gather [hbm4b:s4+s20], $0x80, s1, s20, $0xb8;
	[tilespmem:$0x1DD80] =	vst v63  }
0x154: {  	_ =	swait.ge [sflag:s22], $0x3E80  }
0x155: {  	[sflag:s22] =	ssyncset.done $0x0  }
0x156: {  	s1 =	sadd.s32 $0x1A00, s0;
	[sflag:s22] =	ssyncadd.s32 $0xFFFFC180  }
0x157: {  	[spmem:s2] =	stream.indirect.scatter.add.f32 [tilespmem:s21], [sflag:$0x5], $0x80, s1, s20, $0xb8;
	[tilespmem:$0x1DD80] =	vst v63  }
0x158: {  	_ =	swait.ge [sflag:s17], $0x3E80  }
0x159: {  	[sflag:s17] =	ssyncset.done $0x0  }
0x15a: {  	s1 =	sadd.s32 $0x700, s0;
	[sflag:s17] =	ssyncadd.s32 $0xFFFFC180  }
0x15b: {  	[tilespmem:s21], [sflag:$0x1] =	stream.indirect.gather [hbm4b:s4+s20], $0x80, s1, s20, $0xb8;
	[tilespmem:$0x1DD80] =	vst v63  }
0x15c: {  	_ =	swait.ge [sflag:s24], $0x3E80  }
0x15d: {  	[sflag:s24] =	ssyncset.done $0x0  }
0x15e: {  	s1 =	sadd.s32 $0x1A80, s0;
	[sflag:s24] =	ssyncadd.s32 $0xFFFFC180  }
0x15f: {  	[spmem:s2] =	stream.indirect.scatter.add.f32 [tilespmem:s16], [sflag:$0x5], $0x80, s1, s20, $0xb8;
	[tilespmem:$0x1DD80] =	vst v63  }
0x160: {  	_ =	swait.ge [sflag:s17], $0x3E80  }
0x161: {  	[sflag:s17] =	ssyncset.done $0x0  }
0x162: {  	s1 =	sadd.s32 $0x780, s0;
	[sflag:s17] =	ssyncadd.s32 $0xFFFFC180  }
0x163: {  	[tilespmem:s16], [sflag:$0x2] =	stream.indirect.gather [hbm4b:s4+s20], $0x80, s1, s20, $0xb8;
	[tilespmem:$0x1DD80] =	vst v63  }
0x164: {  	_ =	swait.ge [sflag:s22], $0x3E80  }
0x165: {  	[sflag:s22] =	ssyncset.done $0x0  }
0x166: {  	s1 =	sadd.s32 $0x1B00, s0;
	[sflag:s22] =	ssyncadd.s32 $0xFFFFC180  }
0x167: {  	[spmem:s2] =	stream.indirect.scatter.add.f32 [tilespmem:s21], [sflag:$0x5], $0x80, s1, s20, $0xb8;
	[tilespmem:$0x1DD80] =	vst v63  }
0x168: {  	_ =	swait.ge [sflag:s17], $0x3E80  }
0x169: {  	[sflag:s17] =	ssyncset.done $0x0  }
0x16a: {  	s1 =	sadd.s32 $0x800, s0;
	[sflag:s17] =	ssyncadd.s32 $0xFFFFC180  }
0x16b: {  	[tilespmem:s21], [sflag:$0x1] =	stream.indirect.gather [hbm4b:s4+s20], $0x80, s1, s20, $0xb8;
	[tilespmem:$0x1DD80] =	vst v63  }
0x16c: {  	_ =	swait.ge [sflag:s24], $0x3E80  }
0x16d: {  	[sflag:s24] =	ssyncset.done $0x0  }
0x16e: {  	s1 =	sadd.s32 $0x1B80, s0;
	[sflag:s24] =	ssyncadd.s32 $0xFFFFC180  }
0x16f: {  	[spmem:s2] =	stream.indirect.scatter.add.f32 [tilespmem:s16], [sflag:$0x5], $0x80, s1, s20, $0xb8;
	[tilespmem:$0x1DD80] =	vst v63  }
0x170: {  	_ =	swait.ge [sflag:s17], $0x3E80  }
0x171: {  	[sflag:s17] =	ssyncset.done $0x0  }
0x172: {  	s1 =	sadd.s32 $0x880, s0;
	[sflag:s17] =	ssyncadd.s32 $0xFFFFC180  }
0x173: {  	[tilespmem:s16], [sflag:$0x2] =	stream.indirect.gather [hbm4b:s4+s20], $0x80, s1, s20, $0xb8;
	[tilespmem:$0x1DD80] =	vst v63  }
0x174: {  	_ =	swait.ge [sflag:s22], $0x3E80  }
0x175: {  	[sflag:s22] =	ssyncset.done $0x0  }
0x176: {  	s1 =	sadd.s32 $0x1C00, s0;
	[sflag:s22] =	ssyncadd.s32 $0xFFFFC180  }
0x177: {  	[spmem:s2] =	stream.indirect.scatter.add.f32 [tilespmem:s21], [sflag:$0x5], $0x80, s1, s20, $0xb8;
	[tilespmem:$0x1DD80] =	vst v63  }
0x178: {  	_ =	swait.ge [sflag:s17], $0x3E80  }
0x179: {  	[sflag:s17] =	ssyncset.done $0x0  }
0x17a: {  	s1 =	sadd.s32 $0x900, s0;
	[sflag:s17] =	ssyncadd.s32 $0xFFFFC180  }
0x17b: {  	[tilespmem:s21], [sflag:$0x1] =	stream.indirect.gather [hbm4b:s4+s20], $0x80, s1, s20, $0xb8;
	[tilespmem:$0x1DD80] =	vst v63  }
0x17c: {  	_ =	swait.ge [sflag:s24], $0x3E80  }
0x17d: {  	[sflag:s24] =	ssyncset.done $0x0  }
0x17e: {  	s1 =	sadd.s32 $0x1C80, s0;
	[sflag:s24] =	ssyncadd.s32 $0xFFFFC180  }
0x17f: {  	[spmem:s2] =	stream.indirect.scatter.add.f32 [tilespmem:s16], [sflag:$0x5], $0x80, s1, s20, $0xb8;
	[tilespmem:$0x1DD80] =	vst v63  }
0x180: {  	_ =	swait.ge [sflag:s17], $0x3E80  }
0x181: {  	[sflag:s17] =	ssyncset.done $0x0  }
0x182: {  	s1 =	sadd.s32 $0x980, s0;
	[sflag:s17] =	ssyncadd.s32 $0xFFFFC180  }
0x183: {  	[tilespmem:s16], [sflag:$0x2] =	stream.indirect.gather [hbm4b:s4+s20], $0x80, s1, s20, $0xb8;
	[tilespmem:$0x1DD80] =	vst v63  }
0x184: {  	_ =	swait.ge [sflag:s22], $0x3E80  }
0x185: {  	[sflag:s22] =	ssyncset.done $0x0  }
0x186: {  	s1 =	sadd.s32 $0x1D00, s0;
	[sflag:s22] =	ssyncadd.s32 $0xFFFFC180  }
0x187: {  	[spmem:s2] =	stream.indirect.scatter.add.f32 [tilespmem:s21], [sflag:$0x5], $0x80, s1, s20, $0xb8;
	[tilespmem:$0x1DD80] =	vst v63  }
0x188: {  	_ =	swait.ge [sflag:s17], $0x3E80  }
0x189: {  	[sflag:s17] =	ssyncset.done $0x0  }
0x18a: {  	s1 =	simm.s32 @!p0 $0x3;
	[sflag:s17] =	ssyncadd.s32 $0xFFFFC180  }
0x18b: {  	_ =	swait.ge @!p0 [sflag:s1], $0xA00  }
0x18c: {  	[sflag:s1] =	ssyncset.done @!p0 $0x0  }
0x18d: {  	[sflag:s1] =	ssyncadd.s32 @!p0 $0xFFFFF600;
	s1 =	simm.s32 @!p0 $0x4  }
0x18e: {  	_ =	swait.ge @!p0 [sflag:s1], $0xA00  }
0x18f: {  	s3 =	simm.s32 @!p0 $0x2800;
	[sflag:s1] =	ssyncset.done @!p0 $0x0  }
0x190: {  	s6 =	sshrl.u32 @!p0 s15, $0x2;
	[sflag:s1] =	ssyncadd.s32 @!p0 $0xFFFFF600;
	s1 =	simm.s32 @!p0 $0x7D  }
0x191: {  	[tilespmem:s3], [sflag:$0x1] =	stream.indirect.gather @!p0 [hbm4b:s4+s1], $0x80, s6, s1, $0xb8;
	[tilespmem:$0x1DD80] =	vst v63  }
0x192: {  	s28 =	sadd.s32 $0x140, s28;
	_ =	swait.ge [sflag:s24], $0x3E80  }
.Ltmp1:
0x193: {  	s30 =	sadd.s32 $0x140, s30;
	[sflag:s24] =	ssyncset.done $0x0;
	(pc) =	sbr.rel @p1 .LBB2_4-.Ltmp1, $4  }
0x194: {  	s0 =	sadd.s32 $0x1D80, s0;
	s1 =	sand.u32 $0x1, s31;
	[sflag:s24] =	ssyncadd.s32 $0xFFFFC180  }
0x195: {  	[spmem:s2] =	stream.indirect.scatter.add.f32 [tilespmem:s16], [sflag:$0x5], $0x80, s0, s20, $0xb8;
	[tilespmem:$0x1DD80] =	vst v63  }
0x196: {  	p0 =	seq.s32 s31, $0x3;
	s0 =	sxor.u32 $0x1, s1;
	_ =	swait.ge [sflag:s17], $0x3E80  }
0x197: {  	s3 =	simm.s32 @!p0 $0x0;
	s6 =	smul.u32 @!p0 $0xA00, s0;
	[sflag:s17] =	ssyncset.done $0x0  }
0x198: {  	[sflag:s17] =	ssyncadd.s32 $0xFFFFC180  }
0x199: {  	[tilespmem:s6], [sflag:$0x3] =	stream.linear.gather @!p0 [hbm4b:s30+s3], $0xA00, $0x38;
	[tilespmem:$0x1DD80] =	vst v63  }
0x19a: {  	s15 =	smul.u32 $0xA00, s1;
	s6 =	sadd.s32 @!p0 $0x1400, s6  }
0x19b: {  	[tilespmem:s6], [sflag:$0x4] =	stream.linear.gather @!p0 [hbm4b:s28+s3], $0xA00, $0x38;
	[tilespmem:$0x1DD80] =	vst v63  }
0x19c: {  	s1 =	sor.u32 $0x80, s15  }
0x19d: {  	[tilespmem:s16], [sflag:$0x2] =	stream.indirect.gather [hbm4b:s4+s20], $0x80, s1, s20, $0xb8;
	[tilespmem:$0x1DD80] =	vst v63  }
0x19e: {  	_ =	swait.ge [sflag:s22], $0x3E80  }
0x19f: {  	[sflag:s22] =	ssyncset.done $0x0  }
0x1a0: {  	s29 =	sadd.s32 $0x1400, s15;
	[sflag:s22] =	ssyncadd.s32 $0xFFFFC180  }
0x1a1: {  	[spmem:s2] =	stream.indirect.scatter.add.f32 [tilespmem:s21], [sflag:$0x5], $0x80, s29, s20, $0xb8;
	[tilespmem:$0x1DD80] =	vst v63  }
0x1a2: {  	_ =	swait.ge [sflag:s17], $0x3E80  }
0x1a3: {  	[sflag:s17] =	ssyncset.done $0x0  }
0x1a4: {  	s30 =	sor.u32 $0x100, s15;
	[sflag:s17] =	ssyncadd.s32 $0xFFFFC180  }
0x1a5: {  	[tilespmem:s21], [sflag:$0x1] =	stream.indirect.gather [hbm4b:s4+s20], $0x80, s30, s20, $0xb8;
	[tilespmem:$0x1DD80] =	vst v63  }
0x1a6: {  	_ =	swait.ge [sflag:s24], $0x3E80  }
0x1a7: {  	[sflag:s24] =	ssyncset.done $0x0  }
0x1a8: {  	s31 =	sadd.s32 $0x1480, s15;
	[sflag:s24] =	ssyncadd.s32 $0xFFFFC180  }
0x1a9: {  	[spmem:s2] =	stream.indirect.scatter.add.f32 [tilespmem:s16], [sflag:$0x5], $0x80, s31, s20, $0xb8;
	[tilespmem:$0x1DD80] =	vst v63  }
0x1aa: {  	_ =	swait.ge [sflag:s17], $0x3E80  }
0x1ab: {  	[sflag:s17] =	ssyncset.done $0x0  }
0x1ac: {  	s3 =	sor.u32 $0x180, s15;
	[sflag:s17] =	ssyncadd.s32 $0xFFFFC180  }
0x1ad: {  	[tilespmem:s16], [sflag:$0x2] =	stream.indirect.gather [hbm4b:s4+s20], $0x80, s3, s20, $0xb8;
	[tilespmem:$0x1DD80] =	vst v63  }
0x1ae: {  	_ =	swait.ge [sflag:s22], $0x3E80  }
0x1af: {  	[sflag:s22] =	ssyncset.done $0x0  }
0x1b0: {  	s6 =	sadd.s32 $0x1500, s15;
	[sflag:s22] =	ssyncadd.s32 $0xFFFFC180  }
0x1b1: {  	[spmem:s2] =	stream.indirect.scatter.add.f32 [tilespmem:s21], [sflag:$0x5], $0x80, s6, s20, $0xb8;
	[tilespmem:$0x1DD80] =	vst v63  }
0x1b2: {  	_ =	swait.ge [sflag:s17], $0x3E80  }
0x1b3: {  	[sflag:s17] =	ssyncset.done $0x0  }
0x1b4: {  	s28 =	sadd.s32 $0x200, s15;
	[sflag:s17] =	ssyncadd.s32 $0xFFFFC180  }
0x1b5: {  	[tilespmem:s21], [sflag:$0x1] =	stream.indirect.gather [hbm4b:s4+s20], $0x80, s28, s20, $0xb8;
	[tilespmem:$0x1DD80] =	vst v63  }
0x1b6: {  	_ =	swait.ge [sflag:s24], $0x3E80  }
0x1b7: {  	[sflag:s24] =	ssyncset.done $0x0  }
0x1b8: {  	s29 =	sadd.s32 $0x1580, s15;
	[sflag:s24] =	ssyncadd.s32 $0xFFFFC180  }
0x1b9: {  	[spmem:s2] =	stream.indirect.scatter.add.f32 [tilespmem:s16], [sflag:$0x5], $0x80, s29, s20, $0xb8;
	[tilespmem:$0x1DD80] =	vst v63  }
0x1ba: {  	_ =	swait.ge [sflag:s17], $0x3E80  }
0x1bb: {  	[sflag:s17] =	ssyncset.done $0x0  }
0x1bc: {  	s30 =	sadd.s32 $0x280, s15;
	[sflag:s17] =	ssyncadd.s32 $0xFFFFC180  }
0x1bd: {  	[tilespmem:s16], [sflag:$0x2] =	stream.indirect.gather [hbm4b:s4+s20], $0x80, s30, s20, $0xb8;
	[tilespmem:$0x1DD80] =	vst v63  }
0x1be: {  	_ =	swait.ge [sflag:s22], $0x3E80  }
0x1bf: {  	[sflag:s22] =	ssyncset.done $0x0  }
0x1c0: {  	s31 =	sadd.s32 $0x1600, s15;
	[sflag:s22] =	ssyncadd.s32 $0xFFFFC180  }
0x1c1: {  	[spmem:s2] =	stream.indirect.scatter.add.f32 [tilespmem:s21], [sflag:$0x5], $0x80, s31, s20, $0xb8;
	[tilespmem:$0x1DD80] =	vst v63  }
0x1c2: {  	_ =	swait.ge [sflag:s17], $0x3E80  }
0x1c3: {  	[sflag:s17] =	ssyncset.done $0x0  }
0x1c4: {  	s3 =	sadd.s32 $0x300, s15;
	[sflag:s17] =	ssyncadd.s32 $0xFFFFC180  }
0x1c5: {  	[tilespmem:s21], [sflag:$0x1] =	stream.indirect.gather [hbm4b:s4+s20], $0x80, s3, s20, $0xb8;
	[tilespmem:$0x1DD80] =	vst v63  }
0x1c6: {  	_ =	swait.ge [sflag:s24], $0x3E80  }
0x1c7: {  	[sflag:s24] =	ssyncset.done $0x0  }
0x1c8: {  	s6 =	sadd.s32 $0x1680, s15;
	[sflag:s24] =	ssyncadd.s32 $0xFFFFC180  }
0x1c9: {  	[spmem:s2] =	stream.indirect.scatter.add.f32 [tilespmem:s16], [sflag:$0x5], $0x80, s6, s20, $0xb8;
	[tilespmem:$0x1DD80] =	vst v63  }
0x1ca: {  	_ =	swait.ge [sflag:s17], $0x3E80  }
0x1cb: {  	[sflag:s17] =	ssyncset.done $0x0  }
0x1cc: {  	s28 =	sadd.s32 $0x380, s15;
	[sflag:s17] =	ssyncadd.s32 $0xFFFFC180  }
0x1cd: {  	[tilespmem:s16], [sflag:$0x2] =	stream.indirect.gather [hbm4b:s4+s20], $0x80, s28, s20, $0xb8;
	[tilespmem:$0x1DD80] =	vst v63  }
0x1ce: {  	_ =	swait.ge [sflag:s22], $0x3E80  }
0x1cf: {  	[sflag:s22] =	ssyncset.done $0x0  }
0x1d0: {  	s29 =	sadd.s32 $0x1700, s15;
	[sflag:s22] =	ssyncadd.s32 $0xFFFFC180  }
0x1d1: {  	[spmem:s2] =	stream.indirect.scatter.add.f32 [tilespmem:s21], [sflag:$0x5], $0x80, s29, s20, $0xb8;
	[tilespmem:$0x1DD80] =	vst v63  }
0x1d2: {  	_ =	swait.ge [sflag:s17], $0x3E80  }
0x1d3: {  	[sflag:s17] =	ssyncset.done $0x0  }
0x1d4: {  	s30 =	sadd.s32 $0x400, s15;
	[sflag:s17] =	ssyncadd.s32 $0xFFFFC180  }
0x1d5: {  	[tilespmem:s21], [sflag:$0x1] =	stream.indirect.gather [hbm4b:s4+s20], $0x80, s30, s20, $0xb8;
	[tilespmem:$0x1DD80] =	vst v63  }
0x1d6: {  	_ =	swait.ge [sflag:s24], $0x3E80  }
0x1d7: {  	[sflag:s24] =	ssyncset.done $0x0  }
0x1d8: {  	s31 =	sadd.s32 $0x1780, s15;
	[sflag:s24] =	ssyncadd.s32 $0xFFFFC180  }
0x1d9: {  	[spmem:s2] =	stream.indirect.scatter.add.f32 [tilespmem:s16], [sflag:$0x5], $0x80, s31, s20, $0xb8;
	[tilespmem:$0x1DD80] =	vst v63  }
0x1da: {  	_ =	swait.ge [sflag:s17], $0x3E80  }
0x1db: {  	[sflag:s17] =	ssyncset.done $0x0  }
0x1dc: {  	s3 =	sadd.s32 $0x480, s15;
	[sflag:s17] =	ssyncadd.s32 $0xFFFFC180  }
0x1dd: {  	[tilespmem:s16], [sflag:$0x2] =	stream.indirect.gather [hbm4b:s4+s20], $0x80, s3, s20, $0xb8;
	[tilespmem:$0x1DD80] =	vst v63  }
0x1de: {  	_ =	swait.ge [sflag:s22], $0x3E80  }
0x1df: {  	[sflag:s22] =	ssyncset.done $0x0  }
0x1e0: {  	s6 =	sadd.s32 $0x1800, s15;
	[sflag:s22] =	ssyncadd.s32 $0xFFFFC180  }
0x1e1: {  	[spmem:s2] =	stream.indirect.scatter.add.f32 [tilespmem:s21], [sflag:$0x5], $0x80, s6, s20, $0xb8;
	[tilespmem:$0x1DD80] =	vst v63  }
0x1e2: {  	_ =	swait.ge [sflag:s17], $0x3E80  }
0x1e3: {  	[sflag:s17] =	ssyncset.done $0x0  }
0x1e4: {  	s28 =	sadd.s32 $0x500, s15;
	[sflag:s17] =	ssyncadd.s32 $0xFFFFC180  }
0x1e5: {  	[tilespmem:s21], [sflag:$0x1] =	stream.indirect.gather [hbm4b:s4+s20], $0x80, s28, s20, $0xb8;
	[tilespmem:$0x1DD80] =	vst v63  }
0x1e6: {  	_ =	swait.ge [sflag:s24], $0x3E80  }
0x1e7: {  	[sflag:s24] =	ssyncset.done $0x0  }
0x1e8: {  	s29 =	sadd.s32 $0x1880, s15;
	[sflag:s24] =	ssyncadd.s32 $0xFFFFC180  }
0x1e9: {  	[spmem:s2] =	stream.indirect.scatter.add.f32 [tilespmem:s16], [sflag:$0x5], $0x80, s29, s20, $0xb8;
	[tilespmem:$0x1DD80] =	vst v63  }
0x1ea: {  	_ =	swait.ge [sflag:s17], $0x3E80  }
0x1eb: {  	[sflag:s17] =	ssyncset.done $0x0  }
0x1ec: {  	s30 =	sadd.s32 $0x580, s15;
	[sflag:s17] =	ssyncadd.s32 $0xFFFFC180  }
0x1ed: {  	[tilespmem:s16], [sflag:$0x2] =	stream.indirect.gather [hbm4b:s4+s20], $0x80, s30, s20, $0xb8;
	[tilespmem:$0x1DD80] =	vst v63  }
0x1ee: {  	_ =	swait.ge [sflag:s22], $0x3E80  }
0x1ef: {  	[sflag:s22] =	ssyncset.done $0x0  }
0x1f0: {  	s31 =	sadd.s32 $0x1900, s15;
	[sflag:s22] =	ssyncadd.s32 $0xFFFFC180  }
0x1f1: {  	[spmem:s2] =	stream.indirect.scatter.add.f32 [tilespmem:s21], [sflag:$0x5], $0x80, s31, s20, $0xb8;
	[tilespmem:$0x1DD80] =	vst v63  }
0x1f2: {  	_ =	swait.ge [sflag:s17], $0x3E80  }
0x1f3: {  	[sflag:s17] =	ssyncset.done $0x0  }
0x1f4: {  	s3 =	sadd.s32 $0x600, s15;
	[sflag:s17] =	ssyncadd.s32 $0xFFFFC180  }
0x1f5: {  	[tilespmem:s21], [sflag:$0x1] =	stream.indirect.gather [hbm4b:s4+s20], $0x80, s3, s20, $0xb8;
	[tilespmem:$0x1DD80] =	vst v63  }
0x1f6: {  	_ =	swait.ge [sflag:s24], $0x3E80  }
0x1f7: {  	[sflag:s24] =	ssyncset.done $0x0  }
0x1f8: {  	s6 =	sadd.s32 $0x1980, s15;
	[sflag:s24] =	ssyncadd.s32 $0xFFFFC180  }
0x1f9: {  	[spmem:s2] =	stream.indirect.scatter.add.f32 [tilespmem:s16], [sflag:$0x5], $0x80, s6, s20, $0xb8;
	[tilespmem:$0x1DD80] =	vst v63  }
0x1fa: {  	_ =	swait.ge [sflag:s17], $0x3E80  }
0x1fb: {  	[sflag:s17] =	ssyncset.done $0x0  }
0x1fc: {  	s28 =	sadd.s32 $0x680, s15;
	[sflag:s17] =	ssyncadd.s32 $0xFFFFC180  }
0x1fd: {  	[tilespmem:s16], [sflag:$0x2] =	stream.indirect.gather [hbm4b:s4+s20], $0x80, s28, s20, $0xb8;
	[tilespmem:$0x1DD80] =	vst v63  }
0x1fe: {  	_ =	swait.ge [sflag:s22], $0x3E80  }
0x1ff: {  	[sflag:s22] =	ssyncset.done $0x0  }
0x200: {  	s29 =	sadd.s32 $0x1A00, s15;
	[sflag:s22] =	ssyncadd.s32 $0xFFFFC180  }
0x201: {  	[spmem:s2] =	stream.indirect.scatter.add.f32 [tilespmem:s21], [sflag:$0x5], $0x80, s29, s20, $0xb8;
	[tilespmem:$0x1DD80] =	vst v63  }
0x202: {  	_ =	swait.ge [sflag:s17], $0x3E80  }
0x203: {  	[sflag:s17] =	ssyncset.done $0x0  }
0x204: {  	s30 =	sadd.s32 $0x700, s15;
	[sflag:s17] =	ssyncadd.s32 $0xFFFFC180  }
0x205: {  	[tilespmem:s21], [sflag:$0x1] =	stream.indirect.gather [hbm4b:s4+s20], $0x80, s30, s20, $0xb8;
	[tilespmem:$0x1DD80] =	vst v63  }
0x206: {  	_ =	swait.ge [sflag:s24], $0x3E80  }
0x207: {  	[sflag:s24] =	ssyncset.done $0x0  }
0x208: {  	s31 =	sadd.s32 $0x1A80, s15;
	[sflag:s24] =	ssyncadd.s32 $0xFFFFC180  }
0x209: {  	[spmem:s2] =	stream.indirect.scatter.add.f32 [tilespmem:s16], [sflag:$0x5], $0x80, s31, s20, $0xb8;
	[tilespmem:$0x1DD80] =	vst v63  }
0x20a: {  	_ =	swait.ge [sflag:s17], $0x3E80  }
0x20b: {  	[sflag:s17] =	ssyncset.done $0x0  }
0x20c: {  	s3 =	sadd.s32 $0x780, s15;
	[sflag:s17] =	ssyncadd.s32 $0xFFFFC180  }
0x20d: {  	[tilespmem:s16], [sflag:$0x2] =	stream.indirect.gather [hbm4b:s4+s20], $0x80, s3, s20, $0xb8;
	[tilespmem:$0x1DD80] =	vst v63  }
0x20e: {  	_ =	swait.ge [sflag:s22], $0x3E80  }
0x20f: {  	[sflag:s22] =	ssyncset.done $0x0  }
0x210: {  	s6 =	sadd.s32 $0x1B00, s15;
	[sflag:s22] =	ssyncadd.s32 $0xFFFFC180  }
0x211: {  	[spmem:s2] =	stream.indirect.scatter.add.f32 [tilespmem:s21], [sflag:$0x5], $0x80, s6, s20, $0xb8;
	[tilespmem:$0x1DD80] =	vst v63  }
0x212: {  	_ =	swait.ge [sflag:s17], $0x3E80  }
0x213: {  	[sflag:s17] =	ssyncset.done $0x0  }
0x214: {  	s28 =	sadd.s32 $0x800, s15;
	[sflag:s17] =	ssyncadd.s32 $0xFFFFC180  }
0x215: {  	[tilespmem:s21], [sflag:$0x1] =	stream.indirect.gather [hbm4b:s4+s20], $0x80, s28, s20, $0xb8;
	[tilespmem:$0x1DD80] =	vst v63  }
0x216: {  	_ =	swait.ge [sflag:s24], $0x3E80  }
0x217: {  	[sflag:s24] =	ssyncset.done $0x0  }
0x218: {  	s29 =	sadd.s32 $0x1B80, s15;
	[sflag:s24] =	ssyncadd.s32 $0xFFFFC180  }
0x219: {  	[spmem:s2] =	stream.indirect.scatter.add.f32 [tilespmem:s16], [sflag:$0x5], $0x80, s29, s20, $0xb8;
	[tilespmem:$0x1DD80] =	vst v63  }
0x21a: {  	_ =	swait.ge [sflag:s17], $0x3E80  }
0x21b: {  	[sflag:s17] =	ssyncset.done $0x0  }
0x21c: {  	s30 =	sadd.s32 $0x880, s15;
	[sflag:s17] =	ssyncadd.s32 $0xFFFFC180  }
0x21d: {  	[tilespmem:s16], [sflag:$0x2] =	stream.indirect.gather [hbm4b:s4+s20], $0x80, s30, s20, $0xb8;
	[tilespmem:$0x1DD80] =	vst v63  }
0x21e: {  	_ =	swait.ge [sflag:s22], $0x3E80  }
0x21f: {  	[sflag:s22] =	ssyncset.done $0x0  }
0x220: {  	s31 =	sadd.s32 $0x1C00, s15;
	[sflag:s22] =	ssyncadd.s32 $0xFFFFC180  }
0x221: {  	[spmem:s2] =	stream.indirect.scatter.add.f32 [tilespmem:s21], [sflag:$0x5], $0x80, s31, s20, $0xb8;
	[tilespmem:$0x1DD80] =	vst v63  }
0x222: {  	_ =	swait.ge [sflag:s17], $0x3E80  }
0x223: {  	[sflag:s17] =	ssyncset.done $0x0  }
0x224: {  	s3 =	sadd.s32 $0x900, s15;
	[sflag:s17] =	ssyncadd.s32 $0xFFFFC180  }
0x225: {  	[tilespmem:s21], [sflag:$0x1] =	stream.indirect.gather [hbm4b:s4+s20], $0x80, s3, s20, $0xb8;
	[tilespmem:$0x1DD80] =	vst v63  }
0x226: {  	_ =	swait.ge [sflag:s24], $0x3E80  }
0x227: {  	[sflag:s24] =	ssyncset.done $0x0  }
0x228: {  	s6 =	sadd.s32 $0x1C80, s15;
	[sflag:s24] =	ssyncadd.s32 $0xFFFFC180  }
0x229: {  	[spmem:s2] =	stream.indirect.scatter.add.f32 [tilespmem:s16], [sflag:$0x5], $0x80, s6, s20, $0xb8;
	[tilespmem:$0x1DD80] =	vst v63  }
0x22a: {  	_ =	swait.ge [sflag:s17], $0x3E80  }
0x22b: {  	[sflag:s17] =	ssyncset.done $0x0  }
0x22c: {  	s28 =	sadd.s32 $0x980, s15;
	[sflag:s17] =	ssyncadd.s32 $0xFFFFC180  }
0x22d: {  	[tilespmem:s16], [sflag:$0x2] =	stream.indirect.gather [hbm4b:s4+s20], $0x80, s28, s20, $0xb8;
	[tilespmem:$0x1DD80] =	vst v63  }
0x22e: {  	_ =	swait.ge [sflag:s22], $0x3E80  }
0x22f: {  	[sflag:s22] =	ssyncset.done $0x0  }
0x230: {  	s29 =	sadd.s32 $0x1D00, s15;
	[sflag:s22] =	ssyncadd.s32 $0xFFFFC180  }
0x231: {  	[spmem:s2] =	stream.indirect.scatter.add.f32 [tilespmem:s21], [sflag:$0x5], $0x80, s29, s20, $0xb8;
	[tilespmem:$0x1DD80] =	vst v63  }
0x232: {  	_ =	swait.ge [sflag:s17], $0x3E80  }
0x233: {  	[sflag:s17] =	ssyncset.done $0x0  }
0x234: {  	s1 =	simm.s32 @!p0 $0x3;
	[sflag:s17] =	ssyncadd.s32 $0xFFFFC180  }
0x235: {  	_ =	swait.ge @!p0 [sflag:s1], $0xA00  }
0x236: {  	[sflag:s1] =	ssyncset.done @!p0 $0x0  }
0x237: {  	s0 =	smul.u32 @!p0 $0x2800, s0;
	[sflag:s1] =	ssyncadd.s32 @!p0 $0xFFFFF600;
	s1 =	simm.s32 @!p0 $0x4  }
0x238: {  	_ =	swait.ge @!p0 [sflag:s1], $0xA00  }
0x239: {  	s0 =	sshrl.u32 @!p0 s0, $0x2;
	[sflag:s1] =	ssyncset.done @!p0 $0x0  }
0x23a: {  	s3 =	simm.s32 @!p0 $0x2800;
	[sflag:s1] =	ssyncadd.s32 @!p0 $0xFFFFF600;
	s1 =	simm.s32 @!p0 $0x7D  }
0x23b: {  	[tilespmem:s3], [sflag:$0x1] =	stream.indirect.gather @!p0 [hbm4b:s4+s1], $0x80, s0, s1, $0xb8;
	[tilespmem:$0x1DD80] =	vst v63  }
0x23c: {  	_ =	swait.ge [sflag:s24], $0x3E80  }
0x23d: {  	[sflag:s24] =	ssyncset.done $0x0  }
0x23e: {  	s30 =	sadd.s32 $0x1D80, s15;
	[sflag:s24] =	ssyncadd.s32 $0xFFFFC180  }
0x23f: {  	[spmem:s2] =	stream.indirect.scatter.add.f32 [tilespmem:s16], [sflag:$0x5], $0x80, s30, s20, $0xb8;
	[tilespmem:$0x1DD80] =	vst v63  }
0x240: {  	_ =	swait.ge [sflag:s17], $0x3E80  }
0x241: {  	s26 =	sadd.s32 $0x1, s26;
	s31 =	stileid.u32;
	[sflag:s17] =	ssyncset.done $0x0  }
0x242: {  	s0 =	sshll.u32 s31, $0x6;
	p0 =	sne.s32 s26, s7;
	[sflag:s17] =	ssyncadd.s32 $0xFFFFC180  }
.Ltmp2:
0x243: {  	s0 =	sor.u32 $0x1C05, s0;
	[bflag:$0x0] =	sbarrier.arrive $0xFFFF;
	(pc) =	sbr.rel @p0 .LBB2_1-.Ltmp2, $4  }
0x244: {  	[hbm:s23], [sflag:s0] =	dma.local [spmem:s25], $0x2710  }
0x245: {  	_ =	swait.ge [sflag:s17], $0x2710  }
0x246: {  	[sflag:s17] =	ssyncset.done $0x0  }
0x247: {  	[sflag:s17] =	ssyncadd.s32 $0xFFFFD8F0  }
0x248: {  	_ =	sfence.sel $0x180000  }
0x249: {  	[bflag:$0x0] =	sbarrier.arrive $0xFFFF  }
0x24a: {  	_ =	strace $0x90000050  }
0x24b: {  	s0 =	stileid.u32;
	[bflag:$0x2] =	sbarrier.arrive $0xFFFF  }
0x24c: {  	p0 =	sne.s32 s0, $0x0;
	s0 =	rddreg [dreg:$0x3]  }
0x24d: {  	s0 =	sadd.s32 @!p0 $0x100000, s0  }
0x24e: {  	[sflag:s0] =	ssyncadd.tile.s32 @!p0 $0x1;
	_ =	shalt  }
.Lfunc_end2:
_tile_overlayer_lowered:
.L_overlay_start_2:
0x24f: {  	(tag) =	ssettag $0x2  }
0x250: {  	s0 =	rddreg [dreg:$0x0];
	s2 =	stileid.u32  }
0x251: {  	s1 =	rddreg [dreg:$0x1];
	p0 =	sne.s32 s2, $0x0  }
0x252: {  	s3 =	rddreg [dreg:$0x2];
	[bflag:$0x3] =	sbarrier.arrive $0xFFFF;
	s2 =	simm.s32 @!p0 $0x1C05  }
0x253: {  	[timem:s3], [sflag:s2] =	dma.local @!p0 [hbm:s0], s1  }
0x254: {  	s0 =	simm.s32 @!p0 $0x5  }
0x255: {  	_ =	swait.ge @!p0 [sflag:s0], s1  }
0x256: {  	s1 =	ssub.s32 @!p0 $0x0, s1;
	[sflag:s0] =	ssyncset.done @!p0 $0x0  }
0x257: {  	[sflag:s0] =	ssyncadd.s32 @!p0 s1  }
0x258: {  	[bflag:$0x3] =	sbarrier.arrive $0xFFFF  }
0x259: {  	_ =	shalt  }

// kernel: kernel.9.cloned.1.call-start
scs
__scs_entry_jumppad:
0x0: {  	(pc) =	sbr.rel $0x88, $3  }
0x1: {  	(tag) =	ssettag $0x0;
	lr =	simm.s32 $0x1  }
0x2: {  	[smem:$0x3F94] =	sst lr;
	_ =	strace $0xD0000000  }
0x3: {  	_ = 	snop  }
0x4: {  	_ = 	snop  }
0x5: {  	_ = 	snop  }
0x6: {  	_ = 	snop  }
0x7: {  	_ = 	snop  }
__scs_overlays_trampoline_lowered:
0x8: {  	[smem:$0x3FA3] =	sst s0  }
0x9: {  	[smem:$0x3FA4] =	sst s1  }
0xa: {  	[smem:$0x3FA5] =	sst s2  }
0xb: {  	[smem:$0x3FA6] =	sst s3  }
0xc: {  	[smem:$0x3FA7] =	sst s4  }
0xd: {  	[smem:$0x3FA8] =	sst s5  }
0xe: {  	[smem:$0x3FA9] =	sst s6  }
0xf: {  	[smem:$0x3FAA] =	sst s7  }
0x10: {  	[smem:$0x3FAB] =	sst s8  }
0x11: {  	[smem:$0x3FAC] =	sst s9;
	s0 =	simm.s32 @!p0 $0x0  }
0x12: {  	s1 =	sld [smem:$0x3F92];
	s0 =	simm.s32 @p0 $0x1  }
0x13: {  	[smem:$0x3FAD] =	sst s0;
	s0 =	simm.s32 @!p1 $0x0  }
0x14: {  	s2 =	sld [smem:$0x3F91];
	s0 =	simm.s32 @p1 $0x1  }
0x15: {  	[smem:$0x3FAE] =	sst s0;
	s0 =	simm.s32 @!p2 $0x0  }
0x16: {  	s3 =	sld [smem:$0x3FDB];
	s0 =	simm.s32 @p2 $0x1  }
0x17: {  	s4 =	simm.s32 $0x1BF5;
	[smem:$0x3FB0] =	sst s0  }
0x18: {  	s0 =	sld [smem:$0x3F93];
	_ =	swait.ge [sflag:s4], $0x0  }
0x19: {  	s7 =	sld [smem:$0x3F94]  }
0x1a: {  	s8 =	sadd.s32 $0xFFFFE003, lr  }
0x1b: {  	s9 =	sadd.s32 $0xFFFFFEF7, lr;
	s5 =	simm.s32 $0xFFFFFFFF;
	p2 =	slt.u32 s8, $0xFFFFF086  }
0x1c: {  	p1 =	slt.u32 s9, $0xF7A;
	s5 =	simm.s32 @!p2 $0x0  }
0x1d: {  	s5 =	simm.s32 @p1 $0x1;
	p0 =	seq.s32 s7, s2  }
0x1e: {  	s7 =	smul.u32 @!p0 $0xF7A, s2;
	p2 =	seq.s32 @!p0 s5, $0x0  }
0x1f: {  	s9 =	smul.u32 $0xF7A, s1;
	s8 =	simm.s32 @!p0 $0x1BF5;
	p2 =	por !p2, p0  }
0x20: {  	[sflag:s8] =	ssyncset.s32 @!p0 $0xFFFFF086;
	s6 =	sadd.s32 @!p0 s3, s7;
	s7 =	simm.s32 @!p0 $0x108  }
0x21: {  	s3 =	sadd.s32 s3, s9;
	s6 =	sadd.s32 @!p0 $0x88, s6;
	s7 =	simm.s32 @p2 $0x1082  }
0x22: {  	[simem:s7], [sflag:s8] =	dma.local @!p0 [hbm:s6], $0xF7A  }
0x23: {  	s9 =	sor.u32 $0xD0000000, s2;
	s6 =	simm.s32 $0x108;
	_ =	swait.ge @!p0 [sflag:s8], $0x0  }
0x24: {  	s3 =	sadd.s32 $0x88, s3;
	s6 =	simm.s32 @!p1 $0x1082;
	[sflag:s4] =	ssyncset.s32 $0xFFFFF086  }
0x25: {  	[simem:s6], [sflag:s4] =	dma.local [hbm:s3], $0xF7A  }
0x26: {  	[smem:$0x3F94] =	sst s1;
	(tag) =	ssettag s2;
	_ =	strace s9  }
0x27: {  	s1 =	sld [smem:$0x3FA4]  }
0x28: {  	s2 =	sld [smem:$0x3FA5]  }
0x29: {  	s4 =	sld [smem:$0x3FA7]  }
0x2a: {  	p0 =	seq.s32 s5, $0x0;
	s5 =	sld [smem:$0x3FA8]  }
0x2b: {  	s6 =	sld [smem:$0x3FA9]  }
0x2c: {  	s7 =	sld [smem:$0x3FAA]  }
0x2d: {  	s3 =	simm.s32 $0x108;
	s8 =	sld [smem:$0x3FAB]  }
0x2e: {  	s3 =	simm.s32 @!p0 $0x1082;
	s9 =	sld [smem:$0x3FAC]  }
0x2f: {  	lr =	sadd.s32 s0, s3;
	s0 =	sld [smem:$0x3FA3]  }
0x30: {  	s3 =	sld [smem:$0x3FA6]  }
0x31: {  	[smem:$0x3FAF] =	sst s10  }
0x32: {  	s10 =	sld [smem:$0x3FAD];
	_ =	sdelay $0x3  }
0x33: {  	p0 =	seq.s32 s10, $0x1;
	s10 =	sld [smem:$0x3FAF];
	_ =	sdelay $0x3  }
0x34: {  	[smem:$0x3FAF] =	sst s10  }
0x35: {  	s10 =	sld [smem:$0x3FAE];
	_ =	sdelay $0x3  }
0x36: {  	p1 =	seq.s32 s10, $0x1;
	s10 =	sld [smem:$0x3FAF];
	_ =	sdelay $0x3  }
0x37: {  	[smem:$0x3FAF] =	sst s10  }
0x38: {  	s10 =	sld [smem:$0x3FB0]  }
0x39: {  	_ = 	snop;
	(pc) =	sbr.ind lr, $3  }
0x3a: {  	_ = 	snop  }
0x3b: {  	_ = 	snop  }
0x3c: {  	p2 =	seq.s32 s10, $0x1;
	s10 =	sld [smem:$0x3FAF]  }
0x3d: {  	_ =	shalt  }
0x3e: {  	_ =	shalt  }
0x3f: {  	_ =	shalt  }
0x40: {  	_ =	shalt  }
0x41: {  	_ =	shalt  }
0x42: {  	_ =	shalt  }
0x43: {  	_ =	shalt  }
0x44: {  	_ =	shalt  }
0x45: {  	_ =	shalt  }
0x46: {  	_ =	shalt  }
0x47: {  	_ =	shalt  }
0x48: {  	_ =	shalt  }
0x49: {  	_ =	shalt  }
0x4a: {  	_ =	shalt  }
0x4b: {  	_ =	shalt  }
0x4c: {  	_ =	shalt  }
0x4d: {  	_ =	shalt  }
0x4e: {  	_ =	shalt  }
0x4f: {  	_ =	shalt  }
0x50: {  	_ =	shalt  }
0x51: {  	_ =	shalt  }
0x52: {  	_ =	shalt  }
0x53: {  	_ =	shalt  }
0x54: {  	_ =	shalt  }
0x55: {  	_ =	shalt  }
0x56: {  	_ =	shalt  }
0x57: {  	_ =	shalt  }
0x58: {  	_ =	shalt  }
0x59: {  	_ =	shalt  }
0x5a: {  	_ =	shalt  }
0x5b: {  	_ =	shalt  }
0x5c: {  	_ =	shalt  }
0x5d: {  	_ =	shalt  }
0x5e: {  	_ =	shalt  }
0x5f: {  	_ =	shalt  }
0x60: {  	_ =	shalt  }
0x61: {  	_ =	shalt  }
0x62: {  	_ =	shalt  }
0x63: {  	_ =	shalt  }
0x64: {  	_ =	shalt  }
0x65: {  	_ =	shalt  }
0x66: {  	_ =	shalt  }
0x67: {  	_ =	shalt  }
0x68: {  	_ =	shalt  }
0x69: {  	_ =	shalt  }
0x6a: {  	_ =	shalt  }
0x6b: {  	_ =	shalt  }
0x6c: {  	_ =	shalt  }
0x6d: {  	_ =	shalt  }
0x6e: {  	_ =	shalt  }
0x6f: {  	_ =	shalt  }
0x70: {  	_ =	shalt  }
0x71: {  	_ =	shalt  }
0x72: {  	_ =	shalt  }
0x73: {  	_ =	shalt  }
0x74: {  	_ =	shalt  }
0x75: {  	_ =	shalt  }
0x76: {  	_ =	shalt  }
0x77: {  	_ =	shalt  }
0x78: {  	_ =	shalt  }
0x79: {  	_ =	shalt  }
0x7a: {  	_ =	shalt  }
0x7b: {  	_ =	shalt  }
0x7c: {  	_ =	shalt  }
0x7d: {  	_ =	shalt  }
0x7e: {  	_ =	shalt  }
0x7f: {  	_ =	shalt  }
0x80: {  	_ =	shalt  }
0x81: {  	_ =	shalt  }
0x82: {  	_ =	shalt  }
0x83: {  	_ =	shalt  }
0x84: {  	_ =	shalt  }
0x85: {  	_ =	shalt  }
0x86: {  	_ =	shalt  }
0x87: {  	_ =	shalt  }
.Lfunc_end0:
.L_simem_size_0:
called_computation_lowered:
.L_overlay_start_0:
0x88: {  	s2 =	sld [smem:$0x3FD9]  }
0x89: {  	s3 =	sld [smem:$0x3FFE];
	_ =	sdelay $0x1  }
0x8a: {  	s1 =	srdreg.scid  }
0x8b: {  	s0 =	sand.u32 $0x1, s1  }
0x8c: {  	s16 =	sshll.u32 s0, $0xA;
	s2 =	sadd.s32 s3, s2  }
0x8d: {  	s2 =	sadd.s32 s2, s16  }
0x8e: {  	[smem:$0x3FBB] =	sst s2  }
0x8f: {  	_ = 	snop  }
0x90: {  	(tm) =	ssettm $0x1  }
0x91: {  	s17 =	sld [smem:$0x3FFB];
	_ =	sdelay $0x3  }
0x92: {  	_ =	strace s17  }
0x93: {  	s2 =	sld [smem:$0x3FFC];
	_ =	sdelay $0x3  }
0x94: {  	_ =	strace s2  }
0x95: {  	s2 =	sld [smem:$0x3FFD];
	_ =	sdelay $0x3  }
0x96: {  	_ =	strace s2  }
0x97: {  	_ =	strace $0x8FFFFFFF  }
0x98: {  	s18 =	sld [smem:$0x3FDB];
	_ =	sdelay $0x1  }
0x99: {  	s19 =	simm.s32 $_scs_section_size  }
0x9a: {  	s4 =	simm.s32 $_size__tile_overlayer_lowered;
	s5 =	simm.s32 $_tile_overlayer_lowered  }
0x9b: {  	s22 =	simm.s32 $0x1BFF;
	s21 =	sshll.u32 s5, $0x1;
	s2 =	sadd.s32 s19, s18  }
0x9c: {  	s6 =	simm.s32 $0x0;
	s20 =	sshll.u32 s4, $0x1;
	s4 =	sadd.s32 s21, s2  }
0x9d: {  	[timem:s6], [sflag:s22] =	dma.local [hbm:s4], s20  }
0x9e: {  	_ =	swait.ge [sflag:s22], s20  }
0x9f: {  	s3 =	ssub.s32 $0x0, s20;
	[sflag:s22] =	ssyncset.done $0x0  }
0xa0: {  	[sflag:s22] =	ssyncadd.s32 s3;
	_ =	sdelay $0x1  }
0xa1: {  	s23 =	simm.s32 $0x1B8B  }
0xa2: {  	_ =	swait.ge [sflag:s23], $0x1  }
0xa3: {  	[sflag:s23] =	ssyncset.done $0x0  }
0xa4: {  	s25 =	simm.s32 $0x1B8E;
	s24 =	sld [smem:$0x3FFE];
	[sflag:s23] =	ssyncadd.s32 $0xFFFFFFFF  }
0xa5: {  	s26 =	simm.s32 $execute0_lowered;
	[smem:$0x3FD2] =	sst s25  }
0xa6: {  	s4 =	sshll.u32 s26, $0x1;
	_ =	strace $0x80000046;
	[dreg:$0x1] =	wrdreg $0xFFFFFFFF  }
0xa7: {  	s28 =	simm.s32 $_size_execute0_lowered;
	s2 =	sadd.s32 s2, s4;
	[dreg:$0x0] =	wrdreg $0x0  }
0xa8: {  	s4 =	sshll.u32 s28, $0x1;
	[dreg:$0x2] =	wrdreg s2  }
0xa9: {  	[dreg:$0x3] =	wrdreg s4  }
0xaa: {  	[dreg:$0x4] =	wrdreg $0xC0  }
0xab: {  	_ =	task [dreg:s6], $0x5FFFF  }
0xac: {  	[dreg:$0x1] =	wrdreg $0xFFFFFFFF  }
0xad: {  	[dreg:$0x0] =	wrdreg $0x60  }
0xae: {  	[dreg:$0x2] =	wrdreg s24  }
0xaf: {  	[dreg:$0x3] =	wrdreg $0x31600  }
0xb0: {  	[dreg:$0x4] =	wrdreg $0x9  }
0xb1: {  	_ =	task.clear_ibuf [dreg:s6], $0x5FFFF;
	_ =	strace $0x90000046  }
0xb2: {  	s29 =	simm.s32 $0x9;
	_ =	strace $0x80000048  }
0xb3: {  	_ =	swait.ge [sflag:s29], $0x1  }
0xb4: {  	[sflag:s29] =	ssyncadd.s32 $0xFFFFFFFF  }
0xb5: {  	_ =	strace $0x90000048  }
0xb6: {  	_ =	sfence  }
0xb7: {  	s30 =	sld [smem:$0x0];
	_ =	sdelay $0x2  }
0xb8: {  	s31 =	sshll.u32 s1, $0xD;
	s1 =	sshrl.u32 s1, $0x2  }
0xb9: {  	s3 =	sand.u32 $0x4000, s31;
	s1 =	sadd.s32 s1, s30  }
0xba: {  	s0 =	sor.u32 s3, s0;
	s1 =	sshll.u32 s1, $0x11  }
0xbb: {  	s0 =	sor.u32 s1, s0  }
0xbc: {  	s0 =	sadd.s32 $0x8F2B, s0  }
0xbd: {  	[sflag:s0] =	ssyncadd.remote.s32 $0x1  }
0xbe: {  	_ =	sfence.sel $0xFFFF  }
0xbf: {  	[dreg:$0x0] =	wrdreg $0xFFFFFFFF;
	(pc) =	sbr.abs _section_cstart, $3  }
0xc0: {  	[dreg:$0x1] =	wrdreg $0xFFFFFFFF  }
0xc1: {  	_ =	task.clear_ibuf [dreg:s6], $0x2FFFF;
	_ =	strace $0x9FFFFFFF  }
0xc2: {  	(tm) =	ssettm $0x7FFFFFFF  }
0xc3: {  	_ =	shalt  }
tec
execute0_lowered:
.L_overlay_start_1:
0x0: {  	(tag) =	ssettag $0x1  }
0x1: {  	s0 =	srdreg.scid;
	s4 =	rddreg [dreg:$0x0]  }
0x2: {  	s2 =	rddreg [dreg:$0x1];
	s1 =	stileid.u32  }
0x3: {  	s3 =	simm.s32 $0x0;
	s10 =	simm.s32 $0x7D;
	s11 =	simm.s32 $0x2800  }
0x4: {  	s5 =	sand.u32 $0x1, s0;
	s0 =	rddreg [dreg:$0x2];
	s8 =	smul.u32 $0x2710, s1  }
0x5: {  	s15 =	simm.s32 $0x0;
	[smem:$0x7FF] =	sst s3;
	s9 =	smul.u32 $0x9C40, s1  }
0x6: {  	s31 =	sshll.u32 s1, $0x6;
	s6 =	sshll.u32 s5, $0x4;
	_ =	strace $0x80000047  }
0x7: {  	s7 =	smul.u32 $0x4E20, s5;
	s5 =	ssub.s32 $0x2, s5;
	s6 =	sor.u32 s1, s6  }
0x8: {  	s29 =	sshrl.u32 s5, $0x1;
	s13 =	sshrl.u32 s8, $0x3;
	s14 =	sadd.s32 s8, s2  }
0x9: {  	s30 =	sshrl.u32 s9, $0x2;
	s8 =	simm.s32 $0x2;
	s9 =	simm.s32 $0x1  }
0xa: {  	s6 =	smul.u32 $0x500, s6;
	s7 =	sadd.s32 s7, s4;
	s5 =	ssub.s32 s5, s29  }
0xb: {  	s14 =	sshrl.u32 s14, $0x3;
	s12 =	sadd.s32 $0xDC00, s7;
	s5 =	smax.u32 s5, $0x1  }
0xc: {  	s7 =	simm.s32 $0x2FD0;
	s6 =	sadd.s32 s6, s4;
	s12 =	sadd.s32 s13, s12  }
0xd: {  	v0 =	vimm.f32 $1.000000000e+00;
	v1 =	vimm.f32 $0.0e+00;
	s13 =	sor.u32 $0x1C02, s31;
	s4 =	sadd.s32 $0x3C00, s6;
	s6 =	sadd.s32 s30, s2  }
.LBB2_1:
0xe: {  	[tilespmem:s3], [sflag:$0x1] =	stream.linear.gather [hbm4b:s4+s3], $0x2800, $0x38;
	[tilespmem:$0x5870] =	vst v63  }
0xf: {  	s16 =	simm.s32 $0x40;
	s17 =	simm.s32 $0x0  }
.LBB2_2:
0x10: {  	p0 =	sne.s32 s16, $0x1F00;
	[tilespmem:s17+$0x2800] =	vst v0;
	s17 =	smov.u32 s16;
	s16 =	sadd.s32 $0x40, s16  }
.Ltmp0:
0x11: {  	(pc) =	sbr.rel @p0 .LBB2_2-.Ltmp0, $2  }
0x12: {  	_ =	sdelay $0x2  }
0x13: {  	s17 =	sshra.s32 s17, $0x2  }
0x14: {  	[tilespmem:s17+$0x2800] =	vst v0  }
0x15: {  	[tilespmem:$0x2FD0] =	vst v1  }
0x16: {  	[tilespmem:$0x2FE0] =	vst v1  }
0x17: {  	[tilespmem:$0x2FF0] =	vst v1  }
0x18: {  	[tilespmem:$0x3000] =	vst v1  }
0x19: {  	[tilespmem:$0x3010] =	vst v1  }
0x1a: {  	[tilespmem:$0x3020] =	vst v1  }
0x1b: {  	[tilespmem:$0x3030] =	vst v1  }
0x1c: {  	[tilespmem:$0x3040] =	vst v1  }
0x1d: {  	[tilespmem:$0x3050] =	vst v1  }
0x1e: {  	[tilespmem:$0x3060] =	vst v1  }
0x1f: {  	[tilespmem:$0x3070] =	vst v1  }
0x20: {  	[tilespmem:$0x3080] =	vst v1  }
0x21: {  	[tilespmem:$0x3090] =	vst v1  }
0x22: {  	[tilespmem:$0x30A0] =	vst v1  }
0x23: {  	[tilespmem:$0x30B0] =	vst v1  }
0x24: {  	[tilespmem:$0x30C0] =	vst v1  }
0x25: {  	[tilespmem:$0x30D0] =	vst v1  }
0x26: {  	[tilespmem:$0x30E0] =	vst v1  }
0x27: {  	[tilespmem:$0x30F0] =	vst v1  }
0x28: {  	[tilespmem:$0x3100] =	vst v1  }
0x29: {  	[tilespmem:$0x3110] =	vst v1  }
0x2a: {  	[tilespmem:$0x3120] =	vst v1  }
0x2b: {  	[tilespmem:$0x3130] =	vst v1  }
0x2c: {  	[tilespmem:$0x3140] =	vst v1  }
0x2d: {  	s16 =	sadd.s32 $0x0, s6;
	[tilespmem:$0x3150] =	vst v1  }
0x2e: {  	[spmem:s16] =	stream.linear.scatter [tilespmem:s7], [sflag:$0x2], $0x190, $0x38;
	[tilespmem:$0x5870] =	vst v63  }
0x2f: {  	s16 =	simm.s32 $0x640;
	_ =	swait.ge [sflag:s8], $0x190  }
.LBB2_4:
0x30: {  	s17 =	sshra.s32 s16, $0x2;
	[sflag:s8] =	ssyncset.done $0x0;
	p0 =	sne.s32 s16, $0x9600  }
.Ltmp1:
0x31: {  	s17 =	sadd.s32 s17, s6;
	[sflag:s8] =	ssyncadd.s32 $0xFFFFFE70;
	(pc) =	sbr.rel @p0 .LBB2_4-.Ltmp1, $3  }
0x32: {  	[spmem:s17] =	stream.linear.scatter [tilespmem:s7], [sflag:$0x2], $0x190, $0x38;
	[tilespmem:$0x5870] =	vst v63  }
0x33: {  	s16 =	sadd.s32 $0x640, s16;
	_ =	sdelay $0x1  }
0x34: {  	_ =	swait.ge [sflag:s8], $0x190  }
0x35: {  	[sflag:s8] =	ssyncset.done $0x0  }
0x36: {  	[sflag:s8] =	ssyncadd.s32 $0xFFFFFE70  }
0x37: {  	_ =	swait.ge [sflag:s9], $0x2800  }
0x38: {  	[sflag:s9] =	ssyncset.done $0x0  }
0x39: {  	[sflag:s9] =	ssyncadd.s32 $0xFFFFD800  }
0x3a: {  	s16 =	simm.s32 $0x0;
	[bflag:$0x0] =	sbarrier.arrive $0xFFFF  }
0x3b: {  	[spmem:s2] =	stream.indirect.scatter.add.f32 [tilespmem:s11], [sflag:$0x2], $0x10, s16, s10, $0xb8;
	[tilespmem:$0x5870] =	vst v63  }
0x3c: {  	_ =	swait.ge [sflag:s8], $0x7D0  }
0x3d: {  	s16 =	simm.s32 $0x200;
	[sflag:s8] =	ssyncset.done $0x0  }
.LBB2_6:
0x3e: {  	s17 =	sshra.s32 s16, $0x2;
	[sflag:s8] =	ssyncadd.s32 $0xFFFFF830;
	p0 =	sne.s32 s16, $0x9E00  }
0x3f: {  	[spmem:s2] =	stream.indirect.scatter.add.f32 [tilespmem:s11], [sflag:$0x2], $0x10, s17, s10, $0xb8;
	[tilespmem:$0x5870] =	vst v63  }
.Ltmp2:
0x40: {  	_ = 	snop;
	(pc) =	sbr.rel @p0 .LBB2_6-.Ltmp2, $4  }
0x41: {  	_ = 	snop  }
0x42: {  	s16 =	sadd.s32 $0x200, s16  }
0x43: {  	_ =	swait.ge [sflag:s8], $0x7D0  }
0x44: {  	[sflag:s8] =	ssyncset.done $0x0  }
0x45: {  	s15 =	sadd.s32 $0x1, s15  }
0x46: {  	[sflag:s8] =	ssyncadd.s32 $0xFFFFF830;
	p0 =	sne.s32 s15, s5  }
.Ltmp3:
0x47: {  	[bflag:$0x0] =	sbarrier.arrive $0xFFFF;
	(pc) =	sbr.rel @p0 .LBB2_1-.Ltmp3, $4  }
0x48: {  	[hbm:s12], [sflag:s13] =	dma.local [spmem:s14], $0x4E2  }
0x49: {  	_ =	swait.ge [sflag:s8], $0x4E2  }
0x4a: {  	[sflag:s8] =	ssyncset.done $0x0  }
0x4b: {  	[sflag:s8] =	ssyncadd.s32 $0xFFFFFB1E  }
0x4c: {  	_ =	sfence.sel $0x180000  }
0x4d: {  	[bflag:$0x0] =	sbarrier.arrive $0xFFFF  }
0x4e: {  	p0 =	sne.s32 s1, $0x0;
	_ =	strace $0x90000047  }
0x4f: {  	s0 =	sadd.s32 @!p0 $0x100000, s0;
	[bflag:$0x2] =	sbarrier.arrive $0xFFFF  }
0x50: {  	[sflag:s0] =	ssyncadd.tile.s32 @!p0 $0x1;
	_ =	shalt  }
.Lfunc_end2:
_tile_overlayer_lowered:
.L_overlay_start_2:
0x51: {  	(tag) =	ssettag $0x2  }
0x52: {  	s0 =	rddreg [dreg:$0x0];
	s2 =	stileid.u32  }
0x53: {  	s1 =	rddreg [dreg:$0x1];
	p0 =	sne.s32 s2, $0x0  }
0x54: {  	s3 =	rddreg [dreg:$0x2];
	[bflag:$0x3] =	sbarrier.arrive $0xFFFF;
	s2 =	simm.s32 @!p0 $0x1C02  }
0x55: {  	[timem:s3], [sflag:s2] =	dma.local @!p0 [hbm:s0], s1  }
0x56: {  	s0 =	simm.s32 @!p0 $0x2  }
0x57: {  	_ =	swait.ge @!p0 [sflag:s0], s1  }
0x58: {  	s1 =	ssub.s32 @!p0 $0x0, s1;
	[sflag:s0] =	ssyncset.done @!p0 $0x0  }
0x59: {  	[sflag:s0] =	ssyncadd.s32 @!p0 s1  }
0x5a: {  	[bflag:$0x3] =	sbarrier.arrive $0xFFFF  }
0x5b: {  	_ =	shalt  }

</sc_bundles>
